<compile_context>
chip_gen: v7x
topology: tpu7x:2x2x1
jax: 0.10.2.dev20260603
libtpu: 0.0.44.dev20260713+nightly
codegen_flags: <defaults>
</compile_context>

<pallas_src>
import functools

import jax
import jax.numpy as jnp
from jax import lax
from jax.experimental import pallas as pl
from jax.experimental.pallas import tpu as pltpu
from jax.experimental.pallas import tpu_sc as plsc

N = 10000
K = 16
E = N * K
D = 128
H = 128
ED = 4

NC = 2
NS = 16
NW = NC * NS
CHUNK = 128
NQ = E // CHUNK
BASE_CH = NQ // NW
EXTRA_W = NQ - BASE_CH * NW
NBUF = 5
LA = 3

NB = 400
BE = NB * K
GRID = N // NB
NB2 = 400
BE2 = NB2 * K
GRID2 = N // NB2


def _gather_body(x_hbm, idx_hbm, out_hbm, idx_v, rows_v, gsem, wsem):
    wid = lax.axis_index("s") * NC + lax.axis_index("c")
    start = wid * BASE_CH + jnp.minimum(wid, EXTRA_W)
    pltpu.sync_copy(idx_hbm.at[wid], idx_v)

    def start_gather(c, b):
        pltpu.async_copy(x_hbm.at[idx_v.at[c]], rows_v.at[b], gsem.at[b])

    def wait_gather(b):
        pltpu.make_async_copy(x_hbm.at[pl.ds(0, CHUNK)], rows_v.at[b],
                              gsem.at[b]).wait()

    def start_write(c, b):
        pltpu.async_copy(rows_v.at[b],
                         out_hbm.at[pl.ds((start + c) * CHUNK, CHUNK)],
                         wsem.at[b])

    def wait_write(c, b):
        pltpu.make_async_copy(rows_v.at[b],
                              out_hbm.at[pl.ds((start + c) * CHUNK, CHUNK)],
                              wsem.at[b]).wait()

    def step(i):
        b = i % NBUF
        wait_gather(b)
        start_write(i, b)
        if i >= NBUF - LA:
            wait_write(i - (NBUF - LA), (i + LA) % NBUF)
        if i + LA <= BASE_CH - 1:
            start_gather(i + LA, (i + LA) % NBUF)

    for j in range(LA):
        start_gather(j, j)
    for i in range(NBUF - LA):
        step(i)

    def group(g, carry):
        for k in range(NBUF):
            i = g * NBUF + (NBUF - LA) + k
            b = (NBUF - LA + k) % NBUF
            wait_gather(b)
            start_write(i, b)
            wait_write(i - (NBUF - LA), (b + LA) % NBUF)
            start_gather(i + LA, (b + LA) % NBUF)
        return carry

    n_groups = (BASE_CH - LA - (NBUF - LA)) // NBUF
    lax.fori_loop(0, n_groups, group, 0)
    for i in range(n_groups * NBUF + (NBUF - LA), BASE_CH):
        step(i)
    for i in range(BASE_CH - (NBUF - LA), BASE_CH):
        wait_write(i, i % NBUF)

    @pl.when(wid < EXTRA_W)
    def _():
        b = BASE_CH % NBUF
        start_gather(BASE_CH, b)
        wait_gather(b)
        start_write(BASE_CH, b)
        wait_write(BASE_CH, b)


@functools.cache
def _gather_kernel():
    return pl.kernel(
        _gather_body,
        out_type=jax.ShapeDtypeStruct((E, D), jnp.float32),
        mesh=plsc.VectorSubcoreMesh(core_axis_name="c", subcore_axis_name="s",
                                    num_cores=NC, num_subcores=NS),
        scratch_types=[
            pltpu.VMEM((BASE_CH + 1, CHUNK), jnp.int32),
            pltpu.VMEM((NBUF, CHUNK, D), jnp.float32),
            pltpu.SemaphoreType.DMA((NBUF,)),
            pltpu.SemaphoreType.DMA((NBUF,)),
        ],
    )


def _gather(x, idx):
    return _gather_kernel()(x, idx)


def _ew_body(xs_ref, xb_ref, ea_ref, w1_ref, b1_ref, w2_ref, b2_ref,
             ew_ref, sum_ref):
    xs = xs_ref[...]
    xt = jnp.broadcast_to(xb_ref[...][:, None, :], (NB, K, D)).reshape(BE, D)
    diff = xs - xt
    ls = jnp.sum(diff * diff, axis=1, keepdims=True)
    h = jnp.maximum(
        jnp.dot(ea_ref[...], w1_ref[...], preferred_element_type=jnp.float32)
        + b1_ref[...], 0.0)
    dd = jnp.maximum(
        jnp.dot(h, w2_ref[...], preferred_element_type=jnp.float32)
        + b2_ref[...], 0.0)
    ew = jnp.exp(-ls - dd * dd)
    ew_ref[...] = ew

    @pl.when(pl.program_id(0) == 0)
    def _():
        sum_ref[...] = jnp.zeros((1, 1), jnp.float32)

    sum_ref[...] += jnp.sum(ew).reshape(1, 1)


def _ew_call(xs, x, ea, w1, b1, w2, b2):
    return pl.pallas_call(
        _ew_body,
        grid=(GRID,),
        in_specs=[
            pl.BlockSpec((BE, D), lambda i: (i, 0)),
            pl.BlockSpec((NB, D), lambda i: (i, 0)),
            pl.BlockSpec((BE, ED), lambda i: (i, 0)),
            pl.BlockSpec((ED, H), lambda i: (0, 0)),
            pl.BlockSpec((1, H), lambda i: (0, 0)),
            pl.BlockSpec((H, 1), lambda i: (0, 0)),
            pl.BlockSpec((1, 1), lambda i: (0, 0)),
        ],
        out_specs=[
            pl.BlockSpec((BE, 1), lambda i: (i, 0)),
            pl.BlockSpec((1, 1), lambda i: (0, 0)),
        ],
        out_shape=[
            jax.ShapeDtypeStruct((E, 1), jnp.float32),
            jax.ShapeDtypeStruct((1, 1), jnp.float32),
        ],
    )(xs, x, ea, w1, b1, w2, b2)


def _agg_body(ew_ref, mean_ref, xs_ref, xb_ref, dtw1_ref, dtb1_ref,
              dtw2_ref, dtb2_ref, selfw_ref, posw_ref, negw_ref, bias_ref,
              out_ref):
    ew = ew_ref[...]
    dh = jnp.maximum(
        jnp.dot(ew, dtw1_ref[...], preferred_element_type=jnp.float32)
        + dtb1_ref[...], 0.0)
    ewb = jnp.maximum(
        jnp.dot(dh, dtw2_ref[...], preferred_element_type=jnp.float32)
        + dtb2_ref[...], 0.0) + mean_ref[...]
    signed = ew - ewb
    pos = jnp.maximum(signed, 0.0)
    neg = jnp.maximum(-signed, 0.0)
    sdi = 1.0 / jnp.sum(jnp.abs(signed), axis=1, keepdims=True)
    wpos = sdi * pos
    wneg = sdi * neg
    xs3 = xs_ref[...].reshape(NB2, K, D)
    aggp = jnp.zeros((NB2, D), jnp.float32)
    aggn = jnp.zeros((NB2, D), jnp.float32)
    for k in range(K):
        row = xs3[:, k, :]
        aggp = aggp + wpos[:, k:k + 1] * row
        aggn = aggn + wneg[:, k:k + 1] * row
    xb = xb_ref[...]
    out = (xb
           + float(K) * jnp.dot(xb, selfw_ref[...],
                                preferred_element_type=jnp.float32)
           + jnp.dot(aggp, posw_ref[...], preferred_element_type=jnp.float32)
           - jnp.dot(aggn, negw_ref[...], preferred_element_type=jnp.float32)
           + bias_ref[...])
    out_ref[...] = out


def _agg_call(ew, mean, xs, x, dtw1, dtb1, dtw2, dtb2, selfw, posw, negw,
              bias):
    return pl.pallas_call(
        _agg_body,
        grid=(GRID2,),
        in_specs=[
            pl.BlockSpec((NB2, K), lambda i: (i, 0)),
            pl.BlockSpec((1, 1), lambda i: (0, 0)),
            pl.BlockSpec((BE2, D), lambda i: (i, 0)),
            pl.BlockSpec((NB2, D), lambda i: (i, 0)),
            pl.BlockSpec((K, H), lambda i: (0, 0)),
            pl.BlockSpec((1, H), lambda i: (0, 0)),
            pl.BlockSpec((H, 1), lambda i: (0, 0)),
            pl.BlockSpec((1, 1), lambda i: (0, 0)),
            pl.BlockSpec((D, H), lambda i: (0, 0)),
            pl.BlockSpec((D, H), lambda i: (0, 0)),
            pl.BlockSpec((D, H), lambda i: (0, 0)),
            pl.BlockSpec((1, H), lambda i: (0, 0)),
        ],
        out_specs=pl.BlockSpec((NB2, D), lambda i: (i, 0)),
        out_shape=jax.ShapeDtypeStruct((N, D), jnp.float32),
    )(ew, mean, xs, x, dtw1, dtb1, dtw2, dtb2, selfw, posw, negw, bias)


def kernel(x, edge_index, edge_attr, params):
    src = edge_index[0]
    chunks = jnp.pad(src, (0, CHUNK)).reshape(NQ + 1, CHUNK)
    starts = (jnp.arange(NW, dtype=jnp.int32) * BASE_CH
              + jnp.minimum(jnp.arange(NW, dtype=jnp.int32), EXTRA_W))
    idx = chunks[starts[:, None] + jnp.arange(BASE_CH + 1)[None, :]]
    out = x
    for p in params:
        xs = _gather(out, idx)
        ew_col, s = _ew_call(xs, out, edge_attr,
                             p['ep_w1'], p['ep_b1'][None, :],
                             p['ep_w2'], p['ep_b2'][None, :])
        mean = s / float(E)
        ew = ew_col.reshape(N, K)
        out = _agg_call(ew, mean, xs, out,
                        p['dt_w1'], p['dt_b1'][None, :],
                        p['dt_w2'], p['dt_b2'][None, :],
                        p['self_w'], p['pos_w'], p['neg_w'],
                        p['bias'][None, :])
    return out

# --- scband reference (transcript-rebuilt; emitter-appended) ---
"""Pipeline reference for scband-gnn-75376676045419 (READ-ONLY COPY).

The authoritative reference and input builder live on the scoring server;
editing this copy changes nothing except your own understanding.
"""

import jax, jax.numpy as jnp
import numpy as np

N = 10000; K = 16; E = N * K; D = 128; ED = 4; H = 128; PERIOD = 100; STEP = 1; NLAYER = 2

def _init_layer(key):
    ks = jax.random.split(key, 7)
    def lin(k, i, o):
        return (jax.random.normal(k, (i, o), jnp.float32) / np.sqrt(i)).astype(jnp.float32)
    return {
        'ep_w1': lin(ks[0], ED, H), 'ep_b1': jnp.zeros((H,), jnp.float32),
        'ep_w2': lin(ks[1], H, 1), 'ep_b2': jnp.zeros((1,), jnp.float32),
        'dt_w1': lin(ks[2], K, H), 'dt_b1': jnp.zeros((H,), jnp.float32),
        'dt_w2': lin(ks[3], H, 1), 'dt_b2': jnp.zeros((1,), jnp.float32),
        'self_w': lin(ks[4], D, H),
        'pos_w': lin(ks[5], D, H),
        'neg_w': lin(ks[6], D, H),
        'bias': jnp.zeros((H,), jnp.float32),
    }

def setup_inputs(seed: int = 0) -> dict:
    key = jax.random.key(seed)
    k1, k2, k3, k4 = jax.random.split(key, 4)
    # scaled-down node features so exp(-||x_i - x_j||^2) stays numerically meaningful
    x = jax.random.normal(k1, (N, D), jnp.float32) * 0.05
    tgt = jnp.repeat(jnp.arange(N, dtype=jnp.int32), K)
    src = jax.random.randint(k2, (E,), 0, N, dtype=jnp.int32)
    edge_index = jnp.stack([src, tgt], axis=0)
    edge_attr = jax.random.normal(k3, (E, ED), jnp.float32) * 0.1
    params = [_init_layer(jax.random.fold_in(k4, i)) for i in range(NLAYER)]
    return {'x': x, 'edge_index': edge_index, 'edge_attr': edge_attr, 'params': params}

def _layer_fwd(x, edge_index, edge_attr, p):
    src = edge_index[0]
    tgt = edge_index[1]
    # compute_adj
    time_dist = jnp.remainder(jnp.abs(src - tgt) * STEP, PERIOD)  # computed but unused (matches original)
    latent_dist = jnp.linalg.norm(x[src] - x[tgt], axis=-1)
    h = jax.nn.relu(edge_attr @ p['ep_w1'] + p['ep_b1'])
    data_dist = jax.nn.relu(h @ p['ep_w2'] + p['ep_b2'])[:, 0]
    edge_weight = jnp.exp(-jnp.square(latent_dist) - jnp.square(data_dist)).reshape(-1, K)
    degree_inv = jnp.sum(edge_weight, axis=-1, keepdims=True) ** -1  # dead code, matches original
    dh = jax.nn.relu(edge_weight @ p['dt_w1'] + p['dt_b1'])
    edge_weight_bias = jax.nn.relu(dh @ p['dt_w2'] + p['dt_b2']) + edge_weight.mean()
    signed = edge_weight - edge_weight_bias
    pos = jnp.maximum(signed, 0.0)
    neg = jnp.abs(jnp.minimum(signed, 0.0))
    sdi = jnp.sum(jnp.abs(signed), axis=-1, keepdims=True) ** -1
    norm_pos = (sdi * pos).reshape(-1, 1)
    norm_neg = (sdi * neg).reshape(-1, 1)
    # message + aggregate (flow source_to_target: x_i = x[tgt], x_j = x[src], scatter-add at tgt)
    msg = x[tgt] @ p['self_w'] + (norm_pos * x[src]) @ p['pos_w'] - (norm_neg * x[src]) @ p['neg_w']
    out = jax.ops.segment_sum(msg, tgt, num_segments=x.shape[0])
    return out + p['bias']

def reference(x, edge_index, edge_attr, params):
    out = x
    for p in params:
        out = out + _layer_fwd(out, edge_index, edge_attr, p)
    return out

if __name__ == "__main__":
    import jax
    _d = setup_inputs()
    print(jax.jit(kernel)(*tuple(_d.values())))

</pallas_src>

<mosaic_0001>
#map = affine_map<(d0, d1) -> (0, 0)>
#map1 = affine_map<(d0, d1) -> (0, 0, 0)>
module attributes {stable_mosaic.version = 14 : i64} {
  func.func @_gather_body(%arg0: i32, %arg1: i32, %arg2: memref<10000x128xf32, #tpu.memory_space<hbm>>, %arg3: memref<32x40x128xi32, #tpu.memory_space<hbm>>, %arg4: memref<160000x128xf32, #tpu.memory_space<hbm>>, %arg5: memref<40x128xi32, #tpu.memory_space<vmem>>, %arg6: memref<5x128x128xf32, #tpu.memory_space<vmem>>, %arg7: memref<5x!tpu.dma_semaphore, #tpu.memory_space<semaphore_mem>>, %arg8: memref<5x!tpu.dma_semaphore, #tpu.memory_space<semaphore_mem>>) attributes {dimension_semantics = [#tpu.dimension_semantics<core_parallel>, #tpu.dimension_semantics<subcore_parallel>], iteration_bounds = array<i64: 2, 16>, scalar_prefetch = 0 : i64, scratch_operands = 4 : i64, tpu.core_type = #tpu.core_type<sc_vector_subcore>, window_params = [{transform_indices = #map}, {transform_indices = #map1}, {transform_indices = #map}]} {
    %mul3A = arith.constant 2 : i32
    %mul3A_0 = arith.muli %arg1, %mul3A : i32
    %add3A = arith.addi %mul3A_0, %arg0 : i32
    %mul3A_1 = arith.constant 39 : i32
    %mul3A_2 = arith.muli %add3A, %mul3A_1 : i32
    %min3A = arith.constant 2 : i32
    %min3A_3 = arith.minsi %add3A, %min3A : i32
    %add3A_4 = arith.addi %mul3A_2, %min3A_3 : i32
    "tpu.region"() ({
      %run_scoped3A = tpu.sem_alloc : memref<!tpu.dma_semaphore, #tpu.memory_space<semaphore_mem>>
      %dma_start3A_667 = arith.constant 0 : i32
      %dma_start3A_668 = arith.constant 0 : i32
      %dma_start3A_669 = tpu.memref_slice %arg3[%add3A, %dma_start3A_667, %dma_start3A_668] : memref<32x40x128xi32, #tpu.memory_space<hbm>> -> memref<1x40x128xi32, #tpu.memory_space<hbm>>
      %dma_start3A_670 = tpu.memref_squeeze %dma_start3A_669 : memref<1x40x128xi32, #tpu.memory_space<hbm>> -> memref<40x128xi32, #tpu.memory_space<hbm>>
      %dma_start3A_671 = arith.constant 0 : i32
      %dma_start3A_672 = arith.constant 0 : i32
      %dma_start3A_673 = tpu.memref_slice %arg3[%add3A, %dma_start3A_671, %dma_start3A_672] : memref<32x40x128xi32, #tpu.memory_space<hbm>> -> memref<1x40x128xi32, #tpu.memory_space<hbm>>
      %dma_start3A_674 = tpu.memref_squeeze %dma_start3A_673 : memref<1x40x128xi32, #tpu.memory_space<hbm>> -> memref<40x128xi32, #tpu.memory_space<hbm>>
      tpu.enqueue_dma source(%dma_start3A_674 : memref<40x128xi32, #tpu.memory_space<hbm>>) target(%arg5 : memref<40x128xi32, #tpu.memory_space<vmem>>) target_semaphore(%run_scoped3A : memref<!tpu.dma_semaphore, #tpu.memory_space<semaphore_mem>>)
      %dma_wait3A_675 = arith.constant 0 : i32
      %dma_wait3A_676 = arith.constant 0 : i32
      %dma_wait3A_677 = tpu.memref_slice %arg3[%add3A, %dma_wait3A_675, %dma_wait3A_676] : memref<32x40x128xi32, #tpu.memory_space<hbm>> -> memref<1x40x128xi32, #tpu.memory_space<hbm>>
      %dma_wait3A_678 = tpu.memref_squeeze %dma_wait3A_677 : memref<1x40x128xi32, #tpu.memory_space<hbm>> -> memref<40x128xi32, #tpu.memory_space<hbm>>
      %dma_wait3A_679 = arith.constant 0 : i32
      %dma_wait3A_680 = arith.constant 0 : i32
      %dma_wait3A_681 = tpu.memref_slice %arg3[%add3A, %dma_wait3A_679, %dma_wait3A_680] : memref<32x40x128xi32, #tpu.memory_space<hbm>> -> memref<1x40x128xi32, #tpu.memory_space<hbm>>
      %dma_wait3A_682 = tpu.memref_squeeze %dma_wait3A_681 : memref<1x40x128xi32, #tpu.memory_space<hbm>> -> memref<40x128xi32, #tpu.memory_space<hbm>>
      tpu.wait_dma2 semaphore(%run_scoped3A : memref<!tpu.dma_semaphore, #tpu.memory_space<semaphore_mem>>) src(%dma_wait3A_682 : memref<40x128xi32, #tpu.memory_space<hbm>>) dst(%arg5 : memref<40x128xi32, #tpu.memory_space<vmem>>)
      tpu.yield
    }) : () -> ()
    %dma_start3A = arith.constant 0 : i32
    %dma_start3A_5 = arith.constant 0 : i32
    %dma_start3A_6 = arith.constant 0 : i32
    %dma_start3A_7 = arith.constant 0 : i32
    %dma_start3A_8 = arith.constant 0 : i32
    %dma_start3A_9 = tpu.memref_slice %arg6[%dma_start3A_5, %dma_start3A_7, %dma_start3A_8] : memref<5x128x128xf32, #tpu.memory_space<vmem>> -> memref<1x128x128xf32, #tpu.memory_space<vmem>>
    %dma_start3A_10 = tpu.memref_squeeze %dma_start3A_9 : memref<1x128x128xf32, #tpu.memory_space<vmem>> -> memref<128x128xf32, #tpu.memory_space<vmem>>
    %dma_start3A_11 = arith.constant 0 : i32
    %dma_start3A_12 = tpu.memref_slice %arg5[%dma_start3A, %dma_start3A_11] : memref<40x128xi32, #tpu.memory_space<vmem>> -> memref<1x128xi32, #tpu.memory_space<vmem>>
    %dma_start3A_13 = tpu.memref_squeeze %dma_start3A_12 : memref<1x128xi32, #tpu.memory_space<vmem>> -> memref<128xi32, #tpu.memory_space<vmem>>
    %dma_start3A_14 = arith.constant 0 : i32
    %dma_start3A_15 = arith.constant 0 : i32
    %dma_start3A_16 = tpu.memref_slice %arg2[%dma_start3A_14, %dma_start3A_15] : memref<10000x128xf32, #tpu.memory_space<hbm>> -> memref<10000x128xf32, #tpu.memory_space<hbm>>
    %dma_start3A_17 = tpu.memref_slice %arg7[%dma_start3A_6] : memref<5x!tpu.dma_semaphore, #tpu.memory_space<semaphore_mem>> -> memref<1x!tpu.dma_semaphore, #tpu.memory_space<semaphore_mem>>
    %dma_start3A_18 = tpu.memref_squeeze %dma_start3A_17 : memref<1x!tpu.dma_semaphore, #tpu.memory_space<semaphore_mem>> -> memref<!tpu.dma_semaphore, #tpu.memory_space<semaphore_mem>>
    tpu.enqueue_indirect_dma source(%dma_start3A_16 : memref<10000x128xf32, #tpu.memory_space<hbm>>) target(%dma_start3A_10 : memref<128x128xf32, #tpu.memory_space<vmem>>) offsets(%dma_start3A_13 : memref<128xi32, #tpu.memory_space<vmem>>) semaphore(%dma_start3A_18 : memref<!tpu.dma_semaphore, #tpu.memory_space<semaphore_mem>>)
    %dma_start3A_19 = arith.constant 1 : i32
    %dma_start3A_20 = arith.constant 1 : i32
    %dma_start3A_21 = arith.constant 1 : i32
    %dma_start3A_22 = arith.constant 0 : i32
    %dma_start3A_23 = arith.constant 0 : i32
    %dma_start3A_24 = tpu.memref_slice %arg6[%dma_start3A_20, %dma_start3A_22, %dma_start3A_23] : memref<5x128x128xf32, #tpu.memory_space<vmem>> -> memref<1x128x128xf32, #tpu.memory_space<vmem>>
    %dma_start3A_25 = tpu.memref_squeeze %dma_start3A_24 : memref<1x128x128xf32, #tpu.memory_space<vmem>> -> memref<128x128xf32, #tpu.memory_space<vmem>>
    %dma_start3A_26 = arith.constant 0 : i32
    %dma_start3A_27 = tpu.memref_slice %arg5[%dma_start3A_19, %dma_start3A_26] : memref<40x128xi32, #tpu.memory_space<vmem>> -> memref<1x128xi32, #tpu.memory_space<vmem>>
    %dma_start3A_28 = tpu.memref_squeeze %dma_start3A_27 : memref<1x128xi32, #tpu.memory_space<vmem>> -> memref<128xi32, #tpu.memory_space<vmem>>
    %dma_start3A_29 = arith.constant 0 : i32
    %dma_start3A_30 = arith.constant 0 : i32
    %dma_start3A_31 = tpu.memref_slice %arg2[%dma_start3A_29, %dma_start3A_30] : memref<10000x128xf32, #tpu.memory_space<hbm>> -> memref<10000x128xf32, #tpu.memory_space<hbm>>
    %dma_start3A_32 = tpu.memref_slice %arg7[%dma_start3A_21] : memref<5x!tpu.dma_semaphore, #tpu.memory_space<semaphore_mem>> -> memref<1x!tpu.dma_semaphore, #tpu.memory_space<semaphore_mem>>
    %dma_start3A_33 = tpu.memref_squeeze %dma_start3A_32 : memref<1x!tpu.dma_semaphore, #tpu.memory_space<semaphore_mem>> -> memref<!tpu.dma_semaphore, #tpu.memory_space<semaphore_mem>>
    tpu.enqueue_indirect_dma source(%dma_start3A_31 : memref<10000x128xf32, #tpu.memory_space<hbm>>) target(%dma_start3A_25 : memref<128x128xf32, #tpu.memory_space<vmem>>) offsets(%dma_start3A_28 : memref<128xi32, #tpu.memory_space<vmem>>) semaphore(%dma_start3A_33 : memref<!tpu.dma_semaphore, #tpu.memory_space<semaphore_mem>>)
    %dma_start3A_34 = arith.constant 2 : i32
    %dma_start3A_35 = arith.constant 2 : i32
    %dma_start3A_36 = arith.constant 2 : i32
    %dma_start3A_37 = arith.constant 0 : i32
    %dma_start3A_38 = arith.constant 0 : i32
    %dma_start3A_39 = tpu.memref_slice %arg6[%dma_start3A_35, %dma_start3A_37, %dma_start3A_38] : memref<5x128x128xf32, #tpu.memory_space<vmem>> -> memref<1x128x128xf32, #tpu.memory_space<vmem>>
    %dma_start3A_40 = tpu.memref_squeeze %dma_start3A_39 : memref<1x128x128xf32, #tpu.memory_space<vmem>> -> memref<128x128xf32, #tpu.memory_space<vmem>>
    %dma_start3A_41 = arith.constant 0 : i32
    %dma_start3A_42 = tpu.memref_slice %arg5[%dma_start3A_34, %dma_start3A_41] : memref<40x128xi32, #tpu.memory_space<vmem>> -> memref<1x128xi32, #tpu.memory_space<vmem>>
    %dma_start3A_43 = tpu.memref_squeeze %dma_start3A_42 : memref<1x128xi32, #tpu.memory_space<vmem>> -> memref<128xi32, #tpu.memory_space<vmem>>
    %dma_start3A_44 = arith.constant 0 : i32
    %dma_start3A_45 = arith.constant 0 : i32
    %dma_start3A_46 = tpu.memref_slice %arg2[%dma_start3A_44, %dma_start3A_45] : memref<10000x128xf32, #tpu.memory_space<hbm>> -> memref<10000x128xf32, #tpu.memory_space<hbm>>
    %dma_start3A_47 = tpu.memref_slice %arg7[%dma_start3A_36] : memref<5x!tpu.dma_semaphore, #tpu.memory_space<semaphore_mem>> -> memref<1x!tpu.dma_semaphore, #tpu.memory_space<semaphore_mem>>
    %dma_start3A_48 = tpu.memref_squeeze %dma_start3A_47 : memref<1x!tpu.dma_semaphore, #tpu.memory_space<semaphore_mem>> -> memref<!tpu.dma_semaphore, #tpu.memory_space<semaphore_mem>>
    tpu.enqueue_indirect_dma source(%dma_start3A_46 : memref<10000x128xf32, #tpu.memory_space<hbm>>) target(%dma_start3A_40 : memref<128x128xf32, #tpu.memory_space<vmem>>) offsets(%dma_start3A_43 : memref<128xi32, #tpu.memory_space<vmem>>) semaphore(%dma_start3A_48 : memref<!tpu.dma_semaphore, #tpu.memory_space<semaphore_mem>>)
    %dma_wait3A = arith.constant 0 : i32
    %dma_wait3A_49 = arith.constant 0 : i32
    %dma_wait3A_50 = arith.constant 0 : i32
    %dma_wait3A_51 = arith.constant 0 : i32
    %dma_wait3A_52 = tpu.memref_slice %arg6[%dma_wait3A, %dma_wait3A_50, %dma_wait3A_51] : memref<5x128x128xf32, #tpu.memory_space<vmem>> -> memref<1x128x128xf32, #tpu.memory_space<vmem>>
    %dma_wait3A_53 = tpu.memref_squeeze %dma_wait3A_52 : memref<1x128x128xf32, #tpu.memory_space<vmem>> -> memref<128x128xf32, #tpu.memory_space<vmem>>
    %dma_wait3A_54 = arith.constant 0 : i32
    %dma_wait3A_55 = arith.constant 0 : i32
    %dma_wait3A_56 = tpu.memref_slice %arg2[%dma_wait3A_54, %dma_wait3A_55] : memref<10000x128xf32, #tpu.memory_space<hbm>> -> memref<128x128xf32, #tpu.memory_space<hbm>>
    %dma_wait3A_57 = tpu.memref_slice %arg7[%dma_wait3A_49] : memref<5x!tpu.dma_semaphore, #tpu.memory_space<semaphore_mem>> -> memref<1x!tpu.dma_semaphore, #tpu.memory_space<semaphore_mem>>
    %dma_wait3A_58 = tpu.memref_squeeze %dma_wait3A_57 : memref<1x!tpu.dma_semaphore, #tpu.memory_space<semaphore_mem>> -> memref<!tpu.dma_semaphore, #tpu.memory_space<semaphore_mem>>
    %dma_wait3A_59 = arith.constant 0 : i32
    %dma_wait3A_60 = arith.constant 0 : i32
    %dma_wait3A_61 = tpu.memref_slice %arg6[%dma_wait3A, %dma_wait3A_59, %dma_wait3A_60] : memref<5x128x128xf32, #tpu.memory_space<vmem>> -> memref<1x128x128xf32, #tpu.memory_space<vmem>>
    %dma_wait3A_62 = tpu.memref_squeeze %dma_wait3A_61 : memref<1x128x128xf32, #tpu.memory_space<vmem>> -> memref<128x128xf32, #tpu.memory_space<vmem>>
    %dma_wait3A_63 = arith.constant 0 : i32
    %dma_wait3A_64 = arith.constant 0 : i32
    %dma_wait3A_65 = tpu.memref_slice %arg2[%dma_wait3A_63, %dma_wait3A_64] : memref<10000x128xf32, #tpu.memory_space<hbm>> -> memref<128x128xf32, #tpu.memory_space<hbm>>
    tpu.wait_dma2 semaphore(%dma_wait3A_58 : memref<!tpu.dma_semaphore, #tpu.memory_space<semaphore_mem>>) src(%dma_wait3A_65 : memref<128x128xf32, #tpu.memory_space<hbm>>) dst(%dma_wait3A_62 : memref<128x128xf32, #tpu.memory_space<vmem>>)
    %add3A_66 = arith.constant 0 : i32
    %add3A_67 = arith.addi %add3A_4, %add3A_66 : i32
    %mul3A_68 = arith.constant 128 : i32
    %mul3A_69 = arith.muli %add3A_67, %mul3A_68 : i32
    %dma_start3A_70 = arith.constant 0 : i32
    %dma_start3A_71 = arith.constant 0 : i32
    %dma_start3A_72 = arith.constant 0 : i32
    %dma_start3A_73 = arith.constant 0 : i32
    %dma_start3A_74 = tpu.memref_slice %arg6[%dma_start3A_70, %dma_start3A_72, %dma_start3A_73] : memref<5x128x128xf32, #tpu.memory_space<vmem>> -> memref<1x128x128xf32, #tpu.memory_space<vmem>>
    %dma_start3A_75 = tpu.memref_squeeze %dma_start3A_74 : memref<1x128x128xf32, #tpu.memory_space<vmem>> -> memref<128x128xf32, #tpu.memory_space<vmem>>
    %dma_start3A_76 = arith.constant 0 : i32
    %dma_start3A_77 = tpu.memref_slice %arg4[%mul3A_69, %dma_start3A_76] : memref<160000x128xf32, #tpu.memory_space<hbm>> -> memref<128x128xf32, #tpu.memory_space<hbm>>
    %dma_start3A_78 = tpu.memref_slice %arg8[%dma_start3A_71] : memref<5x!tpu.dma_semaphore, #tpu.memory_space<semaphore_mem>> -> memref<1x!tpu.dma_semaphore, #tpu.memory_space<semaphore_mem>>
    %dma_start3A_79 = tpu.memref_squeeze %dma_start3A_78 : memref<1x!tpu.dma_semaphore, #tpu.memory_space<semaphore_mem>> -> memref<!tpu.dma_semaphore, #tpu.memory_space<semaphore_mem>>
    %dma_start3A_80 = arith.constant 0 : i32
    %dma_start3A_81 = tpu.memref_slice %arg4[%mul3A_69, %dma_start3A_80] : memref<160000x128xf32, #tpu.memory_space<hbm>> -> memref<128x128xf32, #tpu.memory_space<hbm>>
    %dma_start3A_82 = arith.constant 0 : i32
    %dma_start3A_83 = arith.constant 0 : i32
    %dma_start3A_84 = tpu.memref_slice %arg6[%dma_start3A_70, %dma_start3A_82, %dma_start3A_83] : memref<5x128x128xf32, #tpu.memory_space<vmem>> -> memref<1x128x128xf32, #tpu.memory_space<vmem>>
    %dma_start3A_85 = tpu.memref_squeeze %dma_start3A_84 : memref<1x128x128xf32, #tpu.memory_space<vmem>> -> memref<128x128xf32, #tpu.memory_space<vmem>>
    tpu.enqueue_dma source(%dma_start3A_85 : memref<128x128xf32, #tpu.memory_space<vmem>>) target(%dma_start3A_81 : memref<128x128xf32, #tpu.memory_space<hbm>>) target_semaphore(%dma_start3A_79 : memref<!tpu.dma_semaphore, #tpu.memory_space<semaphore_mem>>)
    %dma_start3A_86 = arith.constant 3 : i32
    %dma_start3A_87 = arith.constant 3 : i32
    %dma_start3A_88 = arith.constant 3 : i32
    %dma_start3A_89 = arith.constant 0 : i32
    %dma_start3A_90 = arith.constant 0 : i32
    %dma_start3A_91 = tpu.memref_slice %arg6[%dma_start3A_87, %dma_start3A_89, %dma_start3A_90] : memref<5x128x128xf32, #tpu.memory_space<vmem>> -> memref<1x128x128xf32, #tpu.memory_space<vmem>>
    %dma_start3A_92 = tpu.memref_squeeze %dma_start3A_91 : memref<1x128x128xf32, #tpu.memory_space<vmem>> -> memref<128x128xf32, #tpu.memory_space<vmem>>
    %dma_start3A_93 = arith.constant 0 : i32
    %dma_start3A_94 = tpu.memref_slice %arg5[%dma_start3A_86, %dma_start3A_93] : memref<40x128xi32, #tpu.memory_space<vmem>> -> memref<1x128xi32, #tpu.memory_space<vmem>>
    %dma_start3A_95 = tpu.memref_squeeze %dma_start3A_94 : memref<1x128xi32, #tpu.memory_space<vmem>> -> memref<128xi32, #tpu.memory_space<vmem>>
    %dma_start3A_96 = arith.constant 0 : i32
    %dma_start3A_97 = arith.constant 0 : i32
    %dma_start3A_98 = tpu.memref_slice %arg2[%dma_start3A_96, %dma_start3A_97] : memref<10000x128xf32, #tpu.memory_space<hbm>> -> memref<10000x128xf32, #tpu.memory_space<hbm>>
    %dma_start3A_99 = tpu.memref_slice %arg7[%dma_start3A_88] : memref<5x!tpu.dma_semaphore, #tpu.memory_space<semaphore_mem>> -> memref<1x!tpu.dma_semaphore, #tpu.memory_space<semaphore_mem>>
    %dma_start3A_100 = tpu.memref_squeeze %dma_start3A_99 : memref<1x!tpu.dma_semaphore, #tpu.memory_space<semaphore_mem>> -> memref<!tpu.dma_semaphore, #tpu.memory_space<semaphore_mem>>
    tpu.enqueue_indirect_dma source(%dma_start3A_98 : memref<10000x128xf32, #tpu.memory_space<hbm>>) target(%dma_start3A_92 : memref<128x128xf32, #tpu.memory_space<vmem>>) offsets(%dma_start3A_95 : memref<128xi32, #tpu.memory_space<vmem>>) semaphore(%dma_start3A_100 : memref<!tpu.dma_semaphore, #tpu.memory_space<semaphore_mem>>)
    %dma_wait3A_101 = arith.constant 1 : i32
    %dma_wait3A_102 = arith.constant 1 : i32
    %dma_wait3A_103 = arith.constant 0 : i32
    %dma_wait3A_104 = arith.constant 0 : i32
    %dma_wait3A_105 = tpu.memref_slice %arg6[%dma_wait3A_101, %dma_wait3A_103, %dma_wait3A_104] : memref<5x128x128xf32, #tpu.memory_space<vmem>> -> memref<1x128x128xf32, #tpu.memory_space<vmem>>
    %dma_wait3A_106 = tpu.memref_squeeze %dma_wait3A_105 : memref<1x128x128xf32, #tpu.memory_space<vmem>> -> memref<128x128xf32, #tpu.memory_space<vmem>>
    %dma_wait3A_107 = arith.constant 0 : i32
    %dma_wait3A_108 = arith.constant 0 : i32
    %dma_wait3A_109 = tpu.memref_slice %arg2[%dma_wait3A_107, %dma_wait3A_108] : memref<10000x128xf32, #tpu.memory_space<hbm>> -> memref<128x128xf32, #tpu.memory_space<hbm>>
    %dma_wait3A_110 = tpu.memref_slice %arg7[%dma_wait3A_102] : memref<5x!tpu.dma_semaphore, #tpu.memory_space<semaphore_mem>> -> memref<1x!tpu.dma_semaphore, #tpu.memory_space<semaphore_mem>>
    %dma_wait3A_111 = tpu.memref_squeeze %dma_wait3A_110 : memref<1x!tpu.dma_semaphore, #tpu.memory_space<semaphore_mem>> -> memref<!tpu.dma_semaphore, #tpu.memory_space<semaphore_mem>>
    %dma_wait3A_112 = arith.constant 0 : i32
    %dma_wait3A_113 = arith.constant 0 : i32
    %dma_wait3A_114 = tpu.memref_slice %arg6[%dma_wait3A_101, %dma_wait3A_112, %dma_wait3A_113] : memref<5x128x128xf32, #tpu.memory_space<vmem>> -> memref<1x128x128xf32, #tpu.memory_space<vmem>>
    %dma_wait3A_115 = tpu.memref_squeeze %dma_wait3A_114 : memref<1x128x128xf32, #tpu.memory_space<vmem>> -> memref<128x128xf32, #tpu.memory_space<vmem>>
    %dma_wait3A_116 = arith.constant 0 : i32
    %dma_wait3A_117 = arith.constant 0 : i32
    %dma_wait3A_118 = tpu.memref_slice %arg2[%dma_wait3A_116, %dma_wait3A_117] : memref<10000x128xf32, #tpu.memory_space<hbm>> -> memref<128x128xf32, #tpu.memory_space<hbm>>
    tpu.wait_dma2 semaphore(%dma_wait3A_111 : memref<!tpu.dma_semaphore, #tpu.memory_space<semaphore_mem>>) src(%dma_wait3A_118 : memref<128x128xf32, #tpu.memory_space<hbm>>) dst(%dma_wait3A_115 : memref<128x128xf32, #tpu.memory_space<vmem>>)
    %add3A_119 = arith.constant 1 : i32
    %add3A_120 = arith.addi %add3A_4, %add3A_119 : i32
    %mul3A_121 = arith.constant 128 : i32
    %mul3A_122 = arith.muli %add3A_120, %mul3A_121 : i32
    %dma_start3A_123 = arith.constant 1 : i32
    %dma_start3A_124 = arith.constant 1 : i32
    %dma_start3A_125 = arith.constant 0 : i32
    %dma_start3A_126 = arith.constant 0 : i32
    %dma_start3A_127 = tpu.memref_slice %arg6[%dma_start3A_123, %dma_start3A_125, %dma_start3A_126] : memref<5x128x128xf32, #tpu.memory_space<vmem>> -> memref<1x128x128xf32, #tpu.memory_space<vmem>>
    %dma_start3A_128 = tpu.memref_squeeze %dma_start3A_127 : memref<1x128x128xf32, #tpu.memory_space<vmem>> -> memref<128x128xf32, #tpu.memory_space<vmem>>
    %dma_start3A_129 = arith.constant 0 : i32
    %dma_start3A_130 = tpu.memref_slice %arg4[%mul3A_122, %dma_start3A_129] : memref<160000x128xf32, #tpu.memory_space<hbm>> -> memref<128x128xf32, #tpu.memory_space<hbm>>
    %dma_start3A_131 = tpu.memref_slice %arg8[%dma_start3A_124] : memref<5x!tpu.dma_semaphore, #tpu.memory_space<semaphore_mem>> -> memref<1x!tpu.dma_semaphore, #tpu.memory_space<semaphore_mem>>
    %dma_start3A_132 = tpu.memref_squeeze %dma_start3A_131 : memref<1x!tpu.dma_semaphore, #tpu.memory_space<semaphore_mem>> -> memref<!tpu.dma_semaphore, #tpu.memory_space<semaphore_mem>>
    %dma_start3A_133 = arith.constant 0 : i32
    %dma_start3A_134 = tpu.memref_slice %arg4[%mul3A_122, %dma_start3A_133] : memref<160000x128xf32, #tpu.memory_space<hbm>> -> memref<128x128xf32, #tpu.memory_space<hbm>>
    %dma_start3A_135 = arith.constant 0 : i32
    %dma_start3A_136 = arith.constant 0 : i32
    %dma_start3A_137 = tpu.memref_slice %arg6[%dma_start3A_123, %dma_start3A_135, %dma_start3A_136] : memref<5x128x128xf32, #tpu.memory_space<vmem>> -> memref<1x128x128xf32, #tpu.memory_space<vmem>>
    %dma_start3A_138 = tpu.memref_squeeze %dma_start3A_137 : memref<1x128x128xf32, #tpu.memory_space<vmem>> -> memref<128x128xf32, #tpu.memory_space<vmem>>
    tpu.enqueue_dma source(%dma_start3A_138 : memref<128x128xf32, #tpu.memory_space<vmem>>) target(%dma_start3A_134 : memref<128x128xf32, #tpu.memory_space<hbm>>) target_semaphore(%dma_start3A_132 : memref<!tpu.dma_semaphore, #tpu.memory_space<semaphore_mem>>)
    %dma_start3A_139 = arith.constant 4 : i32
    %dma_start3A_140 = arith.constant 4 : i32
    %dma_start3A_141 = arith.constant 4 : i32
    %dma_start3A_142 = arith.constant 0 : i32
    %dma_start3A_143 = arith.constant 0 : i32
    %dma_start3A_144 = tpu.memref_slice %arg6[%dma_start3A_140, %dma_start3A_142, %dma_start3A_143] : memref<5x128x128xf32, #tpu.memory_space<vmem>> -> memref<1x128x128xf32, #tpu.memory_space<vmem>>
    %dma_start3A_145 = tpu.memref_squeeze %dma_start3A_144 : memref<1x128x128xf32, #tpu.memory_space<vmem>> -> memref<128x128xf32, #tpu.memory_space<vmem>>
    %dma_start3A_146 = arith.constant 0 : i32
    %dma_start3A_147 = tpu.memref_slice %arg5[%dma_start3A_139, %dma_start3A_146] : memref<40x128xi32, #tpu.memory_space<vmem>> -> memref<1x128xi32, #tpu.memory_space<vmem>>
    %dma_start3A_148 = tpu.memref_squeeze %dma_start3A_147 : memref<1x128xi32, #tpu.memory_space<vmem>> -> memref<128xi32, #tpu.memory_space<vmem>>
    %dma_start3A_149 = arith.constant 0 : i32
    %dma_start3A_150 = arith.constant 0 : i32
    %dma_start3A_151 = tpu.memref_slice %arg2[%dma_start3A_149, %dma_start3A_150] : memref<10000x128xf32, #tpu.memory_space<hbm>> -> memref<10000x128xf32, #tpu.memory_space<hbm>>
    %dma_start3A_152 = tpu.memref_slice %arg7[%dma_start3A_141] : memref<5x!tpu.dma_semaphore, #tpu.memory_space<semaphore_mem>> -> memref<1x!tpu.dma_semaphore, #tpu.memory_space<semaphore_mem>>
    %dma_start3A_153 = tpu.memref_squeeze %dma_start3A_152 : memref<1x!tpu.dma_semaphore, #tpu.memory_space<semaphore_mem>> -> memref<!tpu.dma_semaphore, #tpu.memory_space<semaphore_mem>>
    tpu.enqueue_indirect_dma source(%dma_start3A_151 : memref<10000x128xf32, #tpu.memory_space<hbm>>) target(%dma_start3A_145 : memref<128x128xf32, #tpu.memory_space<vmem>>) offsets(%dma_start3A_148 : memref<128xi32, #tpu.memory_space<vmem>>) semaphore(%dma_start3A_153 : memref<!tpu.dma_semaphore, #tpu.memory_space<semaphore_mem>>)
    %scan3A = arith.constant 0 : i32
    %scan3A_154 = arith.constant 0 : i32
    %scan3A_155 = arith.constant 6 : i32
    %scan3A_156 = arith.addi %scan3A_154, %scan3A_155 : i32
    %scan3A_157 = arith.constant 1 : i32
    scf.for %scan3A_667 = %scan3A_154 to %scan3A_156 step %scan3A_157  : i32 {
      %mul3A_668 = arith.constant 5 : i32
      %mul3A_669 = arith.muli %scan3A_667, %mul3A_668 : i32
      %add3A_670 = arith.constant 2 : i32
      %add3A_671 = arith.addi %mul3A_669, %add3A_670 : i32
      %add3A_672 = arith.constant 0 : i32
      %add3A_673 = arith.addi %add3A_671, %add3A_672 : i32
      %dma_wait3A_674 = arith.constant 2 : i32
      %dma_wait3A_675 = arith.constant 2 : i32
      %dma_wait3A_676 = arith.constant 0 : i32
      %dma_wait3A_677 = arith.constant 0 : i32
      %dma_wait3A_678 = tpu.memref_slice %arg6[%dma_wait3A_674, %dma_wait3A_676, %dma_wait3A_677] : memref<5x128x128xf32, #tpu.memory_space<vmem>> -> memref<1x128x128xf32, #tpu.memory_space<vmem>>
      %dma_wait3A_679 = tpu.memref_squeeze %dma_wait3A_678 : memref<1x128x128xf32, #tpu.memory_space<vmem>> -> memref<128x128xf32, #tpu.memory_space<vmem>>
      %dma_wait3A_680 = arith.constant 0 : i32
      %dma_wait3A_681 = arith.constant 0 : i32
      %dma_wait3A_682 = tpu.memref_slice %arg2[%dma_wait3A_680, %dma_wait3A_681] : memref<10000x128xf32, #tpu.memory_space<hbm>> -> memref<128x128xf32, #tpu.memory_space<hbm>>
      %dma_wait3A_683 = tpu.memref_slice %arg7[%dma_wait3A_675] : memref<5x!tpu.dma_semaphore, #tpu.memory_space<semaphore_mem>> -> memref<1x!tpu.dma_semaphore, #tpu.memory_space<semaphore_mem>>
      %dma_wait3A_684 = tpu.memref_squeeze %dma_wait3A_683 : memref<1x!tpu.dma_semaphore, #tpu.memory_space<semaphore_mem>> -> memref<!tpu.dma_semaphore, #tpu.memory_space<semaphore_mem>>
      %dma_wait3A_685 = arith.constant 0 : i32
      %dma_wait3A_686 = arith.constant 0 : i32
      %dma_wait3A_687 = tpu.memref_slice %arg6[%dma_wait3A_674, %dma_wait3A_685, %dma_wait3A_686] : memref<5x128x128xf32, #tpu.memory_space<vmem>> -> memref<1x128x128xf32, #tpu.memory_space<vmem>>
      %dma_wait3A_688 = tpu.memref_squeeze %dma_wait3A_687 : memref<1x128x128xf32, #tpu.memory_space<vmem>> -> memref<128x128xf32, #tpu.memory_space<vmem>>
      %dma_wait3A_689 = arith.constant 0 : i32
      %dma_wait3A_690 = arith.constant 0 : i32
      %dma_wait3A_691 = tpu.memref_slice %arg2[%dma_wait3A_689, %dma_wait3A_690] : memref<10000x128xf32, #tpu.memory_space<hbm>> -> memref<128x128xf32, #tpu.memory_space<hbm>>
      tpu.wait_dma2 semaphore(%dma_wait3A_684 : memref<!tpu.dma_semaphore, #tpu.memory_space<semaphore_mem>>) src(%dma_wait3A_691 : memref<128x128xf32, #tpu.memory_space<hbm>>) dst(%dma_wait3A_688 : memref<128x128xf32, #tpu.memory_space<vmem>>)
      %add3A_692 = arith.addi %add3A_4, %add3A_673 : i32
      %mul3A_693 = arith.constant 128 : i32
      %mul3A_694 = arith.muli %add3A_692, %mul3A_693 : i32
      %dma_start3A_695 = arith.constant 2 : i32
      %dma_start3A_696 = arith.constant 2 : i32
      %dma_start3A_697 = arith.constant 0 : i32
      %dma_start3A_698 = arith.constant 0 : i32
      %dma_start3A_699 = tpu.memref_slice %arg6[%dma_start3A_695, %dma_start3A_697, %dma_start3A_698] : memref<5x128x128xf32, #tpu.memory_space<vmem>> -> memref<1x128x128xf32, #tpu.memory_space<vmem>>
      %dma_start3A_700 = tpu.memref_squeeze %dma_start3A_699 : memref<1x128x128xf32, #tpu.memory_space<vmem>> -> memref<128x128xf32, #tpu.memory_space<vmem>>
      %dma_start3A_701 = arith.constant 0 : i32
      %dma_start3A_702 = tpu.memref_slice %arg4[%mul3A_694, %dma_start3A_701] : memref<160000x128xf32, #tpu.memory_space<hbm>> -> memref<128x128xf32, #tpu.memory_space<hbm>>
      %dma_start3A_703 = tpu.memref_slice %arg8[%dma_start3A_696] : memref<5x!tpu.dma_semaphore, #tpu.memory_space<semaphore_mem>> -> memref<1x!tpu.dma_semaphore, #tpu.memory_space<semaphore_mem>>
      %dma_start3A_704 = tpu.memref_squeeze %dma_start3A_703 : memref<1x!tpu.dma_semaphore, #tpu.memory_space<semaphore_mem>> -> memref<!tpu.dma_semaphore, #tpu.memory_space<semaphore_mem>>
      %dma_start3A_705 = arith.constant 0 : i32
      %dma_start3A_706 = tpu.memref_slice %arg4[%mul3A_694, %dma_start3A_705] : memref<160000x128xf32, #tpu.memory_space<hbm>> -> memref<128x128xf32, #tpu.memory_space<hbm>>
      %dma_start3A_707 = arith.constant 0 : i32
      %dma_start3A_708 = arith.constant 0 : i32
      %dma_start3A_709 = tpu.memref_slice %arg6[%dma_start3A_695, %dma_start3A_707, %dma_start3A_708] : memref<5x128x128xf32, #tpu.memory_space<vmem>> -> memref<1x128x128xf32, #tpu.memory_space<vmem>>
      %dma_start3A_710 = tpu.memref_squeeze %dma_start3A_709 : memref<1x128x128xf32, #tpu.memory_space<vmem>> -> memref<128x128xf32, #tpu.memory_space<vmem>>
      tpu.enqueue_dma source(%dma_start3A_710 : memref<128x128xf32, #tpu.memory_space<vmem>>) target(%dma_start3A_706 : memref<128x128xf32, #tpu.memory_space<hbm>>) target_semaphore(%dma_start3A_704 : memref<!tpu.dma_semaphore, #tpu.memory_space<semaphore_mem>>)
      %sub3A = arith.constant 2 : i32
      %sub3A_711 = arith.subi %add3A_673, %sub3A : i32
      %add3A_712 = arith.addi %add3A_4, %sub3A_711 : i32
      %mul3A_713 = arith.constant 128 : i32
      %mul3A_714 = arith.muli %add3A_712, %mul3A_713 : i32
      %dma_wait3A_715 = arith.constant 0 : i32
      %dma_wait3A_716 = arith.constant 0 : i32
      %dma_wait3A_717 = arith.constant 0 : i32
      %dma_wait3A_718 = arith.constant 0 : i32
      %dma_wait3A_719 = tpu.memref_slice %arg6[%dma_wait3A_715, %dma_wait3A_717, %dma_wait3A_718] : memref<5x128x128xf32, #tpu.memory_space<vmem>> -> memref<1x128x128xf32, #tpu.memory_space<vmem>>
      %dma_wait3A_720 = tpu.memref_squeeze %dma_wait3A_719 : memref<1x128x128xf32, #tpu.memory_space<vmem>> -> memref<128x128xf32, #tpu.memory_space<vmem>>
      %dma_wait3A_721 = arith.constant 0 : i32
      %dma_wait3A_722 = tpu.memref_slice %arg4[%mul3A_714, %dma_wait3A_721] : memref<160000x128xf32, #tpu.memory_space<hbm>> -> memref<128x128xf32, #tpu.memory_space<hbm>>
      %dma_wait3A_723 = tpu.memref_slice %arg8[%dma_wait3A_716] : memref<5x!tpu.dma_semaphore, #tpu.memory_space<semaphore_mem>> -> memref<1x!tpu.dma_semaphore, #tpu.memory_space<semaphore_mem>>
      %dma_wait3A_724 = tpu.memref_squeeze %dma_wait3A_723 : memref<1x!tpu.dma_semaphore, #tpu.memory_space<semaphore_mem>> -> memref<!tpu.dma_semaphore, #tpu.memory_space<semaphore_mem>>
      %dma_wait3A_725 = arith.constant 0 : i32
      %dma_wait3A_726 = tpu.memref_slice %arg4[%mul3A_714, %dma_wait3A_725] : memref<160000x128xf32, #tpu.memory_space<hbm>> -> memref<128x128xf32, #tpu.memory_space<hbm>>
      %dma_wait3A_727 = arith.constant 0 : i32
      %dma_wait3A_728 = arith.constant 0 : i32
      %dma_wait3A_729 = tpu.memref_slice %arg6[%dma_wait3A_715, %dma_wait3A_727, %dma_wait3A_728] : memref<5x128x128xf32, #tpu.memory_space<vmem>> -> memref<1x128x128xf32, #tpu.memory_space<vmem>>
      %dma_wait3A_730 = tpu.memref_squeeze %dma_wait3A_729 : memref<1x128x128xf32, #tpu.memory_space<vmem>> -> memref<128x128xf32, #tpu.memory_space<vmem>>
      tpu.wait_dma2 semaphore(%dma_wait3A_724 : memref<!tpu.dma_semaphore, #tpu.memory_space<semaphore_mem>>) src(%dma_wait3A_730 : memref<128x128xf32, #tpu.memory_space<vmem>>) dst(%dma_wait3A_726 : memref<128x128xf32, #tpu.memory_space<hbm>>)
      %add3A_731 = arith.constant 3 : i32
      %add3A_732 = arith.addi %add3A_673, %add3A_731 : i32
      %dma_start3A_733 = arith.constant 0 : i32
      %dma_start3A_734 = arith.constant 0 : i32
      %dma_start3A_735 = arith.constant 0 : i32
      %dma_start3A_736 = arith.constant 0 : i32
      %dma_start3A_737 = tpu.memref_slice %arg6[%dma_start3A_733, %dma_start3A_735, %dma_start3A_736] : memref<5x128x128xf32, #tpu.memory_space<vmem>> -> memref<1x128x128xf32, #tpu.memory_space<vmem>>
      %dma_start3A_738 = tpu.memref_squeeze %dma_start3A_737 : memref<1x128x128xf32, #tpu.memory_space<vmem>> -> memref<128x128xf32, #tpu.memory_space<vmem>>
      %dma_start3A_739 = arith.constant 0 : i32
      %dma_start3A_740 = tpu.memref_slice %arg5[%add3A_732, %dma_start3A_739] : memref<40x128xi32, #tpu.memory_space<vmem>> -> memref<1x128xi32, #tpu.memory_space<vmem>>
      %dma_start3A_741 = tpu.memref_squeeze %dma_start3A_740 : memref<1x128xi32, #tpu.memory_space<vmem>> -> memref<128xi32, #tpu.memory_space<vmem>>
      %dma_start3A_742 = arith.constant 0 : i32
      %dma_start3A_743 = arith.constant 0 : i32
      %dma_start3A_744 = tpu.memref_slice %arg2[%dma_start3A_742, %dma_start3A_743] : memref<10000x128xf32, #tpu.memory_space<hbm>> -> memref<10000x128xf32, #tpu.memory_space<hbm>>
      %dma_start3A_745 = tpu.memref_slice %arg7[%dma_start3A_734] : memref<5x!tpu.dma_semaphore, #tpu.memory_space<semaphore_mem>> -> memref<1x!tpu.dma_semaphore, #tpu.memory_space<semaphore_mem>>
      %dma_start3A_746 = tpu.memref_squeeze %dma_start3A_745 : memref<1x!tpu.dma_semaphore, #tpu.memory_space<semaphore_mem>> -> memref<!tpu.dma_semaphore, #tpu.memory_space<semaphore_mem>>
      tpu.enqueue_indirect_dma source(%dma_start3A_744 : memref<10000x128xf32, #tpu.memory_space<hbm>>) target(%dma_start3A_738 : memref<128x128xf32, #tpu.memory_space<vmem>>) offsets(%dma_start3A_741 : memref<128xi32, #tpu.memory_space<vmem>>) semaphore(%dma_start3A_746 : memref<!tpu.dma_semaphore, #tpu.memory_space<semaphore_mem>>)
      %mul3A_747 = arith.constant 5 : i32
      %mul3A_748 = arith.muli %scan3A_667, %mul3A_747 : i32
      %add3A_749 = arith.constant 2 : i32
      %add3A_750 = arith.addi %mul3A_748, %add3A_749 : i32
      %add3A_751 = arith.constant 1 : i32
      %add3A_752 = arith.addi %add3A_750, %add3A_751 : i32
      %dma_wait3A_753 = arith.constant 3 : i32
      %dma_wait3A_754 = arith.constant 3 : i32
      %dma_wait3A_755 = arith.constant 0 : i32
      %dma_wait3A_756 = arith.constant 0 : i32
      %dma_wait3A_757 = tpu.memref_slice %arg6[%dma_wait3A_753, %dma_wait3A_755, %dma_wait3A_756] : memref<5x128x128xf32, #tpu.memory_space<vmem>> -> memref<1x128x128xf32, #tpu.memory_space<vmem>>
      %dma_wait3A_758 = tpu.memref_squeeze %dma_wait3A_757 : memref<1x128x128xf32, #tpu.memory_space<vmem>> -> memref<128x128xf32, #tpu.memory_space<vmem>>
      %dma_wait3A_759 = arith.constant 0 : i32
      %dma_wait3A_760 = arith.constant 0 : i32
      %dma_wait3A_761 = tpu.memref_slice %arg2[%dma_wait3A_759, %dma_wait3A_760] : memref<10000x128xf32, #tpu.memory_space<hbm>> -> memref<128x128xf32, #tpu.memory_space<hbm>>
      %dma_wait3A_762 = tpu.memref_slice %arg7[%dma_wait3A_754] : memref<5x!tpu.dma_semaphore, #tpu.memory_space<semaphore_mem>> -> memref<1x!tpu.dma_semaphore, #tpu.memory_space<semaphore_mem>>
      %dma_wait3A_763 = tpu.memref_squeeze %dma_wait3A_762 : memref<1x!tpu.dma_semaphore, #tpu.memory_space<semaphore_mem>> -> memref<!tpu.dma_semaphore, #tpu.memory_space<semaphore_mem>>
      %dma_wait3A_764 = arith.constant 0 : i32
      %dma_wait3A_765 = arith.constant 0 : i32
      %dma_wait3A_766 = tpu.memref_slice %arg6[%dma_wait3A_753, %dma_wait3A_764, %dma_wait3A_765] : memref<5x128x128xf32, #tpu.memory_space<vmem>> -> memref<1x128x128xf32, #tpu.memory_space<vmem>>
      %dma_wait3A_767 = tpu.memref_squeeze %dma_wait3A_766 : memref<1x128x128xf32, #tpu.memory_space<vmem>> -> memref<128x128xf32, #tpu.memory_space<vmem>>
      %dma_wait3A_768 = arith.constant 0 : i32
      %dma_wait3A_769 = arith.constant 0 : i32
      %dma_wait3A_770 = tpu.memref_slice %arg2[%dma_wait3A_768, %dma_wait3A_769] : memref<10000x128xf32, #tpu.memory_space<hbm>> -> memref<128x128xf32, #tpu.memory_space<hbm>>
      tpu.wait_dma2 semaphore(%dma_wait3A_763 : memref<!tpu.dma_semaphore, #tpu.memory_space<semaphore_mem>>) src(%dma_wait3A_770 : memref<128x128xf32, #tpu.memory_space<hbm>>) dst(%dma_wait3A_767 : memref<128x128xf32, #tpu.memory_space<vmem>>)
      %add3A_771 = arith.addi %add3A_4, %add3A_752 : i32
      %mul3A_772 = arith.constant 128 : i32
      %mul3A_773 = arith.muli %add3A_771, %mul3A_772 : i32
      %dma_start3A_774 = arith.constant 3 : i32
      %dma_start3A_775 = arith.constant 3 : i32
      %dma_start3A_776 = arith.constant 0 : i32
      %dma_start3A_777 = arith.constant 0 : i32
      %dma_start3A_778 = tpu.memref_slice %arg6[%dma_start3A_774, %dma_start3A_776, %dma_start3A_777] : memref<5x128x128xf32, #tpu.memory_space<vmem>> -> memref<1x128x128xf32, #tpu.memory_space<vmem>>
      %dma_start3A_779 = tpu.memref_squeeze %dma_start3A_778 : memref<1x128x128xf32, #tpu.memory_space<vmem>> -> memref<128x128xf32, #tpu.memory_space<vmem>>
      %dma_start3A_780 = arith.constant 0 : i32
      %dma_start3A_781 = tpu.memref_slice %arg4[%mul3A_773, %dma_start3A_780] : memref<160000x128xf32, #tpu.memory_space<hbm>> -> memref<128x128xf32, #tpu.memory_space<hbm>>
      %dma_start3A_782 = tpu.memref_slice %arg8[%dma_start3A_775] : memref<5x!tpu.dma_semaphore, #tpu.memory_space<semaphore_mem>> -> memref<1x!tpu.dma_semaphore, #tpu.memory_space<semaphore_mem>>
      %dma_start3A_783 = tpu.memref_squeeze %dma_start3A_782 : memref<1x!tpu.dma_semaphore, #tpu.memory_space<semaphore_mem>> -> memref<!tpu.dma_semaphore, #tpu.memory_space<semaphore_mem>>
      %dma_start3A_784 = arith.constant 0 : i32
      %dma_start3A_785 = tpu.memref_slice %arg4[%mul3A_773, %dma_start3A_784] : memref<160000x128xf32, #tpu.memory_space<hbm>> -> memref<128x128xf32, #tpu.memory_space<hbm>>
      %dma_start3A_786 = arith.constant 0 : i32
      %dma_start3A_787 = arith.constant 0 : i32
      %dma_start3A_788 = tpu.memref_slice %arg6[%dma_start3A_774, %dma_start3A_786, %dma_start3A_787] : memref<5x128x128xf32, #tpu.memory_space<vmem>> -> memref<1x128x128xf32, #tpu.memory_space<vmem>>
      %dma_start3A_789 = tpu.memref_squeeze %dma_start3A_788 : memref<1x128x128xf32, #tpu.memory_space<vmem>> -> memref<128x128xf32, #tpu.memory_space<vmem>>
      tpu.enqueue_dma source(%dma_start3A_789 : memref<128x128xf32, #tpu.memory_space<vmem>>) target(%dma_start3A_785 : memref<128x128xf32, #tpu.memory_space<hbm>>) target_semaphore(%dma_start3A_783 : memref<!tpu.dma_semaphore, #tpu.memory_space<semaphore_mem>>)
      %sub3A_790 = arith.constant 2 : i32
      %sub3A_791 = arith.subi %add3A_752, %sub3A_790 : i32
      %add3A_792 = arith.addi %add3A_4, %sub3A_791 : i32
      %mul3A_793 = arith.constant 128 : i32
      %mul3A_794 = arith.muli %add3A_792, %mul3A_793 : i32
      %dma_wait3A_795 = arith.constant 1 : i32
      %dma_wait3A_796 = arith.constant 1 : i32
      %dma_wait3A_797 = arith.constant 0 : i32
      %dma_wait3A_798 = arith.constant 0 : i32
      %dma_wait3A_799 = tpu.memref_slice %arg6[%dma_wait3A_795, %dma_wait3A_797, %dma_wait3A_798] : memref<5x128x128xf32, #tpu.memory_space<vmem>> -> memref<1x128x128xf32, #tpu.memory_space<vmem>>
      %dma_wait3A_800 = tpu.memref_squeeze %dma_wait3A_799 : memref<1x128x128xf32, #tpu.memory_space<vmem>> -> memref<128x128xf32, #tpu.memory_space<vmem>>
      %dma_wait3A_801 = arith.constant 0 : i32
      %dma_wait3A_802 = tpu.memref_slice %arg4[%mul3A_794, %dma_wait3A_801] : memref<160000x128xf32, #tpu.memory_space<hbm>> -> memref<128x128xf32, #tpu.memory_space<hbm>>
      %dma_wait3A_803 = tpu.memref_slice %arg8[%dma_wait3A_796] : memref<5x!tpu.dma_semaphore, #tpu.memory_space<semaphore_mem>> -> memref<1x!tpu.dma_semaphore, #tpu.memory_space<semaphore_mem>>
      %dma_wait3A_804 = tpu.memref_squeeze %dma_wait3A_803 : memref<1x!tpu.dma_semaphore, #tpu.memory_space<semaphore_mem>> -> memref<!tpu.dma_semaphore, #tpu.memory_space<semaphore_mem>>
      %dma_wait3A_805 = arith.constant 0 : i32
      %dma_wait3A_806 = tpu.memref_slice %arg4[%mul3A_794, %dma_wait3A_805] : memref<160000x128xf32, #tpu.memory_space<hbm>> -> memref<128x128xf32, #tpu.memory_space<hbm>>
      %dma_wait3A_807 = arith.constant 0 : i32
      %dma_wait3A_808 = arith.constant 0 : i32
      %dma_wait3A_809 = tpu.memref_slice %arg6[%dma_wait3A_795, %dma_wait3A_807, %dma_wait3A_808] : memref<5x128x128xf32, #tpu.memory_space<vmem>> -> memref<1x128x128xf32, #tpu.memory_space<vmem>>
      %dma_wait3A_810 = tpu.memref_squeeze %dma_wait3A_809 : memref<1x128x128xf32, #tpu.memory_space<vmem>> -> memref<128x128xf32, #tpu.memory_space<vmem>>
      tpu.wait_dma2 semaphore(%dma_wait3A_804 : memref<!tpu.dma_semaphore, #tpu.memory_space<semaphore_mem>>) src(%dma_wait3A_810 : memref<128x128xf32, #tpu.memory_space<vmem>>) dst(%dma_wait3A_806 : memref<128x128xf32, #tpu.memory_space<hbm>>)
      %add3A_811 = arith.constant 3 : i32
      %add3A_812 = arith.addi %add3A_752, %add3A_811 : i32
      %dma_start3A_813 = arith.constant 1 : i32
      %dma_start3A_814 = arith.constant 1 : i32
      %dma_start3A_815 = arith.constant 0 : i32
      %dma_start3A_816 = arith.constant 0 : i32
      %dma_start3A_817 = tpu.memref_slice %arg6[%dma_start3A_813, %dma_start3A_815, %dma_start3A_816] : memref<5x128x128xf32, #tpu.memory_space<vmem>> -> memref<1x128x128xf32, #tpu.memory_space<vmem>>
      %dma_start3A_818 = tpu.memref_squeeze %dma_start3A_817 : memref<1x128x128xf32, #tpu.memory_space<vmem>> -> memref<128x128xf32, #tpu.memory_space<vmem>>
      %dma_start3A_819 = arith.constant 0 : i32
      %dma_start3A_820 = tpu.memref_slice %arg5[%add3A_812, %dma_start3A_819] : memref<40x128xi32, #tpu.memory_space<vmem>> -> memref<1x128xi32, #tpu.memory_space<vmem>>
      %dma_start3A_821 = tpu.memref_squeeze %dma_start3A_820 : memref<1x128xi32, #tpu.memory_space<vmem>> -> memref<128xi32, #tpu.memory_space<vmem>>
      %dma_start3A_822 = arith.constant 0 : i32
      %dma_start3A_823 = arith.constant 0 : i32
      %dma_start3A_824 = tpu.memref_slice %arg2[%dma_start3A_822, %dma_start3A_823] : memref<10000x128xf32, #tpu.memory_space<hbm>> -> memref<10000x128xf32, #tpu.memory_space<hbm>>
      %dma_start3A_825 = tpu.memref_slice %arg7[%dma_start3A_814] : memref<5x!tpu.dma_semaphore, #tpu.memory_space<semaphore_mem>> -> memref<1x!tpu.dma_semaphore, #tpu.memory_space<semaphore_mem>>
      %dma_start3A_826 = tpu.memref_squeeze %dma_start3A_825 : memref<1x!tpu.dma_semaphore, #tpu.memory_space<semaphore_mem>> -> memref<!tpu.dma_semaphore, #tpu.memory_space<semaphore_mem>>
      tpu.enqueue_indirect_dma source(%dma_start3A_824 : memref<10000x128xf32, #tpu.memory_space<hbm>>) target(%dma_start3A_818 : memref<128x128xf32, #tpu.memory_space<vmem>>) offsets(%dma_start3A_821 : memref<128xi32, #tpu.memory_space<vmem>>) semaphore(%dma_start3A_826 : memref<!tpu.dma_semaphore, #tpu.memory_space<semaphore_mem>>)
      %mul3A_827 = arith.constant 5 : i32
      %mul3A_828 = arith.muli %scan3A_667, %mul3A_827 : i32
      %add3A_829 = arith.constant 2 : i32
      %add3A_830 = arith.addi %mul3A_828, %add3A_829 : i32
      %add3A_831 = arith.constant 2 : i32
      %add3A_832 = arith.addi %add3A_830, %add3A_831 : i32
      %dma_wait3A_833 = arith.constant 4 : i32
      %dma_wait3A_834 = arith.constant 4 : i32
      %dma_wait3A_835 = arith.constant 0 : i32
      %dma_wait3A_836 = arith.constant 0 : i32
      %dma_wait3A_837 = tpu.memref_slice %arg6[%dma_wait3A_833, %dma_wait3A_835, %dma_wait3A_836] : memref<5x128x128xf32, #tpu.memory_space<vmem>> -> memref<1x128x128xf32, #tpu.memory_space<vmem>>
      %dma_wait3A_838 = tpu.memref_squeeze %dma_wait3A_837 : memref<1x128x128xf32, #tpu.memory_space<vmem>> -> memref<128x128xf32, #tpu.memory_space<vmem>>
      %dma_wait3A_839 = arith.constant 0 : i32
      %dma_wait3A_840 = arith.constant 0 : i32
      %dma_wait3A_841 = tpu.memref_slice %arg2[%dma_wait3A_839, %dma_wait3A_840] : memref<10000x128xf32, #tpu.memory_space<hbm>> -> memref<128x128xf32, #tpu.memory_space<hbm>>
      %dma_wait3A_842 = tpu.memref_slice %arg7[%dma_wait3A_834] : memref<5x!tpu.dma_semaphore, #tpu.memory_space<semaphore_mem>> -> memref<1x!tpu.dma_semaphore, #tpu.memory_space<semaphore_mem>>
      %dma_wait3A_843 = tpu.memref_squeeze %dma_wait3A_842 : memref<1x!tpu.dma_semaphore, #tpu.memory_space<semaphore_mem>> -> memref<!tpu.dma_semaphore, #tpu.memory_space<semaphore_mem>>
      %dma_wait3A_844 = arith.constant 0 : i32
      %dma_wait3A_845 = arith.constant 0 : i32
      %dma_wait3A_846 = tpu.memref_slice %arg6[%dma_wait3A_833, %dma_wait3A_844, %dma_wait3A_845] : memref<5x128x128xf32, #tpu.memory_space<vmem>> -> memref<1x128x128xf32, #tpu.memory_space<vmem>>
      %dma_wait3A_847 = tpu.memref_squeeze %dma_wait3A_846 : memref<1x128x128xf32, #tpu.memory_space<vmem>> -> memref<128x128xf32, #tpu.memory_space<vmem>>
      %dma_wait3A_848 = arith.constant 0 : i32
      %dma_wait3A_849 = arith.constant 0 : i32
      %dma_wait3A_850 = tpu.memref_slice %arg2[%dma_wait3A_848, %dma_wait3A_849] : memref<10000x128xf32, #tpu.memory_space<hbm>> -> memref<128x128xf32, #tpu.memory_space<hbm>>
      tpu.wait_dma2 semaphore(%dma_wait3A_843 : memref<!tpu.dma_semaphore, #tpu.memory_space<semaphore_mem>>) src(%dma_wait3A_850 : memref<128x128xf32, #tpu.memory_space<hbm>>) dst(%dma_wait3A_847 : memref<128x128xf32, #tpu.memory_space<vmem>>)
      %add3A_851 = arith.addi %add3A_4, %add3A_832 : i32
      %mul3A_852 = arith.constant 128 : i32
      %mul3A_853 = arith.muli %add3A_851, %mul3A_852 : i32
      %dma_start3A_854 = arith.constant 4 : i32
      %dma_start3A_855 = arith.constant 4 : i32
      %dma_start3A_856 = arith.constant 0 : i32
      %dma_start3A_857 = arith.constant 0 : i32
      %dma_start3A_858 = tpu.memref_slice %arg6[%dma_start3A_854, %dma_start3A_856, %dma_start3A_857] : memref<5x128x128xf32, #tpu.memory_space<vmem>> -> memref<1x128x128xf32, #tpu.memory_space<vmem>>
      %dma_start3A_859 = tpu.memref_squeeze %dma_start3A_858 : memref<1x128x128xf32, #tpu.memory_space<vmem>> -> memref<128x128xf32, #tpu.memory_space<vmem>>
      %dma_start3A_860 = arith.constant 0 : i32
      %dma_start3A_861 = tpu.memref_slice %arg4[%mul3A_853, %dma_start3A_860] : memref<160000x128xf32, #tpu.memory_space<hbm>> -> memref<128x128xf32, #tpu.memory_space<hbm>>
      %dma_start3A_862 = tpu.memref_slice %arg8[%dma_start3A_855] : memref<5x!tpu.dma_semaphore, #tpu.memory_space<semaphore_mem>> -> memref<1x!tpu.dma_semaphore, #tpu.memory_space<semaphore_mem>>
      %dma_start3A_863 = tpu.memref_squeeze %dma_start3A_862 : memref<1x!tpu.dma_semaphore, #tpu.memory_space<semaphore_mem>> -> memref<!tpu.dma_semaphore, #tpu.memory_space<semaphore_mem>>
      %dma_start3A_864 = arith.constant 0 : i32
      %dma_start3A_865 = tpu.memref_slice %arg4[%mul3A_853, %dma_start3A_864] : memref<160000x128xf32, #tpu.memory_space<hbm>> -> memref<128x128xf32, #tpu.memory_space<hbm>>
      %dma_start3A_866 = arith.constant 0 : i32
      %dma_start3A_867 = arith.constant 0 : i32
      %dma_start3A_868 = tpu.memref_slice %arg6[%dma_start3A_854, %dma_start3A_866, %dma_start3A_867] : memref<5x128x128xf32, #tpu.memory_space<vmem>> -> memref<1x128x128xf32, #tpu.memory_space<vmem>>
      %dma_start3A_869 = tpu.memref_squeeze %dma_start3A_868 : memref<1x128x128xf32, #tpu.memory_space<vmem>> -> memref<128x128xf32, #tpu.memory_space<vmem>>
      tpu.enqueue_dma source(%dma_start3A_869 : memref<128x128xf32, #tpu.memory_space<vmem>>) target(%dma_start3A_865 : memref<128x128xf32, #tpu.memory_space<hbm>>) target_semaphore(%dma_start3A_863 : memref<!tpu.dma_semaphore, #tpu.memory_space<semaphore_mem>>)
      %sub3A_870 = arith.constant 2 : i32
      %sub3A_871 = arith.subi %add3A_832, %sub3A_870 : i32
      %add3A_872 = arith.addi %add3A_4, %sub3A_871 : i32
      %mul3A_873 = arith.constant 128 : i32
      %mul3A_874 = arith.muli %add3A_872, %mul3A_873 : i32
      %dma_wait3A_875 = arith.constant 2 : i32
      %dma_wait3A_876 = arith.constant 2 : i32
      %dma_wait3A_877 = arith.constant 0 : i32
      %dma_wait3A_878 = arith.constant 0 : i32
      %dma_wait3A_879 = tpu.memref_slice %arg6[%dma_wait3A_875, %dma_wait3A_877, %dma_wait3A_878] : memref<5x128x128xf32, #tpu.memory_space<vmem>> -> memref<1x128x128xf32, #tpu.memory_space<vmem>>
      %dma_wait3A_880 = tpu.memref_squeeze %dma_wait3A_879 : memref<1x128x128xf32, #tpu.memory_space<vmem>> -> memref<128x128xf32, #tpu.memory_space<vmem>>
      %dma_wait3A_881 = arith.constant 0 : i32
      %dma_wait3A_882 = tpu.memref_slice %arg4[%mul3A_874, %dma_wait3A_881] : memref<160000x128xf32, #tpu.memory_space<hbm>> -> memref<128x128xf32, #tpu.memory_space<hbm>>
      %dma_wait3A_883 = tpu.memref_slice %arg8[%dma_wait3A_876] : memref<5x!tpu.dma_semaphore, #tpu.memory_space<semaphore_mem>> -> memref<1x!tpu.dma_semaphore, #tpu.memory_space<semaphore_mem>>
      %dma_wait3A_884 = tpu.memref_squeeze %dma_wait3A_883 : memref<1x!tpu.dma_semaphore, #tpu.memory_space<semaphore_mem>> -> memref<!tpu.dma_semaphore, #tpu.memory_space<semaphore_mem>>
      %dma_wait3A_885 = arith.constant 0 : i32
      %dma_wait3A_886 = tpu.memref_slice %arg4[%mul3A_874, %dma_wait3A_885] : memref<160000x128xf32, #tpu.memory_space<hbm>> -> memref<128x128xf32, #tpu.memory_space<hbm>>
      %dma_wait3A_887 = arith.constant 0 : i32
      %dma_wait3A_888 = arith.constant 0 : i32
      %dma_wait3A_889 = tpu.memref_slice %arg6[%dma_wait3A_875, %dma_wait3A_887, %dma_wait3A_888] : memref<5x128x128xf32, #tpu.memory_space<vmem>> -> memref<1x128x128xf32, #tpu.memory_space<vmem>>
      %dma_wait3A_890 = tpu.memref_squeeze %dma_wait3A_889 : memref<1x128x128xf32, #tpu.memory_space<vmem>> -> memref<128x128xf32, #tpu.memory_space<vmem>>
      tpu.wait_dma2 semaphore(%dma_wait3A_884 : memref<!tpu.dma_semaphore, #tpu.memory_space<semaphore_mem>>) src(%dma_wait3A_890 : memref<128x128xf32, #tpu.memory_space<vmem>>) dst(%dma_wait3A_886 : memref<128x128xf32, #tpu.memory_space<hbm>>)
      %add3A_891 = arith.constant 3 : i32
      %add3A_892 = arith.addi %add3A_832, %add3A_891 : i32
      %dma_start3A_893 = arith.constant 2 : i32
      %dma_start3A_894 = arith.constant 2 : i32
      %dma_start3A_895 = arith.constant 0 : i32
      %dma_start3A_896 = arith.constant 0 : i32
      %dma_start3A_897 = tpu.memref_slice %arg6[%dma_start3A_893, %dma_start3A_895, %dma_start3A_896] : memref<5x128x128xf32, #tpu.memory_space<vmem>> -> memref<1x128x128xf32, #tpu.memory_space<vmem>>
      %dma_start3A_898 = tpu.memref_squeeze %dma_start3A_897 : memref<1x128x128xf32, #tpu.memory_space<vmem>> -> memref<128x128xf32, #tpu.memory_space<vmem>>
      %dma_start3A_899 = arith.constant 0 : i32
      %dma_start3A_900 = tpu.memref_slice %arg5[%add3A_892, %dma_start3A_899] : memref<40x128xi32, #tpu.memory_space<vmem>> -> memref<1x128xi32, #tpu.memory_space<vmem>>
      %dma_start3A_901 = tpu.memref_squeeze %dma_start3A_900 : memref<1x128xi32, #tpu.memory_space<vmem>> -> memref<128xi32, #tpu.memory_space<vmem>>
      %dma_start3A_902 = arith.constant 0 : i32
      %dma_start3A_903 = arith.constant 0 : i32
      %dma_start3A_904 = tpu.memref_slice %arg2[%dma_start3A_902, %dma_start3A_903] : memref<10000x128xf32, #tpu.memory_space<hbm>> -> memref<10000x128xf32, #tpu.memory_space<hbm>>
      %dma_start3A_905 = tpu.memref_slice %arg7[%dma_start3A_894] : memref<5x!tpu.dma_semaphore, #tpu.memory_space<semaphore_mem>> -> memref<1x!tpu.dma_semaphore, #tpu.memory_space<semaphore_mem>>
      %dma_start3A_906 = tpu.memref_squeeze %dma_start3A_905 : memref<1x!tpu.dma_semaphore, #tpu.memory_space<semaphore_mem>> -> memref<!tpu.dma_semaphore, #tpu.memory_space<semaphore_mem>>
      tpu.enqueue_indirect_dma source(%dma_start3A_904 : memref<10000x128xf32, #tpu.memory_space<hbm>>) target(%dma_start3A_898 : memref<128x128xf32, #tpu.memory_space<vmem>>) offsets(%dma_start3A_901 : memref<128xi32, #tpu.memory_space<vmem>>) semaphore(%dma_start3A_906 : memref<!tpu.dma_semaphore, #tpu.memory_space<semaphore_mem>>)
      %mul3A_907 = arith.constant 5 : i32
      %mul3A_908 = arith.muli %scan3A_667, %mul3A_907 : i32
      %add3A_909 = arith.constant 2 : i32
      %add3A_910 = arith.addi %mul3A_908, %add3A_909 : i32
      %add3A_911 = arith.constant 3 : i32
      %add3A_912 = arith.addi %add3A_910, %add3A_911 : i32
      %dma_wait3A_913 = arith.constant 0 : i32
      %dma_wait3A_914 = arith.constant 0 : i32
      %dma_wait3A_915 = arith.constant 0 : i32
      %dma_wait3A_916 = arith.constant 0 : i32
      %dma_wait3A_917 = tpu.memref_slice %arg6[%dma_wait3A_913, %dma_wait3A_915, %dma_wait3A_916] : memref<5x128x128xf32, #tpu.memory_space<vmem>> -> memref<1x128x128xf32, #tpu.memory_space<vmem>>
      %dma_wait3A_918 = tpu.memref_squeeze %dma_wait3A_917 : memref<1x128x128xf32, #tpu.memory_space<vmem>> -> memref<128x128xf32, #tpu.memory_space<vmem>>
      %dma_wait3A_919 = arith.constant 0 : i32
      %dma_wait3A_920 = arith.constant 0 : i32
      %dma_wait3A_921 = tpu.memref_slice %arg2[%dma_wait3A_919, %dma_wait3A_920] : memref<10000x128xf32, #tpu.memory_space<hbm>> -> memref<128x128xf32, #tpu.memory_space<hbm>>
      %dma_wait3A_922 = tpu.memref_slice %arg7[%dma_wait3A_914] : memref<5x!tpu.dma_semaphore, #tpu.memory_space<semaphore_mem>> -> memref<1x!tpu.dma_semaphore, #tpu.memory_space<semaphore_mem>>
      %dma_wait3A_923 = tpu.memref_squeeze %dma_wait3A_922 : memref<1x!tpu.dma_semaphore, #tpu.memory_space<semaphore_mem>> -> memref<!tpu.dma_semaphore, #tpu.memory_space<semaphore_mem>>
      %dma_wait3A_924 = arith.constant 0 : i32
      %dma_wait3A_925 = arith.constant 0 : i32
      %dma_wait3A_926 = tpu.memref_slice %arg6[%dma_wait3A_913, %dma_wait3A_924, %dma_wait3A_925] : memref<5x128x128xf32, #tpu.memory_space<vmem>> -> memref<1x128x128xf32, #tpu.memory_space<vmem>>
      %dma_wait3A_927 = tpu.memref_squeeze %dma_wait3A_926 : memref<1x128x128xf32, #tpu.memory_space<vmem>> -> memref<128x128xf32, #tpu.memory_space<vmem>>
      %dma_wait3A_928 = arith.constant 0 : i32
      %dma_wait3A_929 = arith.constant 0 : i32
      %dma_wait3A_930 = tpu.memref_slice %arg2[%dma_wait3A_928, %dma_wait3A_929] : memref<10000x128xf32, #tpu.memory_space<hbm>> -> memref<128x128xf32, #tpu.memory_space<hbm>>
      tpu.wait_dma2 semaphore(%dma_wait3A_923 : memref<!tpu.dma_semaphore, #tpu.memory_space<semaphore_mem>>) src(%dma_wait3A_930 : memref<128x128xf32, #tpu.memory_space<hbm>>) dst(%dma_wait3A_927 : memref<128x128xf32, #tpu.memory_space<vmem>>)
      %add3A_931 = arith.addi %add3A_4, %add3A_912 : i32
      %mul3A_932 = arith.constant 128 : i32
      %mul3A_933 = arith.muli %add3A_931, %mul3A_932 : i32
      %dma_start3A_934 = arith.constant 0 : i32
      %dma_start3A_935 = arith.constant 0 : i32
      %dma_start3A_936 = arith.constant 0 : i32
      %dma_start3A_937 = arith.constant 0 : i32
      %dma_start3A_938 = tpu.memref_slice %arg6[%dma_start3A_934, %dma_start3A_936, %dma_start3A_937] : memref<5x128x128xf32, #tpu.memory_space<vmem>> -> memref<1x128x128xf32, #tpu.memory_space<vmem>>
      %dma_start3A_939 = tpu.memref_squeeze %dma_start3A_938 : memref<1x128x128xf32, #tpu.memory_space<vmem>> -> memref<128x128xf32, #tpu.memory_space<vmem>>
      %dma_start3A_940 = arith.constant 0 : i32
      %dma_start3A_941 = tpu.memref_slice %arg4[%mul3A_933, %dma_start3A_940] : memref<160000x128xf32, #tpu.memory_space<hbm>> -> memref<128x128xf32, #tpu.memory_space<hbm>>
      %dma_start3A_942 = tpu.memref_slice %arg8[%dma_start3A_935] : memref<5x!tpu.dma_semaphore, #tpu.memory_space<semaphore_mem>> -> memref<1x!tpu.dma_semaphore, #tpu.memory_space<semaphore_mem>>
      %dma_start3A_943 = tpu.memref_squeeze %dma_start3A_942 : memref<1x!tpu.dma_semaphore, #tpu.memory_space<semaphore_mem>> -> memref<!tpu.dma_semaphore, #tpu.memory_space<semaphore_mem>>
      %dma_start3A_944 = arith.constant 0 : i32
      %dma_start3A_945 = tpu.memref_slice %arg4[%mul3A_933, %dma_start3A_944] : memref<160000x128xf32, #tpu.memory_space<hbm>> -> memref<128x128xf32, #tpu.memory_space<hbm>>
      %dma_start3A_946 = arith.constant 0 : i32
      %dma_start3A_947 = arith.constant 0 : i32
      %dma_start3A_948 = tpu.memref_slice %arg6[%dma_start3A_934, %dma_start3A_946, %dma_start3A_947] : memref<5x128x128xf32, #tpu.memory_space<vmem>> -> memref<1x128x128xf32, #tpu.memory_space<vmem>>
      %dma_start3A_949 = tpu.memref_squeeze %dma_start3A_948 : memref<1x128x128xf32, #tpu.memory_space<vmem>> -> memref<128x128xf32, #tpu.memory_space<vmem>>
      tpu.enqueue_dma source(%dma_start3A_949 : memref<128x128xf32, #tpu.memory_space<vmem>>) target(%dma_start3A_945 : memref<128x128xf32, #tpu.memory_space<hbm>>) target_semaphore(%dma_start3A_943 : memref<!tpu.dma_semaphore, #tpu.memory_space<semaphore_mem>>)
      %sub3A_950 = arith.constant 2 : i32
      %sub3A_951 = arith.subi %add3A_912, %sub3A_950 : i32
      %add3A_952 = arith.addi %add3A_4, %sub3A_951 : i32
      %mul3A_953 = arith.constant 128 : i32
      %mul3A_954 = arith.muli %add3A_952, %mul3A_953 : i32
      %dma_wait3A_955 = arith.constant 3 : i32
      %dma_wait3A_956 = arith.constant 3 : i32
      %dma_wait3A_957 = arith.constant 0 : i32
      %dma_wait3A_958 = arith.constant 0 : i32
      %dma_wait3A_959 = tpu.memref_slice %arg6[%dma_wait3A_955, %dma_wait3A_957, %dma_wait3A_958] : memref<5x128x128xf32, #tpu.memory_space<vmem>> -> memref<1x128x128xf32, #tpu.memory_space<vmem>>
      %dma_wait3A_960 = tpu.memref_squeeze %dma_wait3A_959 : memref<1x128x128xf32, #tpu.memory_space<vmem>> -> memref<128x128xf32, #tpu.memory_space<vmem>>
      %dma_wait3A_961 = arith.constant 0 : i32
      %dma_wait3A_962 = tpu.memref_slice %arg4[%mul3A_954, %dma_wait3A_961] : memref<160000x128xf32, #tpu.memory_space<hbm>> -> memref<128x128xf32, #tpu.memory_space<hbm>>
      %dma_wait3A_963 = tpu.memref_slice %arg8[%dma_wait3A_956] : memref<5x!tpu.dma_semaphore, #tpu.memory_space<semaphore_mem>> -> memref<1x!tpu.dma_semaphore, #tpu.memory_space<semaphore_mem>>
      %dma_wait3A_964 = tpu.memref_squeeze %dma_wait3A_963 : memref<1x!tpu.dma_semaphore, #tpu.memory_space<semaphore_mem>> -> memref<!tpu.dma_semaphore, #tpu.memory_space<semaphore_mem>>
      %dma_wait3A_965 = arith.constant 0 : i32
      %dma_wait3A_966 = tpu.memref_slice %arg4[%mul3A_954, %dma_wait3A_965] : memref<160000x128xf32, #tpu.memory_space<hbm>> -> memref<128x128xf32, #tpu.memory_space<hbm>>
      %dma_wait3A_967 = arith.constant 0 : i32
      %dma_wait3A_968 = arith.constant 0 : i32
      %dma_wait3A_969 = tpu.memref_slice %arg6[%dma_wait3A_955, %dma_wait3A_967, %dma_wait3A_968] : memref<5x128x128xf32, #tpu.memory_space<vmem>> -> memref<1x128x128xf32, #tpu.memory_space<vmem>>
      %dma_wait3A_970 = tpu.memref_squeeze %dma_wait3A_969 : memref<1x128x128xf32, #tpu.memory_space<vmem>> -> memref<128x128xf32, #tpu.memory_space<vmem>>
      tpu.wait_dma2 semaphore(%dma_wait3A_964 : memref<!tpu.dma_semaphore, #tpu.memory_space<semaphore_mem>>) src(%dma_wait3A_970 : memref<128x128xf32, #tpu.memory_space<vmem>>) dst(%dma_wait3A_966 : memref<128x128xf32, #tpu.memory_space<hbm>>)
      %add3A_971 = arith.constant 3 : i32
      %add3A_972 = arith.addi %add3A_912, %add3A_971 : i32
      %dma_start3A_973 = arith.constant 3 : i32
      %dma_start3A_974 = arith.constant 3 : i32
      %dma_start3A_975 = arith.constant 0 : i32
      %dma_start3A_976 = arith.constant 0 : i32
      %dma_start3A_977 = tpu.memref_slice %arg6[%dma_start3A_973, %dma_start3A_975, %dma_start3A_976] : memref<5x128x128xf32, #tpu.memory_space<vmem>> -> memref<1x128x128xf32, #tpu.memory_space<vmem>>
      %dma_start3A_978 = tpu.memref_squeeze %dma_start3A_977 : memref<1x128x128xf32, #tpu.memory_space<vmem>> -> memref<128x128xf32, #tpu.memory_space<vmem>>
      %dma_start3A_979 = arith.constant 0 : i32
      %dma_start3A_980 = tpu.memref_slice %arg5[%add3A_972, %dma_start3A_979] : memref<40x128xi32, #tpu.memory_space<vmem>> -> memref<1x128xi32, #tpu.memory_space<vmem>>
      %dma_start3A_981 = tpu.memref_squeeze %dma_start3A_980 : memref<1x128xi32, #tpu.memory_space<vmem>> -> memref<128xi32, #tpu.memory_space<vmem>>
      %dma_start3A_982 = arith.constant 0 : i32
      %dma_start3A_983 = arith.constant 0 : i32
      %dma_start3A_984 = tpu.memref_slice %arg2[%dma_start3A_982, %dma_start3A_983] : memref<10000x128xf32, #tpu.memory_space<hbm>> -> memref<10000x128xf32, #tpu.memory_space<hbm>>
      %dma_start3A_985 = tpu.memref_slice %arg7[%dma_start3A_974] : memref<5x!tpu.dma_semaphore, #tpu.memory_space<semaphore_mem>> -> memref<1x!tpu.dma_semaphore, #tpu.memory_space<semaphore_mem>>
      %dma_start3A_986 = tpu.memref_squeeze %dma_start3A_985 : memref<1x!tpu.dma_semaphore, #tpu.memory_space<semaphore_mem>> -> memref<!tpu.dma_semaphore, #tpu.memory_space<semaphore_mem>>
      tpu.enqueue_indirect_dma source(%dma_start3A_984 : memref<10000x128xf32, #tpu.memory_space<hbm>>) target(%dma_start3A_978 : memref<128x128xf32, #tpu.memory_space<vmem>>) offsets(%dma_start3A_981 : memref<128xi32, #tpu.memory_space<vmem>>) semaphore(%dma_start3A_986 : memref<!tpu.dma_semaphore, #tpu.memory_space<semaphore_mem>>)
      %mul3A_987 = arith.constant 5 : i32
      %mul3A_988 = arith.muli %scan3A_667, %mul3A_987 : i32
      %add3A_989 = arith.constant 2 : i32
      %add3A_990 = arith.addi %mul3A_988, %add3A_989 : i32
      %add3A_991 = arith.constant 4 : i32
      %add3A_992 = arith.addi %add3A_990, %add3A_991 : i32
      %dma_wait3A_993 = arith.constant 1 : i32
      %dma_wait3A_994 = arith.constant 1 : i32
      %dma_wait3A_995 = arith.constant 0 : i32
      %dma_wait3A_996 = arith.constant 0 : i32
      %dma_wait3A_997 = tpu.memref_slice %arg6[%dma_wait3A_993, %dma_wait3A_995, %dma_wait3A_996] : memref<5x128x128xf32, #tpu.memory_space<vmem>> -> memref<1x128x128xf32, #tpu.memory_space<vmem>>
      %dma_wait3A_998 = tpu.memref_squeeze %dma_wait3A_997 : memref<1x128x128xf32, #tpu.memory_space<vmem>> -> memref<128x128xf32, #tpu.memory_space<vmem>>
      %dma_wait3A_999 = arith.constant 0 : i32
      %dma_wait3A_1000 = arith.constant 0 : i32
      %dma_wait3A_1001 = tpu.memref_slice %arg2[%dma_wait3A_999, %dma_wait3A_1000] : memref<10000x128xf32, #tpu.memory_space<hbm>> -> memref<128x128xf32, #tpu.memory_space<hbm>>
      %dma_wait3A_1002 = tpu.memref_slice %arg7[%dma_wait3A_994] : memref<5x!tpu.dma_semaphore, #tpu.memory_space<semaphore_mem>> -> memref<1x!tpu.dma_semaphore, #tpu.memory_space<semaphore_mem>>
      %dma_wait3A_1003 = tpu.memref_squeeze %dma_wait3A_1002 : memref<1x!tpu.dma_semaphore, #tpu.memory_space<semaphore_mem>> -> memref<!tpu.dma_semaphore, #tpu.memory_space<semaphore_mem>>
      %dma_wait3A_1004 = arith.constant 0 : i32
      %dma_wait3A_1005 = arith.constant 0 : i32
      %dma_wait3A_1006 = tpu.memref_slice %arg6[%dma_wait3A_993, %dma_wait3A_1004, %dma_wait3A_1005] : memref<5x128x128xf32, #tpu.memory_space<vmem>> -> memref<1x128x128xf32, #tpu.memory_space<vmem>>
      %dma_wait3A_1007 = tpu.memref_squeeze %dma_wait3A_1006 : memref<1x128x128xf32, #tpu.memory_space<vmem>> -> memref<128x128xf32, #tpu.memory_space<vmem>>
      %dma_wait3A_1008 = arith.constant 0 : i32
      %dma_wait3A_1009 = arith.constant 0 : i32
      %dma_wait3A_1010 = tpu.memref_slice %arg2[%dma_wait3A_1008, %dma_wait3A_1009] : memref<10000x128xf32, #tpu.memory_space<hbm>> -> memref<128x128xf32, #tpu.memory_space<hbm>>
      tpu.wait_dma2 semaphore(%dma_wait3A_1003 : memref<!tpu.dma_semaphore, #tpu.memory_space<semaphore_mem>>) src(%dma_wait3A_1010 : memref<128x128xf32, #tpu.memory_space<hbm>>) dst(%dma_wait3A_1007 : memref<128x128xf32, #tpu.memory_space<vmem>>)
      %add3A_1011 = arith.addi %add3A_4, %add3A_992 : i32
      %mul3A_1012 = arith.constant 128 : i32
      %mul3A_1013 = arith.muli %add3A_1011, %mul3A_1012 : i32
      %dma_start3A_1014 = arith.constant 1 : i32
      %dma_start3A_1015 = arith.constant 1 : i32
      %dma_start3A_1016 = arith.constant 0 : i32
      %dma_start3A_1017 = arith.constant 0 : i32
      %dma_start3A_1018 = tpu.memref_slice %arg6[%dma_start3A_1014, %dma_start3A_1016, %dma_start3A_1017] : memref<5x128x128xf32, #tpu.memory_space<vmem>> -> memref<1x128x128xf32, #tpu.memory_space<vmem>>
      %dma_start3A_1019 = tpu.memref_squeeze %dma_start3A_1018 : memref<1x128x128xf32, #tpu.memory_space<vmem>> -> memref<128x128xf32, #tpu.memory_space<vmem>>
      %dma_start3A_1020 = arith.constant 0 : i32
      %dma_start3A_1021 = tpu.memref_slice %arg4[%mul3A_1013, %dma_start3A_1020] : memref<160000x128xf32, #tpu.memory_space<hbm>> -> memref<128x128xf32, #tpu.memory_space<hbm>>
      %dma_start3A_1022 = tpu.memref_slice %arg8[%dma_start3A_1015] : memref<5x!tpu.dma_semaphore, #tpu.memory_space<semaphore_mem>> -> memref<1x!tpu.dma_semaphore, #tpu.memory_space<semaphore_mem>>
      %dma_start3A_1023 = tpu.memref_squeeze %dma_start3A_1022 : memref<1x!tpu.dma_semaphore, #tpu.memory_space<semaphore_mem>> -> memref<!tpu.dma_semaphore, #tpu.memory_space<semaphore_mem>>
      %dma_start3A_1024 = arith.constant 0 : i32
      %dma_start3A_1025 = tpu.memref_slice %arg4[%mul3A_1013, %dma_start3A_1024] : memref<160000x128xf32, #tpu.memory_space<hbm>> -> memref<128x128xf32, #tpu.memory_space<hbm>>
      %dma_start3A_1026 = arith.constant 0 : i32
      %dma_start3A_1027 = arith.constant 0 : i32
      %dma_start3A_1028 = tpu.memref_slice %arg6[%dma_start3A_1014, %dma_start3A_1026, %dma_start3A_1027] : memref<5x128x128xf32, #tpu.memory_space<vmem>> -> memref<1x128x128xf32, #tpu.memory_space<vmem>>
      %dma_start3A_1029 = tpu.memref_squeeze %dma_start3A_1028 : memref<1x128x128xf32, #tpu.memory_space<vmem>> -> memref<128x128xf32, #tpu.memory_space<vmem>>
      tpu.enqueue_dma source(%dma_start3A_1029 : memref<128x128xf32, #tpu.memory_space<vmem>>) target(%dma_start3A_1025 : memref<128x128xf32, #tpu.memory_space<hbm>>) target_semaphore(%dma_start3A_1023 : memref<!tpu.dma_semaphore, #tpu.memory_space<semaphore_mem>>)
      %sub3A_1030 = arith.constant 2 : i32
      %sub3A_1031 = arith.subi %add3A_992, %sub3A_1030 : i32
      %add3A_1032 = arith.addi %add3A_4, %sub3A_1031 : i32
      %mul3A_1033 = arith.constant 128 : i32
      %mul3A_1034 = arith.muli %add3A_1032, %mul3A_1033 : i32
      %dma_wait3A_1035 = arith.constant 4 : i32
      %dma_wait3A_1036 = arith.constant 4 : i32
      %dma_wait3A_1037 = arith.constant 0 : i32
      %dma_wait3A_1038 = arith.constant 0 : i32
      %dma_wait3A_1039 = tpu.memref_slice %arg6[%dma_wait3A_1035, %dma_wait3A_1037, %dma_wait3A_1038] : memref<5x128x128xf32, #tpu.memory_space<vmem>> -> memref<1x128x128xf32, #tpu.memory_space<vmem>>
      %dma_wait3A_1040 = tpu.memref_squeeze %dma_wait3A_1039 : memref<1x128x128xf32, #tpu.memory_space<vmem>> -> memref<128x128xf32, #tpu.memory_space<vmem>>
      %dma_wait3A_1041 = arith.constant 0 : i32
      %dma_wait3A_1042 = tpu.memref_slice %arg4[%mul3A_1034, %dma_wait3A_1041] : memref<160000x128xf32, #tpu.memory_space<hbm>> -> memref<128x128xf32, #tpu.memory_space<hbm>>
      %dma_wait3A_1043 = tpu.memref_slice %arg8[%dma_wait3A_1036] : memref<5x!tpu.dma_semaphore, #tpu.memory_space<semaphore_mem>> -> memref<1x!tpu.dma_semaphore, #tpu.memory_space<semaphore_mem>>
      %dma_wait3A_1044 = tpu.memref_squeeze %dma_wait3A_1043 : memref<1x!tpu.dma_semaphore, #tpu.memory_space<semaphore_mem>> -> memref<!tpu.dma_semaphore, #tpu.memory_space<semaphore_mem>>
      %dma_wait3A_1045 = arith.constant 0 : i32
      %dma_wait3A_1046 = tpu.memref_slice %arg4[%mul3A_1034, %dma_wait3A_1045] : memref<160000x128xf32, #tpu.memory_space<hbm>> -> memref<128x128xf32, #tpu.memory_space<hbm>>
      %dma_wait3A_1047 = arith.constant 0 : i32
      %dma_wait3A_1048 = arith.constant 0 : i32
      %dma_wait3A_1049 = tpu.memref_slice %arg6[%dma_wait3A_1035, %dma_wait3A_1047, %dma_wait3A_1048] : memref<5x128x128xf32, #tpu.memory_space<vmem>> -> memref<1x128x128xf32, #tpu.memory_space<vmem>>
      %dma_wait3A_1050 = tpu.memref_squeeze %dma_wait3A_1049 : memref<1x128x128xf32, #tpu.memory_space<vmem>> -> memref<128x128xf32, #tpu.memory_space<vmem>>
      tpu.wait_dma2 semaphore(%dma_wait3A_1044 : memref<!tpu.dma_semaphore, #tpu.memory_space<semaphore_mem>>) src(%dma_wait3A_1050 : memref<128x128xf32, #tpu.memory_space<vmem>>) dst(%dma_wait3A_1046 : memref<128x128xf32, #tpu.memory_space<hbm>>)
      %add3A_1051 = arith.constant 3 : i32
      %add3A_1052 = arith.addi %add3A_992, %add3A_1051 : i32
      %dma_start3A_1053 = arith.constant 4 : i32
      %dma_start3A_1054 = arith.constant 4 : i32
      %dma_start3A_1055 = arith.constant 0 : i32
      %dma_start3A_1056 = arith.constant 0 : i32
      %dma_start3A_1057 = tpu.memref_slice %arg6[%dma_start3A_1053, %dma_start3A_1055, %dma_start3A_1056] : memref<5x128x128xf32, #tpu.memory_space<vmem>> -> memref<1x128x128xf32, #tpu.memory_space<vmem>>
      %dma_start3A_1058 = tpu.memref_squeeze %dma_start3A_1057 : memref<1x128x128xf32, #tpu.memory_space<vmem>> -> memref<128x128xf32, #tpu.memory_space<vmem>>
      %dma_start3A_1059 = arith.constant 0 : i32
      %dma_start3A_1060 = tpu.memref_slice %arg5[%add3A_1052, %dma_start3A_1059] : memref<40x128xi32, #tpu.memory_space<vmem>> -> memref<1x128xi32, #tpu.memory_space<vmem>>
      %dma_start3A_1061 = tpu.memref_squeeze %dma_start3A_1060 : memref<1x128xi32, #tpu.memory_space<vmem>> -> memref<128xi32, #tpu.memory_space<vmem>>
      %dma_start3A_1062 = arith.constant 0 : i32
      %dma_start3A_1063 = arith.constant 0 : i32
      %dma_start3A_1064 = tpu.memref_slice %arg2[%dma_start3A_1062, %dma_start3A_1063] : memref<10000x128xf32, #tpu.memory_space<hbm>> -> memref<10000x128xf32, #tpu.memory_space<hbm>>
      %dma_start3A_1065 = tpu.memref_slice %arg7[%dma_start3A_1054] : memref<5x!tpu.dma_semaphore, #tpu.memory_space<semaphore_mem>> -> memref<1x!tpu.dma_semaphore, #tpu.memory_space<semaphore_mem>>
      %dma_start3A_1066 = tpu.memref_squeeze %dma_start3A_1065 : memref<1x!tpu.dma_semaphore, #tpu.memory_space<semaphore_mem>> -> memref<!tpu.dma_semaphore, #tpu.memory_space<semaphore_mem>>
      tpu.enqueue_indirect_dma source(%dma_start3A_1064 : memref<10000x128xf32, #tpu.memory_space<hbm>>) target(%dma_start3A_1058 : memref<128x128xf32, #tpu.memory_space<vmem>>) offsets(%dma_start3A_1061 : memref<128xi32, #tpu.memory_space<vmem>>) semaphore(%dma_start3A_1066 : memref<!tpu.dma_semaphore, #tpu.memory_space<semaphore_mem>>)
    }
    %scan3A_158 = arith.constant 6 : i32
    %dma_wait3A_159 = arith.constant 2 : i32
    %dma_wait3A_160 = arith.constant 2 : i32
    %dma_wait3A_161 = arith.constant 0 : i32
    %dma_wait3A_162 = arith.constant 0 : i32
    %dma_wait3A_163 = tpu.memref_slice %arg6[%dma_wait3A_159, %dma_wait3A_161, %dma_wait3A_162] : memref<5x128x128xf32, #tpu.memory_space<vmem>> -> memref<1x128x128xf32, #tpu.memory_space<vmem>>
    %dma_wait3A_164 = tpu.memref_squeeze %dma_wait3A_163 : memref<1x128x128xf32, #tpu.memory_space<vmem>> -> memref<128x128xf32, #tpu.memory_space<vmem>>
    %dma_wait3A_165 = arith.constant 0 : i32
    %dma_wait3A_166 = arith.constant 0 : i32
    %dma_wait3A_167 = tpu.memref_slice %arg2[%dma_wait3A_165, %dma_wait3A_166] : memref<10000x128xf32, #tpu.memory_space<hbm>> -> memref<128x128xf32, #tpu.memory_space<hbm>>
    %dma_wait3A_168 = tpu.memref_slice %arg7[%dma_wait3A_160] : memref<5x!tpu.dma_semaphore, #tpu.memory_space<semaphore_mem>> -> memref<1x!tpu.dma_semaphore, #tpu.memory_space<semaphore_mem>>
    %dma_wait3A_169 = tpu.memref_squeeze %dma_wait3A_168 : memref<1x!tpu.dma_semaphore, #tpu.memory_space<semaphore_mem>> -> memref<!tpu.dma_semaphore, #tpu.memory_space<semaphore_mem>>
    %dma_wait3A_170 = arith.constant 0 : i32
    %dma_wait3A_171 = arith.constant 0 : i32
    %dma_wait3A_172 = tpu.memref_slice %arg6[%dma_wait3A_159, %dma_wait3A_170, %dma_wait3A_171] : memref<5x128x128xf32, #tpu.memory_space<vmem>> -> memref<1x128x128xf32, #tpu.memory_space<vmem>>
    %dma_wait3A_173 = tpu.memref_squeeze %dma_wait3A_172 : memref<1x128x128xf32, #tpu.memory_space<vmem>> -> memref<128x128xf32, #tpu.memory_space<vmem>>
    %dma_wait3A_174 = arith.constant 0 : i32
    %dma_wait3A_175 = arith.constant 0 : i32
    %dma_wait3A_176 = tpu.memref_slice %arg2[%dma_wait3A_174, %dma_wait3A_175] : memref<10000x128xf32, #tpu.memory_space<hbm>> -> memref<128x128xf32, #tpu.memory_space<hbm>>
    tpu.wait_dma2 semaphore(%dma_wait3A_169 : memref<!tpu.dma_semaphore, #tpu.memory_space<semaphore_mem>>) src(%dma_wait3A_176 : memref<128x128xf32, #tpu.memory_space<hbm>>) dst(%dma_wait3A_173 : memref<128x128xf32, #tpu.memory_space<vmem>>)
    %add3A_177 = arith.constant 32 : i32
    %add3A_178 = arith.addi %add3A_4, %add3A_177 : i32
    %mul3A_179 = arith.constant 128 : i32
    %mul3A_180 = arith.muli %add3A_178, %mul3A_179 : i32
    %dma_start3A_181 = arith.constant 2 : i32
    %dma_start3A_182 = arith.constant 2 : i32
    %dma_start3A_183 = arith.constant 0 : i32
    %dma_start3A_184 = arith.constant 0 : i32
    %dma_start3A_185 = tpu.memref_slice %arg6[%dma_start3A_181, %dma_start3A_183, %dma_start3A_184] : memref<5x128x128xf32, #tpu.memory_space<vmem>> -> memref<1x128x128xf32, #tpu.memory_space<vmem>>
    %dma_start3A_186 = tpu.memref_squeeze %dma_start3A_185 : memref<1x128x128xf32, #tpu.memory_space<vmem>> -> memref<128x128xf32, #tpu.memory_space<vmem>>
    %dma_start3A_187 = arith.constant 0 : i32
    %dma_start3A_188 = tpu.memref_slice %arg4[%mul3A_180, %dma_start3A_187] : memref<160000x128xf32, #tpu.memory_space<hbm>> -> memref<128x128xf32, #tpu.memory_space<hbm>>
    %dma_start3A_189 = tpu.memref_slice %arg8[%dma_start3A_182] : memref<5x!tpu.dma_semaphore, #tpu.memory_space<semaphore_mem>> -> memref<1x!tpu.dma_semaphore, #tpu.memory_space<semaphore_mem>>
    %dma_start3A_190 = tpu.memref_squeeze %dma_start3A_189 : memref<1x!tpu.dma_semaphore, #tpu.memory_space<semaphore_mem>> -> memref<!tpu.dma_semaphore, #tpu.memory_space<semaphore_mem>>
    %dma_start3A_191 = arith.constant 0 : i32
    %dma_start3A_192 = tpu.memref_slice %arg4[%mul3A_180, %dma_start3A_191] : memref<160000x128xf32, #tpu.memory_space<hbm>> -> memref<128x128xf32, #tpu.memory_space<hbm>>
    %dma_start3A_193 = arith.constant 0 : i32
    %dma_start3A_194 = arith.constant 0 : i32
    %dma_start3A_195 = tpu.memref_slice %arg6[%dma_start3A_181, %dma_start3A_193, %dma_start3A_194] : memref<5x128x128xf32, #tpu.memory_space<vmem>> -> memref<1x128x128xf32, #tpu.memory_space<vmem>>
    %dma_start3A_196 = tpu.memref_squeeze %dma_start3A_195 : memref<1x128x128xf32, #tpu.memory_space<vmem>> -> memref<128x128xf32, #tpu.memory_space<vmem>>
    tpu.enqueue_dma source(%dma_start3A_196 : memref<128x128xf32, #tpu.memory_space<vmem>>) target(%dma_start3A_192 : memref<128x128xf32, #tpu.memory_space<hbm>>) target_semaphore(%dma_start3A_190 : memref<!tpu.dma_semaphore, #tpu.memory_space<semaphore_mem>>)
    %add3A_197 = arith.constant 30 : i32
    %add3A_198 = arith.addi %add3A_4, %add3A_197 : i32
    %mul3A_199 = arith.constant 128 : i32
    %mul3A_200 = arith.muli %add3A_198, %mul3A_199 : i32
    %dma_wait3A_201 = arith.constant 0 : i32
    %dma_wait3A_202 = arith.constant 0 : i32
    %dma_wait3A_203 = arith.constant 0 : i32
    %dma_wait3A_204 = arith.constant 0 : i32
    %dma_wait3A_205 = tpu.memref_slice %arg6[%dma_wait3A_201, %dma_wait3A_203, %dma_wait3A_204] : memref<5x128x128xf32, #tpu.memory_space<vmem>> -> memref<1x128x128xf32, #tpu.memory_space<vmem>>
    %dma_wait3A_206 = tpu.memref_squeeze %dma_wait3A_205 : memref<1x128x128xf32, #tpu.memory_space<vmem>> -> memref<128x128xf32, #tpu.memory_space<vmem>>
    %dma_wait3A_207 = arith.constant 0 : i32
    %dma_wait3A_208 = tpu.memref_slice %arg4[%mul3A_200, %dma_wait3A_207] : memref<160000x128xf32, #tpu.memory_space<hbm>> -> memref<128x128xf32, #tpu.memory_space<hbm>>
    %dma_wait3A_209 = tpu.memref_slice %arg8[%dma_wait3A_202] : memref<5x!tpu.dma_semaphore, #tpu.memory_space<semaphore_mem>> -> memref<1x!tpu.dma_semaphore, #tpu.memory_space<semaphore_mem>>
    %dma_wait3A_210 = tpu.memref_squeeze %dma_wait3A_209 : memref<1x!tpu.dma_semaphore, #tpu.memory_space<semaphore_mem>> -> memref<!tpu.dma_semaphore, #tpu.memory_space<semaphore_mem>>
    %dma_wait3A_211 = arith.constant 0 : i32
    %dma_wait3A_212 = tpu.memref_slice %arg4[%mul3A_200, %dma_wait3A_211] : memref<160000x128xf32, #tpu.memory_space<hbm>> -> memref<128x128xf32, #tpu.memory_space<hbm>>
    %dma_wait3A_213 = arith.constant 0 : i32
    %dma_wait3A_214 = arith.constant 0 : i32
    %dma_wait3A_215 = tpu.memref_slice %arg6[%dma_wait3A_201, %dma_wait3A_213, %dma_wait3A_214] : memref<5x128x128xf32, #tpu.memory_space<vmem>> -> memref<1x128x128xf32, #tpu.memory_space<vmem>>
    %dma_wait3A_216 = tpu.memref_squeeze %dma_wait3A_215 : memref<1x128x128xf32, #tpu.memory_space<vmem>> -> memref<128x128xf32, #tpu.memory_space<vmem>>
    tpu.wait_dma2 semaphore(%dma_wait3A_210 : memref<!tpu.dma_semaphore, #tpu.memory_space<semaphore_mem>>) src(%dma_wait3A_216 : memref<128x128xf32, #tpu.memory_space<vmem>>) dst(%dma_wait3A_212 : memref<128x128xf32, #tpu.memory_space<hbm>>)
    %dma_start3A_217 = arith.constant 35 : i32
    %dma_start3A_218 = arith.constant 0 : i32
    %dma_start3A_219 = arith.constant 0 : i32
    %dma_start3A_220 = arith.constant 0 : i32
    %dma_start3A_221 = arith.constant 0 : i32
    %dma_start3A_222 = tpu.memref_slice %arg6[%dma_start3A_218, %dma_start3A_220, %dma_start3A_221] : memref<5x128x128xf32, #tpu.memory_space<vmem>> -> memref<1x128x128xf32, #tpu.memory_space<vmem>>
    %dma_start3A_223 = tpu.memref_squeeze %dma_start3A_222 : memref<1x128x128xf32, #tpu.memory_space<vmem>> -> memref<128x128xf32, #tpu.memory_space<vmem>>
    %dma_start3A_224 = arith.constant 0 : i32
    %dma_start3A_225 = tpu.memref_slice %arg5[%dma_start3A_217, %dma_start3A_224] : memref<40x128xi32, #tpu.memory_space<vmem>> -> memref<1x128xi32, #tpu.memory_space<vmem>>
    %dma_start3A_226 = tpu.memref_squeeze %dma_start3A_225 : memref<1x128xi32, #tpu.memory_space<vmem>> -> memref<128xi32, #tpu.memory_space<vmem>>
    %dma_start3A_227 = arith.constant 0 : i32
    %dma_start3A_228 = arith.constant 0 : i32
    %dma_start3A_229 = tpu.memref_slice %arg2[%dma_start3A_227, %dma_start3A_228] : memref<10000x128xf32, #tpu.memory_space<hbm>> -> memref<10000x128xf32, #tpu.memory_space<hbm>>
    %dma_start3A_230 = tpu.memref_slice %arg7[%dma_start3A_219] : memref<5x!tpu.dma_semaphore, #tpu.memory_space<semaphore_mem>> -> memref<1x!tpu.dma_semaphore, #tpu.memory_space<semaphore_mem>>
    %dma_start3A_231 = tpu.memref_squeeze %dma_start3A_230 : memref<1x!tpu.dma_semaphore, #tpu.memory_space<semaphore_mem>> -> memref<!tpu.dma_semaphore, #tpu.memory_space<semaphore_mem>>
    tpu.enqueue_indirect_dma source(%dma_start3A_229 : memref<10000x128xf32, #tpu.memory_space<hbm>>) target(%dma_start3A_223 : memref<128x128xf32, #tpu.memory_space<vmem>>) offsets(%dma_start3A_226 : memref<128xi32, #tpu.memory_space<vmem>>) semaphore(%dma_start3A_231 : memref<!tpu.dma_semaphore, #tpu.memory_space<semaphore_mem>>)
    %dma_wait3A_232 = arith.constant 3 : i32
    %dma_wait3A_233 = arith.constant 3 : i32
    %dma_wait3A_234 = arith.constant 0 : i32
    %dma_wait3A_235 = arith.constant 0 : i32
    %dma_wait3A_236 = tpu.memref_slice %arg6[%dma_wait3A_232, %dma_wait3A_234, %dma_wait3A_235] : memref<5x128x128xf32, #tpu.memory_space<vmem>> -> memref<1x128x128xf32, #tpu.memory_space<vmem>>
    %dma_wait3A_237 = tpu.memref_squeeze %dma_wait3A_236 : memref<1x128x128xf32, #tpu.memory_space<vmem>> -> memref<128x128xf32, #tpu.memory_space<vmem>>
    %dma_wait3A_238 = arith.constant 0 : i32
    %dma_wait3A_239 = arith.constant 0 : i32
    %dma_wait3A_240 = tpu.memref_slice %arg2[%dma_wait3A_238, %dma_wait3A_239] : memref<10000x128xf32, #tpu.memory_space<hbm>> -> memref<128x128xf32, #tpu.memory_space<hbm>>
    %dma_wait3A_241 = tpu.memref_slice %arg7[%dma_wait3A_233] : memref<5x!tpu.dma_semaphore, #tpu.memory_space<semaphore_mem>> -> memref<1x!tpu.dma_semaphore, #tpu.memory_space<semaphore_mem>>
    %dma_wait3A_242 = tpu.memref_squeeze %dma_wait3A_241 : memref<1x!tpu.dma_semaphore, #tpu.memory_space<semaphore_mem>> -> memref<!tpu.dma_semaphore, #tpu.memory_space<semaphore_mem>>
    %dma_wait3A_243 = arith.constant 0 : i32
    %dma_wait3A_244 = arith.constant 0 : i32
    %dma_wait3A_245 = tpu.memref_slice %arg6[%dma_wait3A_232, %dma_wait3A_243, %dma_wait3A_244] : memref<5x128x128xf32, #tpu.memory_space<vmem>> -> memref<1x128x128xf32, #tpu.memory_space<vmem>>
    %dma_wait3A_246 = tpu.memref_squeeze %dma_wait3A_245 : memref<1x128x128xf32, #tpu.memory_space<vmem>> -> memref<128x128xf32, #tpu.memory_space<vmem>>
    %dma_wait3A_247 = arith.constant 0 : i32
    %dma_wait3A_248 = arith.constant 0 : i32
    %dma_wait3A_249 = tpu.memref_slice %arg2[%dma_wait3A_247, %dma_wait3A_248] : memref<10000x128xf32, #tpu.memory_space<hbm>> -> memref<128x128xf32, #tpu.memory_space<hbm>>
    tpu.wait_dma2 semaphore(%dma_wait3A_242 : memref<!tpu.dma_semaphore, #tpu.memory_space<semaphore_mem>>) src(%dma_wait3A_249 : memref<128x128xf32, #tpu.memory_space<hbm>>) dst(%dma_wait3A_246 : memref<128x128xf32, #tpu.memory_space<vmem>>)
    %add3A_250 = arith.constant 33 : i32
    %add3A_251 = arith.addi %add3A_4, %add3A_250 : i32
    %mul3A_252 = arith.constant 128 : i32
    %mul3A_253 = arith.muli %add3A_251, %mul3A_252 : i32
    %dma_start3A_254 = arith.constant 3 : i32
    %dma_start3A_255 = arith.constant 3 : i32
    %dma_start3A_256 = arith.constant 0 : i32
    %dma_start3A_257 = arith.constant 0 : i32
    %dma_start3A_258 = tpu.memref_slice %arg6[%dma_start3A_254, %dma_start3A_256, %dma_start3A_257] : memref<5x128x128xf32, #tpu.memory_space<vmem>> -> memref<1x128x128xf32, #tpu.memory_space<vmem>>
    %dma_start3A_259 = tpu.memref_squeeze %dma_start3A_258 : memref<1x128x128xf32, #tpu.memory_space<vmem>> -> memref<128x128xf32, #tpu.memory_space<vmem>>
    %dma_start3A_260 = arith.constant 0 : i32
    %dma_start3A_261 = tpu.memref_slice %arg4[%mul3A_253, %dma_start3A_260] : memref<160000x128xf32, #tpu.memory_space<hbm>> -> memref<128x128xf32, #tpu.memory_space<hbm>>
    %dma_start3A_262 = tpu.memref_slice %arg8[%dma_start3A_255] : memref<5x!tpu.dma_semaphore, #tpu.memory_space<semaphore_mem>> -> memref<1x!tpu.dma_semaphore, #tpu.memory_space<semaphore_mem>>
    %dma_start3A_263 = tpu.memref_squeeze %dma_start3A_262 : memref<1x!tpu.dma_semaphore, #tpu.memory_space<semaphore_mem>> -> memref<!tpu.dma_semaphore, #tpu.memory_space<semaphore_mem>>
    %dma_start3A_264 = arith.constant 0 : i32
    %dma_start3A_265 = tpu.memref_slice %arg4[%mul3A_253, %dma_start3A_264] : memref<160000x128xf32, #tpu.memory_space<hbm>> -> memref<128x128xf32, #tpu.memory_space<hbm>>
    %dma_start3A_266 = arith.constant 0 : i32
    %dma_start3A_267 = arith.constant 0 : i32
    %dma_start3A_268 = tpu.memref_slice %arg6[%dma_start3A_254, %dma_start3A_266, %dma_start3A_267] : memref<5x128x128xf32, #tpu.memory_space<vmem>> -> memref<1x128x128xf32, #tpu.memory_space<vmem>>
    %dma_start3A_269 = tpu.memref_squeeze %dma_start3A_268 : memref<1x128x128xf32, #tpu.memory_space<vmem>> -> memref<128x128xf32, #tpu.memory_space<vmem>>
    tpu.enqueue_dma source(%dma_start3A_269 : memref<128x128xf32, #tpu.memory_space<vmem>>) target(%dma_start3A_265 : memref<128x128xf32, #tpu.memory_space<hbm>>) target_semaphore(%dma_start3A_263 : memref<!tpu.dma_semaphore, #tpu.memory_space<semaphore_mem>>)
    %add3A_270 = arith.constant 31 : i32
    %add3A_271 = arith.addi %add3A_4, %add3A_270 : i32
    %mul3A_272 = arith.constant 128 : i32
    %mul3A_273 = arith.muli %add3A_271, %mul3A_272 : i32
    %dma_wait3A_274 = arith.constant 1 : i32
    %dma_wait3A_275 = arith.constant 1 : i32
    %dma_wait3A_276 = arith.constant 0 : i32
    %dma_wait3A_277 = arith.constant 0 : i32
    %dma_wait3A_278 = tpu.memref_slice %arg6[%dma_wait3A_274, %dma_wait3A_276, %dma_wait3A_277] : memref<5x128x128xf32, #tpu.memory_space<vmem>> -> memref<1x128x128xf32, #tpu.memory_space<vmem>>
    %dma_wait3A_279 = tpu.memref_squeeze %dma_wait3A_278 : memref<1x128x128xf32, #tpu.memory_space<vmem>> -> memref<128x128xf32, #tpu.memory_space<vmem>>
    %dma_wait3A_280 = arith.constant 0 : i32
    %dma_wait3A_281 = tpu.memref_slice %arg4[%mul3A_273, %dma_wait3A_280] : memref<160000x128xf32, #tpu.memory_space<hbm>> -> memref<128x128xf32, #tpu.memory_space<hbm>>
    %dma_wait3A_282 = tpu.memref_slice %arg8[%dma_wait3A_275] : memref<5x!tpu.dma_semaphore, #tpu.memory_space<semaphore_mem>> -> memref<1x!tpu.dma_semaphore, #tpu.memory_space<semaphore_mem>>
    %dma_wait3A_283 = tpu.memref_squeeze %dma_wait3A_282 : memref<1x!tpu.dma_semaphore, #tpu.memory_space<semaphore_mem>> -> memref<!tpu.dma_semaphore, #tpu.memory_space<semaphore_mem>>
    %dma_wait3A_284 = arith.constant 0 : i32
    %dma_wait3A_285 = tpu.memref_slice %arg4[%mul3A_273, %dma_wait3A_284] : memref<160000x128xf32, #tpu.memory_space<hbm>> -> memref<128x128xf32, #tpu.memory_space<hbm>>
    %dma_wait3A_286 = arith.constant 0 : i32
    %dma_wait3A_287 = arith.constant 0 : i32
    %dma_wait3A_288 = tpu.memref_slice %arg6[%dma_wait3A_274, %dma_wait3A_286, %dma_wait3A_287] : memref<5x128x128xf32, #tpu.memory_space<vmem>> -> memref<1x128x128xf32, #tpu.memory_space<vmem>>
    %dma_wait3A_289 = tpu.memref_squeeze %dma_wait3A_288 : memref<1x128x128xf32, #tpu.memory_space<vmem>> -> memref<128x128xf32, #tpu.memory_space<vmem>>
    tpu.wait_dma2 semaphore(%dma_wait3A_283 : memref<!tpu.dma_semaphore, #tpu.memory_space<semaphore_mem>>) src(%dma_wait3A_289 : memref<128x128xf32, #tpu.memory_space<vmem>>) dst(%dma_wait3A_285 : memref<128x128xf32, #tpu.memory_space<hbm>>)
    %dma_start3A_290 = arith.constant 36 : i32
    %dma_start3A_291 = arith.constant 1 : i32
    %dma_start3A_292 = arith.constant 1 : i32
    %dma_start3A_293 = arith.constant 0 : i32
    %dma_start3A_294 = arith.constant 0 : i32
    %dma_start3A_295 = tpu.memref_slice %arg6[%dma_start3A_291, %dma_start3A_293, %dma_start3A_294] : memref<5x128x128xf32, #tpu.memory_space<vmem>> -> memref<1x128x128xf32, #tpu.memory_space<vmem>>
    %dma_start3A_296 = tpu.memref_squeeze %dma_start3A_295 : memref<1x128x128xf32, #tpu.memory_space<vmem>> -> memref<128x128xf32, #tpu.memory_space<vmem>>
    %dma_start3A_297 = arith.constant 0 : i32
    %dma_start3A_298 = tpu.memref_slice %arg5[%dma_start3A_290, %dma_start3A_297] : memref<40x128xi32, #tpu.memory_space<vmem>> -> memref<1x128xi32, #tpu.memory_space<vmem>>
    %dma_start3A_299 = tpu.memref_squeeze %dma_start3A_298 : memref<1x128xi32, #tpu.memory_space<vmem>> -> memref<128xi32, #tpu.memory_space<vmem>>
    %dma_start3A_300 = arith.constant 0 : i32
    %dma_start3A_301 = arith.constant 0 : i32
    %dma_start3A_302 = tpu.memref_slice %arg2[%dma_start3A_300, %dma_start3A_301] : memref<10000x128xf32, #tpu.memory_space<hbm>> -> memref<10000x128xf32, #tpu.memory_space<hbm>>
    %dma_start3A_303 = tpu.memref_slice %arg7[%dma_start3A_292] : memref<5x!tpu.dma_semaphore, #tpu.memory_space<semaphore_mem>> -> memref<1x!tpu.dma_semaphore, #tpu.memory_space<semaphore_mem>>
    %dma_start3A_304 = tpu.memref_squeeze %dma_start3A_303 : memref<1x!tpu.dma_semaphore, #tpu.memory_space<semaphore_mem>> -> memref<!tpu.dma_semaphore, #tpu.memory_space<semaphore_mem>>
    tpu.enqueue_indirect_dma source(%dma_start3A_302 : memref<10000x128xf32, #tpu.memory_space<hbm>>) target(%dma_start3A_296 : memref<128x128xf32, #tpu.memory_space<vmem>>) offsets(%dma_start3A_299 : memref<128xi32, #tpu.memory_space<vmem>>) semaphore(%dma_start3A_304 : memref<!tpu.dma_semaphore, #tpu.memory_space<semaphore_mem>>)
    %dma_wait3A_305 = arith.constant 4 : i32
    %dma_wait3A_306 = arith.constant 4 : i32
    %dma_wait3A_307 = arith.constant 0 : i32
    %dma_wait3A_308 = arith.constant 0 : i32
    %dma_wait3A_309 = tpu.memref_slice %arg6[%dma_wait3A_305, %dma_wait3A_307, %dma_wait3A_308] : memref<5x128x128xf32, #tpu.memory_space<vmem>> -> memref<1x128x128xf32, #tpu.memory_space<vmem>>
    %dma_wait3A_310 = tpu.memref_squeeze %dma_wait3A_309 : memref<1x128x128xf32, #tpu.memory_space<vmem>> -> memref<128x128xf32, #tpu.memory_space<vmem>>
    %dma_wait3A_311 = arith.constant 0 : i32
    %dma_wait3A_312 = arith.constant 0 : i32
    %dma_wait3A_313 = tpu.memref_slice %arg2[%dma_wait3A_311, %dma_wait3A_312] : memref<10000x128xf32, #tpu.memory_space<hbm>> -> memref<128x128xf32, #tpu.memory_space<hbm>>
    %dma_wait3A_314 = tpu.memref_slice %arg7[%dma_wait3A_306] : memref<5x!tpu.dma_semaphore, #tpu.memory_space<semaphore_mem>> -> memref<1x!tpu.dma_semaphore, #tpu.memory_space<semaphore_mem>>
    %dma_wait3A_315 = tpu.memref_squeeze %dma_wait3A_314 : memref<1x!tpu.dma_semaphore, #tpu.memory_space<semaphore_mem>> -> memref<!tpu.dma_semaphore, #tpu.memory_space<semaphore_mem>>
    %dma_wait3A_316 = arith.constant 0 : i32
    %dma_wait3A_317 = arith.constant 0 : i32
    %dma_wait3A_318 = tpu.memref_slice %arg6[%dma_wait3A_305, %dma_wait3A_316, %dma_wait3A_317] : memref<5x128x128xf32, #tpu.memory_space<vmem>> -> memref<1x128x128xf32, #tpu.memory_space<vmem>>
    %dma_wait3A_319 = tpu.memref_squeeze %dma_wait3A_318 : memref<1x128x128xf32, #tpu.memory_space<vmem>> -> memref<128x128xf32, #tpu.memory_space<vmem>>
    %dma_wait3A_320 = arith.constant 0 : i32
    %dma_wait3A_321 = arith.constant 0 : i32
    %dma_wait3A_322 = tpu.memref_slice %arg2[%dma_wait3A_320, %dma_wait3A_321] : memref<10000x128xf32, #tpu.memory_space<hbm>> -> memref<128x128xf32, #tpu.memory_space<hbm>>
    tpu.wait_dma2 semaphore(%dma_wait3A_315 : memref<!tpu.dma_semaphore, #tpu.memory_space<semaphore_mem>>) src(%dma_wait3A_322 : memref<128x128xf32, #tpu.memory_space<hbm>>) dst(%dma_wait3A_319 : memref<128x128xf32, #tpu.memory_space<vmem>>)
    %add3A_323 = arith.constant 34 : i32
    %add3A_324 = arith.addi %add3A_4, %add3A_323 : i32
    %mul3A_325 = arith.constant 128 : i32
    %mul3A_326 = arith.muli %add3A_324, %mul3A_325 : i32
    %dma_start3A_327 = arith.constant 4 : i32
    %dma_start3A_328 = arith.constant 4 : i32
    %dma_start3A_329 = arith.constant 0 : i32
    %dma_start3A_330 = arith.constant 0 : i32
    %dma_start3A_331 = tpu.memref_slice %arg6[%dma_start3A_327, %dma_start3A_329, %dma_start3A_330] : memref<5x128x128xf32, #tpu.memory_space<vmem>> -> memref<1x128x128xf32, #tpu.memory_space<vmem>>
    %dma_start3A_332 = tpu.memref_squeeze %dma_start3A_331 : memref<1x128x128xf32, #tpu.memory_space<vmem>> -> memref<128x128xf32, #tpu.memory_space<vmem>>
    %dma_start3A_333 = arith.constant 0 : i32
    %dma_start3A_334 = tpu.memref_slice %arg4[%mul3A_326, %dma_start3A_333] : memref<160000x128xf32, #tpu.memory_space<hbm>> -> memref<128x128xf32, #tpu.memory_space<hbm>>
    %dma_start3A_335 = tpu.memref_slice %arg8[%dma_start3A_328] : memref<5x!tpu.dma_semaphore, #tpu.memory_space<semaphore_mem>> -> memref<1x!tpu.dma_semaphore, #tpu.memory_space<semaphore_mem>>
    %dma_start3A_336 = tpu.memref_squeeze %dma_start3A_335 : memref<1x!tpu.dma_semaphore, #tpu.memory_space<semaphore_mem>> -> memref<!tpu.dma_semaphore, #tpu.memory_space<semaphore_mem>>
    %dma_start3A_337 = arith.constant 0 : i32
    %dma_start3A_338 = tpu.memref_slice %arg4[%mul3A_326, %dma_start3A_337] : memref<160000x128xf32, #tpu.memory_space<hbm>> -> memref<128x128xf32, #tpu.memory_space<hbm>>
    %dma_start3A_339 = arith.constant 0 : i32
    %dma_start3A_340 = arith.constant 0 : i32
    %dma_start3A_341 = tpu.memref_slice %arg6[%dma_start3A_327, %dma_start3A_339, %dma_start3A_340] : memref<5x128x128xf32, #tpu.memory_space<vmem>> -> memref<1x128x128xf32, #tpu.memory_space<vmem>>
    %dma_start3A_342 = tpu.memref_squeeze %dma_start3A_341 : memref<1x128x128xf32, #tpu.memory_space<vmem>> -> memref<128x128xf32, #tpu.memory_space<vmem>>
    tpu.enqueue_dma source(%dma_start3A_342 : memref<128x128xf32, #tpu.memory_space<vmem>>) target(%dma_start3A_338 : memref<128x128xf32, #tpu.memory_space<hbm>>) target_semaphore(%dma_start3A_336 : memref<!tpu.dma_semaphore, #tpu.memory_space<semaphore_mem>>)
    %add3A_343 = arith.constant 32 : i32
    %add3A_344 = arith.addi %add3A_4, %add3A_343 : i32
    %mul3A_345 = arith.constant 128 : i32
    %mul3A_346 = arith.muli %add3A_344, %mul3A_345 : i32
    %dma_wait3A_347 = arith.constant 2 : i32
    %dma_wait3A_348 = arith.constant 2 : i32
    %dma_wait3A_349 = arith.constant 0 : i32
    %dma_wait3A_350 = arith.constant 0 : i32
    %dma_wait3A_351 = tpu.memref_slice %arg6[%dma_wait3A_347, %dma_wait3A_349, %dma_wait3A_350] : memref<5x128x128xf32, #tpu.memory_space<vmem>> -> memref<1x128x128xf32, #tpu.memory_space<vmem>>
    %dma_wait3A_352 = tpu.memref_squeeze %dma_wait3A_351 : memref<1x128x128xf32, #tpu.memory_space<vmem>> -> memref<128x128xf32, #tpu.memory_space<vmem>>
    %dma_wait3A_353 = arith.constant 0 : i32
    %dma_wait3A_354 = tpu.memref_slice %arg4[%mul3A_346, %dma_wait3A_353] : memref<160000x128xf32, #tpu.memory_space<hbm>> -> memref<128x128xf32, #tpu.memory_space<hbm>>
    %dma_wait3A_355 = tpu.memref_slice %arg8[%dma_wait3A_348] : memref<5x!tpu.dma_semaphore, #tpu.memory_space<semaphore_mem>> -> memref<1x!tpu.dma_semaphore, #tpu.memory_space<semaphore_mem>>
    %dma_wait3A_356 = tpu.memref_squeeze %dma_wait3A_355 : memref<1x!tpu.dma_semaphore, #tpu.memory_space<semaphore_mem>> -> memref<!tpu.dma_semaphore, #tpu.memory_space<semaphore_mem>>
    %dma_wait3A_357 = arith.constant 0 : i32
    %dma_wait3A_358 = tpu.memref_slice %arg4[%mul3A_346, %dma_wait3A_357] : memref<160000x128xf32, #tpu.memory_space<hbm>> -> memref<128x128xf32, #tpu.memory_space<hbm>>
    %dma_wait3A_359 = arith.constant 0 : i32
    %dma_wait3A_360 = arith.constant 0 : i32
    %dma_wait3A_361 = tpu.memref_slice %arg6[%dma_wait3A_347, %dma_wait3A_359, %dma_wait3A_360] : memref<5x128x128xf32, #tpu.memory_space<vmem>> -> memref<1x128x128xf32, #tpu.memory_space<vmem>>
    %dma_wait3A_362 = tpu.memref_squeeze %dma_wait3A_361 : memref<1x128x128xf32, #tpu.memory_space<vmem>> -> memref<128x128xf32, #tpu.memory_space<vmem>>
    tpu.wait_dma2 semaphore(%dma_wait3A_356 : memref<!tpu.dma_semaphore, #tpu.memory_space<semaphore_mem>>) src(%dma_wait3A_362 : memref<128x128xf32, #tpu.memory_space<vmem>>) dst(%dma_wait3A_358 : memref<128x128xf32, #tpu.memory_space<hbm>>)
    %dma_start3A_363 = arith.constant 37 : i32
    %dma_start3A_364 = arith.constant 2 : i32
    %dma_start3A_365 = arith.constant 2 : i32
    %dma_start3A_366 = arith.constant 0 : i32
    %dma_start3A_367 = arith.constant 0 : i32
    %dma_start3A_368 = tpu.memref_slice %arg6[%dma_start3A_364, %dma_start3A_366, %dma_start3A_367] : memref<5x128x128xf32, #tpu.memory_space<vmem>> -> memref<1x128x128xf32, #tpu.memory_space<vmem>>
    %dma_start3A_369 = tpu.memref_squeeze %dma_start3A_368 : memref<1x128x128xf32, #tpu.memory_space<vmem>> -> memref<128x128xf32, #tpu.memory_space<vmem>>
    %dma_start3A_370 = arith.constant 0 : i32
    %dma_start3A_371 = tpu.memref_slice %arg5[%dma_start3A_363, %dma_start3A_370] : memref<40x128xi32, #tpu.memory_space<vmem>> -> memref<1x128xi32, #tpu.memory_space<vmem>>
    %dma_start3A_372 = tpu.memref_squeeze %dma_start3A_371 : memref<1x128xi32, #tpu.memory_space<vmem>> -> memref<128xi32, #tpu.memory_space<vmem>>
    %dma_start3A_373 = arith.constant 0 : i32
    %dma_start3A_374 = arith.constant 0 : i32
    %dma_start3A_375 = tpu.memref_slice %arg2[%dma_start3A_373, %dma_start3A_374] : memref<10000x128xf32, #tpu.memory_space<hbm>> -> memref<10000x128xf32, #tpu.memory_space<hbm>>
    %dma_start3A_376 = tpu.memref_slice %arg7[%dma_start3A_365] : memref<5x!tpu.dma_semaphore, #tpu.memory_space<semaphore_mem>> -> memref<1x!tpu.dma_semaphore, #tpu.memory_space<semaphore_mem>>
    %dma_start3A_377 = tpu.memref_squeeze %dma_start3A_376 : memref<1x!tpu.dma_semaphore, #tpu.memory_space<semaphore_mem>> -> memref<!tpu.dma_semaphore, #tpu.memory_space<semaphore_mem>>
    tpu.enqueue_indirect_dma source(%dma_start3A_375 : memref<10000x128xf32, #tpu.memory_space<hbm>>) target(%dma_start3A_369 : memref<128x128xf32, #tpu.memory_space<vmem>>) offsets(%dma_start3A_372 : memref<128xi32, #tpu.memory_space<vmem>>) semaphore(%dma_start3A_377 : memref<!tpu.dma_semaphore, #tpu.memory_space<semaphore_mem>>)
    %dma_wait3A_378 = arith.constant 0 : i32
    %dma_wait3A_379 = arith.constant 0 : i32
    %dma_wait3A_380 = arith.constant 0 : i32
    %dma_wait3A_381 = arith.constant 0 : i32
    %dma_wait3A_382 = tpu.memref_slice %arg6[%dma_wait3A_378, %dma_wait3A_380, %dma_wait3A_381] : memref<5x128x128xf32, #tpu.memory_space<vmem>> -> memref<1x128x128xf32, #tpu.memory_space<vmem>>
    %dma_wait3A_383 = tpu.memref_squeeze %dma_wait3A_382 : memref<1x128x128xf32, #tpu.memory_space<vmem>> -> memref<128x128xf32, #tpu.memory_space<vmem>>
    %dma_wait3A_384 = arith.constant 0 : i32
    %dma_wait3A_385 = arith.constant 0 : i32
    %dma_wait3A_386 = tpu.memref_slice %arg2[%dma_wait3A_384, %dma_wait3A_385] : memref<10000x128xf32, #tpu.memory_space<hbm>> -> memref<128x128xf32, #tpu.memory_space<hbm>>
    %dma_wait3A_387 = tpu.memref_slice %arg7[%dma_wait3A_379] : memref<5x!tpu.dma_semaphore, #tpu.memory_space<semaphore_mem>> -> memref<1x!tpu.dma_semaphore, #tpu.memory_space<semaphore_mem>>
    %dma_wait3A_388 = tpu.memref_squeeze %dma_wait3A_387 : memref<1x!tpu.dma_semaphore, #tpu.memory_space<semaphore_mem>> -> memref<!tpu.dma_semaphore, #tpu.memory_space<semaphore_mem>>
    %dma_wait3A_389 = arith.constant 0 : i32
    %dma_wait3A_390 = arith.constant 0 : i32
    %dma_wait3A_391 = tpu.memref_slice %arg6[%dma_wait3A_378, %dma_wait3A_389, %dma_wait3A_390] : memref<5x128x128xf32, #tpu.memory_space<vmem>> -> memref<1x128x128xf32, #tpu.memory_space<vmem>>
    %dma_wait3A_392 = tpu.memref_squeeze %dma_wait3A_391 : memref<1x128x128xf32, #tpu.memory_space<vmem>> -> memref<128x128xf32, #tpu.memory_space<vmem>>
    %dma_wait3A_393 = arith.constant 0 : i32
    %dma_wait3A_394 = arith.constant 0 : i32
    %dma_wait3A_395 = tpu.memref_slice %arg2[%dma_wait3A_393, %dma_wait3A_394] : memref<10000x128xf32, #tpu.memory_space<hbm>> -> memref<128x128xf32, #tpu.memory_space<hbm>>
    tpu.wait_dma2 semaphore(%dma_wait3A_388 : memref<!tpu.dma_semaphore, #tpu.memory_space<semaphore_mem>>) src(%dma_wait3A_395 : memref<128x128xf32, #tpu.memory_space<hbm>>) dst(%dma_wait3A_392 : memref<128x128xf32, #tpu.memory_space<vmem>>)
    %add3A_396 = arith.constant 35 : i32
    %add3A_397 = arith.addi %add3A_4, %add3A_396 : i32
    %mul3A_398 = arith.constant 128 : i32
    %mul3A_399 = arith.muli %add3A_397, %mul3A_398 : i32
    %dma_start3A_400 = arith.constant 0 : i32
    %dma_start3A_401 = arith.constant 0 : i32
    %dma_start3A_402 = arith.constant 0 : i32
    %dma_start3A_403 = arith.constant 0 : i32
    %dma_start3A_404 = tpu.memref_slice %arg6[%dma_start3A_400, %dma_start3A_402, %dma_start3A_403] : memref<5x128x128xf32, #tpu.memory_space<vmem>> -> memref<1x128x128xf32, #tpu.memory_space<vmem>>
    %dma_start3A_405 = tpu.memref_squeeze %dma_start3A_404 : memref<1x128x128xf32, #tpu.memory_space<vmem>> -> memref<128x128xf32, #tpu.memory_space<vmem>>
    %dma_start3A_406 = arith.constant 0 : i32
    %dma_start3A_407 = tpu.memref_slice %arg4[%mul3A_399, %dma_start3A_406] : memref<160000x128xf32, #tpu.memory_space<hbm>> -> memref<128x128xf32, #tpu.memory_space<hbm>>
    %dma_start3A_408 = tpu.memref_slice %arg8[%dma_start3A_401] : memref<5x!tpu.dma_semaphore, #tpu.memory_space<semaphore_mem>> -> memref<1x!tpu.dma_semaphore, #tpu.memory_space<semaphore_mem>>
    %dma_start3A_409 = tpu.memref_squeeze %dma_start3A_408 : memref<1x!tpu.dma_semaphore, #tpu.memory_space<semaphore_mem>> -> memref<!tpu.dma_semaphore, #tpu.memory_space<semaphore_mem>>
    %dma_start3A_410 = arith.constant 0 : i32
    %dma_start3A_411 = tpu.memref_slice %arg4[%mul3A_399, %dma_start3A_410] : memref<160000x128xf32, #tpu.memory_space<hbm>> -> memref<128x128xf32, #tpu.memory_space<hbm>>
    %dma_start3A_412 = arith.constant 0 : i32
    %dma_start3A_413 = arith.constant 0 : i32
    %dma_start3A_414 = tpu.memref_slice %arg6[%dma_start3A_400, %dma_start3A_412, %dma_start3A_413] : memref<5x128x128xf32, #tpu.memory_space<vmem>> -> memref<1x128x128xf32, #tpu.memory_space<vmem>>
    %dma_start3A_415 = tpu.memref_squeeze %dma_start3A_414 : memref<1x128x128xf32, #tpu.memory_space<vmem>> -> memref<128x128xf32, #tpu.memory_space<vmem>>
    tpu.enqueue_dma source(%dma_start3A_415 : memref<128x128xf32, #tpu.memory_space<vmem>>) target(%dma_start3A_411 : memref<128x128xf32, #tpu.memory_space<hbm>>) target_semaphore(%dma_start3A_409 : memref<!tpu.dma_semaphore, #tpu.memory_space<semaphore_mem>>)
    %add3A_416 = arith.constant 33 : i32
    %add3A_417 = arith.addi %add3A_4, %add3A_416 : i32
    %mul3A_418 = arith.constant 128 : i32
    %mul3A_419 = arith.muli %add3A_417, %mul3A_418 : i32
    %dma_wait3A_420 = arith.constant 3 : i32
    %dma_wait3A_421 = arith.constant 3 : i32
    %dma_wait3A_422 = arith.constant 0 : i32
    %dma_wait3A_423 = arith.constant 0 : i32
    %dma_wait3A_424 = tpu.memref_slice %arg6[%dma_wait3A_420, %dma_wait3A_422, %dma_wait3A_423] : memref<5x128x128xf32, #tpu.memory_space<vmem>> -> memref<1x128x128xf32, #tpu.memory_space<vmem>>
    %dma_wait3A_425 = tpu.memref_squeeze %dma_wait3A_424 : memref<1x128x128xf32, #tpu.memory_space<vmem>> -> memref<128x128xf32, #tpu.memory_space<vmem>>
    %dma_wait3A_426 = arith.constant 0 : i32
    %dma_wait3A_427 = tpu.memref_slice %arg4[%mul3A_419, %dma_wait3A_426] : memref<160000x128xf32, #tpu.memory_space<hbm>> -> memref<128x128xf32, #tpu.memory_space<hbm>>
    %dma_wait3A_428 = tpu.memref_slice %arg8[%dma_wait3A_421] : memref<5x!tpu.dma_semaphore, #tpu.memory_space<semaphore_mem>> -> memref<1x!tpu.dma_semaphore, #tpu.memory_space<semaphore_mem>>
    %dma_wait3A_429 = tpu.memref_squeeze %dma_wait3A_428 : memref<1x!tpu.dma_semaphore, #tpu.memory_space<semaphore_mem>> -> memref<!tpu.dma_semaphore, #tpu.memory_space<semaphore_mem>>
    %dma_wait3A_430 = arith.constant 0 : i32
    %dma_wait3A_431 = tpu.memref_slice %arg4[%mul3A_419, %dma_wait3A_430] : memref<160000x128xf32, #tpu.memory_space<hbm>> -> memref<128x128xf32, #tpu.memory_space<hbm>>
    %dma_wait3A_432 = arith.constant 0 : i32
    %dma_wait3A_433 = arith.constant 0 : i32
    %dma_wait3A_434 = tpu.memref_slice %arg6[%dma_wait3A_420, %dma_wait3A_432, %dma_wait3A_433] : memref<5x128x128xf32, #tpu.memory_space<vmem>> -> memref<1x128x128xf32, #tpu.memory_space<vmem>>
    %dma_wait3A_435 = tpu.memref_squeeze %dma_wait3A_434 : memref<1x128x128xf32, #tpu.memory_space<vmem>> -> memref<128x128xf32, #tpu.memory_space<vmem>>
    tpu.wait_dma2 semaphore(%dma_wait3A_429 : memref<!tpu.dma_semaphore, #tpu.memory_space<semaphore_mem>>) src(%dma_wait3A_435 : memref<128x128xf32, #tpu.memory_space<vmem>>) dst(%dma_wait3A_431 : memref<128x128xf32, #tpu.memory_space<hbm>>)
    %dma_start3A_436 = arith.constant 38 : i32
    %dma_start3A_437 = arith.constant 3 : i32
    %dma_start3A_438 = arith.constant 3 : i32
    %dma_start3A_439 = arith.constant 0 : i32
    %dma_start3A_440 = arith.constant 0 : i32
    %dma_start3A_441 = tpu.memref_slice %arg6[%dma_start3A_437, %dma_start3A_439, %dma_start3A_440] : memref<5x128x128xf32, #tpu.memory_space<vmem>> -> memref<1x128x128xf32, #tpu.memory_space<vmem>>
    %dma_start3A_442 = tpu.memref_squeeze %dma_start3A_441 : memref<1x128x128xf32, #tpu.memory_space<vmem>> -> memref<128x128xf32, #tpu.memory_space<vmem>>
    %dma_start3A_443 = arith.constant 0 : i32
    %dma_start3A_444 = tpu.memref_slice %arg5[%dma_start3A_436, %dma_start3A_443] : memref<40x128xi32, #tpu.memory_space<vmem>> -> memref<1x128xi32, #tpu.memory_space<vmem>>
    %dma_start3A_445 = tpu.memref_squeeze %dma_start3A_444 : memref<1x128xi32, #tpu.memory_space<vmem>> -> memref<128xi32, #tpu.memory_space<vmem>>
    %dma_start3A_446 = arith.constant 0 : i32
    %dma_start3A_447 = arith.constant 0 : i32
    %dma_start3A_448 = tpu.memref_slice %arg2[%dma_start3A_446, %dma_start3A_447] : memref<10000x128xf32, #tpu.memory_space<hbm>> -> memref<10000x128xf32, #tpu.memory_space<hbm>>
    %dma_start3A_449 = tpu.memref_slice %arg7[%dma_start3A_438] : memref<5x!tpu.dma_semaphore, #tpu.memory_space<semaphore_mem>> -> memref<1x!tpu.dma_semaphore, #tpu.memory_space<semaphore_mem>>
    %dma_start3A_450 = tpu.memref_squeeze %dma_start3A_449 : memref<1x!tpu.dma_semaphore, #tpu.memory_space<semaphore_mem>> -> memref<!tpu.dma_semaphore, #tpu.memory_space<semaphore_mem>>
    tpu.enqueue_indirect_dma source(%dma_start3A_448 : memref<10000x128xf32, #tpu.memory_space<hbm>>) target(%dma_start3A_442 : memref<128x128xf32, #tpu.memory_space<vmem>>) offsets(%dma_start3A_445 : memref<128xi32, #tpu.memory_space<vmem>>) semaphore(%dma_start3A_450 : memref<!tpu.dma_semaphore, #tpu.memory_space<semaphore_mem>>)
    %dma_wait3A_451 = arith.constant 1 : i32
    %dma_wait3A_452 = arith.constant 1 : i32
    %dma_wait3A_453 = arith.constant 0 : i32
    %dma_wait3A_454 = arith.constant 0 : i32
    %dma_wait3A_455 = tpu.memref_slice %arg6[%dma_wait3A_451, %dma_wait3A_453, %dma_wait3A_454] : memref<5x128x128xf32, #tpu.memory_space<vmem>> -> memref<1x128x128xf32, #tpu.memory_space<vmem>>
    %dma_wait3A_456 = tpu.memref_squeeze %dma_wait3A_455 : memref<1x128x128xf32, #tpu.memory_space<vmem>> -> memref<128x128xf32, #tpu.memory_space<vmem>>
    %dma_wait3A_457 = arith.constant 0 : i32
    %dma_wait3A_458 = arith.constant 0 : i32
    %dma_wait3A_459 = tpu.memref_slice %arg2[%dma_wait3A_457, %dma_wait3A_458] : memref<10000x128xf32, #tpu.memory_space<hbm>> -> memref<128x128xf32, #tpu.memory_space<hbm>>
    %dma_wait3A_460 = tpu.memref_slice %arg7[%dma_wait3A_452] : memref<5x!tpu.dma_semaphore, #tpu.memory_space<semaphore_mem>> -> memref<1x!tpu.dma_semaphore, #tpu.memory_space<semaphore_mem>>
    %dma_wait3A_461 = tpu.memref_squeeze %dma_wait3A_460 : memref<1x!tpu.dma_semaphore, #tpu.memory_space<semaphore_mem>> -> memref<!tpu.dma_semaphore, #tpu.memory_space<semaphore_mem>>
    %dma_wait3A_462 = arith.constant 0 : i32
    %dma_wait3A_463 = arith.constant 0 : i32
    %dma_wait3A_464 = tpu.memref_slice %arg6[%dma_wait3A_451, %dma_wait3A_462, %dma_wait3A_463] : memref<5x128x128xf32, #tpu.memory_space<vmem>> -> memref<1x128x128xf32, #tpu.memory_space<vmem>>
    %dma_wait3A_465 = tpu.memref_squeeze %dma_wait3A_464 : memref<1x128x128xf32, #tpu.memory_space<vmem>> -> memref<128x128xf32, #tpu.memory_space<vmem>>
    %dma_wait3A_466 = arith.constant 0 : i32
    %dma_wait3A_467 = arith.constant 0 : i32
    %dma_wait3A_468 = tpu.memref_slice %arg2[%dma_wait3A_466, %dma_wait3A_467] : memref<10000x128xf32, #tpu.memory_space<hbm>> -> memref<128x128xf32, #tpu.memory_space<hbm>>
    tpu.wait_dma2 semaphore(%dma_wait3A_461 : memref<!tpu.dma_semaphore, #tpu.memory_space<semaphore_mem>>) src(%dma_wait3A_468 : memref<128x128xf32, #tpu.memory_space<hbm>>) dst(%dma_wait3A_465 : memref<128x128xf32, #tpu.memory_space<vmem>>)
    %add3A_469 = arith.constant 36 : i32
    %add3A_470 = arith.addi %add3A_4, %add3A_469 : i32
    %mul3A_471 = arith.constant 128 : i32
    %mul3A_472 = arith.muli %add3A_470, %mul3A_471 : i32
    %dma_start3A_473 = arith.constant 1 : i32
    %dma_start3A_474 = arith.constant 1 : i32
    %dma_start3A_475 = arith.constant 0 : i32
    %dma_start3A_476 = arith.constant 0 : i32
    %dma_start3A_477 = tpu.memref_slice %arg6[%dma_start3A_473, %dma_start3A_475, %dma_start3A_476] : memref<5x128x128xf32, #tpu.memory_space<vmem>> -> memref<1x128x128xf32, #tpu.memory_space<vmem>>
    %dma_start3A_478 = tpu.memref_squeeze %dma_start3A_477 : memref<1x128x128xf32, #tpu.memory_space<vmem>> -> memref<128x128xf32, #tpu.memory_space<vmem>>
    %dma_start3A_479 = arith.constant 0 : i32
    %dma_start3A_480 = tpu.memref_slice %arg4[%mul3A_472, %dma_start3A_479] : memref<160000x128xf32, #tpu.memory_space<hbm>> -> memref<128x128xf32, #tpu.memory_space<hbm>>
    %dma_start3A_481 = tpu.memref_slice %arg8[%dma_start3A_474] : memref<5x!tpu.dma_semaphore, #tpu.memory_space<semaphore_mem>> -> memref<1x!tpu.dma_semaphore, #tpu.memory_space<semaphore_mem>>
    %dma_start3A_482 = tpu.memref_squeeze %dma_start3A_481 : memref<1x!tpu.dma_semaphore, #tpu.memory_space<semaphore_mem>> -> memref<!tpu.dma_semaphore, #tpu.memory_space<semaphore_mem>>
    %dma_start3A_483 = arith.constant 0 : i32
    %dma_start3A_484 = tpu.memref_slice %arg4[%mul3A_472, %dma_start3A_483] : memref<160000x128xf32, #tpu.memory_space<hbm>> -> memref<128x128xf32, #tpu.memory_space<hbm>>
    %dma_start3A_485 = arith.constant 0 : i32
    %dma_start3A_486 = arith.constant 0 : i32
    %dma_start3A_487 = tpu.memref_slice %arg6[%dma_start3A_473, %dma_start3A_485, %dma_start3A_486] : memref<5x128x128xf32, #tpu.memory_space<vmem>> -> memref<1x128x128xf32, #tpu.memory_space<vmem>>
    %dma_start3A_488 = tpu.memref_squeeze %dma_start3A_487 : memref<1x128x128xf32, #tpu.memory_space<vmem>> -> memref<128x128xf32, #tpu.memory_space<vmem>>
    tpu.enqueue_dma source(%dma_start3A_488 : memref<128x128xf32, #tpu.memory_space<vmem>>) target(%dma_start3A_484 : memref<128x128xf32, #tpu.memory_space<hbm>>) target_semaphore(%dma_start3A_482 : memref<!tpu.dma_semaphore, #tpu.memory_space<semaphore_mem>>)
    %add3A_489 = arith.constant 34 : i32
    %add3A_490 = arith.addi %add3A_4, %add3A_489 : i32
    %mul3A_491 = arith.constant 128 : i32
    %mul3A_492 = arith.muli %add3A_490, %mul3A_491 : i32
    %dma_wait3A_493 = arith.constant 4 : i32
    %dma_wait3A_494 = arith.constant 4 : i32
    %dma_wait3A_495 = arith.constant 0 : i32
    %dma_wait3A_496 = arith.constant 0 : i32
    %dma_wait3A_497 = tpu.memref_slice %arg6[%dma_wait3A_493, %dma_wait3A_495, %dma_wait3A_496] : memref<5x128x128xf32, #tpu.memory_space<vmem>> -> memref<1x128x128xf32, #tpu.memory_space<vmem>>
    %dma_wait3A_498 = tpu.memref_squeeze %dma_wait3A_497 : memref<1x128x128xf32, #tpu.memory_space<vmem>> -> memref<128x128xf32, #tpu.memory_space<vmem>>
    %dma_wait3A_499 = arith.constant 0 : i32
    %dma_wait3A_500 = tpu.memref_slice %arg4[%mul3A_492, %dma_wait3A_499] : memref<160000x128xf32, #tpu.memory_space<hbm>> -> memref<128x128xf32, #tpu.memory_space<hbm>>
    %dma_wait3A_501 = tpu.memref_slice %arg8[%dma_wait3A_494] : memref<5x!tpu.dma_semaphore, #tpu.memory_space<semaphore_mem>> -> memref<1x!tpu.dma_semaphore, #tpu.memory_space<semaphore_mem>>
    %dma_wait3A_502 = tpu.memref_squeeze %dma_wait3A_501 : memref<1x!tpu.dma_semaphore, #tpu.memory_space<semaphore_mem>> -> memref<!tpu.dma_semaphore, #tpu.memory_space<semaphore_mem>>
    %dma_wait3A_503 = arith.constant 0 : i32
    %dma_wait3A_504 = tpu.memref_slice %arg4[%mul3A_492, %dma_wait3A_503] : memref<160000x128xf32, #tpu.memory_space<hbm>> -> memref<128x128xf32, #tpu.memory_space<hbm>>
    %dma_wait3A_505 = arith.constant 0 : i32
    %dma_wait3A_506 = arith.constant 0 : i32
    %dma_wait3A_507 = tpu.memref_slice %arg6[%dma_wait3A_493, %dma_wait3A_505, %dma_wait3A_506] : memref<5x128x128xf32, #tpu.memory_space<vmem>> -> memref<1x128x128xf32, #tpu.memory_space<vmem>>
    %dma_wait3A_508 = tpu.memref_squeeze %dma_wait3A_507 : memref<1x128x128xf32, #tpu.memory_space<vmem>> -> memref<128x128xf32, #tpu.memory_space<vmem>>
    tpu.wait_dma2 semaphore(%dma_wait3A_502 : memref<!tpu.dma_semaphore, #tpu.memory_space<semaphore_mem>>) src(%dma_wait3A_508 : memref<128x128xf32, #tpu.memory_space<vmem>>) dst(%dma_wait3A_504 : memref<128x128xf32, #tpu.memory_space<hbm>>)
    %dma_wait3A_509 = arith.constant 2 : i32
    %dma_wait3A_510 = arith.constant 2 : i32
    %dma_wait3A_511 = arith.constant 0 : i32
    %dma_wait3A_512 = arith.constant 0 : i32
    %dma_wait3A_513 = tpu.memref_slice %arg6[%dma_wait3A_509, %dma_wait3A_511, %dma_wait3A_512] : memref<5x128x128xf32, #tpu.memory_space<vmem>> -> memref<1x128x128xf32, #tpu.memory_space<vmem>>
    %dma_wait3A_514 = tpu.memref_squeeze %dma_wait3A_513 : memref<1x128x128xf32, #tpu.memory_space<vmem>> -> memref<128x128xf32, #tpu.memory_space<vmem>>
    %dma_wait3A_515 = arith.constant 0 : i32
    %dma_wait3A_516 = arith.constant 0 : i32
    %dma_wait3A_517 = tpu.memref_slice %arg2[%dma_wait3A_515, %dma_wait3A_516] : memref<10000x128xf32, #tpu.memory_space<hbm>> -> memref<128x128xf32, #tpu.memory_space<hbm>>
    %dma_wait3A_518 = tpu.memref_slice %arg7[%dma_wait3A_510] : memref<5x!tpu.dma_semaphore, #tpu.memory_space<semaphore_mem>> -> memref<1x!tpu.dma_semaphore, #tpu.memory_space<semaphore_mem>>
    %dma_wait3A_519 = tpu.memref_squeeze %dma_wait3A_518 : memref<1x!tpu.dma_semaphore, #tpu.memory_space<semaphore_mem>> -> memref<!tpu.dma_semaphore, #tpu.memory_space<semaphore_mem>>
    %dma_wait3A_520 = arith.constant 0 : i32
    %dma_wait3A_521 = arith.constant 0 : i32
    %dma_wait3A_522 = tpu.memref_slice %arg6[%dma_wait3A_509, %dma_wait3A_520, %dma_wait3A_521] : memref<5x128x128xf32, #tpu.memory_space<vmem>> -> memref<1x128x128xf32, #tpu.memory_space<vmem>>
    %dma_wait3A_523 = tpu.memref_squeeze %dma_wait3A_522 : memref<1x128x128xf32, #tpu.memory_space<vmem>> -> memref<128x128xf32, #tpu.memory_space<vmem>>
    %dma_wait3A_524 = arith.constant 0 : i32
    %dma_wait3A_525 = arith.constant 0 : i32
    %dma_wait3A_526 = tpu.memref_slice %arg2[%dma_wait3A_524, %dma_wait3A_525] : memref<10000x128xf32, #tpu.memory_space<hbm>> -> memref<128x128xf32, #tpu.memory_space<hbm>>
    tpu.wait_dma2 semaphore(%dma_wait3A_519 : memref<!tpu.dma_semaphore, #tpu.memory_space<semaphore_mem>>) src(%dma_wait3A_526 : memref<128x128xf32, #tpu.memory_space<hbm>>) dst(%dma_wait3A_523 : memref<128x128xf32, #tpu.memory_space<vmem>>)
    %add3A_527 = arith.constant 37 : i32
    %add3A_528 = arith.addi %add3A_4, %add3A_527 : i32
    %mul3A_529 = arith.constant 128 : i32
    %mul3A_530 = arith.muli %add3A_528, %mul3A_529 : i32
    %dma_start3A_531 = arith.constant 2 : i32
    %dma_start3A_532 = arith.constant 2 : i32
    %dma_start3A_533 = arith.constant 0 : i32
    %dma_start3A_534 = arith.constant 0 : i32
    %dma_start3A_535 = tpu.memref_slice %arg6[%dma_start3A_531, %dma_start3A_533, %dma_start3A_534] : memref<5x128x128xf32, #tpu.memory_space<vmem>> -> memref<1x128x128xf32, #tpu.memory_space<vmem>>
    %dma_start3A_536 = tpu.memref_squeeze %dma_start3A_535 : memref<1x128x128xf32, #tpu.memory_space<vmem>> -> memref<128x128xf32, #tpu.memory_space<vmem>>
    %dma_start3A_537 = arith.constant 0 : i32
    %dma_start3A_538 = tpu.memref_slice %arg4[%mul3A_530, %dma_start3A_537] : memref<160000x128xf32, #tpu.memory_space<hbm>> -> memref<128x128xf32, #tpu.memory_space<hbm>>
    %dma_start3A_539 = tpu.memref_slice %arg8[%dma_start3A_532] : memref<5x!tpu.dma_semaphore, #tpu.memory_space<semaphore_mem>> -> memref<1x!tpu.dma_semaphore, #tpu.memory_space<semaphore_mem>>
    %dma_start3A_540 = tpu.memref_squeeze %dma_start3A_539 : memref<1x!tpu.dma_semaphore, #tpu.memory_space<semaphore_mem>> -> memref<!tpu.dma_semaphore, #tpu.memory_space<semaphore_mem>>
    %dma_start3A_541 = arith.constant 0 : i32
    %dma_start3A_542 = tpu.memref_slice %arg4[%mul3A_530, %dma_start3A_541] : memref<160000x128xf32, #tpu.memory_space<hbm>> -> memref<128x128xf32, #tpu.memory_space<hbm>>
    %dma_start3A_543 = arith.constant 0 : i32
    %dma_start3A_544 = arith.constant 0 : i32
    %dma_start3A_545 = tpu.memref_slice %arg6[%dma_start3A_531, %dma_start3A_543, %dma_start3A_544] : memref<5x128x128xf32, #tpu.memory_space<vmem>> -> memref<1x128x128xf32, #tpu.memory_space<vmem>>
    %dma_start3A_546 = tpu.memref_squeeze %dma_start3A_545 : memref<1x128x128xf32, #tpu.memory_space<vmem>> -> memref<128x128xf32, #tpu.memory_space<vmem>>
    tpu.enqueue_dma source(%dma_start3A_546 : memref<128x128xf32, #tpu.memory_space<vmem>>) target(%dma_start3A_542 : memref<128x128xf32, #tpu.memory_space<hbm>>) target_semaphore(%dma_start3A_540 : memref<!tpu.dma_semaphore, #tpu.memory_space<semaphore_mem>>)
    %add3A_547 = arith.constant 35 : i32
    %add3A_548 = arith.addi %add3A_4, %add3A_547 : i32
    %mul3A_549 = arith.constant 128 : i32
    %mul3A_550 = arith.muli %add3A_548, %mul3A_549 : i32
    %dma_wait3A_551 = arith.constant 0 : i32
    %dma_wait3A_552 = arith.constant 0 : i32
    %dma_wait3A_553 = arith.constant 0 : i32
    %dma_wait3A_554 = arith.constant 0 : i32
    %dma_wait3A_555 = tpu.memref_slice %arg6[%dma_wait3A_551, %dma_wait3A_553, %dma_wait3A_554] : memref<5x128x128xf32, #tpu.memory_space<vmem>> -> memref<1x128x128xf32, #tpu.memory_space<vmem>>
    %dma_wait3A_556 = tpu.memref_squeeze %dma_wait3A_555 : memref<1x128x128xf32, #tpu.memory_space<vmem>> -> memref<128x128xf32, #tpu.memory_space<vmem>>
    %dma_wait3A_557 = arith.constant 0 : i32
    %dma_wait3A_558 = tpu.memref_slice %arg4[%mul3A_550, %dma_wait3A_557] : memref<160000x128xf32, #tpu.memory_space<hbm>> -> memref<128x128xf32, #tpu.memory_space<hbm>>
    %dma_wait3A_559 = tpu.memref_slice %arg8[%dma_wait3A_552] : memref<5x!tpu.dma_semaphore, #tpu.memory_space<semaphore_mem>> -> memref<1x!tpu.dma_semaphore, #tpu.memory_space<semaphore_mem>>
    %dma_wait3A_560 = tpu.memref_squeeze %dma_wait3A_559 : memref<1x!tpu.dma_semaphore, #tpu.memory_space<semaphore_mem>> -> memref<!tpu.dma_semaphore, #tpu.memory_space<semaphore_mem>>
    %dma_wait3A_561 = arith.constant 0 : i32
    %dma_wait3A_562 = tpu.memref_slice %arg4[%mul3A_550, %dma_wait3A_561] : memref<160000x128xf32, #tpu.memory_space<hbm>> -> memref<128x128xf32, #tpu.memory_space<hbm>>
    %dma_wait3A_563 = arith.constant 0 : i32
    %dma_wait3A_564 = arith.constant 0 : i32
    %dma_wait3A_565 = tpu.memref_slice %arg6[%dma_wait3A_551, %dma_wait3A_563, %dma_wait3A_564] : memref<5x128x128xf32, #tpu.memory_space<vmem>> -> memref<1x128x128xf32, #tpu.memory_space<vmem>>
    %dma_wait3A_566 = tpu.memref_squeeze %dma_wait3A_565 : memref<1x128x128xf32, #tpu.memory_space<vmem>> -> memref<128x128xf32, #tpu.memory_space<vmem>>
    tpu.wait_dma2 semaphore(%dma_wait3A_560 : memref<!tpu.dma_semaphore, #tpu.memory_space<semaphore_mem>>) src(%dma_wait3A_566 : memref<128x128xf32, #tpu.memory_space<vmem>>) dst(%dma_wait3A_562 : memref<128x128xf32, #tpu.memory_space<hbm>>)
    %dma_wait3A_567 = arith.constant 3 : i32
    %dma_wait3A_568 = arith.constant 3 : i32
    %dma_wait3A_569 = arith.constant 0 : i32
    %dma_wait3A_570 = arith.constant 0 : i32
    %dma_wait3A_571 = tpu.memref_slice %arg6[%dma_wait3A_567, %dma_wait3A_569, %dma_wait3A_570] : memref<5x128x128xf32, #tpu.memory_space<vmem>> -> memref<1x128x128xf32, #tpu.memory_space<vmem>>
    %dma_wait3A_572 = tpu.memref_squeeze %dma_wait3A_571 : memref<1x128x128xf32, #tpu.memory_space<vmem>> -> memref<128x128xf32, #tpu.memory_space<vmem>>
    %dma_wait3A_573 = arith.constant 0 : i32
    %dma_wait3A_574 = arith.constant 0 : i32
    %dma_wait3A_575 = tpu.memref_slice %arg2[%dma_wait3A_573, %dma_wait3A_574] : memref<10000x128xf32, #tpu.memory_space<hbm>> -> memref<128x128xf32, #tpu.memory_space<hbm>>
    %dma_wait3A_576 = tpu.memref_slice %arg7[%dma_wait3A_568] : memref<5x!tpu.dma_semaphore, #tpu.memory_space<semaphore_mem>> -> memref<1x!tpu.dma_semaphore, #tpu.memory_space<semaphore_mem>>
    %dma_wait3A_577 = tpu.memref_squeeze %dma_wait3A_576 : memref<1x!tpu.dma_semaphore, #tpu.memory_space<semaphore_mem>> -> memref<!tpu.dma_semaphore, #tpu.memory_space<semaphore_mem>>
    %dma_wait3A_578 = arith.constant 0 : i32
    %dma_wait3A_579 = arith.constant 0 : i32
    %dma_wait3A_580 = tpu.memref_slice %arg6[%dma_wait3A_567, %dma_wait3A_578, %dma_wait3A_579] : memref<5x128x128xf32, #tpu.memory_space<vmem>> -> memref<1x128x128xf32, #tpu.memory_space<vmem>>
    %dma_wait3A_581 = tpu.memref_squeeze %dma_wait3A_580 : memref<1x128x128xf32, #tpu.memory_space<vmem>> -> memref<128x128xf32, #tpu.memory_space<vmem>>
    %dma_wait3A_582 = arith.constant 0 : i32
    %dma_wait3A_583 = arith.constant 0 : i32
    %dma_wait3A_584 = tpu.memref_slice %arg2[%dma_wait3A_582, %dma_wait3A_583] : memref<10000x128xf32, #tpu.memory_space<hbm>> -> memref<128x128xf32, #tpu.memory_space<hbm>>
    tpu.wait_dma2 semaphore(%dma_wait3A_577 : memref<!tpu.dma_semaphore, #tpu.memory_space<semaphore_mem>>) src(%dma_wait3A_584 : memref<128x128xf32, #tpu.memory_space<hbm>>) dst(%dma_wait3A_581 : memref<128x128xf32, #tpu.memory_space<vmem>>)
    %add3A_585 = arith.constant 38 : i32
    %add3A_586 = arith.addi %add3A_4, %add3A_585 : i32
    %mul3A_587 = arith.constant 128 : i32
    %mul3A_588 = arith.muli %add3A_586, %mul3A_587 : i32
    %dma_start3A_589 = arith.constant 3 : i32
    %dma_start3A_590 = arith.constant 3 : i32
    %dma_start3A_591 = arith.constant 0 : i32
    %dma_start3A_592 = arith.constant 0 : i32
    %dma_start3A_593 = tpu.memref_slice %arg6[%dma_start3A_589, %dma_start3A_591, %dma_start3A_592] : memref<5x128x128xf32, #tpu.memory_space<vmem>> -> memref<1x128x128xf32, #tpu.memory_space<vmem>>
    %dma_start3A_594 = tpu.memref_squeeze %dma_start3A_593 : memref<1x128x128xf32, #tpu.memory_space<vmem>> -> memref<128x128xf32, #tpu.memory_space<vmem>>
    %dma_start3A_595 = arith.constant 0 : i32
    %dma_start3A_596 = tpu.memref_slice %arg4[%mul3A_588, %dma_start3A_595] : memref<160000x128xf32, #tpu.memory_space<hbm>> -> memref<128x128xf32, #tpu.memory_space<hbm>>
    %dma_start3A_597 = tpu.memref_slice %arg8[%dma_start3A_590] : memref<5x!tpu.dma_semaphore, #tpu.memory_space<semaphore_mem>> -> memref<1x!tpu.dma_semaphore, #tpu.memory_space<semaphore_mem>>
    %dma_start3A_598 = tpu.memref_squeeze %dma_start3A_597 : memref<1x!tpu.dma_semaphore, #tpu.memory_space<semaphore_mem>> -> memref<!tpu.dma_semaphore, #tpu.memory_space<semaphore_mem>>
    %dma_start3A_599 = arith.constant 0 : i32
    %dma_start3A_600 = tpu.memref_slice %arg4[%mul3A_588, %dma_start3A_599] : memref<160000x128xf32, #tpu.memory_space<hbm>> -> memref<128x128xf32, #tpu.memory_space<hbm>>
    %dma_start3A_601 = arith.constant 0 : i32
    %dma_start3A_602 = arith.constant 0 : i32
    %dma_start3A_603 = tpu.memref_slice %arg6[%dma_start3A_589, %dma_start3A_601, %dma_start3A_602] : memref<5x128x128xf32, #tpu.memory_space<vmem>> -> memref<1x128x128xf32, #tpu.memory_space<vmem>>
    %dma_start3A_604 = tpu.memref_squeeze %dma_start3A_603 : memref<1x128x128xf32, #tpu.memory_space<vmem>> -> memref<128x128xf32, #tpu.memory_space<vmem>>
    tpu.enqueue_dma source(%dma_start3A_604 : memref<128x128xf32, #tpu.memory_space<vmem>>) target(%dma_start3A_600 : memref<128x128xf32, #tpu.memory_space<hbm>>) target_semaphore(%dma_start3A_598 : memref<!tpu.dma_semaphore, #tpu.memory_space<semaphore_mem>>)
    %add3A_605 = arith.constant 36 : i32
    %add3A_606 = arith.addi %add3A_4, %add3A_605 : i32
    %mul3A_607 = arith.constant 128 : i32
    %mul3A_608 = arith.muli %add3A_606, %mul3A_607 : i32
    %dma_wait3A_609 = arith.constant 1 : i32
    %dma_wait3A_610 = arith.constant 1 : i32
    %dma_wait3A_611 = arith.constant 0 : i32
    %dma_wait3A_612 = arith.constant 0 : i32
    %dma_wait3A_613 = tpu.memref_slice %arg6[%dma_wait3A_609, %dma_wait3A_611, %dma_wait3A_612] : memref<5x128x128xf32, #tpu.memory_space<vmem>> -> memref<1x128x128xf32, #tpu.memory_space<vmem>>
    %dma_wait3A_614 = tpu.memref_squeeze %dma_wait3A_613 : memref<1x128x128xf32, #tpu.memory_space<vmem>> -> memref<128x128xf32, #tpu.memory_space<vmem>>
    %dma_wait3A_615 = arith.constant 0 : i32
    %dma_wait3A_616 = tpu.memref_slice %arg4[%mul3A_608, %dma_wait3A_615] : memref<160000x128xf32, #tpu.memory_space<hbm>> -> memref<128x128xf32, #tpu.memory_space<hbm>>
    %dma_wait3A_617 = tpu.memref_slice %arg8[%dma_wait3A_610] : memref<5x!tpu.dma_semaphore, #tpu.memory_space<semaphore_mem>> -> memref<1x!tpu.dma_semaphore, #tpu.memory_space<semaphore_mem>>
    %dma_wait3A_618 = tpu.memref_squeeze %dma_wait3A_617 : memref<1x!tpu.dma_semaphore, #tpu.memory_space<semaphore_mem>> -> memref<!tpu.dma_semaphore, #tpu.memory_space<semaphore_mem>>
    %dma_wait3A_619 = arith.constant 0 : i32
    %dma_wait3A_620 = tpu.memref_slice %arg4[%mul3A_608, %dma_wait3A_619] : memref<160000x128xf32, #tpu.memory_space<hbm>> -> memref<128x128xf32, #tpu.memory_space<hbm>>
    %dma_wait3A_621 = arith.constant 0 : i32
    %dma_wait3A_622 = arith.constant 0 : i32
    %dma_wait3A_623 = tpu.memref_slice %arg6[%dma_wait3A_609, %dma_wait3A_621, %dma_wait3A_622] : memref<5x128x128xf32, #tpu.memory_space<vmem>> -> memref<1x128x128xf32, #tpu.memory_space<vmem>>
    %dma_wait3A_624 = tpu.memref_squeeze %dma_wait3A_623 : memref<1x128x128xf32, #tpu.memory_space<vmem>> -> memref<128x128xf32, #tpu.memory_space<vmem>>
    tpu.wait_dma2 semaphore(%dma_wait3A_618 : memref<!tpu.dma_semaphore, #tpu.memory_space<semaphore_mem>>) src(%dma_wait3A_624 : memref<128x128xf32, #tpu.memory_space<vmem>>) dst(%dma_wait3A_620 : memref<128x128xf32, #tpu.memory_space<hbm>>)
    %add3A_625 = arith.constant 37 : i32
    %add3A_626 = arith.addi %add3A_4, %add3A_625 : i32
    %mul3A_627 = arith.constant 128 : i32
    %mul3A_628 = arith.muli %add3A_626, %mul3A_627 : i32
    %dma_wait3A_629 = arith.constant 2 : i32
    %dma_wait3A_630 = arith.constant 2 : i32
    %dma_wait3A_631 = arith.constant 0 : i32
    %dma_wait3A_632 = arith.constant 0 : i32
    %dma_wait3A_633 = tpu.memref_slice %arg6[%dma_wait3A_629, %dma_wait3A_631, %dma_wait3A_632] : memref<5x128x128xf32, #tpu.memory_space<vmem>> -> memref<1x128x128xf32, #tpu.memory_space<vmem>>
    %dma_wait3A_634 = tpu.memref_squeeze %dma_wait3A_633 : memref<1x128x128xf32, #tpu.memory_space<vmem>> -> memref<128x128xf32, #tpu.memory_space<vmem>>
    %dma_wait3A_635 = arith.constant 0 : i32
    %dma_wait3A_636 = tpu.memref_slice %arg4[%mul3A_628, %dma_wait3A_635] : memref<160000x128xf32, #tpu.memory_space<hbm>> -> memref<128x128xf32, #tpu.memory_space<hbm>>
    %dma_wait3A_637 = tpu.memref_slice %arg8[%dma_wait3A_630] : memref<5x!tpu.dma_semaphore, #tpu.memory_space<semaphore_mem>> -> memref<1x!tpu.dma_semaphore, #tpu.memory_space<semaphore_mem>>
    %dma_wait3A_638 = tpu.memref_squeeze %dma_wait3A_637 : memref<1x!tpu.dma_semaphore, #tpu.memory_space<semaphore_mem>> -> memref<!tpu.dma_semaphore, #tpu.memory_space<semaphore_mem>>
    %dma_wait3A_639 = arith.constant 0 : i32
    %dma_wait3A_640 = tpu.memref_slice %arg4[%mul3A_628, %dma_wait3A_639] : memref<160000x128xf32, #tpu.memory_space<hbm>> -> memref<128x128xf32, #tpu.memory_space<hbm>>
    %dma_wait3A_641 = arith.constant 0 : i32
    %dma_wait3A_642 = arith.constant 0 : i32
    %dma_wait3A_643 = tpu.memref_slice %arg6[%dma_wait3A_629, %dma_wait3A_641, %dma_wait3A_642] : memref<5x128x128xf32, #tpu.memory_space<vmem>> -> memref<1x128x128xf32, #tpu.memory_space<vmem>>
    %dma_wait3A_644 = tpu.memref_squeeze %dma_wait3A_643 : memref<1x128x128xf32, #tpu.memory_space<vmem>> -> memref<128x128xf32, #tpu.memory_space<vmem>>
    tpu.wait_dma2 semaphore(%dma_wait3A_638 : memref<!tpu.dma_semaphore, #tpu.memory_space<semaphore_mem>>) src(%dma_wait3A_644 : memref<128x128xf32, #tpu.memory_space<vmem>>) dst(%dma_wait3A_640 : memref<128x128xf32, #tpu.memory_space<hbm>>)
    %add3A_645 = arith.constant 38 : i32
    %add3A_646 = arith.addi %add3A_4, %add3A_645 : i32
    %mul3A_647 = arith.constant 128 : i32
    %mul3A_648 = arith.muli %add3A_646, %mul3A_647 : i32
    %dma_wait3A_649 = arith.constant 3 : i32
    %dma_wait3A_650 = arith.constant 3 : i32
    %dma_wait3A_651 = arith.constant 0 : i32
    %dma_wait3A_652 = arith.constant 0 : i32
    %dma_wait3A_653 = tpu.memref_slice %arg6[%dma_wait3A_649, %dma_wait3A_651, %dma_wait3A_652] : memref<5x128x128xf32, #tpu.memory_space<vmem>> -> memref<1x128x128xf32, #tpu.memory_space<vmem>>
    %dma_wait3A_654 = tpu.memref_squeeze %dma_wait3A_653 : memref<1x128x128xf32, #tpu.memory_space<vmem>> -> memref<128x128xf32, #tpu.memory_space<vmem>>
    %dma_wait3A_655 = arith.constant 0 : i32
    %dma_wait3A_656 = tpu.memref_slice %arg4[%mul3A_648, %dma_wait3A_655] : memref<160000x128xf32, #tpu.memory_space<hbm>> -> memref<128x128xf32, #tpu.memory_space<hbm>>
    %dma_wait3A_657 = tpu.memref_slice %arg8[%dma_wait3A_650] : memref<5x!tpu.dma_semaphore, #tpu.memory_space<semaphore_mem>> -> memref<1x!tpu.dma_semaphore, #tpu.memory_space<semaphore_mem>>
    %dma_wait3A_658 = tpu.memref_squeeze %dma_wait3A_657 : memref<1x!tpu.dma_semaphore, #tpu.memory_space<semaphore_mem>> -> memref<!tpu.dma_semaphore, #tpu.memory_space<semaphore_mem>>
    %dma_wait3A_659 = arith.constant 0 : i32
    %dma_wait3A_660 = tpu.memref_slice %arg4[%mul3A_648, %dma_wait3A_659] : memref<160000x128xf32, #tpu.memory_space<hbm>> -> memref<128x128xf32, #tpu.memory_space<hbm>>
    %dma_wait3A_661 = arith.constant 0 : i32
    %dma_wait3A_662 = arith.constant 0 : i32
    %dma_wait3A_663 = tpu.memref_slice %arg6[%dma_wait3A_649, %dma_wait3A_661, %dma_wait3A_662] : memref<5x128x128xf32, #tpu.memory_space<vmem>> -> memref<1x128x128xf32, #tpu.memory_space<vmem>>
    %dma_wait3A_664 = tpu.memref_squeeze %dma_wait3A_663 : memref<1x128x128xf32, #tpu.memory_space<vmem>> -> memref<128x128xf32, #tpu.memory_space<vmem>>
    tpu.wait_dma2 semaphore(%dma_wait3A_658 : memref<!tpu.dma_semaphore, #tpu.memory_space<semaphore_mem>>) src(%dma_wait3A_664 : memref<128x128xf32, #tpu.memory_space<vmem>>) dst(%dma_wait3A_660 : memref<128x128xf32, #tpu.memory_space<hbm>>)
    %lt3A = arith.constant 2 : i32
    %lt3A_665 = arith.cmpi slt, %add3A, %lt3A : i32
    %convert_element_type3A = arith.extui %lt3A_665 : i1 to i32
    %cond3A = arith.constant 0 : i32
    %cond3A_666 = arith.cmpi ne, %convert_element_type3A, %cond3A : i32
    scf.if %cond3A_666 {
      %dma_start3A_667 = arith.constant 39 : i32
      %dma_start3A_668 = arith.constant 4 : i32
      %dma_start3A_669 = arith.constant 4 : i32
      %dma_start3A_670 = arith.constant 0 : i32
      %dma_start3A_671 = arith.constant 0 : i32
      %dma_start3A_672 = tpu.memref_slice %arg6[%dma_start3A_668, %dma_start3A_670, %dma_start3A_671] : memref<5x128x128xf32, #tpu.memory_space<vmem>> -> memref<1x128x128xf32, #tpu.memory_space<vmem>>
      %dma_start3A_673 = tpu.memref_squeeze %dma_start3A_672 : memref<1x128x128xf32, #tpu.memory_space<vmem>> -> memref<128x128xf32, #tpu.memory_space<vmem>>
      %dma_start3A_674 = arith.constant 0 : i32
      %dma_start3A_675 = tpu.memref_slice %arg5[%dma_start3A_667, %dma_start3A_674] : memref<40x128xi32, #tpu.memory_space<vmem>> -> memref<1x128xi32, #tpu.memory_space<vmem>>
      %dma_start3A_676 = tpu.memref_squeeze %dma_start3A_675 : memref<1x128xi32, #tpu.memory_space<vmem>> -> memref<128xi32, #tpu.memory_space<vmem>>
      %dma_start3A_677 = arith.constant 0 : i32
      %dma_start3A_678 = arith.constant 0 : i32
      %dma_start3A_679 = tpu.memref_slice %arg2[%dma_start3A_677, %dma_start3A_678] : memref<10000x128xf32, #tpu.memory_space<hbm>> -> memref<10000x128xf32, #tpu.memory_space<hbm>>
      %dma_start3A_680 = tpu.memref_slice %arg7[%dma_start3A_669] : memref<5x!tpu.dma_semaphore, #tpu.memory_space<semaphore_mem>> -> memref<1x!tpu.dma_semaphore, #tpu.memory_space<semaphore_mem>>
      %dma_start3A_681 = tpu.memref_squeeze %dma_start3A_680 : memref<1x!tpu.dma_semaphore, #tpu.memory_space<semaphore_mem>> -> memref<!tpu.dma_semaphore, #tpu.memory_space<semaphore_mem>>
      tpu.enqueue_indirect_dma source(%dma_start3A_679 : memref<10000x128xf32, #tpu.memory_space<hbm>>) target(%dma_start3A_673 : memref<128x128xf32, #tpu.memory_space<vmem>>) offsets(%dma_start3A_676 : memref<128xi32, #tpu.memory_space<vmem>>) semaphore(%dma_start3A_681 : memref<!tpu.dma_semaphore, #tpu.memory_space<semaphore_mem>>)
      %dma_wait3A_682 = arith.constant 4 : i32
      %dma_wait3A_683 = arith.constant 4 : i32
      %dma_wait3A_684 = arith.constant 0 : i32
      %dma_wait3A_685 = arith.constant 0 : i32
      %dma_wait3A_686 = tpu.memref_slice %arg6[%dma_wait3A_682, %dma_wait3A_684, %dma_wait3A_685] : memref<5x128x128xf32, #tpu.memory_space<vmem>> -> memref<1x128x128xf32, #tpu.memory_space<vmem>>
      %dma_wait3A_687 = tpu.memref_squeeze %dma_wait3A_686 : memref<1x128x128xf32, #tpu.memory_space<vmem>> -> memref<128x128xf32, #tpu.memory_space<vmem>>
      %dma_wait3A_688 = arith.constant 0 : i32
      %dma_wait3A_689 = arith.constant 0 : i32
      %dma_wait3A_690 = tpu.memref_slice %arg2[%dma_wait3A_688, %dma_wait3A_689] : memref<10000x128xf32, #tpu.memory_space<hbm>> -> memref<128x128xf32, #tpu.memory_space<hbm>>
      %dma_wait3A_691 = tpu.memref_slice %arg7[%dma_wait3A_683] : memref<5x!tpu.dma_semaphore, #tpu.memory_space<semaphore_mem>> -> memref<1x!tpu.dma_semaphore, #tpu.memory_space<semaphore_mem>>
      %dma_wait3A_692 = tpu.memref_squeeze %dma_wait3A_691 : memref<1x!tpu.dma_semaphore, #tpu.memory_space<semaphore_mem>> -> memref<!tpu.dma_semaphore, #tpu.memory_space<semaphore_mem>>
      %dma_wait3A_693 = arith.constant 0 : i32
      %dma_wait3A_694 = arith.constant 0 : i32
      %dma_wait3A_695 = tpu.memref_slice %arg6[%dma_wait3A_682, %dma_wait3A_693, %dma_wait3A_694] : memref<5x128x128xf32, #tpu.memory_space<vmem>> -> memref<1x128x128xf32, #tpu.memory_space<vmem>>
      %dma_wait3A_696 = tpu.memref_squeeze %dma_wait3A_695 : memref<1x128x128xf32, #tpu.memory_space<vmem>> -> memref<128x128xf32, #tpu.memory_space<vmem>>
      %dma_wait3A_697 = arith.constant 0 : i32
      %dma_wait3A_698 = arith.constant 0 : i32
      %dma_wait3A_699 = tpu.memref_slice %arg2[%dma_wait3A_697, %dma_wait3A_698] : memref<10000x128xf32, #tpu.memory_space<hbm>> -> memref<128x128xf32, #tpu.memory_space<hbm>>
      tpu.wait_dma2 semaphore(%dma_wait3A_692 : memref<!tpu.dma_semaphore, #tpu.memory_space<semaphore_mem>>) src(%dma_wait3A_699 : memref<128x128xf32, #tpu.memory_space<hbm>>) dst(%dma_wait3A_696 : memref<128x128xf32, #tpu.memory_space<vmem>>)
      %add3A_700 = arith.constant 39 : i32
      %add3A_701 = arith.addi %add3A_4, %add3A_700 : i32
      %mul3A_702 = arith.constant 128 : i32
      %mul3A_703 = arith.muli %add3A_701, %mul3A_702 : i32
      %dma_start3A_704 = arith.constant 4 : i32
      %dma_start3A_705 = arith.constant 4 : i32
      %dma_start3A_706 = arith.constant 0 : i32
      %dma_start3A_707 = arith.constant 0 : i32
      %dma_start3A_708 = tpu.memref_slice %arg6[%dma_start3A_704, %dma_start3A_706, %dma_start3A_707] : memref<5x128x128xf32, #tpu.memory_space<vmem>> -> memref<1x128x128xf32, #tpu.memory_space<vmem>>
      %dma_start3A_709 = tpu.memref_squeeze %dma_start3A_708 : memref<1x128x128xf32, #tpu.memory_space<vmem>> -> memref<128x128xf32, #tpu.memory_space<vmem>>
      %dma_start3A_710 = arith.constant 0 : i32
      %dma_start3A_711 = tpu.memref_slice %arg4[%mul3A_703, %dma_start3A_710] : memref<160000x128xf32, #tpu.memory_space<hbm>> -> memref<128x128xf32, #tpu.memory_space<hbm>>
      %dma_start3A_712 = tpu.memref_slice %arg8[%dma_start3A_705] : memref<5x!tpu.dma_semaphore, #tpu.memory_space<semaphore_mem>> -> memref<1x!tpu.dma_semaphore, #tpu.memory_space<semaphore_mem>>
      %dma_start3A_713 = tpu.memref_squeeze %dma_start3A_712 : memref<1x!tpu.dma_semaphore, #tpu.memory_space<semaphore_mem>> -> memref<!tpu.dma_semaphore, #tpu.memory_space<semaphore_mem>>
      %dma_start3A_714 = arith.constant 0 : i32
      %dma_start3A_715 = tpu.memref_slice %arg4[%mul3A_703, %dma_start3A_714] : memref<160000x128xf32, #tpu.memory_space<hbm>> -> memref<128x128xf32, #tpu.memory_space<hbm>>
      %dma_start3A_716 = arith.constant 0 : i32
      %dma_start3A_717 = arith.constant 0 : i32
      %dma_start3A_718 = tpu.memref_slice %arg6[%dma_start3A_704, %dma_start3A_716, %dma_start3A_717] : memref<5x128x128xf32, #tpu.memory_space<vmem>> -> memref<1x128x128xf32, #tpu.memory_space<vmem>>
      %dma_start3A_719 = tpu.memref_squeeze %dma_start3A_718 : memref<1x128x128xf32, #tpu.memory_space<vmem>> -> memref<128x128xf32, #tpu.memory_space<vmem>>
      tpu.enqueue_dma source(%dma_start3A_719 : memref<128x128xf32, #tpu.memory_space<vmem>>) target(%dma_start3A_715 : memref<128x128xf32, #tpu.memory_space<hbm>>) target_semaphore(%dma_start3A_713 : memref<!tpu.dma_semaphore, #tpu.memory_space<semaphore_mem>>)
      %add3A_720 = arith.constant 39 : i32
      %add3A_721 = arith.addi %add3A_4, %add3A_720 : i32
      %mul3A_722 = arith.constant 128 : i32
      %mul3A_723 = arith.muli %add3A_721, %mul3A_722 : i32
      %dma_wait3A_724 = arith.constant 4 : i32
      %dma_wait3A_725 = arith.constant 4 : i32
      %dma_wait3A_726 = arith.constant 0 : i32
      %dma_wait3A_727 = arith.constant 0 : i32
      %dma_wait3A_728 = tpu.memref_slice %arg6[%dma_wait3A_724, %dma_wait3A_726, %dma_wait3A_727] : memref<5x128x128xf32, #tpu.memory_space<vmem>> -> memref<1x128x128xf32, #tpu.memory_space<vmem>>
      %dma_wait3A_729 = tpu.memref_squeeze %dma_wait3A_728 : memref<1x128x128xf32, #tpu.memory_space<vmem>> -> memref<128x128xf32, #tpu.memory_space<vmem>>
      %dma_wait3A_730 = arith.constant 0 : i32
      %dma_wait3A_731 = tpu.memref_slice %arg4[%mul3A_723, %dma_wait3A_730] : memref<160000x128xf32, #tpu.memory_space<hbm>> -> memref<128x128xf32, #tpu.memory_space<hbm>>
      %dma_wait3A_732 = tpu.memref_slice %arg8[%dma_wait3A_725] : memref<5x!tpu.dma_semaphore, #tpu.memory_space<semaphore_mem>> -> memref<1x!tpu.dma_semaphore, #tpu.memory_space<semaphore_mem>>
      %dma_wait3A_733 = tpu.memref_squeeze %dma_wait3A_732 : memref<1x!tpu.dma_semaphore, #tpu.memory_space<semaphore_mem>> -> memref<!tpu.dma_semaphore, #tpu.memory_space<semaphore_mem>>
      %dma_wait3A_734 = arith.constant 0 : i32
      %dma_wait3A_735 = tpu.memref_slice %arg4[%mul3A_723, %dma_wait3A_734] : memref<160000x128xf32, #tpu.memory_space<hbm>> -> memref<128x128xf32, #tpu.memory_space<hbm>>
      %dma_wait3A_736 = arith.constant 0 : i32
      %dma_wait3A_737 = arith.constant 0 : i32
      %dma_wait3A_738 = tpu.memref_slice %arg6[%dma_wait3A_724, %dma_wait3A_736, %dma_wait3A_737] : memref<5x128x128xf32, #tpu.memory_space<vmem>> -> memref<1x128x128xf32, #tpu.memory_space<vmem>>
      %dma_wait3A_739 = tpu.memref_squeeze %dma_wait3A_738 : memref<1x128x128xf32, #tpu.memory_space<vmem>> -> memref<128x128xf32, #tpu.memory_space<vmem>>
      tpu.wait_dma2 semaphore(%dma_wait3A_733 : memref<!tpu.dma_semaphore, #tpu.memory_space<semaphore_mem>>) src(%dma_wait3A_739 : memref<128x128xf32, #tpu.memory_space<vmem>>) dst(%dma_wait3A_735 : memref<128x128xf32, #tpu.memory_space<hbm>>)
    } else {
    }
    return
  }
}

#map = affine_map<(d0, d1) -> (0, 0)>
#map1 = affine_map<(d0, d1) -> (0, 0, 0)>
module attributes {stable_mosaic.version = 14 : i64} {
  func.func @_gather_body(%arg0: i32, %arg1: i32, %arg2: memref<10000x128xf32, #tpu.memory_space<hbm>>, %arg3: memref<32x40x128xi32, #tpu.memory_space<hbm>>, %arg4: memref<160000x128xf32, #tpu.memory_space<hbm>>, %arg5: memref<40x128xi32, #tpu.memory_space<vmem>>, %arg6: memref<5x128x128xf32, #tpu.memory_space<vmem>>, %arg7: memref<5x!tpu.dma_semaphore, #tpu.memory_space<semaphore_mem>>, %arg8: memref<5x!tpu.dma_semaphore, #tpu.memory_space<semaphore_mem>>) attributes {dimension_semantics = [#tpu.dimension_semantics<core_parallel>, #tpu.dimension_semantics<subcore_parallel>], iteration_bounds = array<i64: 2, 16>, scalar_prefetch = 0 : i64, scratch_operands = 4 : i64, tpu.core_type = #tpu.core_type<sc_vector_subcore>, window_params = [{transform_indices = #map}, {transform_indices = #map1}, {transform_indices = #map}]} {
    %mul3A = arith.constant 2 : i32
    %mul3A_0 = arith.muli %arg1, %mul3A : i32
    %add3A = arith.addi %mul3A_0, %arg0 : i32
    %mul3A_1 = arith.constant 39 : i32
    %mul3A_2 = arith.muli %add3A, %mul3A_1 : i32
    %min3A = arith.constant 2 : i32
    %min3A_3 = arith.minsi %add3A, %min3A : i32
    %add3A_4 = arith.addi %mul3A_2, %min3A_3 : i32
    "tpu.region"() ({
      %run_scoped3A = tpu.sem_alloc : memref<!tpu.dma_semaphore, #tpu.memory_space<semaphore_mem>>
      %dma_start3A_667 = arith.constant 0 : i32
      %dma_start3A_668 = arith.constant 0 : i32
      %dma_start3A_669 = tpu.memref_slice %arg3[%add3A, %dma_start3A_667, %dma_start3A_668] : memref<32x40x128xi32, #tpu.memory_space<hbm>> -> memref<1x40x128xi32, #tpu.memory_space<hbm>>
      %dma_start3A_670 = tpu.memref_squeeze %dma_start3A_669 : memref<1x40x128xi32, #tpu.memory_space<hbm>> -> memref<40x128xi32, #tpu.memory_space<hbm>>
      %dma_start3A_671 = arith.constant 0 : i32
      %dma_start3A_672 = arith.constant 0 : i32
      %dma_start3A_673 = tpu.memref_slice %arg3[%add3A, %dma_start3A_671, %dma_start3A_672] : memref<32x40x128xi32, #tpu.memory_space<hbm>> -> memref<1x40x128xi32, #tpu.memory_space<hbm>>
      %dma_start3A_674 = tpu.memref_squeeze %dma_start3A_673 : memref<1x40x128xi32, #tpu.memory_space<hbm>> -> memref<40x128xi32, #tpu.memory_space<hbm>>
      tpu.enqueue_dma source(%dma_start3A_674 : memref<40x128xi32, #tpu.memory_space<hbm>>) target(%arg5 : memref<40x128xi32, #tpu.memory_space<vmem>>) target_semaphore(%run_scoped3A : memref<!tpu.dma_semaphore, #tpu.memory_space<semaphore_mem>>)
      %dma_wait3A_675 = arith.constant 0 : i32
      %dma_wait3A_676 = arith.constant 0 : i32
      %dma_wait3A_677 = tpu.memref_slice %arg3[%add3A, %dma_wait3A_675, %dma_wait3A_676] : memref<32x40x128xi32, #tpu.memory_space<hbm>> -> memref<1x40x128xi32, #tpu.memory_space<hbm>>
      %dma_wait3A_678 = tpu.memref_squeeze %dma_wait3A_677 : memref<1x40x128xi32, #tpu.memory_space<hbm>> -> memref<40x128xi32, #tpu.memory_space<hbm>>
      %dma_wait3A_679 = arith.constant 0 : i32
      %dma_wait3A_680 = arith.constant 0 : i32
      %dma_wait3A_681 = tpu.memref_slice %arg3[%add3A, %dma_wait3A_679, %dma_wait3A_680] : memref<32x40x128xi32, #tpu.memory_space<hbm>> -> memref<1x40x128xi32, #tpu.memory_space<hbm>>
      %dma_wait3A_682 = tpu.memref_squeeze %dma_wait3A_681 : memref<1x40x128xi32, #tpu.memory_space<hbm>> -> memref<40x128xi32, #tpu.memory_space<hbm>>
      tpu.wait_dma2 semaphore(%run_scoped3A : memref<!tpu.dma_semaphore, #tpu.memory_space<semaphore_mem>>) src(%dma_wait3A_682 : memref<40x128xi32, #tpu.memory_space<hbm>>) dst(%arg5 : memref<40x128xi32, #tpu.memory_space<vmem>>)
      tpu.yield
    }) : () -> ()
    %dma_start3A = arith.constant 0 : i32
    %dma_start3A_5 = arith.constant 0 : i32
    %dma_start3A_6 = arith.constant 0 : i32
    %dma_start3A_7 = arith.constant 0 : i32
    %dma_start3A_8 = arith.constant 0 : i32
    %dma_start3A_9 = tpu.memref_slice %arg6[%dma_start3A_5, %dma_start3A_7, %dma_start3A_8] : memref<5x128x128xf32, #tpu.memory_space<vmem>> -> memref<1x128x128xf32, #tpu.memory_space<vmem>>
    %dma_start3A_10 = tpu.memref_squeeze %dma_start3A_9 : memref<1x128x128xf32, #tpu.memory_space<vmem>> -> memref<128x128xf32, #tpu.memory_space<vmem>>
    %dma_start3A_11 = arith.constant 0 : i32
    %dma_start3A_12 = tpu.memref_slice %arg5[%dma_start3A, %dma_start3A_11] : memref<40x128xi32, #tpu.memory_space<vmem>> -> memref<1x128xi32, #tpu.memory_space<vmem>>
    %dma_start3A_13 = tpu.memref_squeeze %dma_start3A_12 : memref<1x128xi32, #tpu.memory_space<vmem>> -> memref<128xi32, #tpu.memory_space<vmem>>
    %dma_start3A_14 = arith.constant 0 : i32
    %dma_start3A_15 = arith.constant 0 : i32
    %dma_start3A_16 = tpu.memref_slice %arg2[%dma_start3A_14, %dma_start3A_15] : memref<10000x128xf32, #tpu.memory_space<hbm>> -> memref<10000x128xf32, #tpu.memory_space<hbm>>
    %dma_start3A_17 = tpu.memref_slice %arg7[%dma_start3A_6] : memref<5x!tpu.dma_semaphore, #tpu.memory_space<semaphore_mem>> -> memref<1x!tpu.dma_semaphore, #tpu.memory_space<semaphore_mem>>
    %dma_start3A_18 = tpu.memref_squeeze %dma_start3A_17 : memref<1x!tpu.dma_semaphore, #tpu.memory_space<semaphore_mem>> -> memref<!tpu.dma_semaphore, #tpu.memory_space<semaphore_mem>>
    tpu.enqueue_indirect_dma source(%dma_start3A_16 : memref<10000x128xf32, #tpu.memory_space<hbm>>) target(%dma_start3A_10 : memref<128x128xf32, #tpu.memory_space<vmem>>) offsets(%dma_start3A_13 : memref<128xi32, #tpu.memory_space<vmem>>) semaphore(%dma_start3A_18 : memref<!tpu.dma_semaphore, #tpu.memory_space<semaphore_mem>>)
    %dma_start3A_19 = arith.constant 1 : i32
    %dma_start3A_20 = arith.constant 1 : i32
    %dma_start3A_21 = arith.constant 1 : i32
    %dma_start3A_22 = arith.constant 0 : i32
    %dma_start3A_23 = arith.constant 0 : i32
    %dma_start3A_24 = tpu.memref_slice %arg6[%dma_start3A_20, %dma_start3A_22, %dma_start3A_23] : memref<5x128x128xf32, #tpu.memory_space<vmem>> -> memref<1x128x128xf32, #tpu.memory_space<vmem>>
    %dma_start3A_25 = tpu.memref_squeeze %dma_start3A_24 : memref<1x128x128xf32, #tpu.memory_space<vmem>> -> memref<128x128xf32, #tpu.memory_space<vmem>>
    %dma_start3A_26 = arith.constant 0 : i32
    %dma_start3A_27 = tpu.memref_slice %arg5[%dma_start3A_19, %dma_start3A_26] : memref<40x128xi32, #tpu.memory_space<vmem>> -> memref<1x128xi32, #tpu.memory_space<vmem>>
    %dma_start3A_28 = tpu.memref_squeeze %dma_start3A_27 : memref<1x128xi32, #tpu.memory_space<vmem>> -> memref<128xi32, #tpu.memory_space<vmem>>
    %dma_start3A_29 = arith.constant 0 : i32
    %dma_start3A_30 = arith.constant 0 : i32
    %dma_start3A_31 = tpu.memref_slice %arg2[%dma_start3A_29, %dma_start3A_30] : memref<10000x128xf32, #tpu.memory_space<hbm>> -> memref<10000x128xf32, #tpu.memory_space<hbm>>
    %dma_start3A_32 = tpu.memref_slice %arg7[%dma_start3A_21] : memref<5x!tpu.dma_semaphore, #tpu.memory_space<semaphore_mem>> -> memref<1x!tpu.dma_semaphore, #tpu.memory_space<semaphore_mem>>
    %dma_start3A_33 = tpu.memref_squeeze %dma_start3A_32 : memref<1x!tpu.dma_semaphore, #tpu.memory_space<semaphore_mem>> -> memref<!tpu.dma_semaphore, #tpu.memory_space<semaphore_mem>>
    tpu.enqueue_indirect_dma source(%dma_start3A_31 : memref<10000x128xf32, #tpu.memory_space<hbm>>) target(%dma_start3A_25 : memref<128x128xf32, #tpu.memory_space<vmem>>) offsets(%dma_start3A_28 : memref<128xi32, #tpu.memory_space<vmem>>) semaphore(%dma_start3A_33 : memref<!tpu.dma_semaphore, #tpu.memory_space<semaphore_mem>>)
    %dma_start3A_34 = arith.constant 2 : i32
    %dma_start3A_35 = arith.constant 2 : i32
    %dma_start3A_36 = arith.constant 2 : i32
    %dma_start3A_37 = arith.constant 0 : i32
    %dma_start3A_38 = arith.constant 0 : i32
    %dma_start3A_39 = tpu.memref_slice %arg6[%dma_start3A_35, %dma_start3A_37, %dma_start3A_38] : memref<5x128x128xf32, #tpu.memory_space<vmem>> -> memref<1x128x128xf32, #tpu.memory_space<vmem>>
    %dma_start3A_40 = tpu.memref_squeeze %dma_start3A_39 : memref<1x128x128xf32, #tpu.memory_space<vmem>> -> memref<128x128xf32, #tpu.memory_space<vmem>>
    %dma_start3A_41 = arith.constant 0 : i32
    %dma_start3A_42 = tpu.memref_slice %arg5[%dma_start3A_34, %dma_start3A_41] : memref<40x128xi32, #tpu.memory_space<vmem>> -> memref<1x128xi32, #tpu.memory_space<vmem>>
    %dma_start3A_43 = tpu.memref_squeeze %dma_start3A_42 : memref<1x128xi32, #tpu.memory_space<vmem>> -> memref<128xi32, #tpu.memory_space<vmem>>
    %dma_start3A_44 = arith.constant 0 : i32
    %dma_start3A_45 = arith.constant 0 : i32
    %dma_start3A_46 = tpu.memref_slice %arg2[%dma_start3A_44, %dma_start3A_45] : memref<10000x128xf32, #tpu.memory_space<hbm>> -> memref<10000x128xf32, #tpu.memory_space<hbm>>
    %dma_start3A_47 = tpu.memref_slice %arg7[%dma_start3A_36] : memref<5x!tpu.dma_semaphore, #tpu.memory_space<semaphore_mem>> -> memref<1x!tpu.dma_semaphore, #tpu.memory_space<semaphore_mem>>
    %dma_start3A_48 = tpu.memref_squeeze %dma_start3A_47 : memref<1x!tpu.dma_semaphore, #tpu.memory_space<semaphore_mem>> -> memref<!tpu.dma_semaphore, #tpu.memory_space<semaphore_mem>>
    tpu.enqueue_indirect_dma source(%dma_start3A_46 : memref<10000x128xf32, #tpu.memory_space<hbm>>) target(%dma_start3A_40 : memref<128x128xf32, #tpu.memory_space<vmem>>) offsets(%dma_start3A_43 : memref<128xi32, #tpu.memory_space<vmem>>) semaphore(%dma_start3A_48 : memref<!tpu.dma_semaphore, #tpu.memory_space<semaphore_mem>>)
    %dma_wait3A = arith.constant 0 : i32
    %dma_wait3A_49 = arith.constant 0 : i32
    %dma_wait3A_50 = arith.constant 0 : i32
    %dma_wait3A_51 = arith.constant 0 : i32
    %dma_wait3A_52 = tpu.memref_slice %arg6[%dma_wait3A, %dma_wait3A_50, %dma_wait3A_51] : memref<5x128x128xf32, #tpu.memory_space<vmem>> -> memref<1x128x128xf32, #tpu.memory_space<vmem>>
    %dma_wait3A_53 = tpu.memref_squeeze %dma_wait3A_52 : memref<1x128x128xf32, #tpu.memory_space<vmem>> -> memref<128x128xf32, #tpu.memory_space<vmem>>
    %dma_wait3A_54 = arith.constant 0 : i32
    %dma_wait3A_55 = arith.constant 0 : i32
    %dma_wait3A_56 = tpu.memref_slice %arg2[%dma_wait3A_54, %dma_wait3A_55] : memref<10000x128xf32, #tpu.memory_space<hbm>> -> memref<128x128xf32, #tpu.memory_space<hbm>>
    %dma_wait3A_57 = tpu.memref_slice %arg7[%dma_wait3A_49] : memref<5x!tpu.dma_semaphore, #tpu.memory_space<semaphore_mem>> -> memref<1x!tpu.dma_semaphore, #tpu.memory_space<semaphore_mem>>
    %dma_wait3A_58 = tpu.memref_squeeze %dma_wait3A_57 : memref<1x!tpu.dma_semaphore, #tpu.memory_space<semaphore_mem>> -> memref<!tpu.dma_semaphore, #tpu.memory_space<semaphore_mem>>
    %dma_wait3A_59 = arith.constant 0 : i32
    %dma_wait3A_60 = arith.constant 0 : i32
    %dma_wait3A_61 = tpu.memref_slice %arg6[%dma_wait3A, %dma_wait3A_59, %dma_wait3A_60] : memref<5x128x128xf32, #tpu.memory_space<vmem>> -> memref<1x128x128xf32, #tpu.memory_space<vmem>>
    %dma_wait3A_62 = tpu.memref_squeeze %dma_wait3A_61 : memref<1x128x128xf32, #tpu.memory_space<vmem>> -> memref<128x128xf32, #tpu.memory_space<vmem>>
    %dma_wait3A_63 = arith.constant 0 : i32
    %dma_wait3A_64 = arith.constant 0 : i32
    %dma_wait3A_65 = tpu.memref_slice %arg2[%dma_wait3A_63, %dma_wait3A_64] : memref<10000x128xf32, #tpu.memory_space<hbm>> -> memref<128x128xf32, #tpu.memory_space<hbm>>
    tpu.wait_dma2 semaphore(%dma_wait3A_58 : memref<!tpu.dma_semaphore, #tpu.memory_space<semaphore_mem>>) src(%dma_wait3A_65 : memref<128x128xf32, #tpu.memory_space<hbm>>) dst(%dma_wait3A_62 : memref<128x128xf32, #tpu.memory_space<vmem>>)
    %add3A_66 = arith.constant 0 : i32
    %add3A_67 = arith.addi %add3A_4, %add3A_66 : i32
    %mul3A_68 = arith.constant 128 : i32
    %mul3A_69 = arith.muli %add3A_67, %mul3A_68 : i32
    %dma_start3A_70 = arith.constant 0 : i32
    %dma_start3A_71 = arith.constant 0 : i32
    %dma_start3A_72 = arith.constant 0 : i32
    %dma_start3A_73 = arith.constant 0 : i32
    %dma_start3A_74 = tpu.memref_slice %arg6[%dma_start3A_70, %dma_start3A_72, %dma_start3A_73] : memref<5x128x128xf32, #tpu.memory_space<vmem>> -> memref<1x128x128xf32, #tpu.memory_space<vmem>>
    %dma_start3A_75 = tpu.memref_squeeze %dma_start3A_74 : memref<1x128x128xf32, #tpu.memory_space<vmem>> -> memref<128x128xf32, #tpu.memory_space<vmem>>
    %dma_start3A_76 = arith.constant 0 : i32
    %dma_start3A_77 = tpu.memref_slice %arg4[%mul3A_69, %dma_start3A_76] : memref<160000x128xf32, #tpu.memory_space<hbm>> -> memref<128x128xf32, #tpu.memory_space<hbm>>
    %dma_start3A_78 = tpu.memref_slice %arg8[%dma_start3A_71] : memref<5x!tpu.dma_semaphore, #tpu.memory_space<semaphore_mem>> -> memref<1x!tpu.dma_semaphore, #tpu.memory_space<semaphore_mem>>
    %dma_start3A_79 = tpu.memref_squeeze %dma_start3A_78 : memref<1x!tpu.dma_semaphore, #tpu.memory_space<semaphore_mem>> -> memref<!tpu.dma_semaphore, #tpu.memory_space<semaphore_mem>>
    %dma_start3A_80 = arith.constant 0 : i32
    %dma_start3A_81 = tpu.memref_slice %arg4[%mul3A_69, %dma_start3A_80] : memref<160000x128xf32, #tpu.memory_space<hbm>> -> memref<128x128xf32, #tpu.memory_space<hbm>>
    %dma_start3A_82 = arith.constant 0 : i32
    %dma_start3A_83 = arith.constant 0 : i32
    %dma_start3A_84 = tpu.memref_slice %arg6[%dma_start3A_70, %dma_start3A_82, %dma_start3A_83] : memref<5x128x128xf32, #tpu.memory_space<vmem>> -> memref<1x128x128xf32, #tpu.memory_space<vmem>>
    %dma_start3A_85 = tpu.memref_squeeze %dma_start3A_84 : memref<1x128x128xf32, #tpu.memory_space<vmem>> -> memref<128x128xf32, #tpu.memory_space<vmem>>
    tpu.enqueue_dma source(%dma_start3A_85 : memref<128x128xf32, #tpu.memory_space<vmem>>) target(%dma_start3A_81 : memref<128x128xf32, #tpu.memory_space<hbm>>) target_semaphore(%dma_start3A_79 : memref<!tpu.dma_semaphore, #tpu.memory_space<semaphore_mem>>)
    %dma_start3A_86 = arith.constant 3 : i32
    %dma_start3A_87 = arith.constant 3 : i32
    %dma_start3A_88 = arith.constant 3 : i32
    %dma_start3A_89 = arith.constant 0 : i32
    %dma_start3A_90 = arith.constant 0 : i32
    %dma_start3A_91 = tpu.memref_slice %arg6[%dma_start3A_87, %dma_start3A_89, %dma_start3A_90] : memref<5x128x128xf32, #tpu.memory_space<vmem>> -> memref<1x128x128xf32, #tpu.memory_space<vmem>>
    %dma_start3A_92 = tpu.memref_squeeze %dma_start3A_91 : memref<1x128x128xf32, #tpu.memory_space<vmem>> -> memref<128x128xf32, #tpu.memory_space<vmem>>
    %dma_start3A_93 = arith.constant 0 : i32
    %dma_start3A_94 = tpu.memref_slice %arg5[%dma_start3A_86, %dma_start3A_93] : memref<40x128xi32, #tpu.memory_space<vmem>> -> memref<1x128xi32, #tpu.memory_space<vmem>>
    %dma_start3A_95 = tpu.memref_squeeze %dma_start3A_94 : memref<1x128xi32, #tpu.memory_space<vmem>> -> memref<128xi32, #tpu.memory_space<vmem>>
    %dma_start3A_96 = arith.constant 0 : i32
    %dma_start3A_97 = arith.constant 0 : i32
    %dma_start3A_98 = tpu.memref_slice %arg2[%dma_start3A_96, %dma_start3A_97] : memref<10000x128xf32, #tpu.memory_space<hbm>> -> memref<10000x128xf32, #tpu.memory_space<hbm>>
    %dma_start3A_99 = tpu.memref_slice %arg7[%dma_start3A_88] : memref<5x!tpu.dma_semaphore, #tpu.memory_space<semaphore_mem>> -> memref<1x!tpu.dma_semaphore, #tpu.memory_space<semaphore_mem>>
    %dma_start3A_100 = tpu.memref_squeeze %dma_start3A_99 : memref<1x!tpu.dma_semaphore, #tpu.memory_space<semaphore_mem>> -> memref<!tpu.dma_semaphore, #tpu.memory_space<semaphore_mem>>
    tpu.enqueue_indirect_dma source(%dma_start3A_98 : memref<10000x128xf32, #tpu.memory_space<hbm>>) target(%dma_start3A_92 : memref<128x128xf32, #tpu.memory_space<vmem>>) offsets(%dma_start3A_95 : memref<128xi32, #tpu.memory_space<vmem>>) semaphore(%dma_start3A_100 : memref<!tpu.dma_semaphore, #tpu.memory_space<semaphore_mem>>)
    %dma_wait3A_101 = arith.constant 1 : i32
    %dma_wait3A_102 = arith.constant 1 : i32
    %dma_wait3A_103 = arith.constant 0 : i32
    %dma_wait3A_104 = arith.constant 0 : i32
    %dma_wait3A_105 = tpu.memref_slice %arg6[%dma_wait3A_101, %dma_wait3A_103, %dma_wait3A_104] : memref<5x128x128xf32, #tpu.memory_space<vmem>> -> memref<1x128x128xf32, #tpu.memory_space<vmem>>
    %dma_wait3A_106 = tpu.memref_squeeze %dma_wait3A_105 : memref<1x128x128xf32, #tpu.memory_space<vmem>> -> memref<128x128xf32, #tpu.memory_space<vmem>>
    %dma_wait3A_107 = arith.constant 0 : i32
    %dma_wait3A_108 = arith.constant 0 : i32
    %dma_wait3A_109 = tpu.memref_slice %arg2[%dma_wait3A_107, %dma_wait3A_108] : memref<10000x128xf32, #tpu.memory_space<hbm>> -> memref<128x128xf32, #tpu.memory_space<hbm>>
    %dma_wait3A_110 = tpu.memref_slice %arg7[%dma_wait3A_102] : memref<5x!tpu.dma_semaphore, #tpu.memory_space<semaphore_mem>> -> memref<1x!tpu.dma_semaphore, #tpu.memory_space<semaphore_mem>>
    %dma_wait3A_111 = tpu.memref_squeeze %dma_wait3A_110 : memref<1x!tpu.dma_semaphore, #tpu.memory_space<semaphore_mem>> -> memref<!tpu.dma_semaphore, #tpu.memory_space<semaphore_mem>>
    %dma_wait3A_112 = arith.constant 0 : i32
    %dma_wait3A_113 = arith.constant 0 : i32
    %dma_wait3A_114 = tpu.memref_slice %arg6[%dma_wait3A_101, %dma_wait3A_112, %dma_wait3A_113] : memref<5x128x128xf32, #tpu.memory_space<vmem>> -> memref<1x128x128xf32, #tpu.memory_space<vmem>>
    %dma_wait3A_115 = tpu.memref_squeeze %dma_wait3A_114 : memref<1x128x128xf32, #tpu.memory_space<vmem>> -> memref<128x128xf32, #tpu.memory_space<vmem>>
    %dma_wait3A_116 = arith.constant 0 : i32
    %dma_wait3A_117 = arith.constant 0 : i32
    %dma_wait3A_118 = tpu.memref_slice %arg2[%dma_wait3A_116, %dma_wait3A_117] : memref<10000x128xf32, #tpu.memory_space<hbm>> -> memref<128x128xf32, #tpu.memory_space<hbm>>
    tpu.wait_dma2 semaphore(%dma_wait3A_111 : memref<!tpu.dma_semaphore, #tpu.memory_space<semaphore_mem>>) src(%dma_wait3A_118 : memref<128x128xf32, #tpu.memory_space<hbm>>) dst(%dma_wait3A_115 : memref<128x128xf32, #tpu.memory_space<vmem>>)
    %add3A_119 = arith.constant 1 : i32
    %add3A_120 = arith.addi %add3A_4, %add3A_119 : i32
    %mul3A_121 = arith.constant 128 : i32
    %mul3A_122 = arith.muli %add3A_120, %mul3A_121 : i32
    %dma_start3A_123 = arith.constant 1 : i32
    %dma_start3A_124 = arith.constant 1 : i32
    %dma_start3A_125 = arith.constant 0 : i32
    %dma_start3A_126 = arith.constant 0 : i32
    %dma_start3A_127 = tpu.memref_slice %arg6[%dma_start3A_123, %dma_start3A_125, %dma_start3A_126] : memref<5x128x128xf32, #tpu.memory_space<vmem>> -> memref<1x128x128xf32, #tpu.memory_space<vmem>>
    %dma_start3A_128 = tpu.memref_squeeze %dma_start3A_127 : memref<1x128x128xf32, #tpu.memory_space<vmem>> -> memref<128x128xf32, #tpu.memory_space<vmem>>
    %dma_start3A_129 = arith.constant 0 : i32
    %dma_start3A_130 = tpu.memref_slice %arg4[%mul3A_122, %dma_start3A_129] : memref<160000x128xf32, #tpu.memory_space<hbm>> -> memref<128x128xf32, #tpu.memory_space<hbm>>
    %dma_start3A_131 = tpu.memref_slice %arg8[%dma_start3A_124] : memref<5x!tpu.dma_semaphore, #tpu.memory_space<semaphore_mem>> -> memref<1x!tpu.dma_semaphore, #tpu.memory_space<semaphore_mem>>
    %dma_start3A_132 = tpu.memref_squeeze %dma_start3A_131 : memref<1x!tpu.dma_semaphore, #tpu.memory_space<semaphore_mem>> -> memref<!tpu.dma_semaphore, #tpu.memory_space<semaphore_mem>>
    %dma_start3A_133 = arith.constant 0 : i32
    %dma_start3A_134 = tpu.memref_slice %arg4[%mul3A_122, %dma_start3A_133] : memref<160000x128xf32, #tpu.memory_space<hbm>> -> memref<128x128xf32, #tpu.memory_space<hbm>>
    %dma_start3A_135 = arith.constant 0 : i32
    %dma_start3A_136 = arith.constant 0 : i32
    %dma_start3A_137 = tpu.memref_slice %arg6[%dma_start3A_123, %dma_start3A_135, %dma_start3A_136] : memref<5x128x128xf32, #tpu.memory_space<vmem>> -> memref<1x128x128xf32, #tpu.memory_space<vmem>>
    %dma_start3A_138 = tpu.memref_squeeze %dma_start3A_137 : memref<1x128x128xf32, #tpu.memory_space<vmem>> -> memref<128x128xf32, #tpu.memory_space<vmem>>
    tpu.enqueue_dma source(%dma_start3A_138 : memref<128x128xf32, #tpu.memory_space<vmem>>) target(%dma_start3A_134 : memref<128x128xf32, #tpu.memory_space<hbm>>) target_semaphore(%dma_start3A_132 : memref<!tpu.dma_semaphore, #tpu.memory_space<semaphore_mem>>)
    %dma_start3A_139 = arith.constant 4 : i32
    %dma_start3A_140 = arith.constant 4 : i32
    %dma_start3A_141 = arith.constant 4 : i32
    %dma_start3A_142 = arith.constant 0 : i32
    %dma_start3A_143 = arith.constant 0 : i32
    %dma_start3A_144 = tpu.memref_slice %arg6[%dma_start3A_140, %dma_start3A_142, %dma_start3A_143] : memref<5x128x128xf32, #tpu.memory_space<vmem>> -> memref<1x128x128xf32, #tpu.memory_space<vmem>>
    %dma_start3A_145 = tpu.memref_squeeze %dma_start3A_144 : memref<1x128x128xf32, #tpu.memory_space<vmem>> -> memref<128x128xf32, #tpu.memory_space<vmem>>
    %dma_start3A_146 = arith.constant 0 : i32
    %dma_start3A_147 = tpu.memref_slice %arg5[%dma_start3A_139, %dma_start3A_146] : memref<40x128xi32, #tpu.memory_space<vmem>> -> memref<1x128xi32, #tpu.memory_space<vmem>>
    %dma_start3A_148 = tpu.memref_squeeze %dma_start3A_147 : memref<1x128xi32, #tpu.memory_space<vmem>> -> memref<128xi32, #tpu.memory_space<vmem>>
    %dma_start3A_149 = arith.constant 0 : i32
    %dma_start3A_150 = arith.constant 0 : i32
    %dma_start3A_151 = tpu.memref_slice %arg2[%dma_start3A_149, %dma_start3A_150] : memref<10000x128xf32, #tpu.memory_space<hbm>> -> memref<10000x128xf32, #tpu.memory_space<hbm>>
    %dma_start3A_152 = tpu.memref_slice %arg7[%dma_start3A_141] : memref<5x!tpu.dma_semaphore, #tpu.memory_space<semaphore_mem>> -> memref<1x!tpu.dma_semaphore, #tpu.memory_space<semaphore_mem>>
    %dma_start3A_153 = tpu.memref_squeeze %dma_start3A_152 : memref<1x!tpu.dma_semaphore, #tpu.memory_space<semaphore_mem>> -> memref<!tpu.dma_semaphore, #tpu.memory_space<semaphore_mem>>
    tpu.enqueue_indirect_dma source(%dma_start3A_151 : memref<10000x128xf32, #tpu.memory_space<hbm>>) target(%dma_start3A_145 : memref<128x128xf32, #tpu.memory_space<vmem>>) offsets(%dma_start3A_148 : memref<128xi32, #tpu.memory_space<vmem>>) semaphore(%dma_start3A_153 : memref<!tpu.dma_semaphore, #tpu.memory_space<semaphore_mem>>)
    %scan3A = arith.constant 0 : i32
    %scan3A_154 = arith.constant 0 : i32
    %scan3A_155 = arith.constant 6 : i32
    %scan3A_156 = arith.addi %scan3A_154, %scan3A_155 : i32
    %scan3A_157 = arith.constant 1 : i32
    scf.for %scan3A_667 = %scan3A_154 to %scan3A_156 step %scan3A_157  : i32 {
      %mul3A_668 = arith.constant 5 : i32
      %mul3A_669 = arith.muli %scan3A_667, %mul3A_668 : i32
      %add3A_670 = arith.constant 2 : i32
      %add3A_671 = arith.addi %mul3A_669, %add3A_670 : i32
      %add3A_672 = arith.constant 0 : i32
      %add3A_673 = arith.addi %add3A_671, %add3A_672 : i32
      %dma_wait3A_674 = arith.constant 2 : i32
      %dma_wait3A_675 = arith.constant 2 : i32
      %dma_wait3A_676 = arith.constant 0 : i32
      %dma_wait3A_677 = arith.constant 0 : i32
      %dma_wait3A_678 = tpu.memref_slice %arg6[%dma_wait3A_674, %dma_wait3A_676, %dma_wait3A_677] : memref<5x128x128xf32, #tpu.memory_space<vmem>> -> memref<1x128x128xf32, #tpu.memory_space<vmem>>
      %dma_wait3A_679 = tpu.memref_squeeze %dma_wait3A_678 : memref<1x128x128xf32, #tpu.memory_space<vmem>> -> memref<128x128xf32, #tpu.memory_space<vmem>>
      %dma_wait3A_680 = arith.constant 0 : i32
      %dma_wait3A_681 = arith.constant 0 : i32
      %dma_wait3A_682 = tpu.memref_slice %arg2[%dma_wait3A_680, %dma_wait3A_681] : memref<10000x128xf32, #tpu.memory_space<hbm>> -> memref<128x128xf32, #tpu.memory_space<hbm>>
      %dma_wait3A_683 = tpu.memref_slice %arg7[%dma_wait3A_675] : memref<5x!tpu.dma_semaphore, #tpu.memory_space<semaphore_mem>> -> memref<1x!tpu.dma_semaphore, #tpu.memory_space<semaphore_mem>>
      %dma_wait3A_684 = tpu.memref_squeeze %dma_wait3A_683 : memref<1x!tpu.dma_semaphore, #tpu.memory_space<semaphore_mem>> -> memref<!tpu.dma_semaphore, #tpu.memory_space<semaphore_mem>>
      %dma_wait3A_685 = arith.constant 0 : i32
      %dma_wait3A_686 = arith.constant 0 : i32
      %dma_wait3A_687 = tpu.memref_slice %arg6[%dma_wait3A_674, %dma_wait3A_685, %dma_wait3A_686] : memref<5x128x128xf32, #tpu.memory_space<vmem>> -> memref<1x128x128xf32, #tpu.memory_space<vmem>>
      %dma_wait3A_688 = tpu.memref_squeeze %dma_wait3A_687 : memref<1x128x128xf32, #tpu.memory_space<vmem>> -> memref<128x128xf32, #tpu.memory_space<vmem>>
      %dma_wait3A_689 = arith.constant 0 : i32
      %dma_wait3A_690 = arith.constant 0 : i32
      %dma_wait3A_691 = tpu.memref_slice %arg2[%dma_wait3A_689, %dma_wait3A_690] : memref<10000x128xf32, #tpu.memory_space<hbm>> -> memref<128x128xf32, #tpu.memory_space<hbm>>
      tpu.wait_dma2 semaphore(%dma_wait3A_684 : memref<!tpu.dma_semaphore, #tpu.memory_space<semaphore_mem>>) src(%dma_wait3A_691 : memref<128x128xf32, #tpu.memory_space<hbm>>) dst(%dma_wait3A_688 : memref<128x128xf32, #tpu.memory_space<vmem>>)
      %add3A_692 = arith.addi %add3A_4, %add3A_673 : i32
      %mul3A_693 = arith.constant 128 : i32
      %mul3A_694 = arith.muli %add3A_692, %mul3A_693 : i32
      %dma_start3A_695 = arith.constant 2 : i32
      %dma_start3A_696 = arith.constant 2 : i32
      %dma_start3A_697 = arith.constant 0 : i32
      %dma_start3A_698 = arith.constant 0 : i32
      %dma_start3A_699 = tpu.memref_slice %arg6[%dma_start3A_695, %dma_start3A_697, %dma_start3A_698] : memref<5x128x128xf32, #tpu.memory_space<vmem>> -> memref<1x128x128xf32, #tpu.memory_space<vmem>>
      %dma_start3A_700 = tpu.memref_squeeze %dma_start3A_699 : memref<1x128x128xf32, #tpu.memory_space<vmem>> -> memref<128x128xf32, #tpu.memory_space<vmem>>
      %dma_start3A_701 = arith.constant 0 : i32
      %dma_start3A_702 = tpu.memref_slice %arg4[%mul3A_694, %dma_start3A_701] : memref<160000x128xf32, #tpu.memory_space<hbm>> -> memref<128x128xf32, #tpu.memory_space<hbm>>
      %dma_start3A_703 = tpu.memref_slice %arg8[%dma_start3A_696] : memref<5x!tpu.dma_semaphore, #tpu.memory_space<semaphore_mem>> -> memref<1x!tpu.dma_semaphore, #tpu.memory_space<semaphore_mem>>
      %dma_start3A_704 = tpu.memref_squeeze %dma_start3A_703 : memref<1x!tpu.dma_semaphore, #tpu.memory_space<semaphore_mem>> -> memref<!tpu.dma_semaphore, #tpu.memory_space<semaphore_mem>>
      %dma_start3A_705 = arith.constant 0 : i32
      %dma_start3A_706 = tpu.memref_slice %arg4[%mul3A_694, %dma_start3A_705] : memref<160000x128xf32, #tpu.memory_space<hbm>> -> memref<128x128xf32, #tpu.memory_space<hbm>>
      %dma_start3A_707 = arith.constant 0 : i32
      %dma_start3A_708 = arith.constant 0 : i32
      %dma_start3A_709 = tpu.memref_slice %arg6[%dma_start3A_695, %dma_start3A_707, %dma_start3A_708] : memref<5x128x128xf32, #tpu.memory_space<vmem>> -> memref<1x128x128xf32, #tpu.memory_space<vmem>>
      %dma_start3A_710 = tpu.memref_squeeze %dma_start3A_709 : memref<1x128x128xf32, #tpu.memory_space<vmem>> -> memref<128x128xf32, #tpu.memory_space<vmem>>
      tpu.enqueue_dma source(%dma_start3A_710 : memref<128x128xf32, #tpu.memory_space<vmem>>) target(%dma_start3A_706 : memref<128x128xf32, #tpu.memory_space<hbm>>) target_semaphore(%dma_start3A_704 : memref<!tpu.dma_semaphore, #tpu.memory_space<semaphore_mem>>)
      %sub3A = arith.constant 2 : i32
      %sub3A_711 = arith.subi %add3A_673, %sub3A : i32
      %add3A_712 = arith.addi %add3A_4, %sub3A_711 : i32
      %mul3A_713 = arith.constant 128 : i32
      %mul3A_714 = arith.muli %add3A_712, %mul3A_713 : i32
      %dma_wait3A_715 = arith.constant 0 : i32
      %dma_wait3A_716 = arith.constant 0 : i32
      %dma_wait3A_717 = arith.constant 0 : i32
      %dma_wait3A_718 = arith.constant 0 : i32
      %dma_wait3A_719 = tpu.memref_slice %arg6[%dma_wait3A_715, %dma_wait3A_717, %dma_wait3A_718] : memref<5x128x128xf32, #tpu.memory_space<vmem>> -> memref<1x128x128xf32, #tpu.memory_space<vmem>>
      %dma_wait3A_720 = tpu.memref_squeeze %dma_wait3A_719 : memref<1x128x128xf32, #tpu.memory_space<vmem>> -> memref<128x128xf32, #tpu.memory_space<vmem>>
      %dma_wait3A_721 = arith.constant 0 : i32
      %dma_wait3A_722 = tpu.memref_slice %arg4[%mul3A_714, %dma_wait3A_721] : memref<160000x128xf32, #tpu.memory_space<hbm>> -> memref<128x128xf32, #tpu.memory_space<hbm>>
      %dma_wait3A_723 = tpu.memref_slice %arg8[%dma_wait3A_716] : memref<5x!tpu.dma_semaphore, #tpu.memory_space<semaphore_mem>> -> memref<1x!tpu.dma_semaphore, #tpu.memory_space<semaphore_mem>>
      %dma_wait3A_724 = tpu.memref_squeeze %dma_wait3A_723 : memref<1x!tpu.dma_semaphore, #tpu.memory_space<semaphore_mem>> -> memref<!tpu.dma_semaphore, #tpu.memory_space<semaphore_mem>>
      %dma_wait3A_725 = arith.constant 0 : i32
      %dma_wait3A_726 = tpu.memref_slice %arg4[%mul3A_714, %dma_wait3A_725] : memref<160000x128xf32, #tpu.memory_space<hbm>> -> memref<128x128xf32, #tpu.memory_space<hbm>>
      %dma_wait3A_727 = arith.constant 0 : i32
      %dma_wait3A_728 = arith.constant 0 : i32
      %dma_wait3A_729 = tpu.memref_slice %arg6[%dma_wait3A_715, %dma_wait3A_727, %dma_wait3A_728] : memref<5x128x128xf32, #tpu.memory_space<vmem>> -> memref<1x128x128xf32, #tpu.memory_space<vmem>>
      %dma_wait3A_730 = tpu.memref_squeeze %dma_wait3A_729 : memref<1x128x128xf32, #tpu.memory_space<vmem>> -> memref<128x128xf32, #tpu.memory_space<vmem>>
      tpu.wait_dma2 semaphore(%dma_wait3A_724 : memref<!tpu.dma_semaphore, #tpu.memory_space<semaphore_mem>>) src(%dma_wait3A_730 : memref<128x128xf32, #tpu.memory_space<vmem>>) dst(%dma_wait3A_726 : memref<128x128xf32, #tpu.memory_space<hbm>>)
      %add3A_731 = arith.constant 3 : i32
      %add3A_732 = arith.addi %add3A_673, %add3A_731 : i32
      %dma_start3A_733 = arith.constant 0 : i32
      %dma_start3A_734 = arith.constant 0 : i32
      %dma_start3A_735 = arith.constant 0 : i32
      %dma_start3A_736 = arith.constant 0 : i32
      %dma_start3A_737 = tpu.memref_slice %arg6[%dma_start3A_733, %dma_start3A_735, %dma_start3A_736] : memref<5x128x128xf32, #tpu.memory_space<vmem>> -> memref<1x128x128xf32, #tpu.memory_space<vmem>>
      %dma_start3A_738 = tpu.memref_squeeze %dma_start3A_737 : memref<1x128x128xf32, #tpu.memory_space<vmem>> -> memref<128x128xf32, #tpu.memory_space<vmem>>
      %dma_start3A_739 = arith.constant 0 : i32
      %dma_start3A_740 = tpu.memref_slice %arg5[%add3A_732, %dma_start3A_739] : memref<40x128xi32, #tpu.memory_space<vmem>> -> memref<1x128xi32, #tpu.memory_space<vmem>>
      %dma_start3A_741 = tpu.memref_squeeze %dma_start3A_740 : memref<1x128xi32, #tpu.memory_space<vmem>> -> memref<128xi32, #tpu.memory_space<vmem>>
      %dma_start3A_742 = arith.constant 0 : i32
      %dma_start3A_743 = arith.constant 0 : i32
      %dma_start3A_744 = tpu.memref_slice %arg2[%dma_start3A_742, %dma_start3A_743] : memref<10000x128xf32, #tpu.memory_space<hbm>> -> memref<10000x128xf32, #tpu.memory_space<hbm>>
      %dma_start3A_745 = tpu.memref_slice %arg7[%dma_start3A_734] : memref<5x!tpu.dma_semaphore, #tpu.memory_space<semaphore_mem>> -> memref<1x!tpu.dma_semaphore, #tpu.memory_space<semaphore_mem>>
      %dma_start3A_746 = tpu.memref_squeeze %dma_start3A_745 : memref<1x!tpu.dma_semaphore, #tpu.memory_space<semaphore_mem>> -> memref<!tpu.dma_semaphore, #tpu.memory_space<semaphore_mem>>
      tpu.enqueue_indirect_dma source(%dma_start3A_744 : memref<10000x128xf32, #tpu.memory_space<hbm>>) target(%dma_start3A_738 : memref<128x128xf32, #tpu.memory_space<vmem>>) offsets(%dma_start3A_741 : memref<128xi32, #tpu.memory_space<vmem>>) semaphore(%dma_start3A_746 : memref<!tpu.dma_semaphore, #tpu.memory_space<semaphore_mem>>)
      %mul3A_747 = arith.constant 5 : i32
      %mul3A_748 = arith.muli %scan3A_667, %mul3A_747 : i32
      %add3A_749 = arith.constant 2 : i32
      %add3A_750 = arith.addi %mul3A_748, %add3A_749 : i32
      %add3A_751 = arith.constant 1 : i32
      %add3A_752 = arith.addi %add3A_750, %add3A_751 : i32
      %dma_wait3A_753 = arith.constant 3 : i32
      %dma_wait3A_754 = arith.constant 3 : i32
      %dma_wait3A_755 = arith.constant 0 : i32
      %dma_wait3A_756 = arith.constant 0 : i32
      %dma_wait3A_757 = tpu.memref_slice %arg6[%dma_wait3A_753, %dma_wait3A_755, %dma_wait3A_756] : memref<5x128x128xf32, #tpu.memory_space<vmem>> -> memref<1x128x128xf32, #tpu.memory_space<vmem>>
      %dma_wait3A_758 = tpu.memref_squeeze %dma_wait3A_757 : memref<1x128x128xf32, #tpu.memory_space<vmem>> -> memref<128x128xf32, #tpu.memory_space<vmem>>
      %dma_wait3A_759 = arith.constant 0 : i32
      %dma_wait3A_760 = arith.constant 0 : i32
      %dma_wait3A_761 = tpu.memref_slice %arg2[%dma_wait3A_759, %dma_wait3A_760] : memref<10000x128xf32, #tpu.memory_space<hbm>> -> memref<128x128xf32, #tpu.memory_space<hbm>>
      %dma_wait3A_762 = tpu.memref_slice %arg7[%dma_wait3A_754] : memref<5x!tpu.dma_semaphore, #tpu.memory_space<semaphore_mem>> -> memref<1x!tpu.dma_semaphore, #tpu.memory_space<semaphore_mem>>
      %dma_wait3A_763 = tpu.memref_squeeze %dma_wait3A_762 : memref<1x!tpu.dma_semaphore, #tpu.memory_space<semaphore_mem>> -> memref<!tpu.dma_semaphore, #tpu.memory_space<semaphore_mem>>
      %dma_wait3A_764 = arith.constant 0 : i32
      %dma_wait3A_765 = arith.constant 0 : i32
      %dma_wait3A_766 = tpu.memref_slice %arg6[%dma_wait3A_753, %dma_wait3A_764, %dma_wait3A_765] : memref<5x128x128xf32, #tpu.memory_space<vmem>> -> memref<1x128x128xf32, #tpu.memory_space<vmem>>
      %dma_wait3A_767 = tpu.memref_squeeze %dma_wait3A_766 : memref<1x128x128xf32, #tpu.memory_space<vmem>> -> memref<128x128xf32, #tpu.memory_space<vmem>>
      %dma_wait3A_768 = arith.constant 0 : i32
      %dma_wait3A_769 = arith.constant 0 : i32
      %dma_wait3A_770 = tpu.memref_slice %arg2[%dma_wait3A_768, %dma_wait3A_769] : memref<10000x128xf32, #tpu.memory_space<hbm>> -> memref<128x128xf32, #tpu.memory_space<hbm>>
      tpu.wait_dma2 semaphore(%dma_wait3A_763 : memref<!tpu.dma_semaphore, #tpu.memory_space<semaphore_mem>>) src(%dma_wait3A_770 : memref<128x128xf32, #tpu.memory_space<hbm>>) dst(%dma_wait3A_767 : memref<128x128xf32, #tpu.memory_space<vmem>>)
      %add3A_771 = arith.addi %add3A_4, %add3A_752 : i32
      %mul3A_772 = arith.constant 128 : i32
      %mul3A_773 = arith.muli %add3A_771, %mul3A_772 : i32
      %dma_start3A_774 = arith.constant 3 : i32
      %dma_start3A_775 = arith.constant 3 : i32
      %dma_start3A_776 = arith.constant 0 : i32
      %dma_start3A_777 = arith.constant 0 : i32
      %dma_start3A_778 = tpu.memref_slice %arg6[%dma_start3A_774, %dma_start3A_776, %dma_start3A_777] : memref<5x128x128xf32, #tpu.memory_space<vmem>> -> memref<1x128x128xf32, #tpu.memory_space<vmem>>
      %dma_start3A_779 = tpu.memref_squeeze %dma_start3A_778 : memref<1x128x128xf32, #tpu.memory_space<vmem>> -> memref<128x128xf32, #tpu.memory_space<vmem>>
      %dma_start3A_780 = arith.constant 0 : i32
      %dma_start3A_781 = tpu.memref_slice %arg4[%mul3A_773, %dma_start3A_780] : memref<160000x128xf32, #tpu.memory_space<hbm>> -> memref<128x128xf32, #tpu.memory_space<hbm>>
      %dma_start3A_782 = tpu.memref_slice %arg8[%dma_start3A_775] : memref<5x!tpu.dma_semaphore, #tpu.memory_space<semaphore_mem>> -> memref<1x!tpu.dma_semaphore, #tpu.memory_space<semaphore_mem>>
      %dma_start3A_783 = tpu.memref_squeeze %dma_start3A_782 : memref<1x!tpu.dma_semaphore, #tpu.memory_space<semaphore_mem>> -> memref<!tpu.dma_semaphore, #tpu.memory_space<semaphore_mem>>
      %dma_start3A_784 = arith.constant 0 : i32
      %dma_start3A_785 = tpu.memref_slice %arg4[%mul3A_773, %dma_start3A_784] : memref<160000x128xf32, #tpu.memory_space<hbm>> -> memref<128x128xf32, #tpu.memory_space<hbm>>
      %dma_start3A_786 = arith.constant 0 : i32
      %dma_start3A_787 = arith.constant 0 : i32
      %dma_start3A_788 = tpu.memref_slice %arg6[%dma_start3A_774, %dma_start3A_786, %dma_start3A_787] : memref<5x128x128xf32, #tpu.memory_space<vmem>> -> memref<1x128x128xf32, #tpu.memory_space<vmem>>
      %dma_start3A_789 = tpu.memref_squeeze %dma_start3A_788 : memref<1x128x128xf32, #tpu.memory_space<vmem>> -> memref<128x128xf32, #tpu.memory_space<vmem>>
      tpu.enqueue_dma source(%dma_start3A_789 : memref<128x128xf32, #tpu.memory_space<vmem>>) target(%dma_start3A_785 : memref<128x128xf32, #tpu.memory_space<hbm>>) target_semaphore(%dma_start3A_783 : memref<!tpu.dma_semaphore, #tpu.memory_space<semaphore_mem>>)
      %sub3A_790 = arith.constant 2 : i32
      %sub3A_791 = arith.subi %add3A_752, %sub3A_790 : i32
      %add3A_792 = arith.addi %add3A_4, %sub3A_791 : i32
      %mul3A_793 = arith.constant 128 : i32
      %mul3A_794 = arith.muli %add3A_792, %mul3A_793 : i32
      %dma_wait3A_795 = arith.constant 1 : i32
      %dma_wait3A_796 = arith.constant 1 : i32
      %dma_wait3A_797 = arith.constant 0 : i32
      %dma_wait3A_798 = arith.constant 0 : i32
      %dma_wait3A_799 = tpu.memref_slice %arg6[%dma_wait3A_795, %dma_wait3A_797, %dma_wait3A_798] : memref<5x128x128xf32, #tpu.memory_space<vmem>> -> memref<1x128x128xf32, #tpu.memory_space<vmem>>
      %dma_wait3A_800 = tpu.memref_squeeze %dma_wait3A_799 : memref<1x128x128xf32, #tpu.memory_space<vmem>> -> memref<128x128xf32, #tpu.memory_space<vmem>>
      %dma_wait3A_801 = arith.constant 0 : i32
      %dma_wait3A_802 = tpu.memref_slice %arg4[%mul3A_794, %dma_wait3A_801] : memref<160000x128xf32, #tpu.memory_space<hbm>> -> memref<128x128xf32, #tpu.memory_space<hbm>>
      %dma_wait3A_803 = tpu.memref_slice %arg8[%dma_wait3A_796] : memref<5x!tpu.dma_semaphore, #tpu.memory_space<semaphore_mem>> -> memref<1x!tpu.dma_semaphore, #tpu.memory_space<semaphore_mem>>
      %dma_wait3A_804 = tpu.memref_squeeze %dma_wait3A_803 : memref<1x!tpu.dma_semaphore, #tpu.memory_space<semaphore_mem>> -> memref<!tpu.dma_semaphore, #tpu.memory_space<semaphore_mem>>
      %dma_wait3A_805 = arith.constant 0 : i32
      %dma_wait3A_806 = tpu.memref_slice %arg4[%mul3A_794, %dma_wait3A_805] : memref<160000x128xf32, #tpu.memory_space<hbm>> -> memref<128x128xf32, #tpu.memory_space<hbm>>
      %dma_wait3A_807 = arith.constant 0 : i32
      %dma_wait3A_808 = arith.constant 0 : i32
      %dma_wait3A_809 = tpu.memref_slice %arg6[%dma_wait3A_795, %dma_wait3A_807, %dma_wait3A_808] : memref<5x128x128xf32, #tpu.memory_space<vmem>> -> memref<1x128x128xf32, #tpu.memory_space<vmem>>
      %dma_wait3A_810 = tpu.memref_squeeze %dma_wait3A_809 : memref<1x128x128xf32, #tpu.memory_space<vmem>> -> memref<128x128xf32, #tpu.memory_space<vmem>>
      tpu.wait_dma2 semaphore(%dma_wait3A_804 : memref<!tpu.dma_semaphore, #tpu.memory_space<semaphore_mem>>) src(%dma_wait3A_810 : memref<128x128xf32, #tpu.memory_space<vmem>>) dst(%dma_wait3A_806 : memref<128x128xf32, #tpu.memory_space<hbm>>)
      %add3A_811 = arith.constant 3 : i32
      %add3A_812 = arith.addi %add3A_752, %add3A_811 : i32
      %dma_start3A_813 = arith.constant 1 : i32
      %dma_start3A_814 = arith.constant 1 : i32
      %dma_start3A_815 = arith.constant 0 : i32
      %dma_start3A_816 = arith.constant 0 : i32
      %dma_start3A_817 = tpu.memref_slice %arg6[%dma_start3A_813, %dma_start3A_815, %dma_start3A_816] : memref<5x128x128xf32, #tpu.memory_space<vmem>> -> memref<1x128x128xf32, #tpu.memory_space<vmem>>
      %dma_start3A_818 = tpu.memref_squeeze %dma_start3A_817 : memref<1x128x128xf32, #tpu.memory_space<vmem>> -> memref<128x128xf32, #tpu.memory_space<vmem>>
      %dma_start3A_819 = arith.constant 0 : i32
      %dma_start3A_820 = tpu.memref_slice %arg5[%add3A_812, %dma_start3A_819] : memref<40x128xi32, #tpu.memory_space<vmem>> -> memref<1x128xi32, #tpu.memory_space<vmem>>
      %dma_start3A_821 = tpu.memref_squeeze %dma_start3A_820 : memref<1x128xi32, #tpu.memory_space<vmem>> -> memref<128xi32, #tpu.memory_space<vmem>>
      %dma_start3A_822 = arith.constant 0 : i32
      %dma_start3A_823 = arith.constant 0 : i32
      %dma_start3A_824 = tpu.memref_slice %arg2[%dma_start3A_822, %dma_start3A_823] : memref<10000x128xf32, #tpu.memory_space<hbm>> -> memref<10000x128xf32, #tpu.memory_space<hbm>>
      %dma_start3A_825 = tpu.memref_slice %arg7[%dma_start3A_814] : memref<5x!tpu.dma_semaphore, #tpu.memory_space<semaphore_mem>> -> memref<1x!tpu.dma_semaphore, #tpu.memory_space<semaphore_mem>>
      %dma_start3A_826 = tpu.memref_squeeze %dma_start3A_825 : memref<1x!tpu.dma_semaphore, #tpu.memory_space<semaphore_mem>> -> memref<!tpu.dma_semaphore, #tpu.memory_space<semaphore_mem>>
      tpu.enqueue_indirect_dma source(%dma_start3A_824 : memref<10000x128xf32, #tpu.memory_space<hbm>>) target(%dma_start3A_818 : memref<128x128xf32, #tpu.memory_space<vmem>>) offsets(%dma_start3A_821 : memref<128xi32, #tpu.memory_space<vmem>>) semaphore(%dma_start3A_826 : memref<!tpu.dma_semaphore, #tpu.memory_space<semaphore_mem>>)
      %mul3A_827 = arith.constant 5 : i32
      %mul3A_828 = arith.muli %scan3A_667, %mul3A_827 : i32
      %add3A_829 = arith.constant 2 : i32
      %add3A_830 = arith.addi %mul3A_828, %add3A_829 : i32
      %add3A_831 = arith.constant 2 : i32
      %add3A_832 = arith.addi %add3A_830, %add3A_831 : i32
      %dma_wait3A_833 = arith.constant 4 : i32
      %dma_wait3A_834 = arith.constant 4 : i32
      %dma_wait3A_835 = arith.constant 0 : i32
      %dma_wait3A_836 = arith.constant 0 : i32
      %dma_wait3A_837 = tpu.memref_slice %arg6[%dma_wait3A_833, %dma_wait3A_835, %dma_wait3A_836] : memref<5x128x128xf32, #tpu.memory_space<vmem>> -> memref<1x128x128xf32, #tpu.memory_space<vmem>>
      %dma_wait3A_838 = tpu.memref_squeeze %dma_wait3A_837 : memref<1x128x128xf32, #tpu.memory_space<vmem>> -> memref<128x128xf32, #tpu.memory_space<vmem>>
      %dma_wait3A_839 = arith.constant 0 : i32
      %dma_wait3A_840 = arith.constant 0 : i32
      %dma_wait3A_841 = tpu.memref_slice %arg2[%dma_wait3A_839, %dma_wait3A_840] : memref<10000x128xf32, #tpu.memory_space<hbm>> -> memref<128x128xf32, #tpu.memory_space<hbm>>
      %dma_wait3A_842 = tpu.memref_slice %arg7[%dma_wait3A_834] : memref<5x!tpu.dma_semaphore, #tpu.memory_space<semaphore_mem>> -> memref<1x!tpu.dma_semaphore, #tpu.memory_space<semaphore_mem>>
      %dma_wait3A_843 = tpu.memref_squeeze %dma_wait3A_842 : memref<1x!tpu.dma_semaphore, #tpu.memory_space<semaphore_mem>> -> memref<!tpu.dma_semaphore, #tpu.memory_space<semaphore_mem>>
      %dma_wait3A_844 = arith.constant 0 : i32
      %dma_wait3A_845 = arith.constant 0 : i32
      %dma_wait3A_846 = tpu.memref_slice %arg6[%dma_wait3A_833, %dma_wait3A_844, %dma_wait3A_845] : memref<5x128x128xf32, #tpu.memory_space<vmem>> -> memref<1x128x128xf32, #tpu.memory_space<vmem>>
      %dma_wait3A_847 = tpu.memref_squeeze %dma_wait3A_846 : memref<1x128x128xf32, #tpu.memory_space<vmem>> -> memref<128x128xf32, #tpu.memory_space<vmem>>
      %dma_wait3A_848 = arith.constant 0 : i32
      %dma_wait3A_849 = arith.constant 0 : i32
      %dma_wait3A_850 = tpu.memref_slice %arg2[%dma_wait3A_848, %dma_wait3A_849] : memref<10000x128xf32, #tpu.memory_space<hbm>> -> memref<128x128xf32, #tpu.memory_space<hbm>>
      tpu.wait_dma2 semaphore(%dma_wait3A_843 : memref<!tpu.dma_semaphore, #tpu.memory_space<semaphore_mem>>) src(%dma_wait3A_850 : memref<128x128xf32, #tpu.memory_space<hbm>>) dst(%dma_wait3A_847 : memref<128x128xf32, #tpu.memory_space<vmem>>)
      %add3A_851 = arith.addi %add3A_4, %add3A_832 : i32
      %mul3A_852 = arith.constant 128 : i32
      %mul3A_853 = arith.muli %add3A_851, %mul3A_852 : i32
      %dma_start3A_854 = arith.constant 4 : i32
      %dma_start3A_855 = arith.constant 4 : i32
      %dma_start3A_856 = arith.constant 0 : i32
      %dma_start3A_857 = arith.constant 0 : i32
      %dma_start3A_858 = tpu.memref_slice %arg6[%dma_start3A_854, %dma_start3A_856, %dma_start3A_857] : memref<5x128x128xf32, #tpu.memory_space<vmem>> -> memref<1x128x128xf32, #tpu.memory_space<vmem>>
      %dma_start3A_859 = tpu.memref_squeeze %dma_start3A_858 : memref<1x128x128xf32, #tpu.memory_space<vmem>> -> memref<128x128xf32, #tpu.memory_space<vmem>>
      %dma_start3A_860 = arith.constant 0 : i32
      %dma_start3A_861 = tpu.memref_slice %arg4[%mul3A_853, %dma_start3A_860] : memref<160000x128xf32, #tpu.memory_space<hbm>> -> memref<128x128xf32, #tpu.memory_space<hbm>>
      %dma_start3A_862 = tpu.memref_slice %arg8[%dma_start3A_855] : memref<5x!tpu.dma_semaphore, #tpu.memory_space<semaphore_mem>> -> memref<1x!tpu.dma_semaphore, #tpu.memory_space<semaphore_mem>>
      %dma_start3A_863 = tpu.memref_squeeze %dma_start3A_862 : memref<1x!tpu.dma_semaphore, #tpu.memory_space<semaphore_mem>> -> memref<!tpu.dma_semaphore, #tpu.memory_space<semaphore_mem>>
      %dma_start3A_864 = arith.constant 0 : i32
      %dma_start3A_865 = tpu.memref_slice %arg4[%mul3A_853, %dma_start3A_864] : memref<160000x128xf32, #tpu.memory_space<hbm>> -> memref<128x128xf32, #tpu.memory_space<hbm>>
      %dma_start3A_866 = arith.constant 0 : i32
      %dma_start3A_867 = arith.constant 0 : i32
      %dma_start3A_868 = tpu.memref_slice %arg6[%dma_start3A_854, %dma_start3A_866, %dma_start3A_867] : memref<5x128x128xf32, #tpu.memory_space<vmem>> -> memref<1x128x128xf32, #tpu.memory_space<vmem>>
      %dma_start3A_869 = tpu.memref_squeeze %dma_start3A_868 : memref<1x128x128xf32, #tpu.memory_space<vmem>> -> memref<128x128xf32, #tpu.memory_space<vmem>>
      tpu.enqueue_dma source(%dma_start3A_869 : memref<128x128xf32, #tpu.memory_space<vmem>>) target(%dma_start3A_865 : memref<128x128xf32, #tpu.memory_space<hbm>>) target_semaphore(%dma_start3A_863 : memref<!tpu.dma_semaphore, #tpu.memory_space<semaphore_mem>>)
      %sub3A_870 = arith.constant 2 : i32
      %sub3A_871 = arith.subi %add3A_832, %sub3A_870 : i32
      %add3A_872 = arith.addi %add3A_4, %sub3A_871 : i32
      %mul3A_873 = arith.constant 128 : i32
      %mul3A_874 = arith.muli %add3A_872, %mul3A_873 : i32
      %dma_wait3A_875 = arith.constant 2 : i32
      %dma_wait3A_876 = arith.constant 2 : i32
      %dma_wait3A_877 = arith.constant 0 : i32
      %dma_wait3A_878 = arith.constant 0 : i32
      %dma_wait3A_879 = tpu.memref_slice %arg6[%dma_wait3A_875, %dma_wait3A_877, %dma_wait3A_878] : memref<5x128x128xf32, #tpu.memory_space<vmem>> -> memref<1x128x128xf32, #tpu.memory_space<vmem>>
      %dma_wait3A_880 = tpu.memref_squeeze %dma_wait3A_879 : memref<1x128x128xf32, #tpu.memory_space<vmem>> -> memref<128x128xf32, #tpu.memory_space<vmem>>
      %dma_wait3A_881 = arith.constant 0 : i32
      %dma_wait3A_882 = tpu.memref_slice %arg4[%mul3A_874, %dma_wait3A_881] : memref<160000x128xf32, #tpu.memory_space<hbm>> -> memref<128x128xf32, #tpu.memory_space<hbm>>
      %dma_wait3A_883 = tpu.memref_slice %arg8[%dma_wait3A_876] : memref<5x!tpu.dma_semaphore, #tpu.memory_space<semaphore_mem>> -> memref<1x!tpu.dma_semaphore, #tpu.memory_space<semaphore_mem>>
      %dma_wait3A_884 = tpu.memref_squeeze %dma_wait3A_883 : memref<1x!tpu.dma_semaphore, #tpu.memory_space<semaphore_mem>> -> memref<!tpu.dma_semaphore, #tpu.memory_space<semaphore_mem>>
      %dma_wait3A_885 = arith.constant 0 : i32
      %dma_wait3A_886 = tpu.memref_slice %arg4[%mul3A_874, %dma_wait3A_885] : memref<160000x128xf32, #tpu.memory_space<hbm>> -> memref<128x128xf32, #tpu.memory_space<hbm>>
      %dma_wait3A_887 = arith.constant 0 : i32
      %dma_wait3A_888 = arith.constant 0 : i32
      %dma_wait3A_889 = tpu.memref_slice %arg6[%dma_wait3A_875, %dma_wait3A_887, %dma_wait3A_888] : memref<5x128x128xf32, #tpu.memory_space<vmem>> -> memref<1x128x128xf32, #tpu.memory_space<vmem>>
      %dma_wait3A_890 = tpu.memref_squeeze %dma_wait3A_889 : memref<1x128x128xf32, #tpu.memory_space<vmem>> -> memref<128x128xf32, #tpu.memory_space<vmem>>
      tpu.wait_dma2 semaphore(%dma_wait3A_884 : memref<!tpu.dma_semaphore, #tpu.memory_space<semaphore_mem>>) src(%dma_wait3A_890 : memref<128x128xf32, #tpu.memory_space<vmem>>) dst(%dma_wait3A_886 : memref<128x128xf32, #tpu.memory_space<hbm>>)
      %add3A_891 = arith.constant 3 : i32
      %add3A_892 = arith.addi %add3A_832, %add3A_891 : i32
      %dma_start3A_893 = arith.constant 2 : i32
      %dma_start3A_894 = arith.constant 2 : i32
      %dma_start3A_895 = arith.constant 0 : i32
      %dma_start3A_896 = arith.constant 0 : i32
      %dma_start3A_897 = tpu.memref_slice %arg6[%dma_start3A_893, %dma_start3A_895, %dma_start3A_896] : memref<5x128x128xf32, #tpu.memory_space<vmem>> -> memref<1x128x128xf32, #tpu.memory_space<vmem>>
      %dma_start3A_898 = tpu.memref_squeeze %dma_start3A_897 : memref<1x128x128xf32, #tpu.memory_space<vmem>> -> memref<128x128xf32, #tpu.memory_space<vmem>>
      %dma_start3A_899 = arith.constant 0 : i32
      %dma_start3A_900 = tpu.memref_slice %arg5[%add3A_892, %dma_start3A_899] : memref<40x128xi32, #tpu.memory_space<vmem>> -> memref<1x128xi32, #tpu.memory_space<vmem>>
      %dma_start3A_901 = tpu.memref_squeeze %dma_start3A_900 : memref<1x128xi32, #tpu.memory_space<vmem>> -> memref<128xi32, #tpu.memory_space<vmem>>
      %dma_start3A_902 = arith.constant 0 : i32
      %dma_start3A_903 = arith.constant 0 : i32
      %dma_start3A_904 = tpu.memref_slice %arg2[%dma_start3A_902, %dma_start3A_903] : memref<10000x128xf32, #tpu.memory_space<hbm>> -> memref<10000x128xf32, #tpu.memory_space<hbm>>
      %dma_start3A_905 = tpu.memref_slice %arg7[%dma_start3A_894] : memref<5x!tpu.dma_semaphore, #tpu.memory_space<semaphore_mem>> -> memref<1x!tpu.dma_semaphore, #tpu.memory_space<semaphore_mem>>
      %dma_start3A_906 = tpu.memref_squeeze %dma_start3A_905 : memref<1x!tpu.dma_semaphore, #tpu.memory_space<semaphore_mem>> -> memref<!tpu.dma_semaphore, #tpu.memory_space<semaphore_mem>>
      tpu.enqueue_indirect_dma source(%dma_start3A_904 : memref<10000x128xf32, #tpu.memory_space<hbm>>) target(%dma_start3A_898 : memref<128x128xf32, #tpu.memory_space<vmem>>) offsets(%dma_start3A_901 : memref<128xi32, #tpu.memory_space<vmem>>) semaphore(%dma_start3A_906 : memref<!tpu.dma_semaphore, #tpu.memory_space<semaphore_mem>>)
      %mul3A_907 = arith.constant 5 : i32
      %mul3A_908 = arith.muli %scan3A_667, %mul3A_907 : i32
      %add3A_909 = arith.constant 2 : i32
      %add3A_910 = arith.addi %mul3A_908, %add3A_909 : i32
      %add3A_911 = arith.constant 3 : i32
      %add3A_912 = arith.addi %add3A_910, %add3A_911 : i32
      %dma_wait3A_913 = arith.constant 0 : i32
      %dma_wait3A_914 = arith.constant 0 : i32
      %dma_wait3A_915 = arith.constant 0 : i32
      %dma_wait3A_916 = arith.constant 0 : i32
      %dma_wait3A_917 = tpu.memref_slice %arg6[%dma_wait3A_913, %dma_wait3A_915, %dma_wait3A_916] : memref<5x128x128xf32, #tpu.memory_space<vmem>> -> memref<1x128x128xf32, #tpu.memory_space<vmem>>
      %dma_wait3A_918 = tpu.memref_squeeze %dma_wait3A_917 : memref<1x128x128xf32, #tpu.memory_space<vmem>> -> memref<128x128xf32, #tpu.memory_space<vmem>>
      %dma_wait3A_919 = arith.constant 0 : i32
      %dma_wait3A_920 = arith.constant 0 : i32
      %dma_wait3A_921 = tpu.memref_slice %arg2[%dma_wait3A_919, %dma_wait3A_920] : memref<10000x128xf32, #tpu.memory_space<hbm>> -> memref<128x128xf32, #tpu.memory_space<hbm>>
      %dma_wait3A_922 = tpu.memref_slice %arg7[%dma_wait3A_914] : memref<5x!tpu.dma_semaphore, #tpu.memory_space<semaphore_mem>> -> memref<1x!tpu.dma_semaphore, #tpu.memory_space<semaphore_mem>>
      %dma_wait3A_923 = tpu.memref_squeeze %dma_wait3A_922 : memref<1x!tpu.dma_semaphore, #tpu.memory_space<semaphore_mem>> -> memref<!tpu.dma_semaphore, #tpu.memory_space<semaphore_mem>>
      %dma_wait3A_924 = arith.constant 0 : i32
      %dma_wait3A_925 = arith.constant 0 : i32
      %dma_wait3A_926 = tpu.memref_slice %arg6[%dma_wait3A_913, %dma_wait3A_924, %dma_wait3A_925] : memref<5x128x128xf32, #tpu.memory_space<vmem>> -> memref<1x128x128xf32, #tpu.memory_space<vmem>>
      %dma_wait3A_927 = tpu.memref_squeeze %dma_wait3A_926 : memref<1x128x128xf32, #tpu.memory_space<vmem>> -> memref<128x128xf32, #tpu.memory_space<vmem>>
      %dma_wait3A_928 = arith.constant 0 : i32
      %dma_wait3A_929 = arith.constant 0 : i32
      %dma_wait3A_930 = tpu.memref_slice %arg2[%dma_wait3A_928, %dma_wait3A_929] : memref<10000x128xf32, #tpu.memory_space<hbm>> -> memref<128x128xf32, #tpu.memory_space<hbm>>
      tpu.wait_dma2 semaphore(%dma_wait3A_923 : memref<!tpu.dma_semaphore, #tpu.memory_space<semaphore_mem>>) src(%dma_wait3A_930 : memref<128x128xf32, #tpu.memory_space<hbm>>) dst(%dma_wait3A_927 : memref<128x128xf32, #tpu.memory_space<vmem>>)
      %add3A_931 = arith.addi %add3A_4, %add3A_912 : i32
      %mul3A_932 = arith.constant 128 : i32
      %mul3A_933 = arith.muli %add3A_931, %mul3A_932 : i32
      %dma_start3A_934 = arith.constant 0 : i32
      %dma_start3A_935 = arith.constant 0 : i32
      %dma_start3A_936 = arith.constant 0 : i32
      %dma_start3A_937 = arith.constant 0 : i32
      %dma_start3A_938 = tpu.memref_slice %arg6[%dma_start3A_934, %dma_start3A_936, %dma_start3A_937] : memref<5x128x128xf32, #tpu.memory_space<vmem>> -> memref<1x128x128xf32, #tpu.memory_space<vmem>>
      %dma_start3A_939 = tpu.memref_squeeze %dma_start3A_938 : memref<1x128x128xf32, #tpu.memory_space<vmem>> -> memref<128x128xf32, #tpu.memory_space<vmem>>
      %dma_start3A_940 = arith.constant 0 : i32
      %dma_start3A_941 = tpu.memref_slice %arg4[%mul3A_933, %dma_start3A_940] : memref<160000x128xf32, #tpu.memory_space<hbm>> -> memref<128x128xf32, #tpu.memory_space<hbm>>
      %dma_start3A_942 = tpu.memref_slice %arg8[%dma_start3A_935] : memref<5x!tpu.dma_semaphore, #tpu.memory_space<semaphore_mem>> -> memref<1x!tpu.dma_semaphore, #tpu.memory_space<semaphore_mem>>
      %dma_start3A_943 = tpu.memref_squeeze %dma_start3A_942 : memref<1x!tpu.dma_semaphore, #tpu.memory_space<semaphore_mem>> -> memref<!tpu.dma_semaphore, #tpu.memory_space<semaphore_mem>>
      %dma_start3A_944 = arith.constant 0 : i32
      %dma_start3A_945 = tpu.memref_slice %arg4[%mul3A_933, %dma_start3A_944] : memref<160000x128xf32, #tpu.memory_space<hbm>> -> memref<128x128xf32, #tpu.memory_space<hbm>>
      %dma_start3A_946 = arith.constant 0 : i32
      %dma_start3A_947 = arith.constant 0 : i32
      %dma_start3A_948 = tpu.memref_slice %arg6[%dma_start3A_934, %dma_start3A_946, %dma_start3A_947] : memref<5x128x128xf32, #tpu.memory_space<vmem>> -> memref<1x128x128xf32, #tpu.memory_space<vmem>>
      %dma_start3A_949 = tpu.memref_squeeze %dma_start3A_948 : memref<1x128x128xf32, #tpu.memory_space<vmem>> -> memref<128x128xf32, #tpu.memory_space<vmem>>
      tpu.enqueue_dma source(%dma_start3A_949 : memref<128x128xf32, #tpu.memory_space<vmem>>) target(%dma_start3A_945 : memref<128x128xf32, #tpu.memory_space<hbm>>) target_semaphore(%dma_start3A_943 : memref<!tpu.dma_semaphore, #tpu.memory_space<semaphore_mem>>)
      %sub3A_950 = arith.constant 2 : i32
      %sub3A_951 = arith.subi %add3A_912, %sub3A_950 : i32
      %add3A_952 = arith.addi %add3A_4, %sub3A_951 : i32
      %mul3A_953 = arith.constant 128 : i32
      %mul3A_954 = arith.muli %add3A_952, %mul3A_953 : i32
      %dma_wait3A_955 = arith.constant 3 : i32
      %dma_wait3A_956 = arith.constant 3 : i32
      %dma_wait3A_957 = arith.constant 0 : i32
      %dma_wait3A_958 = arith.constant 0 : i32
      %dma_wait3A_959 = tpu.memref_slice %arg6[%dma_wait3A_955, %dma_wait3A_957, %dma_wait3A_958] : memref<5x128x128xf32, #tpu.memory_space<vmem>> -> memref<1x128x128xf32, #tpu.memory_space<vmem>>
      %dma_wait3A_960 = tpu.memref_squeeze %dma_wait3A_959 : memref<1x128x128xf32, #tpu.memory_space<vmem>> -> memref<128x128xf32, #tpu.memory_space<vmem>>
      %dma_wait3A_961 = arith.constant 0 : i32
      %dma_wait3A_962 = tpu.memref_slice %arg4[%mul3A_954, %dma_wait3A_961] : memref<160000x128xf32, #tpu.memory_space<hbm>> -> memref<128x128xf32, #tpu.memory_space<hbm>>
      %dma_wait3A_963 = tpu.memref_slice %arg8[%dma_wait3A_956] : memref<5x!tpu.dma_semaphore, #tpu.memory_space<semaphore_mem>> -> memref<1x!tpu.dma_semaphore, #tpu.memory_space<semaphore_mem>>
      %dma_wait3A_964 = tpu.memref_squeeze %dma_wait3A_963 : memref<1x!tpu.dma_semaphore, #tpu.memory_space<semaphore_mem>> -> memref<!tpu.dma_semaphore, #tpu.memory_space<semaphore_mem>>
      %dma_wait3A_965 = arith.constant 0 : i32
      %dma_wait3A_966 = tpu.memref_slice %arg4[%mul3A_954, %dma_wait3A_965] : memref<160000x128xf32, #tpu.memory_space<hbm>> -> memref<128x128xf32, #tpu.memory_space<hbm>>
      %dma_wait3A_967 = arith.constant 0 : i32
      %dma_wait3A_968 = arith.constant 0 : i32
      %dma_wait3A_969 = tpu.memref_slice %arg6[%dma_wait3A_955, %dma_wait3A_967, %dma_wait3A_968] : memref<5x128x128xf32, #tpu.memory_space<vmem>> -> memref<1x128x128xf32, #tpu.memory_space<vmem>>
      %dma_wait3A_970 = tpu.memref_squeeze %dma_wait3A_969 : memref<1x128x128xf32, #tpu.memory_space<vmem>> -> memref<128x128xf32, #tpu.memory_space<vmem>>
      tpu.wait_dma2 semaphore(%dma_wait3A_964 : memref<!tpu.dma_semaphore, #tpu.memory_space<semaphore_mem>>) src(%dma_wait3A_970 : memref<128x128xf32, #tpu.memory_space<vmem>>) dst(%dma_wait3A_966 : memref<128x128xf32, #tpu.memory_space<hbm>>)
      %add3A_971 = arith.constant 3 : i32
      %add3A_972 = arith.addi %add3A_912, %add3A_971 : i32
      %dma_start3A_973 = arith.constant 3 : i32
      %dma_start3A_974 = arith.constant 3 : i32
      %dma_start3A_975 = arith.constant 0 : i32
      %dma_start3A_976 = arith.constant 0 : i32
      %dma_start3A_977 = tpu.memref_slice %arg6[%dma_start3A_973, %dma_start3A_975, %dma_start3A_976] : memref<5x128x128xf32, #tpu.memory_space<vmem>> -> memref<1x128x128xf32, #tpu.memory_space<vmem>>
      %dma_start3A_978 = tpu.memref_squeeze %dma_start3A_977 : memref<1x128x128xf32, #tpu.memory_space<vmem>> -> memref<128x128xf32, #tpu.memory_space<vmem>>
      %dma_start3A_979 = arith.constant 0 : i32
      %dma_start3A_980 = tpu.memref_slice %arg5[%add3A_972, %dma_start3A_979] : memref<40x128xi32, #tpu.memory_space<vmem>> -> memref<1x128xi32, #tpu.memory_space<vmem>>
      %dma_start3A_981 = tpu.memref_squeeze %dma_start3A_980 : memref<1x128xi32, #tpu.memory_space<vmem>> -> memref<128xi32, #tpu.memory_space<vmem>>
      %dma_start3A_982 = arith.constant 0 : i32
      %dma_start3A_983 = arith.constant 0 : i32
      %dma_start3A_984 = tpu.memref_slice %arg2[%dma_start3A_982, %dma_start3A_983] : memref<10000x128xf32, #tpu.memory_space<hbm>> -> memref<10000x128xf32, #tpu.memory_space<hbm>>
      %dma_start3A_985 = tpu.memref_slice %arg7[%dma_start3A_974] : memref<5x!tpu.dma_semaphore, #tpu.memory_space<semaphore_mem>> -> memref<1x!tpu.dma_semaphore, #tpu.memory_space<semaphore_mem>>
      %dma_start3A_986 = tpu.memref_squeeze %dma_start3A_985 : memref<1x!tpu.dma_semaphore, #tpu.memory_space<semaphore_mem>> -> memref<!tpu.dma_semaphore, #tpu.memory_space<semaphore_mem>>
      tpu.enqueue_indirect_dma source(%dma_start3A_984 : memref<10000x128xf32, #tpu.memory_space<hbm>>) target(%dma_start3A_978 : memref<128x128xf32, #tpu.memory_space<vmem>>) offsets(%dma_start3A_981 : memref<128xi32, #tpu.memory_space<vmem>>) semaphore(%dma_start3A_986 : memref<!tpu.dma_semaphore, #tpu.memory_space<semaphore_mem>>)
      %mul3A_987 = arith.constant 5 : i32
      %mul3A_988 = arith.muli %scan3A_667, %mul3A_987 : i32
      %add3A_989 = arith.constant 2 : i32
      %add3A_990 = arith.addi %mul3A_988, %add3A_989 : i32
      %add3A_991 = arith.constant 4 : i32
      %add3A_992 = arith.addi %add3A_990, %add3A_991 : i32
      %dma_wait3A_993 = arith.constant 1 : i32
      %dma_wait3A_994 = arith.constant 1 : i32
      %dma_wait3A_995 = arith.constant 0 : i32
      %dma_wait3A_996 = arith.constant 0 : i32
      %dma_wait3A_997 = tpu.memref_slice %arg6[%dma_wait3A_993, %dma_wait3A_995, %dma_wait3A_996] : memref<5x128x128xf32, #tpu.memory_space<vmem>> -> memref<1x128x128xf32, #tpu.memory_space<vmem>>
      %dma_wait3A_998 = tpu.memref_squeeze %dma_wait3A_997 : memref<1x128x128xf32, #tpu.memory_space<vmem>> -> memref<128x128xf32, #tpu.memory_space<vmem>>
      %dma_wait3A_999 = arith.constant 0 : i32
      %dma_wait3A_1000 = arith.constant 0 : i32
      %dma_wait3A_1001 = tpu.memref_slice %arg2[%dma_wait3A_999, %dma_wait3A_1000] : memref<10000x128xf32, #tpu.memory_space<hbm>> -> memref<128x128xf32, #tpu.memory_space<hbm>>
      %dma_wait3A_1002 = tpu.memref_slice %arg7[%dma_wait3A_994] : memref<5x!tpu.dma_semaphore, #tpu.memory_space<semaphore_mem>> -> memref<1x!tpu.dma_semaphore, #tpu.memory_space<semaphore_mem>>
      %dma_wait3A_1003 = tpu.memref_squeeze %dma_wait3A_1002 : memref<1x!tpu.dma_semaphore, #tpu.memory_space<semaphore_mem>> -> memref<!tpu.dma_semaphore, #tpu.memory_space<semaphore_mem>>
      %dma_wait3A_1004 = arith.constant 0 : i32
      %dma_wait3A_1005 = arith.constant 0 : i32
      %dma_wait3A_1006 = tpu.memref_slice %arg6[%dma_wait3A_993, %dma_wait3A_1004, %dma_wait3A_1005] : memref<5x128x128xf32, #tpu.memory_space<vmem>> -> memref<1x128x128xf32, #tpu.memory_space<vmem>>
      %dma_wait3A_1007 = tpu.memref_squeeze %dma_wait3A_1006 : memref<1x128x128xf32, #tpu.memory_space<vmem>> -> memref<128x128xf32, #tpu.memory_space<vmem>>
      %dma_wait3A_1008 = arith.constant 0 : i32
      %dma_wait3A_1009 = arith.constant 0 : i32
      %dma_wait3A_1010 = tpu.memref_slice %arg2[%dma_wait3A_1008, %dma_wait3A_1009] : memref<10000x128xf32, #tpu.memory_space<hbm>> -> memref<128x128xf32, #tpu.memory_space<hbm>>
      tpu.wait_dma2 semaphore(%dma_wait3A_1003 : memref<!tpu.dma_semaphore, #tpu.memory_space<semaphore_mem>>) src(%dma_wait3A_1010 : memref<128x128xf32, #tpu.memory_space<hbm>>) dst(%dma_wait3A_1007 : memref<128x128xf32, #tpu.memory_space<vmem>>)
      %add3A_1011 = arith.addi %add3A_4, %add3A_992 : i32
      %mul3A_1012 = arith.constant 128 : i32
      %mul3A_1013 = arith.muli %add3A_1011, %mul3A_1012 : i32
      %dma_start3A_1014 = arith.constant 1 : i32
      %dma_start3A_1015 = arith.constant 1 : i32
      %dma_start3A_1016 = arith.constant 0 : i32
      %dma_start3A_1017 = arith.constant 0 : i32
      %dma_start3A_1018 = tpu.memref_slice %arg6[%dma_start3A_1014, %dma_start3A_1016, %dma_start3A_1017] : memref<5x128x128xf32, #tpu.memory_space<vmem>> -> memref<1x128x128xf32, #tpu.memory_space<vmem>>
      %dma_start3A_1019 = tpu.memref_squeeze %dma_start3A_1018 : memref<1x128x128xf32, #tpu.memory_space<vmem>> -> memref<128x128xf32, #tpu.memory_space<vmem>>
      %dma_start3A_1020 = arith.constant 0 : i32
      %dma_start3A_1021 = tpu.memref_slice %arg4[%mul3A_1013, %dma_start3A_1020] : memref<160000x128xf32, #tpu.memory_space<hbm>> -> memref<128x128xf32, #tpu.memory_space<hbm>>
      %dma_start3A_1022 = tpu.memref_slice %arg8[%dma_start3A_1015] : memref<5x!tpu.dma_semaphore, #tpu.memory_space<semaphore_mem>> -> memref<1x!tpu.dma_semaphore, #tpu.memory_space<semaphore_mem>>
      %dma_start3A_1023 = tpu.memref_squeeze %dma_start3A_1022 : memref<1x!tpu.dma_semaphore, #tpu.memory_space<semaphore_mem>> -> memref<!tpu.dma_semaphore, #tpu.memory_space<semaphore_mem>>
      %dma_start3A_1024 = arith.constant 0 : i32
      %dma_start3A_1025 = tpu.memref_slice %arg4[%mul3A_1013, %dma_start3A_1024] : memref<160000x128xf32, #tpu.memory_space<hbm>> -> memref<128x128xf32, #tpu.memory_space<hbm>>
      %dma_start3A_1026 = arith.constant 0 : i32
      %dma_start3A_1027 = arith.constant 0 : i32
      %dma_start3A_1028 = tpu.memref_slice %arg6[%dma_start3A_1014, %dma_start3A_1026, %dma_start3A_1027] : memref<5x128x128xf32, #tpu.memory_space<vmem>> -> memref<1x128x128xf32, #tpu.memory_space<vmem>>
      %dma_start3A_1029 = tpu.memref_squeeze %dma_start3A_1028 : memref<1x128x128xf32, #tpu.memory_space<vmem>> -> memref<128x128xf32, #tpu.memory_space<vmem>>
      tpu.enqueue_dma source(%dma_start3A_1029 : memref<128x128xf32, #tpu.memory_space<vmem>>) target(%dma_start3A_1025 : memref<128x128xf32, #tpu.memory_space<hbm>>) target_semaphore(%dma_start3A_1023 : memref<!tpu.dma_semaphore, #tpu.memory_space<semaphore_mem>>)
      %sub3A_1030 = arith.constant 2 : i32
      %sub3A_1031 = arith.subi %add3A_992, %sub3A_1030 : i32
      %add3A_1032 = arith.addi %add3A_4, %sub3A_1031 : i32
      %mul3A_1033 = arith.constant 128 : i32
      %mul3A_1034 = arith.muli %add3A_1032, %mul3A_1033 : i32
      %dma_wait3A_1035 = arith.constant 4 : i32
      %dma_wait3A_1036 = arith.constant 4 : i32
      %dma_wait3A_1037 = arith.constant 0 : i32
      %dma_wait3A_1038 = arith.constant 0 : i32
      %dma_wait3A_1039 = tpu.memref_slice %arg6[%dma_wait3A_1035, %dma_wait3A_1037, %dma_wait3A_1038] : memref<5x128x128xf32, #tpu.memory_space<vmem>> -> memref<1x128x128xf32, #tpu.memory_space<vmem>>
      %dma_wait3A_1040 = tpu.memref_squeeze %dma_wait3A_1039 : memref<1x128x128xf32, #tpu.memory_space<vmem>> -> memref<128x128xf32, #tpu.memory_space<vmem>>
      %dma_wait3A_1041 = arith.constant 0 : i32
      %dma_wait3A_1042 = tpu.memref_slice %arg4[%mul3A_1034, %dma_wait3A_1041] : memref<160000x128xf32, #tpu.memory_space<hbm>> -> memref<128x128xf32, #tpu.memory_space<hbm>>
      %dma_wait3A_1043 = tpu.memref_slice %arg8[%dma_wait3A_1036] : memref<5x!tpu.dma_semaphore, #tpu.memory_space<semaphore_mem>> -> memref<1x!tpu.dma_semaphore, #tpu.memory_space<semaphore_mem>>
      %dma_wait3A_1044 = tpu.memref_squeeze %dma_wait3A_1043 : memref<1x!tpu.dma_semaphore, #tpu.memory_space<semaphore_mem>> -> memref<!tpu.dma_semaphore, #tpu.memory_space<semaphore_mem>>
      %dma_wait3A_1045 = arith.constant 0 : i32
      %dma_wait3A_1046 = tpu.memref_slice %arg4[%mul3A_1034, %dma_wait3A_1045] : memref<160000x128xf32, #tpu.memory_space<hbm>> -> memref<128x128xf32, #tpu.memory_space<hbm>>
      %dma_wait3A_1047 = arith.constant 0 : i32
      %dma_wait3A_1048 = arith.constant 0 : i32
      %dma_wait3A_1049 = tpu.memref_slice %arg6[%dma_wait3A_1035, %dma_wait3A_1047, %dma_wait3A_1048] : memref<5x128x128xf32, #tpu.memory_space<vmem>> -> memref<1x128x128xf32, #tpu.memory_space<vmem>>
      %dma_wait3A_1050 = tpu.memref_squeeze %dma_wait3A_1049 : memref<1x128x128xf32, #tpu.memory_space<vmem>> -> memref<128x128xf32, #tpu.memory_space<vmem>>
      tpu.wait_dma2 semaphore(%dma_wait3A_1044 : memref<!tpu.dma_semaphore, #tpu.memory_space<semaphore_mem>>) src(%dma_wait3A_1050 : memref<128x128xf32, #tpu.memory_space<vmem>>) dst(%dma_wait3A_1046 : memref<128x128xf32, #tpu.memory_space<hbm>>)
      %add3A_1051 = arith.constant 3 : i32
      %add3A_1052 = arith.addi %add3A_992, %add3A_1051 : i32
      %dma_start3A_1053 = arith.constant 4 : i32
      %dma_start3A_1054 = arith.constant 4 : i32
      %dma_start3A_1055 = arith.constant 0 : i32
      %dma_start3A_1056 = arith.constant 0 : i32
      %dma_start3A_1057 = tpu.memref_slice %arg6[%dma_start3A_1053, %dma_start3A_1055, %dma_start3A_1056] : memref<5x128x128xf32, #tpu.memory_space<vmem>> -> memref<1x128x128xf32, #tpu.memory_space<vmem>>
      %dma_start3A_1058 = tpu.memref_squeeze %dma_start3A_1057 : memref<1x128x128xf32, #tpu.memory_space<vmem>> -> memref<128x128xf32, #tpu.memory_space<vmem>>
      %dma_start3A_1059 = arith.constant 0 : i32
      %dma_start3A_1060 = tpu.memref_slice %arg5[%add3A_1052, %dma_start3A_1059] : memref<40x128xi32, #tpu.memory_space<vmem>> -> memref<1x128xi32, #tpu.memory_space<vmem>>
      %dma_start3A_1061 = tpu.memref_squeeze %dma_start3A_1060 : memref<1x128xi32, #tpu.memory_space<vmem>> -> memref<128xi32, #tpu.memory_space<vmem>>
      %dma_start3A_1062 = arith.constant 0 : i32
      %dma_start3A_1063 = arith.constant 0 : i32
      %dma_start3A_1064 = tpu.memref_slice %arg2[%dma_start3A_1062, %dma_start3A_1063] : memref<10000x128xf32, #tpu.memory_space<hbm>> -> memref<10000x128xf32, #tpu.memory_space<hbm>>
      %dma_start3A_1065 = tpu.memref_slice %arg7[%dma_start3A_1054] : memref<5x!tpu.dma_semaphore, #tpu.memory_space<semaphore_mem>> -> memref<1x!tpu.dma_semaphore, #tpu.memory_space<semaphore_mem>>
      %dma_start3A_1066 = tpu.memref_squeeze %dma_start3A_1065 : memref<1x!tpu.dma_semaphore, #tpu.memory_space<semaphore_mem>> -> memref<!tpu.dma_semaphore, #tpu.memory_space<semaphore_mem>>
      tpu.enqueue_indirect_dma source(%dma_start3A_1064 : memref<10000x128xf32, #tpu.memory_space<hbm>>) target(%dma_start3A_1058 : memref<128x128xf32, #tpu.memory_space<vmem>>) offsets(%dma_start3A_1061 : memref<128xi32, #tpu.memory_space<vmem>>) semaphore(%dma_start3A_1066 : memref<!tpu.dma_semaphore, #tpu.memory_space<semaphore_mem>>)
    }
    %scan3A_158 = arith.constant 6 : i32
    %dma_wait3A_159 = arith.constant 2 : i32
    %dma_wait3A_160 = arith.constant 2 : i32
    %dma_wait3A_161 = arith.constant 0 : i32
    %dma_wait3A_162 = arith.constant 0 : i32
    %dma_wait3A_163 = tpu.memref_slice %arg6[%dma_wait3A_159, %dma_wait3A_161, %dma_wait3A_162] : memref<5x128x128xf32, #tpu.memory_space<vmem>> -> memref<1x128x128xf32, #tpu.memory_space<vmem>>
    %dma_wait3A_164 = tpu.memref_squeeze %dma_wait3A_163 : memref<1x128x128xf32, #tpu.memory_space<vmem>> -> memref<128x128xf32, #tpu.memory_space<vmem>>
    %dma_wait3A_165 = arith.constant 0 : i32
    %dma_wait3A_166 = arith.constant 0 : i32
    %dma_wait3A_167 = tpu.memref_slice %arg2[%dma_wait3A_165, %dma_wait3A_166] : memref<10000x128xf32, #tpu.memory_space<hbm>> -> memref<128x128xf32, #tpu.memory_space<hbm>>
    %dma_wait3A_168 = tpu.memref_slice %arg7[%dma_wait3A_160] : memref<5x!tpu.dma_semaphore, #tpu.memory_space<semaphore_mem>> -> memref<1x!tpu.dma_semaphore, #tpu.memory_space<semaphore_mem>>
    %dma_wait3A_169 = tpu.memref_squeeze %dma_wait3A_168 : memref<1x!tpu.dma_semaphore, #tpu.memory_space<semaphore_mem>> -> memref<!tpu.dma_semaphore, #tpu.memory_space<semaphore_mem>>
    %dma_wait3A_170 = arith.constant 0 : i32
    %dma_wait3A_171 = arith.constant 0 : i32
    %dma_wait3A_172 = tpu.memref_slice %arg6[%dma_wait3A_159, %dma_wait3A_170, %dma_wait3A_171] : memref<5x128x128xf32, #tpu.memory_space<vmem>> -> memref<1x128x128xf32, #tpu.memory_space<vmem>>
    %dma_wait3A_173 = tpu.memref_squeeze %dma_wait3A_172 : memref<1x128x128xf32, #tpu.memory_space<vmem>> -> memref<128x128xf32, #tpu.memory_space<vmem>>
    %dma_wait3A_174 = arith.constant 0 : i32
    %dma_wait3A_175 = arith.constant 0 : i32
    %dma_wait3A_176 = tpu.memref_slice %arg2[%dma_wait3A_174, %dma_wait3A_175] : memref<10000x128xf32, #tpu.memory_space<hbm>> -> memref<128x128xf32, #tpu.memory_space<hbm>>
    tpu.wait_dma2 semaphore(%dma_wait3A_169 : memref<!tpu.dma_semaphore, #tpu.memory_space<semaphore_mem>>) src(%dma_wait3A_176 : memref<128x128xf32, #tpu.memory_space<hbm>>) dst(%dma_wait3A_173 : memref<128x128xf32, #tpu.memory_space<vmem>>)
    %add3A_177 = arith.constant 32 : i32
    %add3A_178 = arith.addi %add3A_4, %add3A_177 : i32
    %mul3A_179 = arith.constant 128 : i32
    %mul3A_180 = arith.muli %add3A_178, %mul3A_179 : i32
    %dma_start3A_181 = arith.constant 2 : i32
    %dma_start3A_182 = arith.constant 2 : i32
    %dma_start3A_183 = arith.constant 0 : i32
    %dma_start3A_184 = arith.constant 0 : i32
    %dma_start3A_185 = tpu.memref_slice %arg6[%dma_start3A_181, %dma_start3A_183, %dma_start3A_184] : memref<5x128x128xf32, #tpu.memory_space<vmem>> -> memref<1x128x128xf32, #tpu.memory_space<vmem>>
    %dma_start3A_186 = tpu.memref_squeeze %dma_start3A_185 : memref<1x128x128xf32, #tpu.memory_space<vmem>> -> memref<128x128xf32, #tpu.memory_space<vmem>>
    %dma_start3A_187 = arith.constant 0 : i32
    %dma_start3A_188 = tpu.memref_slice %arg4[%mul3A_180, %dma_start3A_187] : memref<160000x128xf32, #tpu.memory_space<hbm>> -> memref<128x128xf32, #tpu.memory_space<hbm>>
    %dma_start3A_189 = tpu.memref_slice %arg8[%dma_start3A_182] : memref<5x!tpu.dma_semaphore, #tpu.memory_space<semaphore_mem>> -> memref<1x!tpu.dma_semaphore, #tpu.memory_space<semaphore_mem>>
    %dma_start3A_190 = tpu.memref_squeeze %dma_start3A_189 : memref<1x!tpu.dma_semaphore, #tpu.memory_space<semaphore_mem>> -> memref<!tpu.dma_semaphore, #tpu.memory_space<semaphore_mem>>
    %dma_start3A_191 = arith.constant 0 : i32
    %dma_start3A_192 = tpu.memref_slice %arg4[%mul3A_180, %dma_start3A_191] : memref<160000x128xf32, #tpu.memory_space<hbm>> -> memref<128x128xf32, #tpu.memory_space<hbm>>
    %dma_start3A_193 = arith.constant 0 : i32
    %dma_start3A_194 = arith.constant 0 : i32
    %dma_start3A_195 = tpu.memref_slice %arg6[%dma_start3A_181, %dma_start3A_193, %dma_start3A_194] : memref<5x128x128xf32, #tpu.memory_space<vmem>> -> memref<1x128x128xf32, #tpu.memory_space<vmem>>
    %dma_start3A_196 = tpu.memref_squeeze %dma_start3A_195 : memref<1x128x128xf32, #tpu.memory_space<vmem>> -> memref<128x128xf32, #tpu.memory_space<vmem>>
    tpu.enqueue_dma source(%dma_start3A_196 : memref<128x128xf32, #tpu.memory_space<vmem>>) target(%dma_start3A_192 : memref<128x128xf32, #tpu.memory_space<hbm>>) target_semaphore(%dma_start3A_190 : memref<!tpu.dma_semaphore, #tpu.memory_space<semaphore_mem>>)
    %add3A_197 = arith.constant 30 : i32
    %add3A_198 = arith.addi %add3A_4, %add3A_197 : i32
    %mul3A_199 = arith.constant 128 : i32
    %mul3A_200 = arith.muli %add3A_198, %mul3A_199 : i32
    %dma_wait3A_201 = arith.constant 0 : i32
    %dma_wait3A_202 = arith.constant 0 : i32
    %dma_wait3A_203 = arith.constant 0 : i32
    %dma_wait3A_204 = arith.constant 0 : i32
    %dma_wait3A_205 = tpu.memref_slice %arg6[%dma_wait3A_201, %dma_wait3A_203, %dma_wait3A_204] : memref<5x128x128xf32, #tpu.memory_space<vmem>> -> memref<1x128x128xf32, #tpu.memory_space<vmem>>
    %dma_wait3A_206 = tpu.memref_squeeze %dma_wait3A_205 : memref<1x128x128xf32, #tpu.memory_space<vmem>> -> memref<128x128xf32, #tpu.memory_space<vmem>>
    %dma_wait3A_207 = arith.constant 0 : i32
    %dma_wait3A_208 = tpu.memref_slice %arg4[%mul3A_200, %dma_wait3A_207] : memref<160000x128xf32, #tpu.memory_space<hbm>> -> memref<128x128xf32, #tpu.memory_space<hbm>>
    %dma_wait3A_209 = tpu.memref_slice %arg8[%dma_wait3A_202] : memref<5x!tpu.dma_semaphore, #tpu.memory_space<semaphore_mem>> -> memref<1x!tpu.dma_semaphore, #tpu.memory_space<semaphore_mem>>
    %dma_wait3A_210 = tpu.memref_squeeze %dma_wait3A_209 : memref<1x!tpu.dma_semaphore, #tpu.memory_space<semaphore_mem>> -> memref<!tpu.dma_semaphore, #tpu.memory_space<semaphore_mem>>
    %dma_wait3A_211 = arith.constant 0 : i32
    %dma_wait3A_212 = tpu.memref_slice %arg4[%mul3A_200, %dma_wait3A_211] : memref<160000x128xf32, #tpu.memory_space<hbm>> -> memref<128x128xf32, #tpu.memory_space<hbm>>
    %dma_wait3A_213 = arith.constant 0 : i32
    %dma_wait3A_214 = arith.constant 0 : i32
    %dma_wait3A_215 = tpu.memref_slice %arg6[%dma_wait3A_201, %dma_wait3A_213, %dma_wait3A_214] : memref<5x128x128xf32, #tpu.memory_space<vmem>> -> memref<1x128x128xf32, #tpu.memory_space<vmem>>
    %dma_wait3A_216 = tpu.memref_squeeze %dma_wait3A_215 : memref<1x128x128xf32, #tpu.memory_space<vmem>> -> memref<128x128xf32, #tpu.memory_space<vmem>>
    tpu.wait_dma2 semaphore(%dma_wait3A_210 : memref<!tpu.dma_semaphore, #tpu.memory_space<semaphore_mem>>) src(%dma_wait3A_216 : memref<128x128xf32, #tpu.memory_space<vmem>>) dst(%dma_wait3A_212 : memref<128x128xf32, #tpu.memory_space<hbm>>)
    %dma_start3A_217 = arith.constant 35 : i32
    %dma_start3A_218 = arith.constant 0 : i32
    %dma_start3A_219 = arith.constant 0 : i32
    %dma_start3A_220 = arith.constant 0 : i32
    %dma_start3A_221 = arith.constant 0 : i32
    %dma_start3A_222 = tpu.memref_slice %arg6[%dma_start3A_218, %dma_start3A_220, %dma_start3A_221] : memref<5x128x128xf32, #tpu.memory_space<vmem>> -> memref<1x128x128xf32, #tpu.memory_space<vmem>>
    %dma_start3A_223 = tpu.memref_squeeze %dma_start3A_222 : memref<1x128x128xf32, #tpu.memory_space<vmem>> -> memref<128x128xf32, #tpu.memory_space<vmem>>
    %dma_start3A_224 = arith.constant 0 : i32
    %dma_start3A_225 = tpu.memref_slice %arg5[%dma_start3A_217, %dma_start3A_224] : memref<40x128xi32, #tpu.memory_space<vmem>> -> memref<1x128xi32, #tpu.memory_space<vmem>>
    %dma_start3A_226 = tpu.memref_squeeze %dma_start3A_225 : memref<1x128xi32, #tpu.memory_space<vmem>> -> memref<128xi32, #tpu.memory_space<vmem>>
    %dma_start3A_227 = arith.constant 0 : i32
    %dma_start3A_228 = arith.constant 0 : i32
    %dma_start3A_229 = tpu.memref_slice %arg2[%dma_start3A_227, %dma_start3A_228] : memref<10000x128xf32, #tpu.memory_space<hbm>> -> memref<10000x128xf32, #tpu.memory_space<hbm>>
    %dma_start3A_230 = tpu.memref_slice %arg7[%dma_start3A_219] : memref<5x!tpu.dma_semaphore, #tpu.memory_space<semaphore_mem>> -> memref<1x!tpu.dma_semaphore, #tpu.memory_space<semaphore_mem>>
    %dma_start3A_231 = tpu.memref_squeeze %dma_start3A_230 : memref<1x!tpu.dma_semaphore, #tpu.memory_space<semaphore_mem>> -> memref<!tpu.dma_semaphore, #tpu.memory_space<semaphore_mem>>
    tpu.enqueue_indirect_dma source(%dma_start3A_229 : memref<10000x128xf32, #tpu.memory_space<hbm>>) target(%dma_start3A_223 : memref<128x128xf32, #tpu.memory_space<vmem>>) offsets(%dma_start3A_226 : memref<128xi32, #tpu.memory_space<vmem>>) semaphore(%dma_start3A_231 : memref<!tpu.dma_semaphore, #tpu.memory_space<semaphore_mem>>)
    %dma_wait3A_232 = arith.constant 3 : i32
    %dma_wait3A_233 = arith.constant 3 : i32
    %dma_wait3A_234 = arith.constant 0 : i32
    %dma_wait3A_235 = arith.constant 0 : i32
    %dma_wait3A_236 = tpu.memref_slice %arg6[%dma_wait3A_232, %dma_wait3A_234, %dma_wait3A_235] : memref<5x128x128xf32, #tpu.memory_space<vmem>> -> memref<1x128x128xf32, #tpu.memory_space<vmem>>
    %dma_wait3A_237 = tpu.memref_squeeze %dma_wait3A_236 : memref<1x128x128xf32, #tpu.memory_space<vmem>> -> memref<128x128xf32, #tpu.memory_space<vmem>>
    %dma_wait3A_238 = arith.constant 0 : i32
    %dma_wait3A_239 = arith.constant 0 : i32
    %dma_wait3A_240 = tpu.memref_slice %arg2[%dma_wait3A_238, %dma_wait3A_239] : memref<10000x128xf32, #tpu.memory_space<hbm>> -> memref<128x128xf32, #tpu.memory_space<hbm>>
    %dma_wait3A_241 = tpu.memref_slice %arg7[%dma_wait3A_233] : memref<5x!tpu.dma_semaphore, #tpu.memory_space<semaphore_mem>> -> memref<1x!tpu.dma_semaphore, #tpu.memory_space<semaphore_mem>>
    %dma_wait3A_242 = tpu.memref_squeeze %dma_wait3A_241 : memref<1x!tpu.dma_semaphore, #tpu.memory_space<semaphore_mem>> -> memref<!tpu.dma_semaphore, #tpu.memory_space<semaphore_mem>>
    %dma_wait3A_243 = arith.constant 0 : i32
    %dma_wait3A_244 = arith.constant 0 : i32
    %dma_wait3A_245 = tpu.memref_slice %arg6[%dma_wait3A_232, %dma_wait3A_243, %dma_wait3A_244] : memref<5x128x128xf32, #tpu.memory_space<vmem>> -> memref<1x128x128xf32, #tpu.memory_space<vmem>>
    %dma_wait3A_246 = tpu.memref_squeeze %dma_wait3A_245 : memref<1x128x128xf32, #tpu.memory_space<vmem>> -> memref<128x128xf32, #tpu.memory_space<vmem>>
    %dma_wait3A_247 = arith.constant 0 : i32
    %dma_wait3A_248 = arith.constant 0 : i32
    %dma_wait3A_249 = tpu.memref_slice %arg2[%dma_wait3A_247, %dma_wait3A_248] : memref<10000x128xf32, #tpu.memory_space<hbm>> -> memref<128x128xf32, #tpu.memory_space<hbm>>
    tpu.wait_dma2 semaphore(%dma_wait3A_242 : memref<!tpu.dma_semaphore, #tpu.memory_space<semaphore_mem>>) src(%dma_wait3A_249 : memref<128x128xf32, #tpu.memory_space<hbm>>) dst(%dma_wait3A_246 : memref<128x128xf32, #tpu.memory_space<vmem>>)
    %add3A_250 = arith.constant 33 : i32
    %add3A_251 = arith.addi %add3A_4, %add3A_250 : i32
    %mul3A_252 = arith.constant 128 : i32
    %mul3A_253 = arith.muli %add3A_251, %mul3A_252 : i32
    %dma_start3A_254 = arith.constant 3 : i32
    %dma_start3A_255 = arith.constant 3 : i32
    %dma_start3A_256 = arith.constant 0 : i32
    %dma_start3A_257 = arith.constant 0 : i32
    %dma_start3A_258 = tpu.memref_slice %arg6[%dma_start3A_254, %dma_start3A_256, %dma_start3A_257] : memref<5x128x128xf32, #tpu.memory_space<vmem>> -> memref<1x128x128xf32, #tpu.memory_space<vmem>>
    %dma_start3A_259 = tpu.memref_squeeze %dma_start3A_258 : memref<1x128x128xf32, #tpu.memory_space<vmem>> -> memref<128x128xf32, #tpu.memory_space<vmem>>
    %dma_start3A_260 = arith.constant 0 : i32
    %dma_start3A_261 = tpu.memref_slice %arg4[%mul3A_253, %dma_start3A_260] : memref<160000x128xf32, #tpu.memory_space<hbm>> -> memref<128x128xf32, #tpu.memory_space<hbm>>
    %dma_start3A_262 = tpu.memref_slice %arg8[%dma_start3A_255] : memref<5x!tpu.dma_semaphore, #tpu.memory_space<semaphore_mem>> -> memref<1x!tpu.dma_semaphore, #tpu.memory_space<semaphore_mem>>
    %dma_start3A_263 = tpu.memref_squeeze %dma_start3A_262 : memref<1x!tpu.dma_semaphore, #tpu.memory_space<semaphore_mem>> -> memref<!tpu.dma_semaphore, #tpu.memory_space<semaphore_mem>>
    %dma_start3A_264 = arith.constant 0 : i32
    %dma_start3A_265 = tpu.memref_slice %arg4[%mul3A_253, %dma_start3A_264] : memref<160000x128xf32, #tpu.memory_space<hbm>> -> memref<128x128xf32, #tpu.memory_space<hbm>>
    %dma_start3A_266 = arith.constant 0 : i32
    %dma_start3A_267 = arith.constant 0 : i32
    %dma_start3A_268 = tpu.memref_slice %arg6[%dma_start3A_254, %dma_start3A_266, %dma_start3A_267] : memref<5x128x128xf32, #tpu.memory_space<vmem>> -> memref<1x128x128xf32, #tpu.memory_space<vmem>>
    %dma_start3A_269 = tpu.memref_squeeze %dma_start3A_268 : memref<1x128x128xf32, #tpu.memory_space<vmem>> -> memref<128x128xf32, #tpu.memory_space<vmem>>
    tpu.enqueue_dma source(%dma_start3A_269 : memref<128x128xf32, #tpu.memory_space<vmem>>) target(%dma_start3A_265 : memref<128x128xf32, #tpu.memory_space<hbm>>) target_semaphore(%dma_start3A_263 : memref<!tpu.dma_semaphore, #tpu.memory_space<semaphore_mem>>)
    %add3A_270 = arith.constant 31 : i32
    %add3A_271 = arith.addi %add3A_4, %add3A_270 : i32
    %mul3A_272 = arith.constant 128 : i32
    %mul3A_273 = arith.muli %add3A_271, %mul3A_272 : i32
    %dma_wait3A_274 = arith.constant 1 : i32
    %dma_wait3A_275 = arith.constant 1 : i32
    %dma_wait3A_276 = arith.constant 0 : i32
    %dma_wait3A_277 = arith.constant 0 : i32
    %dma_wait3A_278 = tpu.memref_slice %arg6[%dma_wait3A_274, %dma_wait3A_276, %dma_wait3A_277] : memref<5x128x128xf32, #tpu.memory_space<vmem>> -> memref<1x128x128xf32, #tpu.memory_space<vmem>>
    %dma_wait3A_279 = tpu.memref_squeeze %dma_wait3A_278 : memref<1x128x128xf32, #tpu.memory_space<vmem>> -> memref<128x128xf32, #tpu.memory_space<vmem>>
    %dma_wait3A_280 = arith.constant 0 : i32
    %dma_wait3A_281 = tpu.memref_slice %arg4[%mul3A_273, %dma_wait3A_280] : memref<160000x128xf32, #tpu.memory_space<hbm>> -> memref<128x128xf32, #tpu.memory_space<hbm>>
    %dma_wait3A_282 = tpu.memref_slice %arg8[%dma_wait3A_275] : memref<5x!tpu.dma_semaphore, #tpu.memory_space<semaphore_mem>> -> memref<1x!tpu.dma_semaphore, #tpu.memory_space<semaphore_mem>>
    %dma_wait3A_283 = tpu.memref_squeeze %dma_wait3A_282 : memref<1x!tpu.dma_semaphore, #tpu.memory_space<semaphore_mem>> -> memref<!tpu.dma_semaphore, #tpu.memory_space<semaphore_mem>>
    %dma_wait3A_284 = arith.constant 0 : i32
    %dma_wait3A_285 = tpu.memref_slice %arg4[%mul3A_273, %dma_wait3A_284] : memref<160000x128xf32, #tpu.memory_space<hbm>> -> memref<128x128xf32, #tpu.memory_space<hbm>>
    %dma_wait3A_286 = arith.constant 0 : i32
    %dma_wait3A_287 = arith.constant 0 : i32
    %dma_wait3A_288 = tpu.memref_slice %arg6[%dma_wait3A_274, %dma_wait3A_286, %dma_wait3A_287] : memref<5x128x128xf32, #tpu.memory_space<vmem>> -> memref<1x128x128xf32, #tpu.memory_space<vmem>>
    %dma_wait3A_289 = tpu.memref_squeeze %dma_wait3A_288 : memref<1x128x128xf32, #tpu.memory_space<vmem>> -> memref<128x128xf32, #tpu.memory_space<vmem>>
    tpu.wait_dma2 semaphore(%dma_wait3A_283 : memref<!tpu.dma_semaphore, #tpu.memory_space<semaphore_mem>>) src(%dma_wait3A_289 : memref<128x128xf32, #tpu.memory_space<vmem>>) dst(%dma_wait3A_285 : memref<128x128xf32, #tpu.memory_space<hbm>>)
    %dma_start3A_290 = arith.constant 36 : i32
    %dma_start3A_291 = arith.constant 1 : i32
    %dma_start3A_292 = arith.constant 1 : i32
    %dma_start3A_293 = arith.constant 0 : i32
    %dma_start3A_294 = arith.constant 0 : i32
    %dma_start3A_295 = tpu.memref_slice %arg6[%dma_start3A_291, %dma_start3A_293, %dma_start3A_294] : memref<5x128x128xf32, #tpu.memory_space<vmem>> -> memref<1x128x128xf32, #tpu.memory_space<vmem>>
    %dma_start3A_296 = tpu.memref_squeeze %dma_start3A_295 : memref<1x128x128xf32, #tpu.memory_space<vmem>> -> memref<128x128xf32, #tpu.memory_space<vmem>>
    %dma_start3A_297 = arith.constant 0 : i32
    %dma_start3A_298 = tpu.memref_slice %arg5[%dma_start3A_290, %dma_start3A_297] : memref<40x128xi32, #tpu.memory_space<vmem>> -> memref<1x128xi32, #tpu.memory_space<vmem>>
    %dma_start3A_299 = tpu.memref_squeeze %dma_start3A_298 : memref<1x128xi32, #tpu.memory_space<vmem>> -> memref<128xi32, #tpu.memory_space<vmem>>
    %dma_start3A_300 = arith.constant 0 : i32
    %dma_start3A_301 = arith.constant 0 : i32
    %dma_start3A_302 = tpu.memref_slice %arg2[%dma_start3A_300, %dma_start3A_301] : memref<10000x128xf32, #tpu.memory_space<hbm>> -> memref<10000x128xf32, #tpu.memory_space<hbm>>
    %dma_start3A_303 = tpu.memref_slice %arg7[%dma_start3A_292] : memref<5x!tpu.dma_semaphore, #tpu.memory_space<semaphore_mem>> -> memref<1x!tpu.dma_semaphore, #tpu.memory_space<semaphore_mem>>
    %dma_start3A_304 = tpu.memref_squeeze %dma_start3A_303 : memref<1x!tpu.dma_semaphore, #tpu.memory_space<semaphore_mem>> -> memref<!tpu.dma_semaphore, #tpu.memory_space<semaphore_mem>>
    tpu.enqueue_indirect_dma source(%dma_start3A_302 : memref<10000x128xf32, #tpu.memory_space<hbm>>) target(%dma_start3A_296 : memref<128x128xf32, #tpu.memory_space<vmem>>) offsets(%dma_start3A_299 : memref<128xi32, #tpu.memory_space<vmem>>) semaphore(%dma_start3A_304 : memref<!tpu.dma_semaphore, #tpu.memory_space<semaphore_mem>>)
    %dma_wait3A_305 = arith.constant 4 : i32
    %dma_wait3A_306 = arith.constant 4 : i32
    %dma_wait3A_307 = arith.constant 0 : i32
    %dma_wait3A_308 = arith.constant 0 : i32
    %dma_wait3A_309 = tpu.memref_slice %arg6[%dma_wait3A_305, %dma_wait3A_307, %dma_wait3A_308] : memref<5x128x128xf32, #tpu.memory_space<vmem>> -> memref<1x128x128xf32, #tpu.memory_space<vmem>>
    %dma_wait3A_310 = tpu.memref_squeeze %dma_wait3A_309 : memref<1x128x128xf32, #tpu.memory_space<vmem>> -> memref<128x128xf32, #tpu.memory_space<vmem>>
    %dma_wait3A_311 = arith.constant 0 : i32
    %dma_wait3A_312 = arith.constant 0 : i32
    %dma_wait3A_313 = tpu.memref_slice %arg2[%dma_wait3A_311, %dma_wait3A_312] : memref<10000x128xf32, #tpu.memory_space<hbm>> -> memref<128x128xf32, #tpu.memory_space<hbm>>
    %dma_wait3A_314 = tpu.memref_slice %arg7[%dma_wait3A_306] : memref<5x!tpu.dma_semaphore, #tpu.memory_space<semaphore_mem>> -> memref<1x!tpu.dma_semaphore, #tpu.memory_space<semaphore_mem>>
    %dma_wait3A_315 = tpu.memref_squeeze %dma_wait3A_314 : memref<1x!tpu.dma_semaphore, #tpu.memory_space<semaphore_mem>> -> memref<!tpu.dma_semaphore, #tpu.memory_space<semaphore_mem>>
    %dma_wait3A_316 = arith.constant 0 : i32
    %dma_wait3A_317 = arith.constant 0 : i32
    %dma_wait3A_318 = tpu.memref_slice %arg6[%dma_wait3A_305, %dma_wait3A_316, %dma_wait3A_317] : memref<5x128x128xf32, #tpu.memory_space<vmem>> -> memref<1x128x128xf32, #tpu.memory_space<vmem>>
    %dma_wait3A_319 = tpu.memref_squeeze %dma_wait3A_318 : memref<1x128x128xf32, #tpu.memory_space<vmem>> -> memref<128x128xf32, #tpu.memory_space<vmem>>
    %dma_wait3A_320 = arith.constant 0 : i32
    %dma_wait3A_321 = arith.constant 0 : i32
    %dma_wait3A_322 = tpu.memref_slice %arg2[%dma_wait3A_320, %dma_wait3A_321] : memref<10000x128xf32, #tpu.memory_space<hbm>> -> memref<128x128xf32, #tpu.memory_space<hbm>>
    tpu.wait_dma2 semaphore(%dma_wait3A_315 : memref<!tpu.dma_semaphore, #tpu.memory_space<semaphore_mem>>) src(%dma_wait3A_322 : memref<128x128xf32, #tpu.memory_space<hbm>>) dst(%dma_wait3A_319 : memref<128x128xf32, #tpu.memory_space<vmem>>)
    %add3A_323 = arith.constant 34 : i32
    %add3A_324 = arith.addi %add3A_4, %add3A_323 : i32
    %mul3A_325 = arith.constant 128 : i32
    %mul3A_326 = arith.muli %add3A_324, %mul3A_325 : i32
    %dma_start3A_327 = arith.constant 4 : i32
    %dma_start3A_328 = arith.constant 4 : i32
    %dma_start3A_329 = arith.constant 0 : i32
    %dma_start3A_330 = arith.constant 0 : i32
    %dma_start3A_331 = tpu.memref_slice %arg6[%dma_start3A_327, %dma_start3A_329, %dma_start3A_330] : memref<5x128x128xf32, #tpu.memory_space<vmem>> -> memref<1x128x128xf32, #tpu.memory_space<vmem>>
    %dma_start3A_332 = tpu.memref_squeeze %dma_start3A_331 : memref<1x128x128xf32, #tpu.memory_space<vmem>> -> memref<128x128xf32, #tpu.memory_space<vmem>>
    %dma_start3A_333 = arith.constant 0 : i32
    %dma_start3A_334 = tpu.memref_slice %arg4[%mul3A_326, %dma_start3A_333] : memref<160000x128xf32, #tpu.memory_space<hbm>> -> memref<128x128xf32, #tpu.memory_space<hbm>>
    %dma_start3A_335 = tpu.memref_slice %arg8[%dma_start3A_328] : memref<5x!tpu.dma_semaphore, #tpu.memory_space<semaphore_mem>> -> memref<1x!tpu.dma_semaphore, #tpu.memory_space<semaphore_mem>>
    %dma_start3A_336 = tpu.memref_squeeze %dma_start3A_335 : memref<1x!tpu.dma_semaphore, #tpu.memory_space<semaphore_mem>> -> memref<!tpu.dma_semaphore, #tpu.memory_space<semaphore_mem>>
    %dma_start3A_337 = arith.constant 0 : i32
    %dma_start3A_338 = tpu.memref_slice %arg4[%mul3A_326, %dma_start3A_337] : memref<160000x128xf32, #tpu.memory_space<hbm>> -> memref<128x128xf32, #tpu.memory_space<hbm>>
    %dma_start3A_339 = arith.constant 0 : i32
    %dma_start3A_340 = arith.constant 0 : i32
    %dma_start3A_341 = tpu.memref_slice %arg6[%dma_start3A_327, %dma_start3A_339, %dma_start3A_340] : memref<5x128x128xf32, #tpu.memory_space<vmem>> -> memref<1x128x128xf32, #tpu.memory_space<vmem>>
    %dma_start3A_342 = tpu.memref_squeeze %dma_start3A_341 : memref<1x128x128xf32, #tpu.memory_space<vmem>> -> memref<128x128xf32, #tpu.memory_space<vmem>>
    tpu.enqueue_dma source(%dma_start3A_342 : memref<128x128xf32, #tpu.memory_space<vmem>>) target(%dma_start3A_338 : memref<128x128xf32, #tpu.memory_space<hbm>>) target_semaphore(%dma_start3A_336 : memref<!tpu.dma_semaphore, #tpu.memory_space<semaphore_mem>>)
    %add3A_343 = arith.constant 32 : i32
    %add3A_344 = arith.addi %add3A_4, %add3A_343 : i32
    %mul3A_345 = arith.constant 128 : i32
    %mul3A_346 = arith.muli %add3A_344, %mul3A_345 : i32
    %dma_wait3A_347 = arith.constant 2 : i32
    %dma_wait3A_348 = arith.constant 2 : i32
    %dma_wait3A_349 = arith.constant 0 : i32
    %dma_wait3A_350 = arith.constant 0 : i32
    %dma_wait3A_351 = tpu.memref_slice %arg6[%dma_wait3A_347, %dma_wait3A_349, %dma_wait3A_350] : memref<5x128x128xf32, #tpu.memory_space<vmem>> -> memref<1x128x128xf32, #tpu.memory_space<vmem>>
    %dma_wait3A_352 = tpu.memref_squeeze %dma_wait3A_351 : memref<1x128x128xf32, #tpu.memory_space<vmem>> -> memref<128x128xf32, #tpu.memory_space<vmem>>
    %dma_wait3A_353 = arith.constant 0 : i32
    %dma_wait3A_354 = tpu.memref_slice %arg4[%mul3A_346, %dma_wait3A_353] : memref<160000x128xf32, #tpu.memory_space<hbm>> -> memref<128x128xf32, #tpu.memory_space<hbm>>
    %dma_wait3A_355 = tpu.memref_slice %arg8[%dma_wait3A_348] : memref<5x!tpu.dma_semaphore, #tpu.memory_space<semaphore_mem>> -> memref<1x!tpu.dma_semaphore, #tpu.memory_space<semaphore_mem>>
    %dma_wait3A_356 = tpu.memref_squeeze %dma_wait3A_355 : memref<1x!tpu.dma_semaphore, #tpu.memory_space<semaphore_mem>> -> memref<!tpu.dma_semaphore, #tpu.memory_space<semaphore_mem>>
    %dma_wait3A_357 = arith.constant 0 : i32
    %dma_wait3A_358 = tpu.memref_slice %arg4[%mul3A_346, %dma_wait3A_357] : memref<160000x128xf32, #tpu.memory_space<hbm>> -> memref<128x128xf32, #tpu.memory_space<hbm>>
    %dma_wait3A_359 = arith.constant 0 : i32
    %dma_wait3A_360 = arith.constant 0 : i32
    %dma_wait3A_361 = tpu.memref_slice %arg6[%dma_wait3A_347, %dma_wait3A_359, %dma_wait3A_360] : memref<5x128x128xf32, #tpu.memory_space<vmem>> -> memref<1x128x128xf32, #tpu.memory_space<vmem>>
    %dma_wait3A_362 = tpu.memref_squeeze %dma_wait3A_361 : memref<1x128x128xf32, #tpu.memory_space<vmem>> -> memref<128x128xf32, #tpu.memory_space<vmem>>
    tpu.wait_dma2 semaphore(%dma_wait3A_356 : memref<!tpu.dma_semaphore, #tpu.memory_space<semaphore_mem>>) src(%dma_wait3A_362 : memref<128x128xf32, #tpu.memory_space<vmem>>) dst(%dma_wait3A_358 : memref<128x128xf32, #tpu.memory_space<hbm>>)
    %dma_start3A_363 = arith.constant 37 : i32
    %dma_start3A_364 = arith.constant 2 : i32
    %dma_start3A_365 = arith.constant 2 : i32
    %dma_start3A_366 = arith.constant 0 : i32
    %dma_start3A_367 = arith.constant 0 : i32
    %dma_start3A_368 = tpu.memref_slice %arg6[%dma_start3A_364, %dma_start3A_366, %dma_start3A_367] : memref<5x128x128xf32, #tpu.memory_space<vmem>> -> memref<1x128x128xf32, #tpu.memory_space<vmem>>
    %dma_start3A_369 = tpu.memref_squeeze %dma_start3A_368 : memref<1x128x128xf32, #tpu.memory_space<vmem>> -> memref<128x128xf32, #tpu.memory_space<vmem>>
    %dma_start3A_370 = arith.constant 0 : i32
    %dma_start3A_371 = tpu.memref_slice %arg5[%dma_start3A_363, %dma_start3A_370] : memref<40x128xi32, #tpu.memory_space<vmem>> -> memref<1x128xi32, #tpu.memory_space<vmem>>
    %dma_start3A_372 = tpu.memref_squeeze %dma_start3A_371 : memref<1x128xi32, #tpu.memory_space<vmem>> -> memref<128xi32, #tpu.memory_space<vmem>>
    %dma_start3A_373 = arith.constant 0 : i32
    %dma_start3A_374 = arith.constant 0 : i32
    %dma_start3A_375 = tpu.memref_slice %arg2[%dma_start3A_373, %dma_start3A_374] : memref<10000x128xf32, #tpu.memory_space<hbm>> -> memref<10000x128xf32, #tpu.memory_space<hbm>>
    %dma_start3A_376 = tpu.memref_slice %arg7[%dma_start3A_365] : memref<5x!tpu.dma_semaphore, #tpu.memory_space<semaphore_mem>> -> memref<1x!tpu.dma_semaphore, #tpu.memory_space<semaphore_mem>>
    %dma_start3A_377 = tpu.memref_squeeze %dma_start3A_376 : memref<1x!tpu.dma_semaphore, #tpu.memory_space<semaphore_mem>> -> memref<!tpu.dma_semaphore, #tpu.memory_space<semaphore_mem>>
    tpu.enqueue_indirect_dma source(%dma_start3A_375 : memref<10000x128xf32, #tpu.memory_space<hbm>>) target(%dma_start3A_369 : memref<128x128xf32, #tpu.memory_space<vmem>>) offsets(%dma_start3A_372 : memref<128xi32, #tpu.memory_space<vmem>>) semaphore(%dma_start3A_377 : memref<!tpu.dma_semaphore, #tpu.memory_space<semaphore_mem>>)
    %dma_wait3A_378 = arith.constant 0 : i32
    %dma_wait3A_379 = arith.constant 0 : i32
    %dma_wait3A_380 = arith.constant 0 : i32
    %dma_wait3A_381 = arith.constant 0 : i32
    %dma_wait3A_382 = tpu.memref_slice %arg6[%dma_wait3A_378, %dma_wait3A_380, %dma_wait3A_381] : memref<5x128x128xf32, #tpu.memory_space<vmem>> -> memref<1x128x128xf32, #tpu.memory_space<vmem>>
    %dma_wait3A_383 = tpu.memref_squeeze %dma_wait3A_382 : memref<1x128x128xf32, #tpu.memory_space<vmem>> -> memref<128x128xf32, #tpu.memory_space<vmem>>
    %dma_wait3A_384 = arith.constant 0 : i32
    %dma_wait3A_385 = arith.constant 0 : i32
    %dma_wait3A_386 = tpu.memref_slice %arg2[%dma_wait3A_384, %dma_wait3A_385] : memref<10000x128xf32, #tpu.memory_space<hbm>> -> memref<128x128xf32, #tpu.memory_space<hbm>>
    %dma_wait3A_387 = tpu.memref_slice %arg7[%dma_wait3A_379] : memref<5x!tpu.dma_semaphore, #tpu.memory_space<semaphore_mem>> -> memref<1x!tpu.dma_semaphore, #tpu.memory_space<semaphore_mem>>
    %dma_wait3A_388 = tpu.memref_squeeze %dma_wait3A_387 : memref<1x!tpu.dma_semaphore, #tpu.memory_space<semaphore_mem>> -> memref<!tpu.dma_semaphore, #tpu.memory_space<semaphore_mem>>
    %dma_wait3A_389 = arith.constant 0 : i32
    %dma_wait3A_390 = arith.constant 0 : i32
    %dma_wait3A_391 = tpu.memref_slice %arg6[%dma_wait3A_378, %dma_wait3A_389, %dma_wait3A_390] : memref<5x128x128xf32, #tpu.memory_space<vmem>> -> memref<1x128x128xf32, #tpu.memory_space<vmem>>
    %dma_wait3A_392 = tpu.memref_squeeze %dma_wait3A_391 : memref<1x128x128xf32, #tpu.memory_space<vmem>> -> memref<128x128xf32, #tpu.memory_space<vmem>>
    %dma_wait3A_393 = arith.constant 0 : i32
    %dma_wait3A_394 = arith.constant 0 : i32
    %dma_wait3A_395 = tpu.memref_slice %arg2[%dma_wait3A_393, %dma_wait3A_394] : memref<10000x128xf32, #tpu.memory_space<hbm>> -> memref<128x128xf32, #tpu.memory_space<hbm>>
    tpu.wait_dma2 semaphore(%dma_wait3A_388 : memref<!tpu.dma_semaphore, #tpu.memory_space<semaphore_mem>>) src(%dma_wait3A_395 : memref<128x128xf32, #tpu.memory_space<hbm>>) dst(%dma_wait3A_392 : memref<128x128xf32, #tpu.memory_space<vmem>>)
    %add3A_396 = arith.constant 35 : i32
    %add3A_397 = arith.addi %add3A_4, %add3A_396 : i32
    %mul3A_398 = arith.constant 128 : i32
    %mul3A_399 = arith.muli %add3A_397, %mul3A_398 : i32
    %dma_start3A_400 = arith.constant 0 : i32
    %dma_start3A_401 = arith.constant 0 : i32
    %dma_start3A_402 = arith.constant 0 : i32
    %dma_start3A_403 = arith.constant 0 : i32
    %dma_start3A_404 = tpu.memref_slice %arg6[%dma_start3A_400, %dma_start3A_402, %dma_start3A_403] : memref<5x128x128xf32, #tpu.memory_space<vmem>> -> memref<1x128x128xf32, #tpu.memory_space<vmem>>
    %dma_start3A_405 = tpu.memref_squeeze %dma_start3A_404 : memref<1x128x128xf32, #tpu.memory_space<vmem>> -> memref<128x128xf32, #tpu.memory_space<vmem>>
    %dma_start3A_406 = arith.constant 0 : i32
    %dma_start3A_407 = tpu.memref_slice %arg4[%mul3A_399, %dma_start3A_406] : memref<160000x128xf32, #tpu.memory_space<hbm>> -> memref<128x128xf32, #tpu.memory_space<hbm>>
    %dma_start3A_408 = tpu.memref_slice %arg8[%dma_start3A_401] : memref<5x!tpu.dma_semaphore, #tpu.memory_space<semaphore_mem>> -> memref<1x!tpu.dma_semaphore, #tpu.memory_space<semaphore_mem>>
    %dma_start3A_409 = tpu.memref_squeeze %dma_start3A_408 : memref<1x!tpu.dma_semaphore, #tpu.memory_space<semaphore_mem>> -> memref<!tpu.dma_semaphore, #tpu.memory_space<semaphore_mem>>
    %dma_start3A_410 = arith.constant 0 : i32
    %dma_start3A_411 = tpu.memref_slice %arg4[%mul3A_399, %dma_start3A_410] : memref<160000x128xf32, #tpu.memory_space<hbm>> -> memref<128x128xf32, #tpu.memory_space<hbm>>
    %dma_start3A_412 = arith.constant 0 : i32
    %dma_start3A_413 = arith.constant 0 : i32
    %dma_start3A_414 = tpu.memref_slice %arg6[%dma_start3A_400, %dma_start3A_412, %dma_start3A_413] : memref<5x128x128xf32, #tpu.memory_space<vmem>> -> memref<1x128x128xf32, #tpu.memory_space<vmem>>
    %dma_start3A_415 = tpu.memref_squeeze %dma_start3A_414 : memref<1x128x128xf32, #tpu.memory_space<vmem>> -> memref<128x128xf32, #tpu.memory_space<vmem>>
    tpu.enqueue_dma source(%dma_start3A_415 : memref<128x128xf32, #tpu.memory_space<vmem>>) target(%dma_start3A_411 : memref<128x128xf32, #tpu.memory_space<hbm>>) target_semaphore(%dma_start3A_409 : memref<!tpu.dma_semaphore, #tpu.memory_space<semaphore_mem>>)
    %add3A_416 = arith.constant 33 : i32
    %add3A_417 = arith.addi %add3A_4, %add3A_416 : i32
    %mul3A_418 = arith.constant 128 : i32
    %mul3A_419 = arith.muli %add3A_417, %mul3A_418 : i32
    %dma_wait3A_420 = arith.constant 3 : i32
    %dma_wait3A_421 = arith.constant 3 : i32
    %dma_wait3A_422 = arith.constant 0 : i32
    %dma_wait3A_423 = arith.constant 0 : i32
    %dma_wait3A_424 = tpu.memref_slice %arg6[%dma_wait3A_420, %dma_wait3A_422, %dma_wait3A_423] : memref<5x128x128xf32, #tpu.memory_space<vmem>> -> memref<1x128x128xf32, #tpu.memory_space<vmem>>
    %dma_wait3A_425 = tpu.memref_squeeze %dma_wait3A_424 : memref<1x128x128xf32, #tpu.memory_space<vmem>> -> memref<128x128xf32, #tpu.memory_space<vmem>>
    %dma_wait3A_426 = arith.constant 0 : i32
    %dma_wait3A_427 = tpu.memref_slice %arg4[%mul3A_419, %dma_wait3A_426] : memref<160000x128xf32, #tpu.memory_space<hbm>> -> memref<128x128xf32, #tpu.memory_space<hbm>>
    %dma_wait3A_428 = tpu.memref_slice %arg8[%dma_wait3A_421] : memref<5x!tpu.dma_semaphore, #tpu.memory_space<semaphore_mem>> -> memref<1x!tpu.dma_semaphore, #tpu.memory_space<semaphore_mem>>
    %dma_wait3A_429 = tpu.memref_squeeze %dma_wait3A_428 : memref<1x!tpu.dma_semaphore, #tpu.memory_space<semaphore_mem>> -> memref<!tpu.dma_semaphore, #tpu.memory_space<semaphore_mem>>
    %dma_wait3A_430 = arith.constant 0 : i32
    %dma_wait3A_431 = tpu.memref_slice %arg4[%mul3A_419, %dma_wait3A_430] : memref<160000x128xf32, #tpu.memory_space<hbm>> -> memref<128x128xf32, #tpu.memory_space<hbm>>
    %dma_wait3A_432 = arith.constant 0 : i32
    %dma_wait3A_433 = arith.constant 0 : i32
    %dma_wait3A_434 = tpu.memref_slice %arg6[%dma_wait3A_420, %dma_wait3A_432, %dma_wait3A_433] : memref<5x128x128xf32, #tpu.memory_space<vmem>> -> memref<1x128x128xf32, #tpu.memory_space<vmem>>
    %dma_wait3A_435 = tpu.memref_squeeze %dma_wait3A_434 : memref<1x128x128xf32, #tpu.memory_space<vmem>> -> memref<128x128xf32, #tpu.memory_space<vmem>>
    tpu.wait_dma2 semaphore(%dma_wait3A_429 : memref<!tpu.dma_semaphore, #tpu.memory_space<semaphore_mem>>) src(%dma_wait3A_435 : memref<128x128xf32, #tpu.memory_space<vmem>>) dst(%dma_wait3A_431 : memref<128x128xf32, #tpu.memory_space<hbm>>)
    %dma_start3A_436 = arith.constant 38 : i32
    %dma_start3A_437 = arith.constant 3 : i32
    %dma_start3A_438 = arith.constant 3 : i32
    %dma_start3A_439 = arith.constant 0 : i32
    %dma_start3A_440 = arith.constant 0 : i32
    %dma_start3A_441 = tpu.memref_slice %arg6[%dma_start3A_437, %dma_start3A_439, %dma_start3A_440] : memref<5x128x128xf32, #tpu.memory_space<vmem>> -> memref<1x128x128xf32, #tpu.memory_space<vmem>>
    %dma_start3A_442 = tpu.memref_squeeze %dma_start3A_441 : memref<1x128x128xf32, #tpu.memory_space<vmem>> -> memref<128x128xf32, #tpu.memory_space<vmem>>
    %dma_start3A_443 = arith.constant 0 : i32
    %dma_start3A_444 = tpu.memref_slice %arg5[%dma_start3A_436, %dma_start3A_443] : memref<40x128xi32, #tpu.memory_space<vmem>> -> memref<1x128xi32, #tpu.memory_space<vmem>>
    %dma_start3A_445 = tpu.memref_squeeze %dma_start3A_444 : memref<1x128xi32, #tpu.memory_space<vmem>> -> memref<128xi32, #tpu.memory_space<vmem>>
    %dma_start3A_446 = arith.constant 0 : i32
    %dma_start3A_447 = arith.constant 0 : i32
    %dma_start3A_448 = tpu.memref_slice %arg2[%dma_start3A_446, %dma_start3A_447] : memref<10000x128xf32, #tpu.memory_space<hbm>> -> memref<10000x128xf32, #tpu.memory_space<hbm>>
    %dma_start3A_449 = tpu.memref_slice %arg7[%dma_start3A_438] : memref<5x!tpu.dma_semaphore, #tpu.memory_space<semaphore_mem>> -> memref<1x!tpu.dma_semaphore, #tpu.memory_space<semaphore_mem>>
    %dma_start3A_450 = tpu.memref_squeeze %dma_start3A_449 : memref<1x!tpu.dma_semaphore, #tpu.memory_space<semaphore_mem>> -> memref<!tpu.dma_semaphore, #tpu.memory_space<semaphore_mem>>
    tpu.enqueue_indirect_dma source(%dma_start3A_448 : memref<10000x128xf32, #tpu.memory_space<hbm>>) target(%dma_start3A_442 : memref<128x128xf32, #tpu.memory_space<vmem>>) offsets(%dma_start3A_445 : memref<128xi32, #tpu.memory_space<vmem>>) semaphore(%dma_start3A_450 : memref<!tpu.dma_semaphore, #tpu.memory_space<semaphore_mem>>)
    %dma_wait3A_451 = arith.constant 1 : i32
    %dma_wait3A_452 = arith.constant 1 : i32
    %dma_wait3A_453 = arith.constant 0 : i32
    %dma_wait3A_454 = arith.constant 0 : i32
    %dma_wait3A_455 = tpu.memref_slice %arg6[%dma_wait3A_451, %dma_wait3A_453, %dma_wait3A_454] : memref<5x128x128xf32, #tpu.memory_space<vmem>> -> memref<1x128x128xf32, #tpu.memory_space<vmem>>
    %dma_wait3A_456 = tpu.memref_squeeze %dma_wait3A_455 : memref<1x128x128xf32, #tpu.memory_space<vmem>> -> memref<128x128xf32, #tpu.memory_space<vmem>>
    %dma_wait3A_457 = arith.constant 0 : i32
    %dma_wait3A_458 = arith.constant 0 : i32
    %dma_wait3A_459 = tpu.memref_slice %arg2[%dma_wait3A_457, %dma_wait3A_458] : memref<10000x128xf32, #tpu.memory_space<hbm>> -> memref<128x128xf32, #tpu.memory_space<hbm>>
    %dma_wait3A_460 = tpu.memref_slice %arg7[%dma_wait3A_452] : memref<5x!tpu.dma_semaphore, #tpu.memory_space<semaphore_mem>> -> memref<1x!tpu.dma_semaphore, #tpu.memory_space<semaphore_mem>>
    %dma_wait3A_461 = tpu.memref_squeeze %dma_wait3A_460 : memref<1x!tpu.dma_semaphore, #tpu.memory_space<semaphore_mem>> -> memref<!tpu.dma_semaphore, #tpu.memory_space<semaphore_mem>>
    %dma_wait3A_462 = arith.constant 0 : i32
    %dma_wait3A_463 = arith.constant 0 : i32
    %dma_wait3A_464 = tpu.memref_slice %arg6[%dma_wait3A_451, %dma_wait3A_462, %dma_wait3A_463] : memref<5x128x128xf32, #tpu.memory_space<vmem>> -> memref<1x128x128xf32, #tpu.memory_space<vmem>>
    %dma_wait3A_465 = tpu.memref_squeeze %dma_wait3A_464 : memref<1x128x128xf32, #tpu.memory_space<vmem>> -> memref<128x128xf32, #tpu.memory_space<vmem>>
    %dma_wait3A_466 = arith.constant 0 : i32
    %dma_wait3A_467 = arith.constant 0 : i32
    %dma_wait3A_468 = tpu.memref_slice %arg2[%dma_wait3A_466, %dma_wait3A_467] : memref<10000x128xf32, #tpu.memory_space<hbm>> -> memref<128x128xf32, #tpu.memory_space<hbm>>
    tpu.wait_dma2 semaphore(%dma_wait3A_461 : memref<!tpu.dma_semaphore, #tpu.memory_space<semaphore_mem>>) src(%dma_wait3A_468 : memref<128x128xf32, #tpu.memory_space<hbm>>) dst(%dma_wait3A_465 : memref<128x128xf32, #tpu.memory_space<vmem>>)
    %add3A_469 = arith.constant 36 : i32
    %add3A_470 = arith.addi %add3A_4, %add3A_469 : i32
    %mul3A_471 = arith.constant 128 : i32
    %mul3A_472 = arith.muli %add3A_470, %mul3A_471 : i32
    %dma_start3A_473 = arith.constant 1 : i32
    %dma_start3A_474 = arith.constant 1 : i32
    %dma_start3A_475 = arith.constant 0 : i32
    %dma_start3A_476 = arith.constant 0 : i32
    %dma_start3A_477 = tpu.memref_slice %arg6[%dma_start3A_473, %dma_start3A_475, %dma_start3A_476] : memref<5x128x128xf32, #tpu.memory_space<vmem>> -> memref<1x128x128xf32, #tpu.memory_space<vmem>>
    %dma_start3A_478 = tpu.memref_squeeze %dma_start3A_477 : memref<1x128x128xf32, #tpu.memory_space<vmem>> -> memref<128x128xf32, #tpu.memory_space<vmem>>
    %dma_start3A_479 = arith.constant 0 : i32
    %dma_start3A_480 = tpu.memref_slice %arg4[%mul3A_472, %dma_start3A_479] : memref<160000x128xf32, #tpu.memory_space<hbm>> -> memref<128x128xf32, #tpu.memory_space<hbm>>
    %dma_start3A_481 = tpu.memref_slice %arg8[%dma_start3A_474] : memref<5x!tpu.dma_semaphore, #tpu.memory_space<semaphore_mem>> -> memref<1x!tpu.dma_semaphore, #tpu.memory_space<semaphore_mem>>
    %dma_start3A_482 = tpu.memref_squeeze %dma_start3A_481 : memref<1x!tpu.dma_semaphore, #tpu.memory_space<semaphore_mem>> -> memref<!tpu.dma_semaphore, #tpu.memory_space<semaphore_mem>>
    %dma_start3A_483 = arith.constant 0 : i32
    %dma_start3A_484 = tpu.memref_slice %arg4[%mul3A_472, %dma_start3A_483] : memref<160000x128xf32, #tpu.memory_space<hbm>> -> memref<128x128xf32, #tpu.memory_space<hbm>>
    %dma_start3A_485 = arith.constant 0 : i32
    %dma_start3A_486 = arith.constant 0 : i32
    %dma_start3A_487 = tpu.memref_slice %arg6[%dma_start3A_473, %dma_start3A_485, %dma_start3A_486] : memref<5x128x128xf32, #tpu.memory_space<vmem>> -> memref<1x128x128xf32, #tpu.memory_space<vmem>>
    %dma_start3A_488 = tpu.memref_squeeze %dma_start3A_487 : memref<1x128x128xf32, #tpu.memory_space<vmem>> -> memref<128x128xf32, #tpu.memory_space<vmem>>
    tpu.enqueue_dma source(%dma_start3A_488 : memref<128x128xf32, #tpu.memory_space<vmem>>) target(%dma_start3A_484 : memref<128x128xf32, #tpu.memory_space<hbm>>) target_semaphore(%dma_start3A_482 : memref<!tpu.dma_semaphore, #tpu.memory_space<semaphore_mem>>)
    %add3A_489 = arith.constant 34 : i32
    %add3A_490 = arith.addi %add3A_4, %add3A_489 : i32
    %mul3A_491 = arith.constant 128 : i32
    %mul3A_492 = arith.muli %add3A_490, %mul3A_491 : i32
    %dma_wait3A_493 = arith.constant 4 : i32
    %dma_wait3A_494 = arith.constant 4 : i32
    %dma_wait3A_495 = arith.constant 0 : i32
    %dma_wait3A_496 = arith.constant 0 : i32
    %dma_wait3A_497 = tpu.memref_slice %arg6[%dma_wait3A_493, %dma_wait3A_495, %dma_wait3A_496] : memref<5x128x128xf32, #tpu.memory_space<vmem>> -> memref<1x128x128xf32, #tpu.memory_space<vmem>>
    %dma_wait3A_498 = tpu.memref_squeeze %dma_wait3A_497 : memref<1x128x128xf32, #tpu.memory_space<vmem>> -> memref<128x128xf32, #tpu.memory_space<vmem>>
    %dma_wait3A_499 = arith.constant 0 : i32
    %dma_wait3A_500 = tpu.memref_slice %arg4[%mul3A_492, %dma_wait3A_499] : memref<160000x128xf32, #tpu.memory_space<hbm>> -> memref<128x128xf32, #tpu.memory_space<hbm>>
    %dma_wait3A_501 = tpu.memref_slice %arg8[%dma_wait3A_494] : memref<5x!tpu.dma_semaphore, #tpu.memory_space<semaphore_mem>> -> memref<1x!tpu.dma_semaphore, #tpu.memory_space<semaphore_mem>>
    %dma_wait3A_502 = tpu.memref_squeeze %dma_wait3A_501 : memref<1x!tpu.dma_semaphore, #tpu.memory_space<semaphore_mem>> -> memref<!tpu.dma_semaphore, #tpu.memory_space<semaphore_mem>>
    %dma_wait3A_503 = arith.constant 0 : i32
    %dma_wait3A_504 = tpu.memref_slice %arg4[%mul3A_492, %dma_wait3A_503] : memref<160000x128xf32, #tpu.memory_space<hbm>> -> memref<128x128xf32, #tpu.memory_space<hbm>>
    %dma_wait3A_505 = arith.constant 0 : i32
    %dma_wait3A_506 = arith.constant 0 : i32
    %dma_wait3A_507 = tpu.memref_slice %arg6[%dma_wait3A_493, %dma_wait3A_505, %dma_wait3A_506] : memref<5x128x128xf32, #tpu.memory_space<vmem>> -> memref<1x128x128xf32, #tpu.memory_space<vmem>>
    %dma_wait3A_508 = tpu.memref_squeeze %dma_wait3A_507 : memref<1x128x128xf32, #tpu.memory_space<vmem>> -> memref<128x128xf32, #tpu.memory_space<vmem>>
    tpu.wait_dma2 semaphore(%dma_wait3A_502 : memref<!tpu.dma_semaphore, #tpu.memory_space<semaphore_mem>>) src(%dma_wait3A_508 : memref<128x128xf32, #tpu.memory_space<vmem>>) dst(%dma_wait3A_504 : memref<128x128xf32, #tpu.memory_space<hbm>>)
    %dma_wait3A_509 = arith.constant 2 : i32
    %dma_wait3A_510 = arith.constant 2 : i32
    %dma_wait3A_511 = arith.constant 0 : i32
    %dma_wait3A_512 = arith.constant 0 : i32
    %dma_wait3A_513 = tpu.memref_slice %arg6[%dma_wait3A_509, %dma_wait3A_511, %dma_wait3A_512] : memref<5x128x128xf32, #tpu.memory_space<vmem>> -> memref<1x128x128xf32, #tpu.memory_space<vmem>>
    %dma_wait3A_514 = tpu.memref_squeeze %dma_wait3A_513 : memref<1x128x128xf32, #tpu.memory_space<vmem>> -> memref<128x128xf32, #tpu.memory_space<vmem>>
    %dma_wait3A_515 = arith.constant 0 : i32
    %dma_wait3A_516 = arith.constant 0 : i32
    %dma_wait3A_517 = tpu.memref_slice %arg2[%dma_wait3A_515, %dma_wait3A_516] : memref<10000x128xf32, #tpu.memory_space<hbm>> -> memref<128x128xf32, #tpu.memory_space<hbm>>
    %dma_wait3A_518 = tpu.memref_slice %arg7[%dma_wait3A_510] : memref<5x!tpu.dma_semaphore, #tpu.memory_space<semaphore_mem>> -> memref<1x!tpu.dma_semaphore, #tpu.memory_space<semaphore_mem>>
    %dma_wait3A_519 = tpu.memref_squeeze %dma_wait3A_518 : memref<1x!tpu.dma_semaphore, #tpu.memory_space<semaphore_mem>> -> memref<!tpu.dma_semaphore, #tpu.memory_space<semaphore_mem>>
    %dma_wait3A_520 = arith.constant 0 : i32
    %dma_wait3A_521 = arith.constant 0 : i32
    %dma_wait3A_522 = tpu.memref_slice %arg6[%dma_wait3A_509, %dma_wait3A_520, %dma_wait3A_521] : memref<5x128x128xf32, #tpu.memory_space<vmem>> -> memref<1x128x128xf32, #tpu.memory_space<vmem>>
    %dma_wait3A_523 = tpu.memref_squeeze %dma_wait3A_522 : memref<1x128x128xf32, #tpu.memory_space<vmem>> -> memref<128x128xf32, #tpu.memory_space<vmem>>
    %dma_wait3A_524 = arith.constant 0 : i32
    %dma_wait3A_525 = arith.constant 0 : i32
    %dma_wait3A_526 = tpu.memref_slice %arg2[%dma_wait3A_524, %dma_wait3A_525] : memref<10000x128xf32, #tpu.memory_space<hbm>> -> memref<128x128xf32, #tpu.memory_space<hbm>>
    tpu.wait_dma2 semaphore(%dma_wait3A_519 : memref<!tpu.dma_semaphore, #tpu.memory_space<semaphore_mem>>) src(%dma_wait3A_526 : memref<128x128xf32, #tpu.memory_space<hbm>>) dst(%dma_wait3A_523 : memref<128x128xf32, #tpu.memory_space<vmem>>)
    %add3A_527 = arith.constant 37 : i32
    %add3A_528 = arith.addi %add3A_4, %add3A_527 : i32
    %mul3A_529 = arith.constant 128 : i32
    %mul3A_530 = arith.muli %add3A_528, %mul3A_529 : i32
    %dma_start3A_531 = arith.constant 2 : i32
    %dma_start3A_532 = arith.constant 2 : i32
    %dma_start3A_533 = arith.constant 0 : i32
    %dma_start3A_534 = arith.constant 0 : i32
    %dma_start3A_535 = tpu.memref_slice %arg6[%dma_start3A_531, %dma_start3A_533, %dma_start3A_534] : memref<5x128x128xf32, #tpu.memory_space<vmem>> -> memref<1x128x128xf32, #tpu.memory_space<vmem>>
    %dma_start3A_536 = tpu.memref_squeeze %dma_start3A_535 : memref<1x128x128xf32, #tpu.memory_space<vmem>> -> memref<128x128xf32, #tpu.memory_space<vmem>>
    %dma_start3A_537 = arith.constant 0 : i32
    %dma_start3A_538 = tpu.memref_slice %arg4[%mul3A_530, %dma_start3A_537] : memref<160000x128xf32, #tpu.memory_space<hbm>> -> memref<128x128xf32, #tpu.memory_space<hbm>>
    %dma_start3A_539 = tpu.memref_slice %arg8[%dma_start3A_532] : memref<5x!tpu.dma_semaphore, #tpu.memory_space<semaphore_mem>> -> memref<1x!tpu.dma_semaphore, #tpu.memory_space<semaphore_mem>>
    %dma_start3A_540 = tpu.memref_squeeze %dma_start3A_539 : memref<1x!tpu.dma_semaphore, #tpu.memory_space<semaphore_mem>> -> memref<!tpu.dma_semaphore, #tpu.memory_space<semaphore_mem>>
    %dma_start3A_541 = arith.constant 0 : i32
    %dma_start3A_542 = tpu.memref_slice %arg4[%mul3A_530, %dma_start3A_541] : memref<160000x128xf32, #tpu.memory_space<hbm>> -> memref<128x128xf32, #tpu.memory_space<hbm>>
    %dma_start3A_543 = arith.constant 0 : i32
    %dma_start3A_544 = arith.constant 0 : i32
    %dma_start3A_545 = tpu.memref_slice %arg6[%dma_start3A_531, %dma_start3A_543, %dma_start3A_544] : memref<5x128x128xf32, #tpu.memory_space<vmem>> -> memref<1x128x128xf32, #tpu.memory_space<vmem>>
    %dma_start3A_546 = tpu.memref_squeeze %dma_start3A_545 : memref<1x128x128xf32, #tpu.memory_space<vmem>> -> memref<128x128xf32, #tpu.memory_space<vmem>>
    tpu.enqueue_dma source(%dma_start3A_546 : memref<128x128xf32, #tpu.memory_space<vmem>>) target(%dma_start3A_542 : memref<128x128xf32, #tpu.memory_space<hbm>>) target_semaphore(%dma_start3A_540 : memref<!tpu.dma_semaphore, #tpu.memory_space<semaphore_mem>>)
    %add3A_547 = arith.constant 35 : i32
    %add3A_548 = arith.addi %add3A_4, %add3A_547 : i32
    %mul3A_549 = arith.constant 128 : i32
    %mul3A_550 = arith.muli %add3A_548, %mul3A_549 : i32
    %dma_wait3A_551 = arith.constant 0 : i32
    %dma_wait3A_552 = arith.constant 0 : i32
    %dma_wait3A_553 = arith.constant 0 : i32
    %dma_wait3A_554 = arith.constant 0 : i32
    %dma_wait3A_555 = tpu.memref_slice %arg6[%dma_wait3A_551, %dma_wait3A_553, %dma_wait3A_554] : memref<5x128x128xf32, #tpu.memory_space<vmem>> -> memref<1x128x128xf32, #tpu.memory_space<vmem>>
    %dma_wait3A_556 = tpu.memref_squeeze %dma_wait3A_555 : memref<1x128x128xf32, #tpu.memory_space<vmem>> -> memref<128x128xf32, #tpu.memory_space<vmem>>
    %dma_wait3A_557 = arith.constant 0 : i32
    %dma_wait3A_558 = tpu.memref_slice %arg4[%mul3A_550, %dma_wait3A_557] : memref<160000x128xf32, #tpu.memory_space<hbm>> -> memref<128x128xf32, #tpu.memory_space<hbm>>
    %dma_wait3A_559 = tpu.memref_slice %arg8[%dma_wait3A_552] : memref<5x!tpu.dma_semaphore, #tpu.memory_space<semaphore_mem>> -> memref<1x!tpu.dma_semaphore, #tpu.memory_space<semaphore_mem>>
    %dma_wait3A_560 = tpu.memref_squeeze %dma_wait3A_559 : memref<1x!tpu.dma_semaphore, #tpu.memory_space<semaphore_mem>> -> memref<!tpu.dma_semaphore, #tpu.memory_space<semaphore_mem>>
    %dma_wait3A_561 = arith.constant 0 : i32
    %dma_wait3A_562 = tpu.memref_slice %arg4[%mul3A_550, %dma_wait3A_561] : memref<160000x128xf32, #tpu.memory_space<hbm>> -> memref<128x128xf32, #tpu.memory_space<hbm>>
    %dma_wait3A_563 = arith.constant 0 : i32
    %dma_wait3A_564 = arith.constant 0 : i32
    %dma_wait3A_565 = tpu.memref_slice %arg6[%dma_wait3A_551, %dma_wait3A_563, %dma_wait3A_564] : memref<5x128x128xf32, #tpu.memory_space<vmem>> -> memref<1x128x128xf32, #tpu.memory_space<vmem>>
    %dma_wait3A_566 = tpu.memref_squeeze %dma_wait3A_565 : memref<1x128x128xf32, #tpu.memory_space<vmem>> -> memref<128x128xf32, #tpu.memory_space<vmem>>
    tpu.wait_dma2 semaphore(%dma_wait3A_560 : memref<!tpu.dma_semaphore, #tpu.memory_space<semaphore_mem>>) src(%dma_wait3A_566 : memref<128x128xf32, #tpu.memory_space<vmem>>) dst(%dma_wait3A_562 : memref<128x128xf32, #tpu.memory_space<hbm>>)
    %dma_wait3A_567 = arith.constant 3 : i32
    %dma_wait3A_568 = arith.constant 3 : i32
    %dma_wait3A_569 = arith.constant 0 : i32
    %dma_wait3A_570 = arith.constant 0 : i32
    %dma_wait3A_571 = tpu.memref_slice %arg6[%dma_wait3A_567, %dma_wait3A_569, %dma_wait3A_570] : memref<5x128x128xf32, #tpu.memory_space<vmem>> -> memref<1x128x128xf32, #tpu.memory_space<vmem>>
    %dma_wait3A_572 = tpu.memref_squeeze %dma_wait3A_571 : memref<1x128x128xf32, #tpu.memory_space<vmem>> -> memref<128x128xf32, #tpu.memory_space<vmem>>
    %dma_wait3A_573 = arith.constant 0 : i32
    %dma_wait3A_574 = arith.constant 0 : i32
    %dma_wait3A_575 = tpu.memref_slice %arg2[%dma_wait3A_573, %dma_wait3A_574] : memref<10000x128xf32, #tpu.memory_space<hbm>> -> memref<128x128xf32, #tpu.memory_space<hbm>>
    %dma_wait3A_576 = tpu.memref_slice %arg7[%dma_wait3A_568] : memref<5x!tpu.dma_semaphore, #tpu.memory_space<semaphore_mem>> -> memref<1x!tpu.dma_semaphore, #tpu.memory_space<semaphore_mem>>
    %dma_wait3A_577 = tpu.memref_squeeze %dma_wait3A_576 : memref<1x!tpu.dma_semaphore, #tpu.memory_space<semaphore_mem>> -> memref<!tpu.dma_semaphore, #tpu.memory_space<semaphore_mem>>
    %dma_wait3A_578 = arith.constant 0 : i32
    %dma_wait3A_579 = arith.constant 0 : i32
    %dma_wait3A_580 = tpu.memref_slice %arg6[%dma_wait3A_567, %dma_wait3A_578, %dma_wait3A_579] : memref<5x128x128xf32, #tpu.memory_space<vmem>> -> memref<1x128x128xf32, #tpu.memory_space<vmem>>
    %dma_wait3A_581 = tpu.memref_squeeze %dma_wait3A_580 : memref<1x128x128xf32, #tpu.memory_space<vmem>> -> memref<128x128xf32, #tpu.memory_space<vmem>>
    %dma_wait3A_582 = arith.constant 0 : i32
    %dma_wait3A_583 = arith.constant 0 : i32
    %dma_wait3A_584 = tpu.memref_slice %arg2[%dma_wait3A_582, %dma_wait3A_583] : memref<10000x128xf32, #tpu.memory_space<hbm>> -> memref<128x128xf32, #tpu.memory_space<hbm>>
    tpu.wait_dma2 semaphore(%dma_wait3A_577 : memref<!tpu.dma_semaphore, #tpu.memory_space<semaphore_mem>>) src(%dma_wait3A_584 : memref<128x128xf32, #tpu.memory_space<hbm>>) dst(%dma_wait3A_581 : memref<128x128xf32, #tpu.memory_space<vmem>>)
    %add3A_585 = arith.constant 38 : i32
    %add3A_586 = arith.addi %add3A_4, %add3A_585 : i32
    %mul3A_587 = arith.constant 128 : i32
    %mul3A_588 = arith.muli %add3A_586, %mul3A_587 : i32
    %dma_start3A_589 = arith.constant 3 : i32
    %dma_start3A_590 = arith.constant 3 : i32
    %dma_start3A_591 = arith.constant 0 : i32
    %dma_start3A_592 = arith.constant 0 : i32
    %dma_start3A_593 = tpu.memref_slice %arg6[%dma_start3A_589, %dma_start3A_591, %dma_start3A_592] : memref<5x128x128xf32, #tpu.memory_space<vmem>> -> memref<1x128x128xf32, #tpu.memory_space<vmem>>
    %dma_start3A_594 = tpu.memref_squeeze %dma_start3A_593 : memref<1x128x128xf32, #tpu.memory_space<vmem>> -> memref<128x128xf32, #tpu.memory_space<vmem>>
    %dma_start3A_595 = arith.constant 0 : i32
    %dma_start3A_596 = tpu.memref_slice %arg4[%mul3A_588, %dma_start3A_595] : memref<160000x128xf32, #tpu.memory_space<hbm>> -> memref<128x128xf32, #tpu.memory_space<hbm>>
    %dma_start3A_597 = tpu.memref_slice %arg8[%dma_start3A_590] : memref<5x!tpu.dma_semaphore, #tpu.memory_space<semaphore_mem>> -> memref<1x!tpu.dma_semaphore, #tpu.memory_space<semaphore_mem>>
    %dma_start3A_598 = tpu.memref_squeeze %dma_start3A_597 : memref<1x!tpu.dma_semaphore, #tpu.memory_space<semaphore_mem>> -> memref<!tpu.dma_semaphore, #tpu.memory_space<semaphore_mem>>
    %dma_start3A_599 = arith.constant 0 : i32
    %dma_start3A_600 = tpu.memref_slice %arg4[%mul3A_588, %dma_start3A_599] : memref<160000x128xf32, #tpu.memory_space<hbm>> -> memref<128x128xf32, #tpu.memory_space<hbm>>
    %dma_start3A_601 = arith.constant 0 : i32
    %dma_start3A_602 = arith.constant 0 : i32
    %dma_start3A_603 = tpu.memref_slice %arg6[%dma_start3A_589, %dma_start3A_601, %dma_start3A_602] : memref<5x128x128xf32, #tpu.memory_space<vmem>> -> memref<1x128x128xf32, #tpu.memory_space<vmem>>
    %dma_start3A_604 = tpu.memref_squeeze %dma_start3A_603 : memref<1x128x128xf32, #tpu.memory_space<vmem>> -> memref<128x128xf32, #tpu.memory_space<vmem>>
    tpu.enqueue_dma source(%dma_start3A_604 : memref<128x128xf32, #tpu.memory_space<vmem>>) target(%dma_start3A_600 : memref<128x128xf32, #tpu.memory_space<hbm>>) target_semaphore(%dma_start3A_598 : memref<!tpu.dma_semaphore, #tpu.memory_space<semaphore_mem>>)
    %add3A_605 = arith.constant 36 : i32
    %add3A_606 = arith.addi %add3A_4, %add3A_605 : i32
    %mul3A_607 = arith.constant 128 : i32
    %mul3A_608 = arith.muli %add3A_606, %mul3A_607 : i32
    %dma_wait3A_609 = arith.constant 1 : i32
    %dma_wait3A_610 = arith.constant 1 : i32
    %dma_wait3A_611 = arith.constant 0 : i32
    %dma_wait3A_612 = arith.constant 0 : i32
    %dma_wait3A_613 = tpu.memref_slice %arg6[%dma_wait3A_609, %dma_wait3A_611, %dma_wait3A_612] : memref<5x128x128xf32, #tpu.memory_space<vmem>> -> memref<1x128x128xf32, #tpu.memory_space<vmem>>
    %dma_wait3A_614 = tpu.memref_squeeze %dma_wait3A_613 : memref<1x128x128xf32, #tpu.memory_space<vmem>> -> memref<128x128xf32, #tpu.memory_space<vmem>>
    %dma_wait3A_615 = arith.constant 0 : i32
    %dma_wait3A_616 = tpu.memref_slice %arg4[%mul3A_608, %dma_wait3A_615] : memref<160000x128xf32, #tpu.memory_space<hbm>> -> memref<128x128xf32, #tpu.memory_space<hbm>>
    %dma_wait3A_617 = tpu.memref_slice %arg8[%dma_wait3A_610] : memref<5x!tpu.dma_semaphore, #tpu.memory_space<semaphore_mem>> -> memref<1x!tpu.dma_semaphore, #tpu.memory_space<semaphore_mem>>
    %dma_wait3A_618 = tpu.memref_squeeze %dma_wait3A_617 : memref<1x!tpu.dma_semaphore, #tpu.memory_space<semaphore_mem>> -> memref<!tpu.dma_semaphore, #tpu.memory_space<semaphore_mem>>
    %dma_wait3A_619 = arith.constant 0 : i32
    %dma_wait3A_620 = tpu.memref_slice %arg4[%mul3A_608, %dma_wait3A_619] : memref<160000x128xf32, #tpu.memory_space<hbm>> -> memref<128x128xf32, #tpu.memory_space<hbm>>
    %dma_wait3A_621 = arith.constant 0 : i32
    %dma_wait3A_622 = arith.constant 0 : i32
    %dma_wait3A_623 = tpu.memref_slice %arg6[%dma_wait3A_609, %dma_wait3A_621, %dma_wait3A_622] : memref<5x128x128xf32, #tpu.memory_space<vmem>> -> memref<1x128x128xf32, #tpu.memory_space<vmem>>
    %dma_wait3A_624 = tpu.memref_squeeze %dma_wait3A_623 : memref<1x128x128xf32, #tpu.memory_space<vmem>> -> memref<128x128xf32, #tpu.memory_space<vmem>>
    tpu.wait_dma2 semaphore(%dma_wait3A_618 : memref<!tpu.dma_semaphore, #tpu.memory_space<semaphore_mem>>) src(%dma_wait3A_624 : memref<128x128xf32, #tpu.memory_space<vmem>>) dst(%dma_wait3A_620 : memref<128x128xf32, #tpu.memory_space<hbm>>)
    %add3A_625 = arith.constant 37 : i32
    %add3A_626 = arith.addi %add3A_4, %add3A_625 : i32
    %mul3A_627 = arith.constant 128 : i32
    %mul3A_628 = arith.muli %add3A_626, %mul3A_627 : i32
    %dma_wait3A_629 = arith.constant 2 : i32
    %dma_wait3A_630 = arith.constant 2 : i32
    %dma_wait3A_631 = arith.constant 0 : i32
    %dma_wait3A_632 = arith.constant 0 : i32
    %dma_wait3A_633 = tpu.memref_slice %arg6[%dma_wait3A_629, %dma_wait3A_631, %dma_wait3A_632] : memref<5x128x128xf32, #tpu.memory_space<vmem>> -> memref<1x128x128xf32, #tpu.memory_space<vmem>>
    %dma_wait3A_634 = tpu.memref_squeeze %dma_wait3A_633 : memref<1x128x128xf32, #tpu.memory_space<vmem>> -> memref<128x128xf32, #tpu.memory_space<vmem>>
    %dma_wait3A_635 = arith.constant 0 : i32
    %dma_wait3A_636 = tpu.memref_slice %arg4[%mul3A_628, %dma_wait3A_635] : memref<160000x128xf32, #tpu.memory_space<hbm>> -> memref<128x128xf32, #tpu.memory_space<hbm>>
    %dma_wait3A_637 = tpu.memref_slice %arg8[%dma_wait3A_630] : memref<5x!tpu.dma_semaphore, #tpu.memory_space<semaphore_mem>> -> memref<1x!tpu.dma_semaphore, #tpu.memory_space<semaphore_mem>>
    %dma_wait3A_638 = tpu.memref_squeeze %dma_wait3A_637 : memref<1x!tpu.dma_semaphore, #tpu.memory_space<semaphore_mem>> -> memref<!tpu.dma_semaphore, #tpu.memory_space<semaphore_mem>>
    %dma_wait3A_639 = arith.constant 0 : i32
    %dma_wait3A_640 = tpu.memref_slice %arg4[%mul3A_628, %dma_wait3A_639] : memref<160000x128xf32, #tpu.memory_space<hbm>> -> memref<128x128xf32, #tpu.memory_space<hbm>>
    %dma_wait3A_641 = arith.constant 0 : i32
    %dma_wait3A_642 = arith.constant 0 : i32
    %dma_wait3A_643 = tpu.memref_slice %arg6[%dma_wait3A_629, %dma_wait3A_641, %dma_wait3A_642] : memref<5x128x128xf32, #tpu.memory_space<vmem>> -> memref<1x128x128xf32, #tpu.memory_space<vmem>>
    %dma_wait3A_644 = tpu.memref_squeeze %dma_wait3A_643 : memref<1x128x128xf32, #tpu.memory_space<vmem>> -> memref<128x128xf32, #tpu.memory_space<vmem>>
    tpu.wait_dma2 semaphore(%dma_wait3A_638 : memref<!tpu.dma_semaphore, #tpu.memory_space<semaphore_mem>>) src(%dma_wait3A_644 : memref<128x128xf32, #tpu.memory_space<vmem>>) dst(%dma_wait3A_640 : memref<128x128xf32, #tpu.memory_space<hbm>>)
    %add3A_645 = arith.constant 38 : i32
    %add3A_646 = arith.addi %add3A_4, %add3A_645 : i32
    %mul3A_647 = arith.constant 128 : i32
    %mul3A_648 = arith.muli %add3A_646, %mul3A_647 : i32
    %dma_wait3A_649 = arith.constant 3 : i32
    %dma_wait3A_650 = arith.constant 3 : i32
    %dma_wait3A_651 = arith.constant 0 : i32
    %dma_wait3A_652 = arith.constant 0 : i32
    %dma_wait3A_653 = tpu.memref_slice %arg6[%dma_wait3A_649, %dma_wait3A_651, %dma_wait3A_652] : memref<5x128x128xf32, #tpu.memory_space<vmem>> -> memref<1x128x128xf32, #tpu.memory_space<vmem>>
    %dma_wait3A_654 = tpu.memref_squeeze %dma_wait3A_653 : memref<1x128x128xf32, #tpu.memory_space<vmem>> -> memref<128x128xf32, #tpu.memory_space<vmem>>
    %dma_wait3A_655 = arith.constant 0 : i32
    %dma_wait3A_656 = tpu.memref_slice %arg4[%mul3A_648, %dma_wait3A_655] : memref<160000x128xf32, #tpu.memory_space<hbm>> -> memref<128x128xf32, #tpu.memory_space<hbm>>
    %dma_wait3A_657 = tpu.memref_slice %arg8[%dma_wait3A_650] : memref<5x!tpu.dma_semaphore, #tpu.memory_space<semaphore_mem>> -> memref<1x!tpu.dma_semaphore, #tpu.memory_space<semaphore_mem>>
    %dma_wait3A_658 = tpu.memref_squeeze %dma_wait3A_657 : memref<1x!tpu.dma_semaphore, #tpu.memory_space<semaphore_mem>> -> memref<!tpu.dma_semaphore, #tpu.memory_space<semaphore_mem>>
    %dma_wait3A_659 = arith.constant 0 : i32
    %dma_wait3A_660 = tpu.memref_slice %arg4[%mul3A_648, %dma_wait3A_659] : memref<160000x128xf32, #tpu.memory_space<hbm>> -> memref<128x128xf32, #tpu.memory_space<hbm>>
    %dma_wait3A_661 = arith.constant 0 : i32
    %dma_wait3A_662 = arith.constant 0 : i32
    %dma_wait3A_663 = tpu.memref_slice %arg6[%dma_wait3A_649, %dma_wait3A_661, %dma_wait3A_662] : memref<5x128x128xf32, #tpu.memory_space<vmem>> -> memref<1x128x128xf32, #tpu.memory_space<vmem>>
    %dma_wait3A_664 = tpu.memref_squeeze %dma_wait3A_663 : memref<1x128x128xf32, #tpu.memory_space<vmem>> -> memref<128x128xf32, #tpu.memory_space<vmem>>
    tpu.wait_dma2 semaphore(%dma_wait3A_658 : memref<!tpu.dma_semaphore, #tpu.memory_space<semaphore_mem>>) src(%dma_wait3A_664 : memref<128x128xf32, #tpu.memory_space<vmem>>) dst(%dma_wait3A_660 : memref<128x128xf32, #tpu.memory_space<hbm>>)
    %lt3A = arith.constant 2 : i32
    %lt3A_665 = arith.cmpi slt, %add3A, %lt3A : i32
    %convert_element_type3A = arith.extui %lt3A_665 : i1 to i32
    %cond3A = arith.constant 0 : i32
    %cond3A_666 = arith.cmpi ne, %convert_element_type3A, %cond3A : i32
    scf.if %cond3A_666 {
      %dma_start3A_667 = arith.constant 39 : i32
      %dma_start3A_668 = arith.constant 4 : i32
      %dma_start3A_669 = arith.constant 4 : i32
      %dma_start3A_670 = arith.constant 0 : i32
      %dma_start3A_671 = arith.constant 0 : i32
      %dma_start3A_672 = tpu.memref_slice %arg6[%dma_start3A_668, %dma_start3A_670, %dma_start3A_671] : memref<5x128x128xf32, #tpu.memory_space<vmem>> -> memref<1x128x128xf32, #tpu.memory_space<vmem>>
      %dma_start3A_673 = tpu.memref_squeeze %dma_start3A_672 : memref<1x128x128xf32, #tpu.memory_space<vmem>> -> memref<128x128xf32, #tpu.memory_space<vmem>>
      %dma_start3A_674 = arith.constant 0 : i32
      %dma_start3A_675 = tpu.memref_slice %arg5[%dma_start3A_667, %dma_start3A_674] : memref<40x128xi32, #tpu.memory_space<vmem>> -> memref<1x128xi32, #tpu.memory_space<vmem>>
      %dma_start3A_676 = tpu.memref_squeeze %dma_start3A_675 : memref<1x128xi32, #tpu.memory_space<vmem>> -> memref<128xi32, #tpu.memory_space<vmem>>
      %dma_start3A_677 = arith.constant 0 : i32
      %dma_start3A_678 = arith.constant 0 : i32
      %dma_start3A_679 = tpu.memref_slice %arg2[%dma_start3A_677, %dma_start3A_678] : memref<10000x128xf32, #tpu.memory_space<hbm>> -> memref<10000x128xf32, #tpu.memory_space<hbm>>
      %dma_start3A_680 = tpu.memref_slice %arg7[%dma_start3A_669] : memref<5x!tpu.dma_semaphore, #tpu.memory_space<semaphore_mem>> -> memref<1x!tpu.dma_semaphore, #tpu.memory_space<semaphore_mem>>
      %dma_start3A_681 = tpu.memref_squeeze %dma_start3A_680 : memref<1x!tpu.dma_semaphore, #tpu.memory_space<semaphore_mem>> -> memref<!tpu.dma_semaphore, #tpu.memory_space<semaphore_mem>>
      tpu.enqueue_indirect_dma source(%dma_start3A_679 : memref<10000x128xf32, #tpu.memory_space<hbm>>) target(%dma_start3A_673 : memref<128x128xf32, #tpu.memory_space<vmem>>) offsets(%dma_start3A_676 : memref<128xi32, #tpu.memory_space<vmem>>) semaphore(%dma_start3A_681 : memref<!tpu.dma_semaphore, #tpu.memory_space<semaphore_mem>>)
      %dma_wait3A_682 = arith.constant 4 : i32
      %dma_wait3A_683 = arith.constant 4 : i32
      %dma_wait3A_684 = arith.constant 0 : i32
      %dma_wait3A_685 = arith.constant 0 : i32
      %dma_wait3A_686 = tpu.memref_slice %arg6[%dma_wait3A_682, %dma_wait3A_684, %dma_wait3A_685] : memref<5x128x128xf32, #tpu.memory_space<vmem>> -> memref<1x128x128xf32, #tpu.memory_space<vmem>>
      %dma_wait3A_687 = tpu.memref_squeeze %dma_wait3A_686 : memref<1x128x128xf32, #tpu.memory_space<vmem>> -> memref<128x128xf32, #tpu.memory_space<vmem>>
      %dma_wait3A_688 = arith.constant 0 : i32
      %dma_wait3A_689 = arith.constant 0 : i32
      %dma_wait3A_690 = tpu.memref_slice %arg2[%dma_wait3A_688, %dma_wait3A_689] : memref<10000x128xf32, #tpu.memory_space<hbm>> -> memref<128x128xf32, #tpu.memory_space<hbm>>
      %dma_wait3A_691 = tpu.memref_slice %arg7[%dma_wait3A_683] : memref<5x!tpu.dma_semaphore, #tpu.memory_space<semaphore_mem>> -> memref<1x!tpu.dma_semaphore, #tpu.memory_space<semaphore_mem>>
      %dma_wait3A_692 = tpu.memref_squeeze %dma_wait3A_691 : memref<1x!tpu.dma_semaphore, #tpu.memory_space<semaphore_mem>> -> memref<!tpu.dma_semaphore, #tpu.memory_space<semaphore_mem>>
      %dma_wait3A_693 = arith.constant 0 : i32
      %dma_wait3A_694 = arith.constant 0 : i32
      %dma_wait3A_695 = tpu.memref_slice %arg6[%dma_wait3A_682, %dma_wait3A_693, %dma_wait3A_694] : memref<5x128x128xf32, #tpu.memory_space<vmem>> -> memref<1x128x128xf32, #tpu.memory_space<vmem>>
      %dma_wait3A_696 = tpu.memref_squeeze %dma_wait3A_695 : memref<1x128x128xf32, #tpu.memory_space<vmem>> -> memref<128x128xf32, #tpu.memory_space<vmem>>
      %dma_wait3A_697 = arith.constant 0 : i32
      %dma_wait3A_698 = arith.constant 0 : i32
      %dma_wait3A_699 = tpu.memref_slice %arg2[%dma_wait3A_697, %dma_wait3A_698] : memref<10000x128xf32, #tpu.memory_space<hbm>> -> memref<128x128xf32, #tpu.memory_space<hbm>>
      tpu.wait_dma2 semaphore(%dma_wait3A_692 : memref<!tpu.dma_semaphore, #tpu.memory_space<semaphore_mem>>) src(%dma_wait3A_699 : memref<128x128xf32, #tpu.memory_space<hbm>>) dst(%dma_wait3A_696 : memref<128x128xf32, #tpu.memory_space<vmem>>)
      %add3A_700 = arith.constant 39 : i32
      %add3A_701 = arith.addi %add3A_4, %add3A_700 : i32
      %mul3A_702 = arith.constant 128 : i32
      %mul3A_703 = arith.muli %add3A_701, %mul3A_702 : i32
      %dma_start3A_704 = arith.constant 4 : i32
      %dma_start3A_705 = arith.constant 4 : i32
      %dma_start3A_706 = arith.constant 0 : i32
      %dma_start3A_707 = arith.constant 0 : i32
      %dma_start3A_708 = tpu.memref_slice %arg6[%dma_start3A_704, %dma_start3A_706, %dma_start3A_707] : memref<5x128x128xf32, #tpu.memory_space<vmem>> -> memref<1x128x128xf32, #tpu.memory_space<vmem>>
      %dma_start3A_709 = tpu.memref_squeeze %dma_start3A_708 : memref<1x128x128xf32, #tpu.memory_space<vmem>> -> memref<128x128xf32, #tpu.memory_space<vmem>>
      %dma_start3A_710 = arith.constant 0 : i32
      %dma_start3A_711 = tpu.memref_slice %arg4[%mul3A_703, %dma_start3A_710] : memref<160000x128xf32, #tpu.memory_space<hbm>> -> memref<128x128xf32, #tpu.memory_space<hbm>>
      %dma_start3A_712 = tpu.memref_slice %arg8[%dma_start3A_705] : memref<5x!tpu.dma_semaphore, #tpu.memory_space<semaphore_mem>> -> memref<1x!tpu.dma_semaphore, #tpu.memory_space<semaphore_mem>>
      %dma_start3A_713 = tpu.memref_squeeze %dma_start3A_712 : memref<1x!tpu.dma_semaphore, #tpu.memory_space<semaphore_mem>> -> memref<!tpu.dma_semaphore, #tpu.memory_space<semaphore_mem>>
      %dma_start3A_714 = arith.constant 0 : i32
      %dma_start3A_715 = tpu.memref_slice %arg4[%mul3A_703, %dma_start3A_714] : memref<160000x128xf32, #tpu.memory_space<hbm>> -> memref<128x128xf32, #tpu.memory_space<hbm>>
      %dma_start3A_716 = arith.constant 0 : i32
      %dma_start3A_717 = arith.constant 0 : i32
      %dma_start3A_718 = tpu.memref_slice %arg6[%dma_start3A_704, %dma_start3A_716, %dma_start3A_717] : memref<5x128x128xf32, #tpu.memory_space<vmem>> -> memref<1x128x128xf32, #tpu.memory_space<vmem>>
      %dma_start3A_719 = tpu.memref_squeeze %dma_start3A_718 : memref<1x128x128xf32, #tpu.memory_space<vmem>> -> memref<128x128xf32, #tpu.memory_space<vmem>>
      tpu.enqueue_dma source(%dma_start3A_719 : memref<128x128xf32, #tpu.memory_space<vmem>>) target(%dma_start3A_715 : memref<128x128xf32, #tpu.memory_space<hbm>>) target_semaphore(%dma_start3A_713 : memref<!tpu.dma_semaphore, #tpu.memory_space<semaphore_mem>>)
      %add3A_720 = arith.constant 39 : i32
      %add3A_721 = arith.addi %add3A_4, %add3A_720 : i32
      %mul3A_722 = arith.constant 128 : i32
      %mul3A_723 = arith.muli %add3A_721, %mul3A_722 : i32
      %dma_wait3A_724 = arith.constant 4 : i32
      %dma_wait3A_725 = arith.constant 4 : i32
      %dma_wait3A_726 = arith.constant 0 : i32
      %dma_wait3A_727 = arith.constant 0 : i32
      %dma_wait3A_728 = tpu.memref_slice %arg6[%dma_wait3A_724, %dma_wait3A_726, %dma_wait3A_727] : memref<5x128x128xf32, #tpu.memory_space<vmem>> -> memref<1x128x128xf32, #tpu.memory_space<vmem>>
      %dma_wait3A_729 = tpu.memref_squeeze %dma_wait3A_728 : memref<1x128x128xf32, #tpu.memory_space<vmem>> -> memref<128x128xf32, #tpu.memory_space<vmem>>
      %dma_wait3A_730 = arith.constant 0 : i32
      %dma_wait3A_731 = tpu.memref_slice %arg4[%mul3A_723, %dma_wait3A_730] : memref<160000x128xf32, #tpu.memory_space<hbm>> -> memref<128x128xf32, #tpu.memory_space<hbm>>
      %dma_wait3A_732 = tpu.memref_slice %arg8[%dma_wait3A_725] : memref<5x!tpu.dma_semaphore, #tpu.memory_space<semaphore_mem>> -> memref<1x!tpu.dma_semaphore, #tpu.memory_space<semaphore_mem>>
      %dma_wait3A_733 = tpu.memref_squeeze %dma_wait3A_732 : memref<1x!tpu.dma_semaphore, #tpu.memory_space<semaphore_mem>> -> memref<!tpu.dma_semaphore, #tpu.memory_space<semaphore_mem>>
      %dma_wait3A_734 = arith.constant 0 : i32
      %dma_wait3A_735 = tpu.memref_slice %arg4[%mul3A_723, %dma_wait3A_734] : memref<160000x128xf32, #tpu.memory_space<hbm>> -> memref<128x128xf32, #tpu.memory_space<hbm>>
      %dma_wait3A_736 = arith.constant 0 : i32
      %dma_wait3A_737 = arith.constant 0 : i32
      %dma_wait3A_738 = tpu.memref_slice %arg6[%dma_wait3A_724, %dma_wait3A_736, %dma_wait3A_737] : memref<5x128x128xf32, #tpu.memory_space<vmem>> -> memref<1x128x128xf32, #tpu.memory_space<vmem>>
      %dma_wait3A_739 = tpu.memref_squeeze %dma_wait3A_738 : memref<1x128x128xf32, #tpu.memory_space<vmem>> -> memref<128x128xf32, #tpu.memory_space<vmem>>
      tpu.wait_dma2 semaphore(%dma_wait3A_733 : memref<!tpu.dma_semaphore, #tpu.memory_space<semaphore_mem>>) src(%dma_wait3A_739 : memref<128x128xf32, #tpu.memory_space<vmem>>) dst(%dma_wait3A_735 : memref<128x128xf32, #tpu.memory_space<hbm>>)
    } else {
    }
    return
  }
}

module attributes {stable_mosaic.version = 14 : i64} {
  func.func @_ew_body(%arg0: i32, %arg1: memref<6400x128xf32, #tpu.memory_space<vmem>>, %arg2: memref<400x128xf32, #tpu.memory_space<vmem>>, %arg3: memref<6400x4xf32, #tpu.memory_space<vmem>>, %arg4: memref<4x128xf32, #tpu.memory_space<vmem>>, %arg5: memref<1x128xf32, #tpu.memory_space<vmem>>, %arg6: memref<128x1xf32, #tpu.memory_space<vmem>>, %arg7: memref<1x1xf32, #tpu.memory_space<vmem>>, %arg8: memref<6400x1xf32, #tpu.memory_space<vmem>>, %arg9: memref<1x1xf32, #tpu.memory_space<vmem>>) attributes {dimension_semantics = [#tpu.dimension_semantics<arbitrary>], iteration_bounds = array<i64: 25>, scalar_prefetch = 0 : i64, scratch_operands = 0 : i64, tpu.core_type = #tpu.core_type<tc>, window_params = [{transform_indices = @transform_0, window_bounds = array<i64: 6400, 128>}, {transform_indices = @transform_1, window_bounds = array<i64: 400, 128>}, {transform_indices = @transform_2, window_bounds = array<i64: 6400, 4>}, {pipeline_mode = #tpu.pipeline_mode<synchronous>, transform_indices = @transform_3, window_bounds = array<i64: 4, 128>}, {pipeline_mode = #tpu.pipeline_mode<synchronous>, transform_indices = @transform_4, window_bounds = array<i64: 1, 128>}, {pipeline_mode = #tpu.pipeline_mode<synchronous>, transform_indices = @transform_5, window_bounds = array<i64: 128, 1>}, {pipeline_mode = #tpu.pipeline_mode<synchronous>, transform_indices = @transform_6, window_bounds = array<i64: 1, 1>}, {transform_indices = @transform_7, window_bounds = array<i64: 6400, 1>}, {pipeline_mode = #tpu.pipeline_mode<synchronous>, transform_indices = @transform_8, window_bounds = array<i64: 1, 1>}]} {
    %get3A = arith.constant 0 : index
    %get3A_0 = arith.constant 0 : index
    %get3A_1 = vector.load %arg1[%get3A, %get3A_0] : memref<6400x128xf32, #tpu.memory_space<vmem>>, vector<6400x128xf32>
    %get3A_2 = arith.constant 0 : index
    %get3A_3 = arith.constant 0 : index
    %get3A_4 = vector.load %arg2[%get3A_2, %get3A_3] : memref<400x128xf32, #tpu.memory_space<vmem>>, vector<400x128xf32>
    %broadcast_in_dim3A = vector.shape_cast %get3A_4 : vector<400x128xf32> to vector<400x1x128xf32>
    %broadcast_in_dim3A_5 = vector.shape_cast %broadcast_in_dim3A : vector<400x1x128xf32> to vector<400x1x128xf32>
    %broadcast_in_dim3A_6 = vector.broadcast %broadcast_in_dim3A_5 : vector<400x1x128xf32> to vector<400x16x128xf32>
    %reshape3A = vector.shape_cast %broadcast_in_dim3A_6 : vector<400x16x128xf32> to vector<6400x128xf32>
    %sub3A = arith.subf %get3A_1, %reshape3A : vector<6400x128xf32>
    %mul3A = arith.mulf %sub3A, %sub3A : vector<6400x128xf32>
    %reduce_sum3A = arith.constant dense<0.000000e+00> : vector<6400xf32>
    %reduce_sum3A_7 = vector.multi_reduction <add>, %mul3A, %reduce_sum3A [1] : vector<6400x128xf32> to vector<6400xf32>
    %broadcast_in_dim3A_8 = vector.shape_cast %reduce_sum3A_7 : vector<6400xf32> to vector<6400x1xf32>
    %get3A_9 = arith.constant 0 : index
    %get3A_10 = arith.constant 0 : index
    %get3A_11 = vector.load %arg3[%get3A_9, %get3A_10] : memref<6400x4xf32, #tpu.memory_space<vmem>>, vector<6400x4xf32>
    %get3A_12 = arith.constant 0 : index
    %get3A_13 = arith.constant 0 : index
    %get3A_14 = vector.load %arg4[%get3A_12, %get3A_13] : memref<4x128xf32, #tpu.memory_space<vmem>>, vector<4x128xf32>
    %dot_general3A = arith.constant dense<0.000000e+00> : vector<6400x128xf32>
    %dot_general3A_15 = tpu.matmul %get3A_11, %get3A_14, %dot_general3A {dimension_numbers = #tpu.dot_dimension_numbers<[1], [0], [0], [1], [0, 0, 1, 1], [], []>, transpose_lhs_hint = false} : vector<6400x4xf32>, vector<4x128xf32>, vector<6400x128xf32> -> vector<6400x128xf32>
    %get3A_16 = arith.constant 0 : index
    %get3A_17 = arith.constant 0 : index
    %get3A_18 = vector.load %arg5[%get3A_16, %get3A_17] : memref<1x128xf32, #tpu.memory_space<vmem>>, vector<1x128xf32>
    %add3A = vector.broadcast %get3A_18 : vector<1x128xf32> to vector<6400x128xf32>
    %add3A_19 = arith.addf %dot_general3A_15, %add3A : vector<6400x128xf32>
    %max3A = arith.constant 0.000000e+00 : f32
    %max3A_20 = vector.broadcast %max3A : f32 to vector<6400x128xf32>
    %max3A_21 = arith.maximumf %add3A_19, %max3A_20 : vector<6400x128xf32>
    %get3A_22 = arith.constant 0 : index
    %get3A_23 = arith.constant 0 : index
    %get3A_24 = vector.load %arg6[%get3A_22, %get3A_23] : memref<128x1xf32, #tpu.memory_space<vmem>>, vector<128x1xf32>
    %dot_general3A_25 = arith.constant dense<0.000000e+00> : vector<6400x1xf32>
    %dot_general3A_26 = tpu.matmul %max3A_21, %get3A_24, %dot_general3A_25 {dimension_numbers = #tpu.dot_dimension_numbers<[1], [0], [0], [1], [0, 0, 1, 1], [], []>, transpose_lhs_hint = false} : vector<6400x128xf32>, vector<128x1xf32>, vector<6400x1xf32> -> vector<6400x1xf32>
    %get3A_27 = arith.constant 0 : index
    %get3A_28 = arith.constant 0 : index
    %get3A_29 = vector.load %arg7[%get3A_27, %get3A_28] : memref<1x1xf32, #tpu.memory_space<vmem>>, vector<1x1xf32>
    %add3A_30 = vector.broadcast %get3A_29 : vector<1x1xf32> to vector<6400x1xf32>
    %add3A_31 = arith.addf %dot_general3A_26, %add3A_30 : vector<6400x1xf32>
    %max3A_32 = arith.constant 0.000000e+00 : f32
    %max3A_33 = vector.broadcast %max3A_32 : f32 to vector<6400x1xf32>
    %max3A_34 = arith.maximumf %add3A_31, %max3A_33 : vector<6400x1xf32>
    %neg3A = arith.constant 0.000000e+00 : f32
    %neg3A_35 = vector.broadcast %neg3A : f32 to vector<6400x1xf32>
    %neg3A_36 = arith.subf %neg3A_35, %broadcast_in_dim3A_8 : vector<6400x1xf32>
    %mul3A_37 = arith.mulf %max3A_34, %max3A_34 : vector<6400x1xf32>
    %sub3A_38 = arith.subf %neg3A_36, %mul3A_37 : vector<6400x1xf32>
    %exp3A = math.exp %sub3A_38 : vector<6400x1xf32>
    %swap3A = arith.constant 0 : index
    %swap3A_39 = arith.constant 0 : index
    %swap3A_40 = vector.load %arg8[%swap3A, %swap3A_39] : memref<6400x1xf32, #tpu.memory_space<vmem>>, vector<6400x1xf32>
    tpu.vector_store %arg8[%swap3A, %swap3A_39], %exp3A {strides = array<i32>} : memref<6400x1xf32, #tpu.memory_space<vmem>>, vector<6400x1xf32>,
    %eq3A = arith.constant 0 : i32
    %eq3A_41 = arith.cmpi eq, %arg0, %eq3A : i32
    %convert_element_type3A = arith.extui %eq3A_41 : i1 to i32
    %cond3A = arith.constant 0 : i32
    %cond3A_42 = arith.cmpi ne, %convert_element_type3A, %cond3A : i32
    scf.if %cond3A_42 {
      %broadcast_in_dim3A_56 = arith.constant 0.000000e+00 : f32
      %broadcast_in_dim3A_57 = vector.broadcast %broadcast_in_dim3A_56 : f32 to vector<1x1xf32>
      %swap3A_58 = arith.constant 0 : index
      %swap3A_59 = arith.constant 0 : index
      %swap3A_60 = vector.load %arg9[%swap3A_58, %swap3A_59] : memref<1x1xf32, #tpu.memory_space<vmem>>, vector<1x1xf32>
      tpu.vector_store %arg9[%swap3A_58, %swap3A_59], %broadcast_in_dim3A_57 {strides = array<i32>} : memref<1x1xf32, #tpu.memory_space<vmem>>, vector<1x1xf32>,
    } else {
    }
    %get3A_43 = arith.constant 0 : index
    %get3A_44 = arith.constant 0 : index
    %get3A_45 = vector.load %arg9[%get3A_43, %get3A_44] : memref<1x1xf32, #tpu.memory_space<vmem>>, vector<1x1xf32>
    %reduce_sum3A_46 = vector.shape_cast %exp3A : vector<6400x1xf32> to vector<1x6400x1xf32>
    %reduce_sum3A_47 = arith.constant dense<0.000000e+00> : vector<1xf32>
    %reduce_sum3A_48 = vector.multi_reduction <add>, %reduce_sum3A_46, %reduce_sum3A_47 [1, 2] : vector<1x6400x1xf32> to vector<1xf32>
    %reduce_sum3A_49 = vector.shape_cast %reduce_sum3A_48 : vector<1xf32> to vector<1x1x1xf32>
    %reduce_sum3A_50 = vector.extract %reduce_sum3A_49[0, 0, 0] : f32 from vector<1x1x1xf32>
    %reshape3A_51 = vector.broadcast %reduce_sum3A_50 : f32 to vector<1x1xf32>
    %add3A_52 = arith.addf %get3A_45, %reshape3A_51 : vector<1x1xf32>
    %swap3A_53 = arith.constant 0 : index
    %swap3A_54 = arith.constant 0 : index
    %swap3A_55 = vector.load %arg9[%swap3A_53, %swap3A_54] : memref<1x1xf32, #tpu.memory_space<vmem>>, vector<1x1xf32>
    tpu.vector_store %arg9[%swap3A_53, %swap3A_54], %add3A_52 {strides = array<i32>} : memref<1x1xf32, #tpu.memory_space<vmem>>, vector<1x1xf32>,
    return
  }
  func.func @transform_0(%arg0: i32) -> (i32, i32) {
    %c0_i32 = arith.constant 0 : i32
    %c0_i32_0 = arith.constant 0 : i32
    return %arg0, %c0_i32 : i32, i32
  }
  func.func @transform_1(%arg0: i32) -> (i32, i32) {
    %c0_i32 = arith.constant 0 : i32
    %c0_i32_0 = arith.constant 0 : i32
    return %arg0, %c0_i32 : i32, i32
  }
  func.func @transform_2(%arg0: i32) -> (i32, i32) {
    %c0_i32 = arith.constant 0 : i32
    %c0_i32_0 = arith.constant 0 : i32
    return %arg0, %c0_i32 : i32, i32
  }
  func.func @transform_3(%arg0: i32) -> (i32, i32) {
    %c0_i32 = arith.constant 0 : i32
    %c0_i32_0 = arith.constant 0 : i32
    %c0_i32_1 = arith.constant 0 : i32
    return %c0_i32, %c0_i32_0 : i32, i32
  }
  func.func @transform_4(%arg0: i32) -> (i32, i32) {
    %c0_i32 = arith.constant 0 : i32
    %c0_i32_0 = arith.constant 0 : i32
    %c0_i32_1 = arith.constant 0 : i32
    return %c0_i32, %c0_i32_0 : i32, i32
  }
  func.func @transform_5(%arg0: i32) -> (i32, i32) {
    %c0_i32 = arith.constant 0 : i32
    %c0_i32_0 = arith.constant 0 : i32
    %c0_i32_1 = arith.constant 0 : i32
    return %c0_i32, %c0_i32_0 : i32, i32
  }
  func.func @transform_6(%arg0: i32) -> (i32, i32) {
    %c0_i32 = arith.constant 0 : i32
    %c0_i32_0 = arith.constant 0 : i32
    %c0_i32_1 = arith.constant 0 : i32
    return %c0_i32, %c0_i32_0 : i32, i32
  }
  func.func @transform_7(%arg0: i32) -> (i32, i32) {
    %c0_i32 = arith.constant 0 : i32
    %c0_i32_0 = arith.constant 0 : i32
    return %arg0, %c0_i32 : i32, i32
  }
  func.func @transform_8(%arg0: i32) -> (i32, i32) {
    %c0_i32 = arith.constant 0 : i32
    %c0_i32_0 = arith.constant 0 : i32
    %c0_i32_1 = arith.constant 0 : i32
    return %c0_i32, %c0_i32_0 : i32, i32
  }
}

module attributes {stable_mosaic.version = 14 : i64} {
  func.func @_agg_body(%arg0: i32, %arg1: memref<400x16xf32, #tpu.memory_space<vmem>>, %arg2: memref<1x1xf32, #tpu.memory_space<vmem>>, %arg3: memref<6400x128xf32, #tpu.memory_space<vmem>>, %arg4: memref<400x128xf32, #tpu.memory_space<vmem>>, %arg5: memref<16x128xf32, #tpu.memory_space<vmem>>, %arg6: memref<1x128xf32, #tpu.memory_space<vmem>>, %arg7: memref<128x1xf32, #tpu.memory_space<vmem>>, %arg8: memref<1x1xf32, #tpu.memory_space<vmem>>, %arg9: memref<128x128xf32, #tpu.memory_space<vmem>>, %arg10: memref<128x128xf32, #tpu.memory_space<vmem>>, %arg11: memref<128x128xf32, #tpu.memory_space<vmem>>, %arg12: memref<1x128xf32, #tpu.memory_space<vmem>>, %arg13: memref<400x128xf32, #tpu.memory_space<vmem>>) attributes {dimension_semantics = [#tpu.dimension_semantics<arbitrary>], iteration_bounds = array<i64: 25>, scalar_prefetch = 0 : i64, scratch_operands = 0 : i64, tpu.core_type = #tpu.core_type<tc>, window_params = [{transform_indices = @transform_0, window_bounds = array<i64: 400, 16>}, {pipeline_mode = #tpu.pipeline_mode<synchronous>, transform_indices = @transform_1, window_bounds = array<i64: 1, 1>}, {transform_indices = @transform_2, window_bounds = array<i64: 6400, 128>}, {transform_indices = @transform_3, window_bounds = array<i64: 400, 128>}, {pipeline_mode = #tpu.pipeline_mode<synchronous>, transform_indices = @transform_4, window_bounds = array<i64: 16, 128>}, {pipeline_mode = #tpu.pipeline_mode<synchronous>, transform_indices = @transform_5, window_bounds = array<i64: 1, 128>}, {pipeline_mode = #tpu.pipeline_mode<synchronous>, transform_indices = @transform_6, window_bounds = array<i64: 128, 1>}, {pipeline_mode = #tpu.pipeline_mode<synchronous>, transform_indices = @transform_7, window_bounds = array<i64: 1, 1>}, {pipeline_mode = #tpu.pipeline_mode<synchronous>, transform_indices = @transform_8, window_bounds = array<i64: 128, 128>}, {pipeline_mode = #tpu.pipeline_mode<synchronous>, transform_indices = @transform_9, window_bounds = array<i64: 128, 128>}, {pipeline_mode = #tpu.pipeline_mode<synchronous>, transform_indices = @transform_10, window_bounds = array<i64: 128, 128>}, {pipeline_mode = #tpu.pipeline_mode<synchronous>, transform_indices = @transform_11, window_bounds = array<i64: 1, 128>}, {transform_indices = @transform_12, window_bounds = array<i64: 400, 128>}]} {
    %get3A = arith.constant 0 : index
    %get3A_0 = arith.constant 0 : index
    %get3A_1 = vector.load %arg1[%get3A, %get3A_0] : memref<400x16xf32, #tpu.memory_space<vmem>>, vector<400x16xf32>
    %get3A_2 = arith.constant 0 : index
    %get3A_3 = arith.constant 0 : index
    %get3A_4 = vector.load %arg5[%get3A_2, %get3A_3] : memref<16x128xf32, #tpu.memory_space<vmem>>, vector<16x128xf32>
    %dot_general3A = arith.constant dense<0.000000e+00> : vector<400x128xf32>
    %dot_general3A_5 = tpu.matmul %get3A_1, %get3A_4, %dot_general3A {dimension_numbers = #tpu.dot_dimension_numbers<[1], [0], [0], [1], [0, 0, 1, 1], [], []>, transpose_lhs_hint = false} : vector<400x16xf32>, vector<16x128xf32>, vector<400x128xf32> -> vector<400x128xf32>
    %get3A_6 = arith.constant 0 : index
    %get3A_7 = arith.constant 0 : index
    %get3A_8 = vector.load %arg6[%get3A_6, %get3A_7] : memref<1x128xf32, #tpu.memory_space<vmem>>, vector<1x128xf32>
    %add3A = vector.broadcast %get3A_8 : vector<1x128xf32> to vector<400x128xf32>
    %add3A_9 = arith.addf %dot_general3A_5, %add3A : vector<400x128xf32>
    %max3A = arith.constant 0.000000e+00 : f32
    %max3A_10 = vector.broadcast %max3A : f32 to vector<400x128xf32>
    %max3A_11 = arith.maximumf %add3A_9, %max3A_10 : vector<400x128xf32>
    %get3A_12 = arith.constant 0 : index
    %get3A_13 = arith.constant 0 : index
    %get3A_14 = vector.load %arg7[%get3A_12, %get3A_13] : memref<128x1xf32, #tpu.memory_space<vmem>>, vector<128x1xf32>
    %dot_general3A_15 = arith.constant dense<0.000000e+00> : vector<400x1xf32>
    %dot_general3A_16 = tpu.matmul %max3A_11, %get3A_14, %dot_general3A_15 {dimension_numbers = #tpu.dot_dimension_numbers<[1], [0], [0], [1], [0, 0, 1, 1], [], []>, transpose_lhs_hint = false} : vector<400x128xf32>, vector<128x1xf32>, vector<400x1xf32> -> vector<400x1xf32>
    %get3A_17 = arith.constant 0 : index
    %get3A_18 = arith.constant 0 : index
    %get3A_19 = vector.load %arg8[%get3A_17, %get3A_18] : memref<1x1xf32, #tpu.memory_space<vmem>>, vector<1x1xf32>
    %add3A_20 = vector.broadcast %get3A_19 : vector<1x1xf32> to vector<400x1xf32>
    %add3A_21 = arith.addf %dot_general3A_16, %add3A_20 : vector<400x1xf32>
    %max3A_22 = arith.constant 0.000000e+00 : f32
    %max3A_23 = vector.broadcast %max3A_22 : f32 to vector<400x1xf32>
    %max3A_24 = arith.maximumf %add3A_21, %max3A_23 : vector<400x1xf32>
    %get3A_25 = arith.constant 0 : index
    %get3A_26 = arith.constant 0 : index
    %get3A_27 = vector.load %arg2[%get3A_25, %get3A_26] : memref<1x1xf32, #tpu.memory_space<vmem>>, vector<1x1xf32>
    %add3A_28 = vector.broadcast %get3A_27 : vector<1x1xf32> to vector<400x1xf32>
    %add3A_29 = arith.addf %max3A_24, %add3A_28 : vector<400x1xf32>
    %sub3A = vector.broadcast %add3A_29 : vector<400x1xf32> to vector<400x16xf32>
    %sub3A_30 = arith.subf %get3A_1, %sub3A : vector<400x16xf32>
    %max3A_31 = arith.constant 0.000000e+00 : f32
    %max3A_32 = vector.broadcast %max3A_31 : f32 to vector<400x16xf32>
    %max3A_33 = arith.maximumf %sub3A_30, %max3A_32 : vector<400x16xf32>
    %neg3A = arith.constant 0.000000e+00 : f32
    %neg3A_34 = vector.broadcast %neg3A : f32 to vector<400x16xf32>
    %neg3A_35 = arith.subf %neg3A_34, %sub3A_30 : vector<400x16xf32>
    %max3A_36 = arith.constant 0.000000e+00 : f32
    %max3A_37 = vector.broadcast %max3A_36 : f32 to vector<400x16xf32>
    %max3A_38 = arith.maximumf %neg3A_35, %max3A_37 : vector<400x16xf32>
    %abs3A = math.absf %sub3A_30 : vector<400x16xf32>
    %reduce_sum3A = arith.constant dense<0.000000e+00> : vector<400xf32>
    %reduce_sum3A_39 = vector.multi_reduction <add>, %abs3A, %reduce_sum3A [1] : vector<400x16xf32> to vector<400xf32>
    %broadcast_in_dim3A = vector.shape_cast %reduce_sum3A_39 : vector<400xf32> to vector<400x1xf32>
    %div3A = arith.constant 1.000000e+00 : f32
    %div3A_40 = vector.broadcast %div3A : f32 to vector<400x1xf32>
    %div3A_41 = arith.divf %div3A_40, %broadcast_in_dim3A : vector<400x1xf32>
    %mul3A = vector.broadcast %div3A_41 : vector<400x1xf32> to vector<400x16xf32>
    %mul3A_42 = arith.mulf %mul3A, %max3A_33 : vector<400x16xf32>
    %mul3A_43 = vector.broadcast %div3A_41 : vector<400x1xf32> to vector<400x16xf32>
    %mul3A_44 = arith.mulf %mul3A_43, %max3A_38 : vector<400x16xf32>
    %get3A_45 = arith.constant 0 : index
    %get3A_46 = arith.constant 0 : index
    %get3A_47 = vector.load %arg3[%get3A_45, %get3A_46] : memref<6400x128xf32, #tpu.memory_space<vmem>>, vector<6400x128xf32>
    %reshape3A = vector.shape_cast %get3A_47 : vector<6400x128xf32> to vector<400x16x128xf32>
    %broadcast_in_dim3A_48 = arith.constant 0.000000e+00 : f32
    %broadcast_in_dim3A_49 = vector.broadcast %broadcast_in_dim3A_48 : f32 to vector<400x128xf32>
    %broadcast_in_dim3A_50 = arith.constant 0.000000e+00 : f32
    %broadcast_in_dim3A_51 = vector.broadcast %broadcast_in_dim3A_50 : f32 to vector<400x128xf32>
    %slice3A = vector.extract_strided_slice %reshape3A {offsets = [0, 0, 0], sizes = [400, 1, 128], strides = [1, 1, 1]} : vector<400x16x128xf32> to vector<400x1x128xf32>
    %squeeze3A = vector.shape_cast %slice3A : vector<400x1x128xf32> to vector<400x128xf32>
    %slice3A_52 = vector.extract_strided_slice %mul3A_42 {offsets = [0, 0], sizes = [400, 1], strides = [1, 1]} : vector<400x16xf32> to vector<400x1xf32>
    %mul3A_53 = vector.broadcast %slice3A_52 : vector<400x1xf32> to vector<400x128xf32>
    %mul3A_54 = arith.mulf %mul3A_53, %squeeze3A : vector<400x128xf32>
    %add3A_55 = arith.addf %broadcast_in_dim3A_49, %mul3A_54 : vector<400x128xf32>
    %slice3A_56 = vector.extract_strided_slice %mul3A_44 {offsets = [0, 0], sizes = [400, 1], strides = [1, 1]} : vector<400x16xf32> to vector<400x1xf32>
    %mul3A_57 = vector.broadcast %slice3A_56 : vector<400x1xf32> to vector<400x128xf32>
    %mul3A_58 = arith.mulf %mul3A_57, %squeeze3A : vector<400x128xf32>
    %add3A_59 = arith.addf %broadcast_in_dim3A_51, %mul3A_58 : vector<400x128xf32>
    %slice3A_60 = vector.extract_strided_slice %reshape3A {offsets = [0, 1, 0], sizes = [400, 1, 128], strides = [1, 1, 1]} : vector<400x16x128xf32> to vector<400x1x128xf32>
    %squeeze3A_61 = vector.shape_cast %slice3A_60 : vector<400x1x128xf32> to vector<400x128xf32>
    %slice3A_62 = vector.extract_strided_slice %mul3A_42 {offsets = [0, 1], sizes = [400, 1], strides = [1, 1]} : vector<400x16xf32> to vector<400x1xf32>
    %mul3A_63 = vector.broadcast %slice3A_62 : vector<400x1xf32> to vector<400x128xf32>
    %mul3A_64 = arith.mulf %mul3A_63, %squeeze3A_61 : vector<400x128xf32>
    %add3A_65 = arith.addf %add3A_55, %mul3A_64 : vector<400x128xf32>
    %slice3A_66 = vector.extract_strided_slice %mul3A_44 {offsets = [0, 1], sizes = [400, 1], strides = [1, 1]} : vector<400x16xf32> to vector<400x1xf32>
    %mul3A_67 = vector.broadcast %slice3A_66 : vector<400x1xf32> to vector<400x128xf32>
    %mul3A_68 = arith.mulf %mul3A_67, %squeeze3A_61 : vector<400x128xf32>
    %add3A_69 = arith.addf %add3A_59, %mul3A_68 : vector<400x128xf32>
    %slice3A_70 = vector.extract_strided_slice %reshape3A {offsets = [0, 2, 0], sizes = [400, 1, 128], strides = [1, 1, 1]} : vector<400x16x128xf32> to vector<400x1x128xf32>
    %squeeze3A_71 = vector.shape_cast %slice3A_70 : vector<400x1x128xf32> to vector<400x128xf32>
    %slice3A_72 = vector.extract_strided_slice %mul3A_42 {offsets = [0, 2], sizes = [400, 1], strides = [1, 1]} : vector<400x16xf32> to vector<400x1xf32>
    %mul3A_73 = vector.broadcast %slice3A_72 : vector<400x1xf32> to vector<400x128xf32>
    %mul3A_74 = arith.mulf %mul3A_73, %squeeze3A_71 : vector<400x128xf32>
    %add3A_75 = arith.addf %add3A_65, %mul3A_74 : vector<400x128xf32>
    %slice3A_76 = vector.extract_strided_slice %mul3A_44 {offsets = [0, 2], sizes = [400, 1], strides = [1, 1]} : vector<400x16xf32> to vector<400x1xf32>
    %mul3A_77 = vector.broadcast %slice3A_76 : vector<400x1xf32> to vector<400x128xf32>
    %mul3A_78 = arith.mulf %mul3A_77, %squeeze3A_71 : vector<400x128xf32>
    %add3A_79 = arith.addf %add3A_69, %mul3A_78 : vector<400x128xf32>
    %slice3A_80 = vector.extract_strided_slice %reshape3A {offsets = [0, 3, 0], sizes = [400, 1, 128], strides = [1, 1, 1]} : vector<400x16x128xf32> to vector<400x1x128xf32>
    %squeeze3A_81 = vector.shape_cast %slice3A_80 : vector<400x1x128xf32> to vector<400x128xf32>
    %slice3A_82 = vector.extract_strided_slice %mul3A_42 {offsets = [0, 3], sizes = [400, 1], strides = [1, 1]} : vector<400x16xf32> to vector<400x1xf32>
    %mul3A_83 = vector.broadcast %slice3A_82 : vector<400x1xf32> to vector<400x128xf32>
    %mul3A_84 = arith.mulf %mul3A_83, %squeeze3A_81 : vector<400x128xf32>
    %add3A_85 = arith.addf %add3A_75, %mul3A_84 : vector<400x128xf32>
    %slice3A_86 = vector.extract_strided_slice %mul3A_44 {offsets = [0, 3], sizes = [400, 1], strides = [1, 1]} : vector<400x16xf32> to vector<400x1xf32>
    %mul3A_87 = vector.broadcast %slice3A_86 : vector<400x1xf32> to vector<400x128xf32>
    %mul3A_88 = arith.mulf %mul3A_87, %squeeze3A_81 : vector<400x128xf32>
    %add3A_89 = arith.addf %add3A_79, %mul3A_88 : vector<400x128xf32>
    %slice3A_90 = vector.extract_strided_slice %reshape3A {offsets = [0, 4, 0], sizes = [400, 1, 128], strides = [1, 1, 1]} : vector<400x16x128xf32> to vector<400x1x128xf32>
    %squeeze3A_91 = vector.shape_cast %slice3A_90 : vector<400x1x128xf32> to vector<400x128xf32>
    %slice3A_92 = vector.extract_strided_slice %mul3A_42 {offsets = [0, 4], sizes = [400, 1], strides = [1, 1]} : vector<400x16xf32> to vector<400x1xf32>
    %mul3A_93 = vector.broadcast %slice3A_92 : vector<400x1xf32> to vector<400x128xf32>
    %mul3A_94 = arith.mulf %mul3A_93, %squeeze3A_91 : vector<400x128xf32>
    %add3A_95 = arith.addf %add3A_85, %mul3A_94 : vector<400x128xf32>
    %slice3A_96 = vector.extract_strided_slice %mul3A_44 {offsets = [0, 4], sizes = [400, 1], strides = [1, 1]} : vector<400x16xf32> to vector<400x1xf32>
    %mul3A_97 = vector.broadcast %slice3A_96 : vector<400x1xf32> to vector<400x128xf32>
    %mul3A_98 = arith.mulf %mul3A_97, %squeeze3A_91 : vector<400x128xf32>
    %add3A_99 = arith.addf %add3A_89, %mul3A_98 : vector<400x128xf32>
    %slice3A_100 = vector.extract_strided_slice %reshape3A {offsets = [0, 5, 0], sizes = [400, 1, 128], strides = [1, 1, 1]} : vector<400x16x128xf32> to vector<400x1x128xf32>
    %squeeze3A_101 = vector.shape_cast %slice3A_100 : vector<400x1x128xf32> to vector<400x128xf32>
    %slice3A_102 = vector.extract_strided_slice %mul3A_42 {offsets = [0, 5], sizes = [400, 1], strides = [1, 1]} : vector<400x16xf32> to vector<400x1xf32>
    %mul3A_103 = vector.broadcast %slice3A_102 : vector<400x1xf32> to vector<400x128xf32>
    %mul3A_104 = arith.mulf %mul3A_103, %squeeze3A_101 : vector<400x128xf32>
    %add3A_105 = arith.addf %add3A_95, %mul3A_104 : vector<400x128xf32>
    %slice3A_106 = vector.extract_strided_slice %mul3A_44 {offsets = [0, 5], sizes = [400, 1], strides = [1, 1]} : vector<400x16xf32> to vector<400x1xf32>
    %mul3A_107 = vector.broadcast %slice3A_106 : vector<400x1xf32> to vector<400x128xf32>
    %mul3A_108 = arith.mulf %mul3A_107, %squeeze3A_101 : vector<400x128xf32>
    %add3A_109 = arith.addf %add3A_99, %mul3A_108 : vector<400x128xf32>
    %slice3A_110 = vector.extract_strided_slice %reshape3A {offsets = [0, 6, 0], sizes = [400, 1, 128], strides = [1, 1, 1]} : vector<400x16x128xf32> to vector<400x1x128xf32>
    %squeeze3A_111 = vector.shape_cast %slice3A_110 : vector<400x1x128xf32> to vector<400x128xf32>
    %slice3A_112 = vector.extract_strided_slice %mul3A_42 {offsets = [0, 6], sizes = [400, 1], strides = [1, 1]} : vector<400x16xf32> to vector<400x1xf32>
    %mul3A_113 = vector.broadcast %slice3A_112 : vector<400x1xf32> to vector<400x128xf32>
    %mul3A_114 = arith.mulf %mul3A_113, %squeeze3A_111 : vector<400x128xf32>
    %add3A_115 = arith.addf %add3A_105, %mul3A_114 : vector<400x128xf32>
    %slice3A_116 = vector.extract_strided_slice %mul3A_44 {offsets = [0, 6], sizes = [400, 1], strides = [1, 1]} : vector<400x16xf32> to vector<400x1xf32>
    %mul3A_117 = vector.broadcast %slice3A_116 : vector<400x1xf32> to vector<400x128xf32>
    %mul3A_118 = arith.mulf %mul3A_117, %squeeze3A_111 : vector<400x128xf32>
    %add3A_119 = arith.addf %add3A_109, %mul3A_118 : vector<400x128xf32>
    %slice3A_120 = vector.extract_strided_slice %reshape3A {offsets = [0, 7, 0], sizes = [400, 1, 128], strides = [1, 1, 1]} : vector<400x16x128xf32> to vector<400x1x128xf32>
    %squeeze3A_121 = vector.shape_cast %slice3A_120 : vector<400x1x128xf32> to vector<400x128xf32>
    %slice3A_122 = vector.extract_strided_slice %mul3A_42 {offsets = [0, 7], sizes = [400, 1], strides = [1, 1]} : vector<400x16xf32> to vector<400x1xf32>
    %mul3A_123 = vector.broadcast %slice3A_122 : vector<400x1xf32> to vector<400x128xf32>
    %mul3A_124 = arith.mulf %mul3A_123, %squeeze3A_121 : vector<400x128xf32>
    %add3A_125 = arith.addf %add3A_115, %mul3A_124 : vector<400x128xf32>
    %slice3A_126 = vector.extract_strided_slice %mul3A_44 {offsets = [0, 7], sizes = [400, 1], strides = [1, 1]} : vector<400x16xf32> to vector<400x1xf32>
    %mul3A_127 = vector.broadcast %slice3A_126 : vector<400x1xf32> to vector<400x128xf32>
    %mul3A_128 = arith.mulf %mul3A_127, %squeeze3A_121 : vector<400x128xf32>
    %add3A_129 = arith.addf %add3A_119, %mul3A_128 : vector<400x128xf32>
    %slice3A_130 = vector.extract_strided_slice %reshape3A {offsets = [0, 8, 0], sizes = [400, 1, 128], strides = [1, 1, 1]} : vector<400x16x128xf32> to vector<400x1x128xf32>
    %squeeze3A_131 = vector.shape_cast %slice3A_130 : vector<400x1x128xf32> to vector<400x128xf32>
    %slice3A_132 = vector.extract_strided_slice %mul3A_42 {offsets = [0, 8], sizes = [400, 1], strides = [1, 1]} : vector<400x16xf32> to vector<400x1xf32>
    %mul3A_133 = vector.broadcast %slice3A_132 : vector<400x1xf32> to vector<400x128xf32>
    %mul3A_134 = arith.mulf %mul3A_133, %squeeze3A_131 : vector<400x128xf32>
    %add3A_135 = arith.addf %add3A_125, %mul3A_134 : vector<400x128xf32>
    %slice3A_136 = vector.extract_strided_slice %mul3A_44 {offsets = [0, 8], sizes = [400, 1], strides = [1, 1]} : vector<400x16xf32> to vector<400x1xf32>
    %mul3A_137 = vector.broadcast %slice3A_136 : vector<400x1xf32> to vector<400x128xf32>
    %mul3A_138 = arith.mulf %mul3A_137, %squeeze3A_131 : vector<400x128xf32>
    %add3A_139 = arith.addf %add3A_129, %mul3A_138 : vector<400x128xf32>
    %slice3A_140 = vector.extract_strided_slice %reshape3A {offsets = [0, 9, 0], sizes = [400, 1, 128], strides = [1, 1, 1]} : vector<400x16x128xf32> to vector<400x1x128xf32>
    %squeeze3A_141 = vector.shape_cast %slice3A_140 : vector<400x1x128xf32> to vector<400x128xf32>
    %slice3A_142 = vector.extract_strided_slice %mul3A_42 {offsets = [0, 9], sizes = [400, 1], strides = [1, 1]} : vector<400x16xf32> to vector<400x1xf32>
    %mul3A_143 = vector.broadcast %slice3A_142 : vector<400x1xf32> to vector<400x128xf32>
    %mul3A_144 = arith.mulf %mul3A_143, %squeeze3A_141 : vector<400x128xf32>
    %add3A_145 = arith.addf %add3A_135, %mul3A_144 : vector<400x128xf32>
    %slice3A_146 = vector.extract_strided_slice %mul3A_44 {offsets = [0, 9], sizes = [400, 1], strides = [1, 1]} : vector<400x16xf32> to vector<400x1xf32>
    %mul3A_147 = vector.broadcast %slice3A_146 : vector<400x1xf32> to vector<400x128xf32>
    %mul3A_148 = arith.mulf %mul3A_147, %squeeze3A_141 : vector<400x128xf32>
    %add3A_149 = arith.addf %add3A_139, %mul3A_148 : vector<400x128xf32>
    %slice3A_150 = vector.extract_strided_slice %reshape3A {offsets = [0, 10, 0], sizes = [400, 1, 128], strides = [1, 1, 1]} : vector<400x16x128xf32> to vector<400x1x128xf32>
    %squeeze3A_151 = vector.shape_cast %slice3A_150 : vector<400x1x128xf32> to vector<400x128xf32>
    %slice3A_152 = vector.extract_strided_slice %mul3A_42 {offsets = [0, 10], sizes = [400, 1], strides = [1, 1]} : vector<400x16xf32> to vector<400x1xf32>
    %mul3A_153 = vector.broadcast %slice3A_152 : vector<400x1xf32> to vector<400x128xf32>
    %mul3A_154 = arith.mulf %mul3A_153, %squeeze3A_151 : vector<400x128xf32>
    %add3A_155 = arith.addf %add3A_145, %mul3A_154 : vector<400x128xf32>
    %slice3A_156 = vector.extract_strided_slice %mul3A_44 {offsets = [0, 10], sizes = [400, 1], strides = [1, 1]} : vector<400x16xf32> to vector<400x1xf32>
    %mul3A_157 = vector.broadcast %slice3A_156 : vector<400x1xf32> to vector<400x128xf32>
    %mul3A_158 = arith.mulf %mul3A_157, %squeeze3A_151 : vector<400x128xf32>
    %add3A_159 = arith.addf %add3A_149, %mul3A_158 : vector<400x128xf32>
    %slice3A_160 = vector.extract_strided_slice %reshape3A {offsets = [0, 11, 0], sizes = [400, 1, 128], strides = [1, 1, 1]} : vector<400x16x128xf32> to vector<400x1x128xf32>
    %squeeze3A_161 = vector.shape_cast %slice3A_160 : vector<400x1x128xf32> to vector<400x128xf32>
    %slice3A_162 = vector.extract_strided_slice %mul3A_42 {offsets = [0, 11], sizes = [400, 1], strides = [1, 1]} : vector<400x16xf32> to vector<400x1xf32>
    %mul3A_163 = vector.broadcast %slice3A_162 : vector<400x1xf32> to vector<400x128xf32>
    %mul3A_164 = arith.mulf %mul3A_163, %squeeze3A_161 : vector<400x128xf32>
    %add3A_165 = arith.addf %add3A_155, %mul3A_164 : vector<400x128xf32>
    %slice3A_166 = vector.extract_strided_slice %mul3A_44 {offsets = [0, 11], sizes = [400, 1], strides = [1, 1]} : vector<400x16xf32> to vector<400x1xf32>
    %mul3A_167 = vector.broadcast %slice3A_166 : vector<400x1xf32> to vector<400x128xf32>
    %mul3A_168 = arith.mulf %mul3A_167, %squeeze3A_161 : vector<400x128xf32>
    %add3A_169 = arith.addf %add3A_159, %mul3A_168 : vector<400x128xf32>
    %slice3A_170 = vector.extract_strided_slice %reshape3A {offsets = [0, 12, 0], sizes = [400, 1, 128], strides = [1, 1, 1]} : vector<400x16x128xf32> to vector<400x1x128xf32>
    %squeeze3A_171 = vector.shape_cast %slice3A_170 : vector<400x1x128xf32> to vector<400x128xf32>
    %slice3A_172 = vector.extract_strided_slice %mul3A_42 {offsets = [0, 12], sizes = [400, 1], strides = [1, 1]} : vector<400x16xf32> to vector<400x1xf32>
    %mul3A_173 = vector.broadcast %slice3A_172 : vector<400x1xf32> to vector<400x128xf32>
    %mul3A_174 = arith.mulf %mul3A_173, %squeeze3A_171 : vector<400x128xf32>
    %add3A_175 = arith.addf %add3A_165, %mul3A_174 : vector<400x128xf32>
    %slice3A_176 = vector.extract_strided_slice %mul3A_44 {offsets = [0, 12], sizes = [400, 1], strides = [1, 1]} : vector<400x16xf32> to vector<400x1xf32>
    %mul3A_177 = vector.broadcast %slice3A_176 : vector<400x1xf32> to vector<400x128xf32>
    %mul3A_178 = arith.mulf %mul3A_177, %squeeze3A_171 : vector<400x128xf32>
    %add3A_179 = arith.addf %add3A_169, %mul3A_178 : vector<400x128xf32>
    %slice3A_180 = vector.extract_strided_slice %reshape3A {offsets = [0, 13, 0], sizes = [400, 1, 128], strides = [1, 1, 1]} : vector<400x16x128xf32> to vector<400x1x128xf32>
    %squeeze3A_181 = vector.shape_cast %slice3A_180 : vector<400x1x128xf32> to vector<400x128xf32>
    %slice3A_182 = vector.extract_strided_slice %mul3A_42 {offsets = [0, 13], sizes = [400, 1], strides = [1, 1]} : vector<400x16xf32> to vector<400x1xf32>
    %mul3A_183 = vector.broadcast %slice3A_182 : vector<400x1xf32> to vector<400x128xf32>
    %mul3A_184 = arith.mulf %mul3A_183, %squeeze3A_181 : vector<400x128xf32>
    %add3A_185 = arith.addf %add3A_175, %mul3A_184 : vector<400x128xf32>
    %slice3A_186 = vector.extract_strided_slice %mul3A_44 {offsets = [0, 13], sizes = [400, 1], strides = [1, 1]} : vector<400x16xf32> to vector<400x1xf32>
    %mul3A_187 = vector.broadcast %slice3A_186 : vector<400x1xf32> to vector<400x128xf32>
    %mul3A_188 = arith.mulf %mul3A_187, %squeeze3A_181 : vector<400x128xf32>
    %add3A_189 = arith.addf %add3A_179, %mul3A_188 : vector<400x128xf32>
    %slice3A_190 = vector.extract_strided_slice %reshape3A {offsets = [0, 14, 0], sizes = [400, 1, 128], strides = [1, 1, 1]} : vector<400x16x128xf32> to vector<400x1x128xf32>
    %squeeze3A_191 = vector.shape_cast %slice3A_190 : vector<400x1x128xf32> to vector<400x128xf32>
    %slice3A_192 = vector.extract_strided_slice %mul3A_42 {offsets = [0, 14], sizes = [400, 1], strides = [1, 1]} : vector<400x16xf32> to vector<400x1xf32>
    %mul3A_193 = vector.broadcast %slice3A_192 : vector<400x1xf32> to vector<400x128xf32>
    %mul3A_194 = arith.mulf %mul3A_193, %squeeze3A_191 : vector<400x128xf32>
    %add3A_195 = arith.addf %add3A_185, %mul3A_194 : vector<400x128xf32>
    %slice3A_196 = vector.extract_strided_slice %mul3A_44 {offsets = [0, 14], sizes = [400, 1], strides = [1, 1]} : vector<400x16xf32> to vector<400x1xf32>
    %mul3A_197 = vector.broadcast %slice3A_196 : vector<400x1xf32> to vector<400x128xf32>
    %mul3A_198 = arith.mulf %mul3A_197, %squeeze3A_191 : vector<400x128xf32>
    %add3A_199 = arith.addf %add3A_189, %mul3A_198 : vector<400x128xf32>
    %slice3A_200 = vector.extract_strided_slice %reshape3A {offsets = [0, 15, 0], sizes = [400, 1, 128], strides = [1, 1, 1]} : vector<400x16x128xf32> to vector<400x1x128xf32>
    %squeeze3A_201 = vector.shape_cast %slice3A_200 : vector<400x1x128xf32> to vector<400x128xf32>
    %slice3A_202 = vector.extract_strided_slice %mul3A_42 {offsets = [0, 15], sizes = [400, 1], strides = [1, 1]} : vector<400x16xf32> to vector<400x1xf32>
    %mul3A_203 = vector.broadcast %slice3A_202 : vector<400x1xf32> to vector<400x128xf32>
    %mul3A_204 = arith.mulf %mul3A_203, %squeeze3A_201 : vector<400x128xf32>
    %add3A_205 = arith.addf %add3A_195, %mul3A_204 : vector<400x128xf32>
    %slice3A_206 = vector.extract_strided_slice %mul3A_44 {offsets = [0, 15], sizes = [400, 1], strides = [1, 1]} : vector<400x16xf32> to vector<400x1xf32>
    %mul3A_207 = vector.broadcast %slice3A_206 : vector<400x1xf32> to vector<400x128xf32>
    %mul3A_208 = arith.mulf %mul3A_207, %squeeze3A_201 : vector<400x128xf32>
    %add3A_209 = arith.addf %add3A_199, %mul3A_208 : vector<400x128xf32>
    %get3A_210 = arith.constant 0 : index
    %get3A_211 = arith.constant 0 : index
    %get3A_212 = vector.load %arg4[%get3A_210, %get3A_211] : memref<400x128xf32, #tpu.memory_space<vmem>>, vector<400x128xf32>
    %get3A_213 = arith.constant 0 : index
    %get3A_214 = arith.constant 0 : index
    %get3A_215 = vector.load %arg9[%get3A_213, %get3A_214] : memref<128x128xf32, #tpu.memory_space<vmem>>, vector<128x128xf32>
    %dot_general3A_216 = arith.constant dense<0.000000e+00> : vector<400x128xf32>
    %dot_general3A_217 = tpu.matmul %get3A_212, %get3A_215, %dot_general3A_216 {dimension_numbers = #tpu.dot_dimension_numbers<[1], [0], [0], [1], [0, 0, 1, 1], [], []>, transpose_lhs_hint = false} : vector<400x128xf32>, vector<128x128xf32>, vector<400x128xf32> -> vector<400x128xf32>
    %mul3A_218 = arith.constant 1.600000e+01 : f32
    %mul3A_219 = vector.broadcast %mul3A_218 : f32 to vector<400x128xf32>
    %mul3A_220 = arith.mulf %mul3A_219, %dot_general3A_217 : vector<400x128xf32>
    %add3A_221 = arith.addf %get3A_212, %mul3A_220 : vector<400x128xf32>
    %get3A_222 = arith.constant 0 : index
    %get3A_223 = arith.constant 0 : index
    %get3A_224 = vector.load %arg10[%get3A_222, %get3A_223] : memref<128x128xf32, #tpu.memory_space<vmem>>, vector<128x128xf32>
    %dot_general3A_225 = arith.constant dense<0.000000e+00> : vector<400x128xf32>
    %dot_general3A_226 = tpu.matmul %add3A_205, %get3A_224, %dot_general3A_225 {dimension_numbers = #tpu.dot_dimension_numbers<[1], [0], [0], [1], [0, 0, 1, 1], [], []>, transpose_lhs_hint = false} : vector<400x128xf32>, vector<128x128xf32>, vector<400x128xf32> -> vector<400x128xf32>
    %add3A_227 = arith.addf %add3A_221, %dot_general3A_226 : vector<400x128xf32>
    %get3A_228 = arith.constant 0 : index
    %get3A_229 = arith.constant 0 : index
    %get3A_230 = vector.load %arg11[%get3A_228, %get3A_229] : memref<128x128xf32, #tpu.memory_space<vmem>>, vector<128x128xf32>
    %dot_general3A_231 = arith.constant dense<0.000000e+00> : vector<400x128xf32>
    %dot_general3A_232 = tpu.matmul %add3A_209, %get3A_230, %dot_general3A_231 {dimension_numbers = #tpu.dot_dimension_numbers<[1], [0], [0], [1], [0, 0, 1, 1], [], []>, transpose_lhs_hint = false} : vector<400x128xf32>, vector<128x128xf32>, vector<400x128xf32> -> vector<400x128xf32>
    %sub3A_233 = arith.subf %add3A_227, %dot_general3A_232 : vector<400x128xf32>
    %get3A_234 = arith.constant 0 : index
    %get3A_235 = arith.constant 0 : index
    %get3A_236 = vector.load %arg12[%get3A_234, %get3A_235] : memref<1x128xf32, #tpu.memory_space<vmem>>, vector<1x128xf32>
    %add3A_237 = vector.broadcast %get3A_236 : vector<1x128xf32> to vector<400x128xf32>
    %add3A_238 = arith.addf %sub3A_233, %add3A_237 : vector<400x128xf32>
    %swap3A = arith.constant 0 : index
    %swap3A_239 = arith.constant 0 : index
    %swap3A_240 = vector.load %arg13[%swap3A, %swap3A_239] : memref<400x128xf32, #tpu.memory_space<vmem>>, vector<400x128xf32>
    tpu.vector_store %arg13[%swap3A, %swap3A_239], %add3A_238 {strides = array<i32>} : memref<400x128xf32, #tpu.memory_space<vmem>>, vector<400x128xf32>,
    return
  }
  func.func @transform_0(%arg0: i32) -> (i32, i32) {
    %c0_i32 = arith.constant 0 : i32
    %c0_i32_0 = arith.constant 0 : i32
    return %arg0, %c0_i32 : i32, i32
  }
  func.func @transform_1(%arg0: i32) -> (i32, i32) {
    %c0_i32 = arith.constant 0 : i32
    %c0_i32_0 = arith.constant 0 : i32
    %c0_i32_1 = arith.constant 0 : i32
    return %c0_i32, %c0_i32_0 : i32, i32
  }
  func.func @transform_2(%arg0: i32) -> (i32, i32) {
    %c0_i32 = arith.constant 0 : i32
    %c0_i32_0 = arith.constant 0 : i32
    return %arg0, %c0_i32 : i32, i32
  }
  func.func @transform_3(%arg0: i32) -> (i32, i32) {
    %c0_i32 = arith.constant 0 : i32
    %c0_i32_0 = arith.constant 0 : i32
    return %arg0, %c0_i32 : i32, i32
  }
  func.func @transform_4(%arg0: i32) -> (i32, i32) {
    %c0_i32 = arith.constant 0 : i32
    %c0_i32_0 = arith.constant 0 : i32
    %c0_i32_1 = arith.constant 0 : i32
    return %c0_i32, %c0_i32_0 : i32, i32
  }
  func.func @transform_5(%arg0: i32) -> (i32, i32) {
    %c0_i32 = arith.constant 0 : i32
    %c0_i32_0 = arith.constant 0 : i32
    %c0_i32_1 = arith.constant 0 : i32
    return %c0_i32, %c0_i32_0 : i32, i32
  }
  func.func @transform_6(%arg0: i32) -> (i32, i32) {
    %c0_i32 = arith.constant 0 : i32
    %c0_i32_0 = arith.constant 0 : i32
    %c0_i32_1 = arith.constant 0 : i32
    return %c0_i32, %c0_i32_0 : i32, i32
  }
  func.func @transform_7(%arg0: i32) -> (i32, i32) {
    %c0_i32 = arith.constant 0 : i32
    %c0_i32_0 = arith.constant 0 : i32
    %c0_i32_1 = arith.constant 0 : i32
    return %c0_i32, %c0_i32_0 : i32, i32
  }
  func.func @transform_8(%arg0: i32) -> (i32, i32) {
    %c0_i32 = arith.constant 0 : i32
    %c0_i32_0 = arith.constant 0 : i32
    %c0_i32_1 = arith.constant 0 : i32
    return %c0_i32, %c0_i32_0 : i32, i32
  }
  func.func @transform_9(%arg0: i32) -> (i32, i32) {
    %c0_i32 = arith.constant 0 : i32
    %c0_i32_0 = arith.constant 0 : i32
    %c0_i32_1 = arith.constant 0 : i32
    return %c0_i32, %c0_i32_0 : i32, i32
  }
  func.func @transform_10(%arg0: i32) -> (i32, i32) {
    %c0_i32 = arith.constant 0 : i32
    %c0_i32_0 = arith.constant 0 : i32
    %c0_i32_1 = arith.constant 0 : i32
    return %c0_i32, %c0_i32_0 : i32, i32
  }
  func.func @transform_11(%arg0: i32) -> (i32, i32) {
    %c0_i32 = arith.constant 0 : i32
    %c0_i32_0 = arith.constant 0 : i32
    %c0_i32_1 = arith.constant 0 : i32
    return %c0_i32, %c0_i32_0 : i32, i32
  }
  func.func @transform_12(%arg0: i32) -> (i32, i32) {
    %c0_i32 = arith.constant 0 : i32
    %c0_i32_0 = arith.constant 0 : i32
    return %arg0, %c0_i32 : i32, i32
  }
}

module attributes {stable_mosaic.version = 14 : i64} {
  func.func @_agg_body(%arg0: i32, %arg1: memref<400x16xf32, #tpu.memory_space<vmem>>, %arg2: memref<1x1xf32, #tpu.memory_space<vmem>>, %arg3: memref<6400x128xf32, #tpu.memory_space<vmem>>, %arg4: memref<400x128xf32, #tpu.memory_space<vmem>>, %arg5: memref<16x128xf32, #tpu.memory_space<vmem>>, %arg6: memref<1x128xf32, #tpu.memory_space<vmem>>, %arg7: memref<128x1xf32, #tpu.memory_space<vmem>>, %arg8: memref<1x1xf32, #tpu.memory_space<vmem>>, %arg9: memref<128x128xf32, #tpu.memory_space<vmem>>, %arg10: memref<128x128xf32, #tpu.memory_space<vmem>>, %arg11: memref<128x128xf32, #tpu.memory_space<vmem>>, %arg12: memref<1x128xf32, #tpu.memory_space<vmem>>, %arg13: memref<400x128xf32, #tpu.memory_space<vmem>>) attributes {dimension_semantics = [#tpu.dimension_semantics<arbitrary>], iteration_bounds = array<i64: 25>, scalar_prefetch = 0 : i64, scratch_operands = 0 : i64, tpu.core_type = #tpu.core_type<tc>, window_params = [{transform_indices = @transform_0, window_bounds = array<i64: 400, 16>}, {pipeline_mode = #tpu.pipeline_mode<synchronous>, transform_indices = @transform_1, window_bounds = array<i64: 1, 1>}, {transform_indices = @transform_2, window_bounds = array<i64: 6400, 128>}, {transform_indices = @transform_3, window_bounds = array<i64: 400, 128>}, {pipeline_mode = #tpu.pipeline_mode<synchronous>, transform_indices = @transform_4, window_bounds = array<i64: 16, 128>}, {pipeline_mode = #tpu.pipeline_mode<synchronous>, transform_indices = @transform_5, window_bounds = array<i64: 1, 128>}, {pipeline_mode = #tpu.pipeline_mode<synchronous>, transform_indices = @transform_6, window_bounds = array<i64: 128, 1>}, {pipeline_mode = #tpu.pipeline_mode<synchronous>, transform_indices = @transform_7, window_bounds = array<i64: 1, 1>}, {pipeline_mode = #tpu.pipeline_mode<synchronous>, transform_indices = @transform_8, window_bounds = array<i64: 128, 128>}, {pipeline_mode = #tpu.pipeline_mode<synchronous>, transform_indices = @transform_9, window_bounds = array<i64: 128, 128>}, {pipeline_mode = #tpu.pipeline_mode<synchronous>, transform_indices = @transform_10, window_bounds = array<i64: 128, 128>}, {pipeline_mode = #tpu.pipeline_mode<synchronous>, transform_indices = @transform_11, window_bounds = array<i64: 1, 128>}, {transform_indices = @transform_12, window_bounds = array<i64: 400, 128>}]} {
    %get3A = arith.constant 0 : index
    %get3A_0 = arith.constant 0 : index
    %get3A_1 = vector.load %arg1[%get3A, %get3A_0] : memref<400x16xf32, #tpu.memory_space<vmem>>, vector<400x16xf32>
    %get3A_2 = arith.constant 0 : index
    %get3A_3 = arith.constant 0 : index
    %get3A_4 = vector.load %arg5[%get3A_2, %get3A_3] : memref<16x128xf32, #tpu.memory_space<vmem>>, vector<16x128xf32>
    %dot_general3A = arith.constant dense<0.000000e+00> : vector<400x128xf32>
    %dot_general3A_5 = tpu.matmul %get3A_1, %get3A_4, %dot_general3A {dimension_numbers = #tpu.dot_dimension_numbers<[1], [0], [0], [1], [0, 0, 1, 1], [], []>, transpose_lhs_hint = false} : vector<400x16xf32>, vector<16x128xf32>, vector<400x128xf32> -> vector<400x128xf32>
    %get3A_6 = arith.constant 0 : index
    %get3A_7 = arith.constant 0 : index
    %get3A_8 = vector.load %arg6[%get3A_6, %get3A_7] : memref<1x128xf32, #tpu.memory_space<vmem>>, vector<1x128xf32>
    %add3A = vector.broadcast %get3A_8 : vector<1x128xf32> to vector<400x128xf32>
    %add3A_9 = arith.addf %dot_general3A_5, %add3A : vector<400x128xf32>
    %max3A = arith.constant 0.000000e+00 : f32
    %max3A_10 = vector.broadcast %max3A : f32 to vector<400x128xf32>
    %max3A_11 = arith.maximumf %add3A_9, %max3A_10 : vector<400x128xf32>
    %get3A_12 = arith.constant 0 : index
    %get3A_13 = arith.constant 0 : index
    %get3A_14 = vector.load %arg7[%get3A_12, %get3A_13] : memref<128x1xf32, #tpu.memory_space<vmem>>, vector<128x1xf32>
    %dot_general3A_15 = arith.constant dense<0.000000e+00> : vector<400x1xf32>
    %dot_general3A_16 = tpu.matmul %max3A_11, %get3A_14, %dot_general3A_15 {dimension_numbers = #tpu.dot_dimension_numbers<[1], [0], [0], [1], [0, 0, 1, 1], [], []>, transpose_lhs_hint = false} : vector<400x128xf32>, vector<128x1xf32>, vector<400x1xf32> -> vector<400x1xf32>
    %get3A_17 = arith.constant 0 : index
    %get3A_18 = arith.constant 0 : index
    %get3A_19 = vector.load %arg8[%get3A_17, %get3A_18] : memref<1x1xf32, #tpu.memory_space<vmem>>, vector<1x1xf32>
    %add3A_20 = vector.broadcast %get3A_19 : vector<1x1xf32> to vector<400x1xf32>
    %add3A_21 = arith.addf %dot_general3A_16, %add3A_20 : vector<400x1xf32>
    %max3A_22 = arith.constant 0.000000e+00 : f32
    %max3A_23 = vector.broadcast %max3A_22 : f32 to vector<400x1xf32>
    %max3A_24 = arith.maximumf %add3A_21, %max3A_23 : vector<400x1xf32>
    %get3A_25 = arith.constant 0 : index
    %get3A_26 = arith.constant 0 : index
    %get3A_27 = vector.load %arg2[%get3A_25, %get3A_26] : memref<1x1xf32, #tpu.memory_space<vmem>>, vector<1x1xf32>
    %add3A_28 = vector.broadcast %get3A_27 : vector<1x1xf32> to vector<400x1xf32>
    %add3A_29 = arith.addf %max3A_24, %add3A_28 : vector<400x1xf32>
    %sub3A = vector.broadcast %add3A_29 : vector<400x1xf32> to vector<400x16xf32>
    %sub3A_30 = arith.subf %get3A_1, %sub3A : vector<400x16xf32>
    %max3A_31 = arith.constant 0.000000e+00 : f32
    %max3A_32 = vector.broadcast %max3A_31 : f32 to vector<400x16xf32>
    %max3A_33 = arith.maximumf %sub3A_30, %max3A_32 : vector<400x16xf32>
    %neg3A = arith.constant 0.000000e+00 : f32
    %neg3A_34 = vector.broadcast %neg3A : f32 to vector<400x16xf32>
    %neg3A_35 = arith.subf %neg3A_34, %sub3A_30 : vector<400x16xf32>
    %max3A_36 = arith.constant 0.000000e+00 : f32
    %max3A_37 = vector.broadcast %max3A_36 : f32 to vector<400x16xf32>
    %max3A_38 = arith.maximumf %neg3A_35, %max3A_37 : vector<400x16xf32>
    %abs3A = math.absf %sub3A_30 : vector<400x16xf32>
    %reduce_sum3A = arith.constant dense<0.000000e+00> : vector<400xf32>
    %reduce_sum3A_39 = vector.multi_reduction <add>, %abs3A, %reduce_sum3A [1] : vector<400x16xf32> to vector<400xf32>
    %broadcast_in_dim3A = vector.shape_cast %reduce_sum3A_39 : vector<400xf32> to vector<400x1xf32>
    %div3A = arith.constant 1.000000e+00 : f32
    %div3A_40 = vector.broadcast %div3A : f32 to vector<400x1xf32>
    %div3A_41 = arith.divf %div3A_40, %broadcast_in_dim3A : vector<400x1xf32>
    %mul3A = vector.broadcast %div3A_41 : vector<400x1xf32> to vector<400x16xf32>
    %mul3A_42 = arith.mulf %mul3A, %max3A_33 : vector<400x16xf32>
    %mul3A_43 = vector.broadcast %div3A_41 : vector<400x1xf32> to vector<400x16xf32>
    %mul3A_44 = arith.mulf %mul3A_43, %max3A_38 : vector<400x16xf32>
    %get3A_45 = arith.constant 0 : index
    %get3A_46 = arith.constant 0 : index
    %get3A_47 = vector.load %arg3[%get3A_45, %get3A_46] : memref<6400x128xf32, #tpu.memory_space<vmem>>, vector<6400x128xf32>
    %reshape3A = vector.shape_cast %get3A_47 : vector<6400x128xf32> to vector<400x16x128xf32>
    %broadcast_in_dim3A_48 = arith.constant 0.000000e+00 : f32
    %broadcast_in_dim3A_49 = vector.broadcast %broadcast_in_dim3A_48 : f32 to vector<400x128xf32>
    %broadcast_in_dim3A_50 = arith.constant 0.000000e+00 : f32
    %broadcast_in_dim3A_51 = vector.broadcast %broadcast_in_dim3A_50 : f32 to vector<400x128xf32>
    %slice3A = vector.extract_strided_slice %reshape3A {offsets = [0, 0, 0], sizes = [400, 1, 128], strides = [1, 1, 1]} : vector<400x16x128xf32> to vector<400x1x128xf32>
    %squeeze3A = vector.shape_cast %slice3A : vector<400x1x128xf32> to vector<400x128xf32>
    %slice3A_52 = vector.extract_strided_slice %mul3A_42 {offsets = [0, 0], sizes = [400, 1], strides = [1, 1]} : vector<400x16xf32> to vector<400x1xf32>
    %mul3A_53 = vector.broadcast %slice3A_52 : vector<400x1xf32> to vector<400x128xf32>
    %mul3A_54 = arith.mulf %mul3A_53, %squeeze3A : vector<400x128xf32>
    %add3A_55 = arith.addf %broadcast_in_dim3A_49, %mul3A_54 : vector<400x128xf32>
    %slice3A_56 = vector.extract_strided_slice %mul3A_44 {offsets = [0, 0], sizes = [400, 1], strides = [1, 1]} : vector<400x16xf32> to vector<400x1xf32>
    %mul3A_57 = vector.broadcast %slice3A_56 : vector<400x1xf32> to vector<400x128xf32>
    %mul3A_58 = arith.mulf %mul3A_57, %squeeze3A : vector<400x128xf32>
    %add3A_59 = arith.addf %broadcast_in_dim3A_51, %mul3A_58 : vector<400x128xf32>
    %slice3A_60 = vector.extract_strided_slice %reshape3A {offsets = [0, 1, 0], sizes = [400, 1, 128], strides = [1, 1, 1]} : vector<400x16x128xf32> to vector<400x1x128xf32>
    %squeeze3A_61 = vector.shape_cast %slice3A_60 : vector<400x1x128xf32> to vector<400x128xf32>
    %slice3A_62 = vector.extract_strided_slice %mul3A_42 {offsets = [0, 1], sizes = [400, 1], strides = [1, 1]} : vector<400x16xf32> to vector<400x1xf32>
    %mul3A_63 = vector.broadcast %slice3A_62 : vector<400x1xf32> to vector<400x128xf32>
    %mul3A_64 = arith.mulf %mul3A_63, %squeeze3A_61 : vector<400x128xf32>
    %add3A_65 = arith.addf %add3A_55, %mul3A_64 : vector<400x128xf32>
    %slice3A_66 = vector.extract_strided_slice %mul3A_44 {offsets = [0, 1], sizes = [400, 1], strides = [1, 1]} : vector<400x16xf32> to vector<400x1xf32>
    %mul3A_67 = vector.broadcast %slice3A_66 : vector<400x1xf32> to vector<400x128xf32>
    %mul3A_68 = arith.mulf %mul3A_67, %squeeze3A_61 : vector<400x128xf32>
    %add3A_69 = arith.addf %add3A_59, %mul3A_68 : vector<400x128xf32>
    %slice3A_70 = vector.extract_strided_slice %reshape3A {offsets = [0, 2, 0], sizes = [400, 1, 128], strides = [1, 1, 1]} : vector<400x16x128xf32> to vector<400x1x128xf32>
    %squeeze3A_71 = vector.shape_cast %slice3A_70 : vector<400x1x128xf32> to vector<400x128xf32>
    %slice3A_72 = vector.extract_strided_slice %mul3A_42 {offsets = [0, 2], sizes = [400, 1], strides = [1, 1]} : vector<400x16xf32> to vector<400x1xf32>
    %mul3A_73 = vector.broadcast %slice3A_72 : vector<400x1xf32> to vector<400x128xf32>
    %mul3A_74 = arith.mulf %mul3A_73, %squeeze3A_71 : vector<400x128xf32>
    %add3A_75 = arith.addf %add3A_65, %mul3A_74 : vector<400x128xf32>
    %slice3A_76 = vector.extract_strided_slice %mul3A_44 {offsets = [0, 2], sizes = [400, 1], strides = [1, 1]} : vector<400x16xf32> to vector<400x1xf32>
    %mul3A_77 = vector.broadcast %slice3A_76 : vector<400x1xf32> to vector<400x128xf32>
    %mul3A_78 = arith.mulf %mul3A_77, %squeeze3A_71 : vector<400x128xf32>
    %add3A_79 = arith.addf %add3A_69, %mul3A_78 : vector<400x128xf32>
    %slice3A_80 = vector.extract_strided_slice %reshape3A {offsets = [0, 3, 0], sizes = [400, 1, 128], strides = [1, 1, 1]} : vector<400x16x128xf32> to vector<400x1x128xf32>
    %squeeze3A_81 = vector.shape_cast %slice3A_80 : vector<400x1x128xf32> to vector<400x128xf32>
    %slice3A_82 = vector.extract_strided_slice %mul3A_42 {offsets = [0, 3], sizes = [400, 1], strides = [1, 1]} : vector<400x16xf32> to vector<400x1xf32>
    %mul3A_83 = vector.broadcast %slice3A_82 : vector<400x1xf32> to vector<400x128xf32>
    %mul3A_84 = arith.mulf %mul3A_83, %squeeze3A_81 : vector<400x128xf32>
    %add3A_85 = arith.addf %add3A_75, %mul3A_84 : vector<400x128xf32>
    %slice3A_86 = vector.extract_strided_slice %mul3A_44 {offsets = [0, 3], sizes = [400, 1], strides = [1, 1]} : vector<400x16xf32> to vector<400x1xf32>
    %mul3A_87 = vector.broadcast %slice3A_86 : vector<400x1xf32> to vector<400x128xf32>
    %mul3A_88 = arith.mulf %mul3A_87, %squeeze3A_81 : vector<400x128xf32>
    %add3A_89 = arith.addf %add3A_79, %mul3A_88 : vector<400x128xf32>
    %slice3A_90 = vector.extract_strided_slice %reshape3A {offsets = [0, 4, 0], sizes = [400, 1, 128], strides = [1, 1, 1]} : vector<400x16x128xf32> to vector<400x1x128xf32>
    %squeeze3A_91 = vector.shape_cast %slice3A_90 : vector<400x1x128xf32> to vector<400x128xf32>
    %slice3A_92 = vector.extract_strided_slice %mul3A_42 {offsets = [0, 4], sizes = [400, 1], strides = [1, 1]} : vector<400x16xf32> to vector<400x1xf32>
    %mul3A_93 = vector.broadcast %slice3A_92 : vector<400x1xf32> to vector<400x128xf32>
    %mul3A_94 = arith.mulf %mul3A_93, %squeeze3A_91 : vector<400x128xf32>
    %add3A_95 = arith.addf %add3A_85, %mul3A_94 : vector<400x128xf32>
    %slice3A_96 = vector.extract_strided_slice %mul3A_44 {offsets = [0, 4], sizes = [400, 1], strides = [1, 1]} : vector<400x16xf32> to vector<400x1xf32>
    %mul3A_97 = vector.broadcast %slice3A_96 : vector<400x1xf32> to vector<400x128xf32>
    %mul3A_98 = arith.mulf %mul3A_97, %squeeze3A_91 : vector<400x128xf32>
    %add3A_99 = arith.addf %add3A_89, %mul3A_98 : vector<400x128xf32>
    %slice3A_100 = vector.extract_strided_slice %reshape3A {offsets = [0, 5, 0], sizes = [400, 1, 128], strides = [1, 1, 1]} : vector<400x16x128xf32> to vector<400x1x128xf32>
    %squeeze3A_101 = vector.shape_cast %slice3A_100 : vector<400x1x128xf32> to vector<400x128xf32>
    %slice3A_102 = vector.extract_strided_slice %mul3A_42 {offsets = [0, 5], sizes = [400, 1], strides = [1, 1]} : vector<400x16xf32> to vector<400x1xf32>
    %mul3A_103 = vector.broadcast %slice3A_102 : vector<400x1xf32> to vector<400x128xf32>
    %mul3A_104 = arith.mulf %mul3A_103, %squeeze3A_101 : vector<400x128xf32>
    %add3A_105 = arith.addf %add3A_95, %mul3A_104 : vector<400x128xf32>
    %slice3A_106 = vector.extract_strided_slice %mul3A_44 {offsets = [0, 5], sizes = [400, 1], strides = [1, 1]} : vector<400x16xf32> to vector<400x1xf32>
    %mul3A_107 = vector.broadcast %slice3A_106 : vector<400x1xf32> to vector<400x128xf32>
    %mul3A_108 = arith.mulf %mul3A_107, %squeeze3A_101 : vector<400x128xf32>
    %add3A_109 = arith.addf %add3A_99, %mul3A_108 : vector<400x128xf32>
    %slice3A_110 = vector.extract_strided_slice %reshape3A {offsets = [0, 6, 0], sizes = [400, 1, 128], strides = [1, 1, 1]} : vector<400x16x128xf32> to vector<400x1x128xf32>
    %squeeze3A_111 = vector.shape_cast %slice3A_110 : vector<400x1x128xf32> to vector<400x128xf32>
    %slice3A_112 = vector.extract_strided_slice %mul3A_42 {offsets = [0, 6], sizes = [400, 1], strides = [1, 1]} : vector<400x16xf32> to vector<400x1xf32>
    %mul3A_113 = vector.broadcast %slice3A_112 : vector<400x1xf32> to vector<400x128xf32>
    %mul3A_114 = arith.mulf %mul3A_113, %squeeze3A_111 : vector<400x128xf32>
    %add3A_115 = arith.addf %add3A_105, %mul3A_114 : vector<400x128xf32>
    %slice3A_116 = vector.extract_strided_slice %mul3A_44 {offsets = [0, 6], sizes = [400, 1], strides = [1, 1]} : vector<400x16xf32> to vector<400x1xf32>
    %mul3A_117 = vector.broadcast %slice3A_116 : vector<400x1xf32> to vector<400x128xf32>
    %mul3A_118 = arith.mulf %mul3A_117, %squeeze3A_111 : vector<400x128xf32>
    %add3A_119 = arith.addf %add3A_109, %mul3A_118 : vector<400x128xf32>
    %slice3A_120 = vector.extract_strided_slice %reshape3A {offsets = [0, 7, 0], sizes = [400, 1, 128], strides = [1, 1, 1]} : vector<400x16x128xf32> to vector<400x1x128xf32>
    %squeeze3A_121 = vector.shape_cast %slice3A_120 : vector<400x1x128xf32> to vector<400x128xf32>
    %slice3A_122 = vector.extract_strided_slice %mul3A_42 {offsets = [0, 7], sizes = [400, 1], strides = [1, 1]} : vector<400x16xf32> to vector<400x1xf32>
    %mul3A_123 = vector.broadcast %slice3A_122 : vector<400x1xf32> to vector<400x128xf32>
    %mul3A_124 = arith.mulf %mul3A_123, %squeeze3A_121 : vector<400x128xf32>
    %add3A_125 = arith.addf %add3A_115, %mul3A_124 : vector<400x128xf32>
    %slice3A_126 = vector.extract_strided_slice %mul3A_44 {offsets = [0, 7], sizes = [400, 1], strides = [1, 1]} : vector<400x16xf32> to vector<400x1xf32>
    %mul3A_127 = vector.broadcast %slice3A_126 : vector<400x1xf32> to vector<400x128xf32>
    %mul3A_128 = arith.mulf %mul3A_127, %squeeze3A_121 : vector<400x128xf32>
    %add3A_129 = arith.addf %add3A_119, %mul3A_128 : vector<400x128xf32>
    %slice3A_130 = vector.extract_strided_slice %reshape3A {offsets = [0, 8, 0], sizes = [400, 1, 128], strides = [1, 1, 1]} : vector<400x16x128xf32> to vector<400x1x128xf32>
    %squeeze3A_131 = vector.shape_cast %slice3A_130 : vector<400x1x128xf32> to vector<400x128xf32>
    %slice3A_132 = vector.extract_strided_slice %mul3A_42 {offsets = [0, 8], sizes = [400, 1], strides = [1, 1]} : vector<400x16xf32> to vector<400x1xf32>
    %mul3A_133 = vector.broadcast %slice3A_132 : vector<400x1xf32> to vector<400x128xf32>
    %mul3A_134 = arith.mulf %mul3A_133, %squeeze3A_131 : vector<400x128xf32>
    %add3A_135 = arith.addf %add3A_125, %mul3A_134 : vector<400x128xf32>
    %slice3A_136 = vector.extract_strided_slice %mul3A_44 {offsets = [0, 8], sizes = [400, 1], strides = [1, 1]} : vector<400x16xf32> to vector<400x1xf32>
    %mul3A_137 = vector.broadcast %slice3A_136 : vector<400x1xf32> to vector<400x128xf32>
    %mul3A_138 = arith.mulf %mul3A_137, %squeeze3A_131 : vector<400x128xf32>
    %add3A_139 = arith.addf %add3A_129, %mul3A_138 : vector<400x128xf32>
    %slice3A_140 = vector.extract_strided_slice %reshape3A {offsets = [0, 9, 0], sizes = [400, 1, 128], strides = [1, 1, 1]} : vector<400x16x128xf32> to vector<400x1x128xf32>
    %squeeze3A_141 = vector.shape_cast %slice3A_140 : vector<400x1x128xf32> to vector<400x128xf32>
    %slice3A_142 = vector.extract_strided_slice %mul3A_42 {offsets = [0, 9], sizes = [400, 1], strides = [1, 1]} : vector<400x16xf32> to vector<400x1xf32>
    %mul3A_143 = vector.broadcast %slice3A_142 : vector<400x1xf32> to vector<400x128xf32>
    %mul3A_144 = arith.mulf %mul3A_143, %squeeze3A_141 : vector<400x128xf32>
    %add3A_145 = arith.addf %add3A_135, %mul3A_144 : vector<400x128xf32>
    %slice3A_146 = vector.extract_strided_slice %mul3A_44 {offsets = [0, 9], sizes = [400, 1], strides = [1, 1]} : vector<400x16xf32> to vector<400x1xf32>
    %mul3A_147 = vector.broadcast %slice3A_146 : vector<400x1xf32> to vector<400x128xf32>
    %mul3A_148 = arith.mulf %mul3A_147, %squeeze3A_141 : vector<400x128xf32>
    %add3A_149 = arith.addf %add3A_139, %mul3A_148 : vector<400x128xf32>
    %slice3A_150 = vector.extract_strided_slice %reshape3A {offsets = [0, 10, 0], sizes = [400, 1, 128], strides = [1, 1, 1]} : vector<400x16x128xf32> to vector<400x1x128xf32>
    %squeeze3A_151 = vector.shape_cast %slice3A_150 : vector<400x1x128xf32> to vector<400x128xf32>
    %slice3A_152 = vector.extract_strided_slice %mul3A_42 {offsets = [0, 10], sizes = [400, 1], strides = [1, 1]} : vector<400x16xf32> to vector<400x1xf32>
    %mul3A_153 = vector.broadcast %slice3A_152 : vector<400x1xf32> to vector<400x128xf32>
    %mul3A_154 = arith.mulf %mul3A_153, %squeeze3A_151 : vector<400x128xf32>
    %add3A_155 = arith.addf %add3A_145, %mul3A_154 : vector<400x128xf32>
    %slice3A_156 = vector.extract_strided_slice %mul3A_44 {offsets = [0, 10], sizes = [400, 1], strides = [1, 1]} : vector<400x16xf32> to vector<400x1xf32>
    %mul3A_157 = vector.broadcast %slice3A_156 : vector<400x1xf32> to vector<400x128xf32>
    %mul3A_158 = arith.mulf %mul3A_157, %squeeze3A_151 : vector<400x128xf32>
    %add3A_159 = arith.addf %add3A_149, %mul3A_158 : vector<400x128xf32>
    %slice3A_160 = vector.extract_strided_slice %reshape3A {offsets = [0, 11, 0], sizes = [400, 1, 128], strides = [1, 1, 1]} : vector<400x16x128xf32> to vector<400x1x128xf32>
    %squeeze3A_161 = vector.shape_cast %slice3A_160 : vector<400x1x128xf32> to vector<400x128xf32>
    %slice3A_162 = vector.extract_strided_slice %mul3A_42 {offsets = [0, 11], sizes = [400, 1], strides = [1, 1]} : vector<400x16xf32> to vector<400x1xf32>
    %mul3A_163 = vector.broadcast %slice3A_162 : vector<400x1xf32> to vector<400x128xf32>
    %mul3A_164 = arith.mulf %mul3A_163, %squeeze3A_161 : vector<400x128xf32>
    %add3A_165 = arith.addf %add3A_155, %mul3A_164 : vector<400x128xf32>
    %slice3A_166 = vector.extract_strided_slice %mul3A_44 {offsets = [0, 11], sizes = [400, 1], strides = [1, 1]} : vector<400x16xf32> to vector<400x1xf32>
    %mul3A_167 = vector.broadcast %slice3A_166 : vector<400x1xf32> to vector<400x128xf32>
    %mul3A_168 = arith.mulf %mul3A_167, %squeeze3A_161 : vector<400x128xf32>
    %add3A_169 = arith.addf %add3A_159, %mul3A_168 : vector<400x128xf32>
    %slice3A_170 = vector.extract_strided_slice %reshape3A {offsets = [0, 12, 0], sizes = [400, 1, 128], strides = [1, 1, 1]} : vector<400x16x128xf32> to vector<400x1x128xf32>
    %squeeze3A_171 = vector.shape_cast %slice3A_170 : vector<400x1x128xf32> to vector<400x128xf32>
    %slice3A_172 = vector.extract_strided_slice %mul3A_42 {offsets = [0, 12], sizes = [400, 1], strides = [1, 1]} : vector<400x16xf32> to vector<400x1xf32>
    %mul3A_173 = vector.broadcast %slice3A_172 : vector<400x1xf32> to vector<400x128xf32>
    %mul3A_174 = arith.mulf %mul3A_173, %squeeze3A_171 : vector<400x128xf32>
    %add3A_175 = arith.addf %add3A_165, %mul3A_174 : vector<400x128xf32>
    %slice3A_176 = vector.extract_strided_slice %mul3A_44 {offsets = [0, 12], sizes = [400, 1], strides = [1, 1]} : vector<400x16xf32> to vector<400x1xf32>
    %mul3A_177 = vector.broadcast %slice3A_176 : vector<400x1xf32> to vector<400x128xf32>
    %mul3A_178 = arith.mulf %mul3A_177, %squeeze3A_171 : vector<400x128xf32>
    %add3A_179 = arith.addf %add3A_169, %mul3A_178 : vector<400x128xf32>
    %slice3A_180 = vector.extract_strided_slice %reshape3A {offsets = [0, 13, 0], sizes = [400, 1, 128], strides = [1, 1, 1]} : vector<400x16x128xf32> to vector<400x1x128xf32>
    %squeeze3A_181 = vector.shape_cast %slice3A_180 : vector<400x1x128xf32> to vector<400x128xf32>
    %slice3A_182 = vector.extract_strided_slice %mul3A_42 {offsets = [0, 13], sizes = [400, 1], strides = [1, 1]} : vector<400x16xf32> to vector<400x1xf32>
    %mul3A_183 = vector.broadcast %slice3A_182 : vector<400x1xf32> to vector<400x128xf32>
    %mul3A_184 = arith.mulf %mul3A_183, %squeeze3A_181 : vector<400x128xf32>
    %add3A_185 = arith.addf %add3A_175, %mul3A_184 : vector<400x128xf32>
    %slice3A_186 = vector.extract_strided_slice %mul3A_44 {offsets = [0, 13], sizes = [400, 1], strides = [1, 1]} : vector<400x16xf32> to vector<400x1xf32>
    %mul3A_187 = vector.broadcast %slice3A_186 : vector<400x1xf32> to vector<400x128xf32>
    %mul3A_188 = arith.mulf %mul3A_187, %squeeze3A_181 : vector<400x128xf32>
    %add3A_189 = arith.addf %add3A_179, %mul3A_188 : vector<400x128xf32>
    %slice3A_190 = vector.extract_strided_slice %reshape3A {offsets = [0, 14, 0], sizes = [400, 1, 128], strides = [1, 1, 1]} : vector<400x16x128xf32> to vector<400x1x128xf32>
    %squeeze3A_191 = vector.shape_cast %slice3A_190 : vector<400x1x128xf32> to vector<400x128xf32>
    %slice3A_192 = vector.extract_strided_slice %mul3A_42 {offsets = [0, 14], sizes = [400, 1], strides = [1, 1]} : vector<400x16xf32> to vector<400x1xf32>
    %mul3A_193 = vector.broadcast %slice3A_192 : vector<400x1xf32> to vector<400x128xf32>
    %mul3A_194 = arith.mulf %mul3A_193, %squeeze3A_191 : vector<400x128xf32>
    %add3A_195 = arith.addf %add3A_185, %mul3A_194 : vector<400x128xf32>
    %slice3A_196 = vector.extract_strided_slice %mul3A_44 {offsets = [0, 14], sizes = [400, 1], strides = [1, 1]} : vector<400x16xf32> to vector<400x1xf32>
    %mul3A_197 = vector.broadcast %slice3A_196 : vector<400x1xf32> to vector<400x128xf32>
    %mul3A_198 = arith.mulf %mul3A_197, %squeeze3A_191 : vector<400x128xf32>
    %add3A_199 = arith.addf %add3A_189, %mul3A_198 : vector<400x128xf32>
    %slice3A_200 = vector.extract_strided_slice %reshape3A {offsets = [0, 15, 0], sizes = [400, 1, 128], strides = [1, 1, 1]} : vector<400x16x128xf32> to vector<400x1x128xf32>
    %squeeze3A_201 = vector.shape_cast %slice3A_200 : vector<400x1x128xf32> to vector<400x128xf32>
    %slice3A_202 = vector.extract_strided_slice %mul3A_42 {offsets = [0, 15], sizes = [400, 1], strides = [1, 1]} : vector<400x16xf32> to vector<400x1xf32>
    %mul3A_203 = vector.broadcast %slice3A_202 : vector<400x1xf32> to vector<400x128xf32>
    %mul3A_204 = arith.mulf %mul3A_203, %squeeze3A_201 : vector<400x128xf32>
    %add3A_205 = arith.addf %add3A_195, %mul3A_204 : vector<400x128xf32>
    %slice3A_206 = vector.extract_strided_slice %mul3A_44 {offsets = [0, 15], sizes = [400, 1], strides = [1, 1]} : vector<400x16xf32> to vector<400x1xf32>
    %mul3A_207 = vector.broadcast %slice3A_206 : vector<400x1xf32> to vector<400x128xf32>
    %mul3A_208 = arith.mulf %mul3A_207, %squeeze3A_201 : vector<400x128xf32>
    %add3A_209 = arith.addf %add3A_199, %mul3A_208 : vector<400x128xf32>
    %get3A_210 = arith.constant 0 : index
    %get3A_211 = arith.constant 0 : index
    %get3A_212 = vector.load %arg4[%get3A_210, %get3A_211] : memref<400x128xf32, #tpu.memory_space<vmem>>, vector<400x128xf32>
    %get3A_213 = arith.constant 0 : index
    %get3A_214 = arith.constant 0 : index
    %get3A_215 = vector.load %arg9[%get3A_213, %get3A_214] : memref<128x128xf32, #tpu.memory_space<vmem>>, vector<128x128xf32>
    %dot_general3A_216 = arith.constant dense<0.000000e+00> : vector<400x128xf32>
    %dot_general3A_217 = tpu.matmul %get3A_212, %get3A_215, %dot_general3A_216 {dimension_numbers = #tpu.dot_dimension_numbers<[1], [0], [0], [1], [0, 0, 1, 1], [], []>, transpose_lhs_hint = false} : vector<400x128xf32>, vector<128x128xf32>, vector<400x128xf32> -> vector<400x128xf32>
    %mul3A_218 = arith.constant 1.600000e+01 : f32
    %mul3A_219 = vector.broadcast %mul3A_218 : f32 to vector<400x128xf32>
    %mul3A_220 = arith.mulf %mul3A_219, %dot_general3A_217 : vector<400x128xf32>
    %add3A_221 = arith.addf %get3A_212, %mul3A_220 : vector<400x128xf32>
    %get3A_222 = arith.constant 0 : index
    %get3A_223 = arith.constant 0 : index
    %get3A_224 = vector.load %arg10[%get3A_222, %get3A_223] : memref<128x128xf32, #tpu.memory_space<vmem>>, vector<128x128xf32>
    %dot_general3A_225 = arith.constant dense<0.000000e+00> : vector<400x128xf32>
    %dot_general3A_226 = tpu.matmul %add3A_205, %get3A_224, %dot_general3A_225 {dimension_numbers = #tpu.dot_dimension_numbers<[1], [0], [0], [1], [0, 0, 1, 1], [], []>, transpose_lhs_hint = false} : vector<400x128xf32>, vector<128x128xf32>, vector<400x128xf32> -> vector<400x128xf32>
    %add3A_227 = arith.addf %add3A_221, %dot_general3A_226 : vector<400x128xf32>
    %get3A_228 = arith.constant 0 : index
    %get3A_229 = arith.constant 0 : index
    %get3A_230 = vector.load %arg11[%get3A_228, %get3A_229] : memref<128x128xf32, #tpu.memory_space<vmem>>, vector<128x128xf32>
    %dot_general3A_231 = arith.constant dense<0.000000e+00> : vector<400x128xf32>
    %dot_general3A_232 = tpu.matmul %add3A_209, %get3A_230, %dot_general3A_231 {dimension_numbers = #tpu.dot_dimension_numbers<[1], [0], [0], [1], [0, 0, 1, 1], [], []>, transpose_lhs_hint = false} : vector<400x128xf32>, vector<128x128xf32>, vector<400x128xf32> -> vector<400x128xf32>
    %sub3A_233 = arith.subf %add3A_227, %dot_general3A_232 : vector<400x128xf32>
    %get3A_234 = arith.constant 0 : index
    %get3A_235 = arith.constant 0 : index
    %get3A_236 = vector.load %arg12[%get3A_234, %get3A_235] : memref<1x128xf32, #tpu.memory_space<vmem>>, vector<1x128xf32>
    %add3A_237 = vector.broadcast %get3A_236 : vector<1x128xf32> to vector<400x128xf32>
    %add3A_238 = arith.addf %sub3A_233, %add3A_237 : vector<400x128xf32>
    %swap3A = arith.constant 0 : index
    %swap3A_239 = arith.constant 0 : index
    %swap3A_240 = vector.load %arg13[%swap3A, %swap3A_239] : memref<400x128xf32, #tpu.memory_space<vmem>>, vector<400x128xf32>
    tpu.vector_store %arg13[%swap3A, %swap3A_239], %add3A_238 {strides = array<i32>} : memref<400x128xf32, #tpu.memory_space<vmem>>, vector<400x128xf32>,
    return
  }
  func.func @transform_0(%arg0: i32) -> (i32, i32) {
    %c0_i32 = arith.constant 0 : i32
    %c0_i32_0 = arith.constant 0 : i32
    return %arg0, %c0_i32 : i32, i32
  }
  func.func @transform_1(%arg0: i32) -> (i32, i32) {
    %c0_i32 = arith.constant 0 : i32
    %c0_i32_0 = arith.constant 0 : i32
    %c0_i32_1 = arith.constant 0 : i32
    return %c0_i32, %c0_i32_0 : i32, i32
  }
  func.func @transform_2(%arg0: i32) -> (i32, i32) {
    %c0_i32 = arith.constant 0 : i32
    %c0_i32_0 = arith.constant 0 : i32
    return %arg0, %c0_i32 : i32, i32
  }
  func.func @transform_3(%arg0: i32) -> (i32, i32) {
    %c0_i32 = arith.constant 0 : i32
    %c0_i32_0 = arith.constant 0 : i32
    return %arg0, %c0_i32 : i32, i32
  }
  func.func @transform_4(%arg0: i32) -> (i32, i32) {
    %c0_i32 = arith.constant 0 : i32
    %c0_i32_0 = arith.constant 0 : i32
    %c0_i32_1 = arith.constant 0 : i32
    return %c0_i32, %c0_i32_0 : i32, i32
  }
  func.func @transform_5(%arg0: i32) -> (i32, i32) {
    %c0_i32 = arith.constant 0 : i32
    %c0_i32_0 = arith.constant 0 : i32
    %c0_i32_1 = arith.constant 0 : i32
    return %c0_i32, %c0_i32_0 : i32, i32
  }
  func.func @transform_6(%arg0: i32) -> (i32, i32) {
    %c0_i32 = arith.constant 0 : i32
    %c0_i32_0 = arith.constant 0 : i32
    %c0_i32_1 = arith.constant 0 : i32
    return %c0_i32, %c0_i32_0 : i32, i32
  }
  func.func @transform_7(%arg0: i32) -> (i32, i32) {
    %c0_i32 = arith.constant 0 : i32
    %c0_i32_0 = arith.constant 0 : i32
    %c0_i32_1 = arith.constant 0 : i32
    return %c0_i32, %c0_i32_0 : i32, i32
  }
  func.func @transform_8(%arg0: i32) -> (i32, i32) {
    %c0_i32 = arith.constant 0 : i32
    %c0_i32_0 = arith.constant 0 : i32
    %c0_i32_1 = arith.constant 0 : i32
    return %c0_i32, %c0_i32_0 : i32, i32
  }
  func.func @transform_9(%arg0: i32) -> (i32, i32) {
    %c0_i32 = arith.constant 0 : i32
    %c0_i32_0 = arith.constant 0 : i32
    %c0_i32_1 = arith.constant 0 : i32
    return %c0_i32, %c0_i32_0 : i32, i32
  }
  func.func @transform_10(%arg0: i32) -> (i32, i32) {
    %c0_i32 = arith.constant 0 : i32
    %c0_i32_0 = arith.constant 0 : i32
    %c0_i32_1 = arith.constant 0 : i32
    return %c0_i32, %c0_i32_0 : i32, i32
  }
  func.func @transform_11(%arg0: i32) -> (i32, i32) {
    %c0_i32 = arith.constant 0 : i32
    %c0_i32_0 = arith.constant 0 : i32
    %c0_i32_1 = arith.constant 0 : i32
    return %c0_i32, %c0_i32_0 : i32, i32
  }
  func.func @transform_12(%arg0: i32) -> (i32, i32) {
    %c0_i32 = arith.constant 0 : i32
    %c0_i32_0 = arith.constant 0 : i32
    return %arg0, %c0_i32 : i32, i32
  }
}

</mosaic_0001>

<sc_bundles>
// kernel: gather_offload_async_start
scs
__scs_entry_jumppad:
0x0: {  	(pc) =	sbr.rel $0x88, $3  }
0x1: {  	(tag) =	ssettag $0x0;
	lr =	simm.s32 $0x1  }
0x2: {  	[smem:$0x3F86] =	sst lr;
	_ =	strace $0xD0000000  }
0x3: {  	_ = 	snop  }
0x4: {  	_ = 	snop  }
0x5: {  	_ = 	snop  }
0x6: {  	_ = 	snop  }
0x7: {  	_ = 	snop  }
__scs_overlays_trampoline_lowered:
0x8: {  	[smem:$0x3F95] =	sst s0  }
0x9: {  	[smem:$0x3F96] =	sst s1  }
0xa: {  	[smem:$0x3F97] =	sst s2  }
0xb: {  	[smem:$0x3F98] =	sst s3  }
0xc: {  	[smem:$0x3F99] =	sst s4  }
0xd: {  	[smem:$0x3F9A] =	sst s5  }
0xe: {  	[smem:$0x3F9B] =	sst s6  }
0xf: {  	[smem:$0x3F9C] =	sst s7  }
0x10: {  	[smem:$0x3F9D] =	sst s8  }
0x11: {  	[smem:$0x3F9E] =	sst s9;
	s0 =	simm.s32 @!p0 $0x0  }
0x12: {  	s1 =	sld [smem:$0x3F84];
	s0 =	simm.s32 @p0 $0x1  }
0x13: {  	[smem:$0x3F9F] =	sst s0;
	s0 =	simm.s32 @!p1 $0x0  }
0x14: {  	s2 =	sld [smem:$0x3F83];
	s0 =	simm.s32 @p1 $0x1  }
0x15: {  	[smem:$0x3FA0] =	sst s0;
	s0 =	simm.s32 @!p2 $0x0  }
0x16: {  	s3 =	sld [smem:$0x3FDB];
	s0 =	simm.s32 @p2 $0x1  }
0x17: {  	s4 =	simm.s32 $0x1BF5;
	[smem:$0x3FA2] =	sst s0  }
0x18: {  	s0 =	sld [smem:$0x3F85];
	_ =	swait.ge [sflag:s4], $0x0  }
0x19: {  	s7 =	sld [smem:$0x3F86]  }
0x1a: {  	s8 =	sadd.s32 $0xFFFFE003, lr  }
0x1b: {  	s9 =	sadd.s32 $0xFFFFFEF7, lr;
	s5 =	simm.s32 $0xFFFFFFFF;
	p2 =	slt.u32 s8, $0xFFFFF086  }
0x1c: {  	p1 =	slt.u32 s9, $0xF7A;
	s5 =	simm.s32 @!p2 $0x0  }
0x1d: {  	s5 =	simm.s32 @p1 $0x1;
	p0 =	seq.s32 s7, s2  }
0x1e: {  	s7 =	smul.u32 @!p0 $0xF7A, s2;
	p2 =	seq.s32 @!p0 s5, $0x0  }
0x1f: {  	s9 =	smul.u32 $0xF7A, s1;
	s8 =	simm.s32 @!p0 $0x1BF5;
	p2 =	por !p2, p0  }
0x20: {  	[sflag:s8] =	ssyncset.s32 @!p0 $0xFFFFF086;
	s6 =	sadd.s32 @!p0 s3, s7;
	s7 =	simm.s32 @!p0 $0x108  }
0x21: {  	s3 =	sadd.s32 s3, s9;
	s6 =	sadd.s32 @!p0 $0x88, s6;
	s7 =	simm.s32 @p2 $0x1082  }
0x22: {  	[simem:s7], [sflag:s8] =	dma.local @!p0 [hbm:s6], $0xF7A  }
0x23: {  	s9 =	sor.u32 $0xD0000000, s2;
	s6 =	simm.s32 $0x108;
	_ =	swait.ge @!p0 [sflag:s8], $0x0  }
0x24: {  	s3 =	sadd.s32 $0x88, s3;
	s6 =	simm.s32 @!p1 $0x1082;
	[sflag:s4] =	ssyncset.s32 $0xFFFFF086  }
0x25: {  	[simem:s6], [sflag:s4] =	dma.local [hbm:s3], $0xF7A  }
0x26: {  	[smem:$0x3F86] =	sst s1;
	(tag) =	ssettag s2;
	_ =	strace s9  }
0x27: {  	s1 =	sld [smem:$0x3F96]  }
0x28: {  	s2 =	sld [smem:$0x3F97]  }
0x29: {  	s4 =	sld [smem:$0x3F99]  }
0x2a: {  	p0 =	seq.s32 s5, $0x0;
	s5 =	sld [smem:$0x3F9A]  }
0x2b: {  	s6 =	sld [smem:$0x3F9B]  }
0x2c: {  	s7 =	sld [smem:$0x3F9C]  }
0x2d: {  	s3 =	simm.s32 $0x108;
	s8 =	sld [smem:$0x3F9D]  }
0x2e: {  	s3 =	simm.s32 @!p0 $0x1082;
	s9 =	sld [smem:$0x3F9E]  }
0x2f: {  	lr =	sadd.s32 s0, s3;
	s0 =	sld [smem:$0x3F95]  }
0x30: {  	s3 =	sld [smem:$0x3F98]  }
0x31: {  	[smem:$0x3FA1] =	sst s10  }
0x32: {  	s10 =	sld [smem:$0x3F9F];
	_ =	sdelay $0x3  }
0x33: {  	p0 =	seq.s32 s10, $0x1;
	s10 =	sld [smem:$0x3FA1];
	_ =	sdelay $0x3  }
0x34: {  	[smem:$0x3FA1] =	sst s10  }
0x35: {  	s10 =	sld [smem:$0x3FA0];
	_ =	sdelay $0x3  }
0x36: {  	p1 =	seq.s32 s10, $0x1;
	s10 =	sld [smem:$0x3FA1];
	_ =	sdelay $0x3  }
0x37: {  	[smem:$0x3FA1] =	sst s10  }
0x38: {  	s10 =	sld [smem:$0x3FA2]  }
0x39: {  	_ = 	snop;
	(pc) =	sbr.ind lr, $3  }
0x3a: {  	_ = 	snop  }
0x3b: {  	_ = 	snop  }
0x3c: {  	p2 =	seq.s32 s10, $0x1;
	s10 =	sld [smem:$0x3FA1]  }
0x3d: {  	_ =	shalt  }
0x3e: {  	_ =	shalt  }
0x3f: {  	_ =	shalt  }
0x40: {  	_ =	shalt  }
0x41: {  	_ =	shalt  }
0x42: {  	_ =	shalt  }
0x43: {  	_ =	shalt  }
0x44: {  	_ =	shalt  }
0x45: {  	_ =	shalt  }
0x46: {  	_ =	shalt  }
0x47: {  	_ =	shalt  }
0x48: {  	_ =	shalt  }
0x49: {  	_ =	shalt  }
0x4a: {  	_ =	shalt  }
0x4b: {  	_ =	shalt  }
0x4c: {  	_ =	shalt  }
0x4d: {  	_ =	shalt  }
0x4e: {  	_ =	shalt  }
0x4f: {  	_ =	shalt  }
0x50: {  	_ =	shalt  }
0x51: {  	_ =	shalt  }
0x52: {  	_ =	shalt  }
0x53: {  	_ =	shalt  }
0x54: {  	_ =	shalt  }
0x55: {  	_ =	shalt  }
0x56: {  	_ =	shalt  }
0x57: {  	_ =	shalt  }
0x58: {  	_ =	shalt  }
0x59: {  	_ =	shalt  }
0x5a: {  	_ =	shalt  }
0x5b: {  	_ =	shalt  }
0x5c: {  	_ =	shalt  }
0x5d: {  	_ =	shalt  }
0x5e: {  	_ =	shalt  }
0x5f: {  	_ =	shalt  }
0x60: {  	_ =	shalt  }
0x61: {  	_ =	shalt  }
0x62: {  	_ =	shalt  }
0x63: {  	_ =	shalt  }
0x64: {  	_ =	shalt  }
0x65: {  	_ =	shalt  }
0x66: {  	_ =	shalt  }
0x67: {  	_ =	shalt  }
0x68: {  	_ =	shalt  }
0x69: {  	_ =	shalt  }
0x6a: {  	_ =	shalt  }
0x6b: {  	_ =	shalt  }
0x6c: {  	_ =	shalt  }
0x6d: {  	_ =	shalt  }
0x6e: {  	_ =	shalt  }
0x6f: {  	_ =	shalt  }
0x70: {  	_ =	shalt  }
0x71: {  	_ =	shalt  }
0x72: {  	_ =	shalt  }
0x73: {  	_ =	shalt  }
0x74: {  	_ =	shalt  }
0x75: {  	_ =	shalt  }
0x76: {  	_ =	shalt  }
0x77: {  	_ =	shalt  }
0x78: {  	_ =	shalt  }
0x79: {  	_ =	shalt  }
0x7a: {  	_ =	shalt  }
0x7b: {  	_ =	shalt  }
0x7c: {  	_ =	shalt  }
0x7d: {  	_ =	shalt  }
0x7e: {  	_ =	shalt  }
0x7f: {  	_ =	shalt  }
0x80: {  	_ =	shalt  }
0x81: {  	_ =	shalt  }
0x82: {  	_ =	shalt  }
0x83: {  	_ =	shalt  }
0x84: {  	_ =	shalt  }
0x85: {  	_ =	shalt  }
0x86: {  	_ =	shalt  }
0x87: {  	_ =	shalt  }
.Lfunc_end0:
.L_simem_size_0:
called_computation_lowered:
.L_overlay_start_0:
0x88: {  	s2 =	sld [smem:$0x3FD9]  }
0x89: {  	s3 =	sld [smem:$0x3FFE];
	_ =	sdelay $0x1  }
0x8a: {  	s1 =	srdreg.scid  }
0x8b: {  	s0 =	sand.u32 $0x1, s1  }
0x8c: {  	s17 =	sshll.u32 s0, $0xA;
	s2 =	sadd.s32 s3, s2  }
0x8d: {  	s2 =	sadd.s32 s2, s17  }
0x8e: {  	[smem:$0x3FAD] =	sst s2  }
0x8f: {  	_ = 	snop  }
0x90: {  	s2 =	sld [smem:$0x3FD0];
	(tm) =	ssettm $0x1  }
0x91: {  	s18 =	sld [smem:$0x3FFB];
	_ =	sdelay $0x3  }
0x92: {  	_ =	strace s18  }
0x93: {  	s3 =	sld [smem:$0x3FFC];
	_ =	sdelay $0x3  }
0x94: {  	_ =	strace s3  }
0x95: {  	s3 =	sld [smem:$0x3FFD];
	_ =	sdelay $0x3  }
0x96: {  	_ =	strace s3  }
0x97: {  	_ =	strace $0x8FFFFFFF  }
0x98: {  	s19 =	sld [smem:$0x3FDB];
	_ =	sdelay $0x1  }
0x99: {  	s4 =	simm.s32 $_scs_section_size  }
0x9a: {  	s5 =	simm.s32 $_size__tile_overlayer_lowered;
	s6 =	simm.s32 $_tile_overlayer_lowered  }
0x9b: {  	s22 =	simm.s32 $0x1BFF;
	s21 =	sshll.u32 s6, $0x1;
	s3 =	sadd.s32 s4, s19  }
0x9c: {  	s7 =	simm.s32 $0x0;
	s20 =	sshll.u32 s5, $0x1;
	s5 =	sadd.s32 s21, s3  }
0x9d: {  	[timem:s7], [sflag:s22] =	dma.local [hbm:s5], s20  }
0x9e: {  	_ =	swait.ge [sflag:s22], s20  }
0x9f: {  	s4 =	ssub.s32 $0x0, s20;
	[sflag:s22] =	ssyncset.done $0x0  }
0xa0: {  	[sflag:s22] =	ssyncadd.s32 s4;
	_ =	sdelay $0x1  }
0xa1: {  	s23 =	simm.s32 $0x1B8B  }
0xa2: {  	_ =	swait.ge [sflag:s23], $0x1  }
0xa3: {  	[sflag:s23] =	ssyncset.done $0x0  }
0xa4: {  	s25 =	simm.s32 $0x1B8E;
	s24 =	sld [smem:$0x3FFE];
	[sflag:s23] =	ssyncadd.s32 $0xFFFFFFFF  }
0xa5: {  	s26 =	simm.s32 $execute0_lowered;
	[smem:$0x3FD2] =	sst s25  }
0xa6: {  	s5 =	sshll.u32 s26, $0x1;
	_ =	strace $0x80000046;
	[dreg:$0x1] =	wrdreg $0xFFFFFFFF  }
0xa7: {  	s28 =	simm.s32 $_size_execute0_lowered;
	s3 =	sadd.s32 s3, s5;
	[dreg:$0x0] =	wrdreg $0x0  }
0xa8: {  	s5 =	sshll.u32 s28, $0x1;
	[dreg:$0x2] =	wrdreg s3  }
0xa9: {  	[dreg:$0x3] =	wrdreg s5  }
0xaa: {  	[dreg:$0x4] =	wrdreg $0xC0  }
0xab: {  	_ =	task [dreg:s7], $0x5FFFF  }
0xac: {  	[dreg:$0x1] =	wrdreg $0xFFFFFFFF  }
0xad: {  	[dreg:$0x0] =	wrdreg $0x60  }
0xae: {  	[dreg:$0x2] =	wrdreg s2  }
0xaf: {  	[dreg:$0x3] =	wrdreg s24  }
0xb0: {  	[dreg:$0x4] =	wrdreg $0x9  }
0xb1: {  	_ =	task.clear_ibuf [dreg:s7], $0x5FFFF;
	_ =	strace $0x90000046  }
0xb2: {  	s29 =	simm.s32 $0x9;
	_ =	strace $0x80000048  }
0xb3: {  	_ =	swait.ge [sflag:s29], $0x1  }
0xb4: {  	[sflag:s29] =	ssyncadd.s32 $0xFFFFFFFF  }
0xb5: {  	_ =	strace $0x90000048  }
0xb6: {  	_ =	sfence  }
0xb7: {  	s30 =	sld [smem:$0x0];
	_ =	sdelay $0x2  }
0xb8: {  	s31 =	sshll.u32 s1, $0xD;
	s1 =	sshrl.u32 s1, $0x2  }
0xb9: {  	s3 =	sand.u32 $0x4000, s31;
	s1 =	sadd.s32 s1, s30  }
0xba: {  	s0 =	sor.u32 s3, s0;
	s1 =	sshll.u32 s1, $0x11  }
0xbb: {  	s0 =	sor.u32 s1, s0  }
0xbc: {  	s0 =	sadd.s32 $0x8F2B, s0  }
0xbd: {  	[sflag:s0] =	ssyncadd.remote.s32 $0x1  }
0xbe: {  	_ =	sfence.sel $0xFFFF  }
0xbf: {  	[dreg:$0x0] =	wrdreg $0xFFFFFFFF;
	(pc) =	sbr.abs _section_cstart, $3  }
0xc0: {  	[dreg:$0x1] =	wrdreg $0xFFFFFFFF  }
0xc1: {  	_ =	task.clear_ibuf [dreg:s7], $0x2FFFF;
	_ =	strace $0x9FFFFFFF  }
0xc2: {  	(tm) =	ssettm $0x7FFFFFFF  }
0xc3: {  	_ =	shalt  }
tec
execute0_lowered:
.L_overlay_start_1:
0x0: {  	(tag) =	ssettag $0x1  }
0x1: {  	s0 =	srdreg.scid  }
0x2: {  	s1 =	sshll.u32 s0, $0x4  }
0x3: {  	s0 =	stileid.u32;
	s1 =	sand.u32 $0x10, s1  }
0x4: {  	s1 =	sor.u32 s0, s1  }
0x5: {  	s9 =	rddreg [dreg:$0x1];
	s6 =	simm.s32 $0x1;
	s2 =	smin.u32 s1, $0x8  }
0x6: {  	p0 =	slt.u32 s1, $0x8;
	s3 =	sadd.s32 s1, s2;
	s1 =	simm.s32 $0x40  }
0x7: {  	s7 =	simm.s32 $0x2;
	s3 =	sshll.u32 s3, $0x5;
	s1 =	simm.s32 @!p0 $0x20  }
0x8: {  	s10 =	simm.s32 $0x3;
	s13 =	simm.s32 $0x0;
	s4 =	sadd.s32 s1, s3  }
0x9: {  	s12 =	simm.s32 $0x0;
	s5 =	sadd.s32 $0x3600, s9;
	s4 =	smin.u32 s4, $0x500  }
.Ltmp0:
0xa: {  	s2 =	rddreg [dreg:$0x0];
	s8 =	ssub.s32 s4, s3;
	(pc) =	sbr.rel .LBB2_1-.Ltmp0, $4  }
0xb: {  	s1 =	rddreg [dreg:$0x2];
	_ =	strace $0x80000047;
	p0 =	sgt.s32 s8, $0x0  }
0xc: {  	s9 =	sadd.s32 $0x3800, s9;
	[sflag:s6] =	ssyncpa.u1 $0x0;
	s8 =	simm.s32 @!p0 $0x0  }
0xd: {  	s11 =	smov.u32 s3;
	[sflag:s7] =	ssyncpa.u1 $0x0;
	s8 =	sshrl.u32 s8, $0x5  }
0xe: {  	vm0 =	vmmov $0xff;
	vm1 =	vcmask $0x3F20;
	[sflag:s10] =	ssyncpa.u1 $0x0;
	p0 =	por $0x0, $0x0;
	s10 =	sadd.s32 $0x1, s8  }
.LBB2_6:
0xf: {  	[hbm:s17] =	stream.linear.scatter [tilespmem:s14], [sflag:$0x3], $0x400, $0x38;
	[tilespmem:$0x2040] =	vst v63  }
.LBB2_7:
0x10: {  	s13 =	sadd.s32 $0x20, s11  }
0x11: {  	s15 =	smov.u32 s3;
	p2 =	slt.s32 s13, s4  }
0x12: {  	s15 =	smov.u32 @p2 s13;
	p2 =	sne.s32 s12, s10  }
.Ltmp1:
0x13: {  	p1 =	slt.u32 s12, $0x2;
	(pc) =	sbr.rel @!p2 .LBB2_8-.Ltmp1, $4  }
0x14: {  	s14 =	simm.s32 @!p1 $0x3  }
0x15: {  	s16 =	sadd.s32 $0x1, s12;
	_ =	swait.ge @!p1 [sflag:s14], $0x1000  }
0x16: {  	p0 =	por !p0, !p0;
	s13 =	smov.u32 s11;
	[sflag:s14] =	ssyncset.done @!p1 $0x0  }
0x17: {  	s12 =	smov.u32 s16;
	s11 =	smov.u32 s15;
	[sflag:s14] =	ssyncadd.s32 @!p1 $0xFFFFF000  }
.LBB2_1:
0x18: {  	p1 =	sge.u32 s12, s8  }
0x19: {  	s14 =	sxor.u32 @!p1 $0xFFFFFFFF, s12  }
0x1a: {  	s31 =	sadd.s32 $0xFFFFFFFF, s12;
	s15 =	sshrl.u32 @!p1 s11, $0x3;
	s14 =	sshll.u32 @!p1 s14, $0x5  }
0x1b: {  	s16 =	sand.u32 @!p1 $0x7, s11;
	s15 =	sadd.s32 @!p1 s5, s15;
	s14 =	sand.u32 @!p1 $0x20, s14  }
0x1c: {  	[tilespmem:s14], [sflag:$0x2] =	stream.linear.gather @!p1 [hbm4b:s15+s16], $0x20, $0x38;
	[tilespmem:$0x2040] =	vst v63  }
0x1d: {  	p1 =	sge.u32 s31, s8  }
.Ltmp2:
0x1e: {  	_ = 	snop;
	(pc) =	sbr.rel @p1 .LBB2_7-.Ltmp2, $1  }
0x1f: {  	_ =	sdelay $0x3  }
0x20: {  	s14 =	simm.s32 $0x1  }
0x21: {  	_ =	swait.ge [sflag:s7], $0x20;
	s16 =	sand.u32 $0x1, s12;
	s17 =	simm.s32 $0x0  }
0x22: {  	p1 =	por $0x1, $0x1;
	s14 =	simm.s32 @!p0 $0x0;
	[sflag:s7] =	ssyncset.done $0x0  }
0x23: {  	s15 =	sshll.u32 s16, $0x5;
	s16 =	sshll.u32 s16, $0xC;
	s14 =	sshll.u32 s14, $0xC  }
0x24: {  	[sflag:s7] =	ssyncadd.s32 $0xFFFFFFE0;
	s16 =	sor.u32 $0x40, s16;
	s14 =	sor.u32 $0x40, s14  }
.LBB2_3:
0x25: {  	s18 =	sshll.u32 s17, $0x4  }
0x26: {  	s18 =	sand.u32 $0x3FFFFFF0, s18  }
0x27: {  	s18 =	sadd.s32 s18, s15  }
0x28: {  	v0 =	vld.msk [tilespmem:s18+$0x0 ss:$0x1], $0xffff;
	_ =	sdelay $0x4  }
0x29: {  	vm2 =	vgt.s32 v0, $0x0  }
0x2a: {  	v0 =	vnsel vm2, $0x0, v0  }
0x2b: {  	v0 =	vmin.u32 v0, $0x4E2  }
0x2c: {  	v0 =	vshll.u32 v0, $0x4;
	_ =	sdelay $0x1  }
0x2d: {  	s31 =	sshll.u32 s17, $0xB  }
0x2e: {  	p2 =	por p1, p1;
	s17 =	sand.u32 $0x3FFFF800, s31  }
.Ltmp3:
0x2f: {  	s17 =	sadd.s32 s17, s16;
	(pc) =	sbr.rel @p2 .LBB2_3-.Ltmp3, $4  }
0x30: {  	[tilespmem:s17], [sflag:$0x1] =	stream.indirect_vreg.gather [hbm:s2], $0x80, v0, vm0, $0x38;
	[tilespmem:$0x2040] =	vst v63  }
0x31: {  	s17 =	sadd.s32 $0x400, s17  }
0x32: {  	[tilespmem:s17], [sflag:$0x1] =	stream.indirect_vreg.gather [hbm:s2], $0x80, v0, vm1, $0x38;
	[tilespmem:$0x2040] =	vst v63  }
0x33: {  	p1 =	por $0x0, $0x0;
	s17 =	simm.s32 $0x1  }
0x34: {  	_ =	swait.ge [sflag:s6], $0x1000;
	s13 =	sshll.u32 s13, $0x4  }
0x35: {  	s15 =	simm.s32 $0x80;
	[sflag:s6] =	ssyncset.done $0x0;
	s13 =	sadd.s32 s13, s9  }
0x36: {  	s16 =	sadd.s32 $0x400, s14;
	[sflag:s6] =	ssyncadd.s32 $0xFFFFF000;
	s17 =	sadd.s32 $0x0, s13  }
.LBB2_5:
0x37: {  	[hbm:s17] =	stream.linear.scatter [tilespmem:s14], [sflag:$0x3], $0x400, $0x38;
	[tilespmem:$0x2040] =	vst v63  }
0x38: {  	s17 =	smov.u32 s15;
	s14 =	smov.u32 s16;
	p1 =	sne.s32 s15, $0x180  }
.Ltmp4:
0x39: {  	s15 =	sadd.s32 $0x80, s15;
	(pc) =	sbr.rel @p1 .LBB2_5-.Ltmp4, $2  }
0x3a: {  	_ =	sdelay $0x2  }
0x3b: {  	s16 =	sadd.s32 $0x400, s16;
	s17 =	sadd.s32 s17, s13  }
.Ltmp5:
0x3c: {  	_ = 	snop;
	(pc) =	sbr.rel .LBB2_6-.Ltmp5, $1  }
0x3d: {  	_ =	sdelay $0x3  }
.LBB2_8:
0x3e: {  	_ =	sfence.sel $0x180000  }
0x3f: {  	s2 =	simm.s32 $0x2;
	[bflag:$0x0] =	sbarrier.arrive $0xFFFF  }
0x40: {  	s30 =	simm.s32 $0x3;
	[sflag:s2] =	ssyncpa.u1 $0x1  }
0x41: {  	s31 =	simm.s32 $0x1;
	[sflag:s30] =	ssyncpa.u1 $0x1  }
0x42: {  	[sflag:s31] =	ssyncpa.u1 $0x1  }
0x43: {  	p0 =	sne.s32 s0, $0x0;
	_ =	strace $0x90000047  }
0x44: {  	s0 =	sadd.s32 @!p0 $0x100000, s1;
	[bflag:$0x2] =	sbarrier.arrive $0xFFFF  }
0x45: {  	[sflag:s0] =	ssyncadd.tile.s32 @!p0 $0x1;
	_ =	shalt  }
.Lfunc_end2:
_tile_overlayer_lowered:
.L_overlay_start_2:
0x46: {  	(tag) =	ssettag $0x2  }
0x47: {  	s0 =	rddreg [dreg:$0x0];
	s2 =	stileid.u32  }
0x48: {  	s1 =	rddreg [dreg:$0x1];
	p0 =	sne.s32 s2, $0x0  }
0x49: {  	s3 =	rddreg [dreg:$0x2];
	[bflag:$0x3] =	sbarrier.arrive $0xFFFF;
	s2 =	simm.s32 @!p0 $0x1C01  }
0x4a: {  	[timem:s3], [sflag:s2] =	dma.local @!p0 [hbm:s0], s1  }
0x4b: {  	s0 =	simm.s32 @!p0 $0x1  }
0x4c: {  	_ =	swait.ge @!p0 [sflag:s0], s1  }
0x4d: {  	s1 =	ssub.s32 @!p0 $0x0, s1;
	[sflag:s0] =	ssyncset.done @!p0 $0x0  }
0x4e: {  	[sflag:s0] =	ssyncadd.s32 @!p0 s1  }
0x4f: {  	[bflag:$0x3] =	sbarrier.arrive $0xFFFF  }
0x50: {  	_ =	shalt  }

// kernel: kernel.11.cloned.1.call-start
scs
__scs_entry_jumppad:
0x0: {  	(pc) =	sbr.rel $0x88, $3  }
0x1: {  	(tag) =	ssettag $0x0;
	lr =	simm.s32 $0x1  }
0x2: {  	[smem:$0x3F86] =	sst lr;
	_ =	strace $0xD0000000  }
0x3: {  	_ = 	snop  }
0x4: {  	_ = 	snop  }
0x5: {  	_ = 	snop  }
0x6: {  	_ = 	snop  }
0x7: {  	_ = 	snop  }
__scs_overlays_trampoline_lowered:
0x8: {  	[smem:$0x3F95] =	sst s0  }
0x9: {  	[smem:$0x3F96] =	sst s1  }
0xa: {  	[smem:$0x3F97] =	sst s2  }
0xb: {  	[smem:$0x3F98] =	sst s3  }
0xc: {  	[smem:$0x3F99] =	sst s4  }
0xd: {  	[smem:$0x3F9A] =	sst s5  }
0xe: {  	[smem:$0x3F9B] =	sst s6  }
0xf: {  	[smem:$0x3F9C] =	sst s7  }
0x10: {  	[smem:$0x3F9D] =	sst s8  }
0x11: {  	[smem:$0x3F9E] =	sst s9;
	s0 =	simm.s32 @!p0 $0x0  }
0x12: {  	s1 =	sld [smem:$0x3F84];
	s0 =	simm.s32 @p0 $0x1  }
0x13: {  	[smem:$0x3F9F] =	sst s0;
	s0 =	simm.s32 @!p1 $0x0  }
0x14: {  	s2 =	sld [smem:$0x3F83];
	s0 =	simm.s32 @p1 $0x1  }
0x15: {  	[smem:$0x3FA0] =	sst s0;
	s0 =	simm.s32 @!p2 $0x0  }
0x16: {  	s3 =	sld [smem:$0x3FDB];
	s0 =	simm.s32 @p2 $0x1  }
0x17: {  	s4 =	simm.s32 $0x1BF5;
	[smem:$0x3FA2] =	sst s0  }
0x18: {  	s0 =	sld [smem:$0x3F85];
	_ =	swait.ge [sflag:s4], $0x0  }
0x19: {  	s7 =	sld [smem:$0x3F86]  }
0x1a: {  	s8 =	sadd.s32 $0xFFFFE003, lr  }
0x1b: {  	s9 =	sadd.s32 $0xFFFFFEF7, lr;
	s5 =	simm.s32 $0xFFFFFFFF;
	p2 =	slt.u32 s8, $0xFFFFF086  }
0x1c: {  	p1 =	slt.u32 s9, $0xF7A;
	s5 =	simm.s32 @!p2 $0x0  }
0x1d: {  	s5 =	simm.s32 @p1 $0x1;
	p0 =	seq.s32 s7, s2  }
0x1e: {  	s7 =	smul.u32 @!p0 $0xF7A, s2;
	p2 =	seq.s32 @!p0 s5, $0x0  }
0x1f: {  	s9 =	smul.u32 $0xF7A, s1;
	s8 =	simm.s32 @!p0 $0x1BF5;
	p2 =	por !p2, p0  }
0x20: {  	[sflag:s8] =	ssyncset.s32 @!p0 $0xFFFFF086;
	s6 =	sadd.s32 @!p0 s3, s7;
	s7 =	simm.s32 @!p0 $0x108  }
0x21: {  	s3 =	sadd.s32 s3, s9;
	s6 =	sadd.s32 @!p0 $0x88, s6;
	s7 =	simm.s32 @p2 $0x1082  }
0x22: {  	[simem:s7], [sflag:s8] =	dma.local @!p0 [hbm:s6], $0xF7A  }
0x23: {  	s9 =	sor.u32 $0xD0000000, s2;
	s6 =	simm.s32 $0x108;
	_ =	swait.ge @!p0 [sflag:s8], $0x0  }
0x24: {  	s3 =	sadd.s32 $0x88, s3;
	s6 =	simm.s32 @!p1 $0x1082;
	[sflag:s4] =	ssyncset.s32 $0xFFFFF086  }
0x25: {  	[simem:s6], [sflag:s4] =	dma.local [hbm:s3], $0xF7A  }
0x26: {  	[smem:$0x3F86] =	sst s1;
	(tag) =	ssettag s2;
	_ =	strace s9  }
0x27: {  	s1 =	sld [smem:$0x3F96]  }
0x28: {  	s2 =	sld [smem:$0x3F97]  }
0x29: {  	s4 =	sld [smem:$0x3F99]  }
0x2a: {  	p0 =	seq.s32 s5, $0x0;
	s5 =	sld [smem:$0x3F9A]  }
0x2b: {  	s6 =	sld [smem:$0x3F9B]  }
0x2c: {  	s7 =	sld [smem:$0x3F9C]  }
0x2d: {  	s3 =	simm.s32 $0x108;
	s8 =	sld [smem:$0x3F9D]  }
0x2e: {  	s3 =	simm.s32 @!p0 $0x1082;
	s9 =	sld [smem:$0x3F9E]  }
0x2f: {  	lr =	sadd.s32 s0, s3;
	s0 =	sld [smem:$0x3F95]  }
0x30: {  	s3 =	sld [smem:$0x3F98]  }
0x31: {  	[smem:$0x3FA1] =	sst s10  }
0x32: {  	s10 =	sld [smem:$0x3F9F];
	_ =	sdelay $0x3  }
0x33: {  	p0 =	seq.s32 s10, $0x1;
	s10 =	sld [smem:$0x3FA1];
	_ =	sdelay $0x3  }
0x34: {  	[smem:$0x3FA1] =	sst s10  }
0x35: {  	s10 =	sld [smem:$0x3FA0];
	_ =	sdelay $0x3  }
0x36: {  	p1 =	seq.s32 s10, $0x1;
	s10 =	sld [smem:$0x3FA1];
	_ =	sdelay $0x3  }
0x37: {  	[smem:$0x3FA1] =	sst s10  }
0x38: {  	s10 =	sld [smem:$0x3FA2]  }
0x39: {  	_ = 	snop;
	(pc) =	sbr.ind lr, $3  }
0x3a: {  	_ = 	snop  }
0x3b: {  	_ = 	snop  }
0x3c: {  	p2 =	seq.s32 s10, $0x1;
	s10 =	sld [smem:$0x3FA1]  }
0x3d: {  	_ =	shalt  }
0x3e: {  	_ =	shalt  }
0x3f: {  	_ =	shalt  }
0x40: {  	_ =	shalt  }
0x41: {  	_ =	shalt  }
0x42: {  	_ =	shalt  }
0x43: {  	_ =	shalt  }
0x44: {  	_ =	shalt  }
0x45: {  	_ =	shalt  }
0x46: {  	_ =	shalt  }
0x47: {  	_ =	shalt  }
0x48: {  	_ =	shalt  }
0x49: {  	_ =	shalt  }
0x4a: {  	_ =	shalt  }
0x4b: {  	_ =	shalt  }
0x4c: {  	_ =	shalt  }
0x4d: {  	_ =	shalt  }
0x4e: {  	_ =	shalt  }
0x4f: {  	_ =	shalt  }
0x50: {  	_ =	shalt  }
0x51: {  	_ =	shalt  }
0x52: {  	_ =	shalt  }
0x53: {  	_ =	shalt  }
0x54: {  	_ =	shalt  }
0x55: {  	_ =	shalt  }
0x56: {  	_ =	shalt  }
0x57: {  	_ =	shalt  }
0x58: {  	_ =	shalt  }
0x59: {  	_ =	shalt  }
0x5a: {  	_ =	shalt  }
0x5b: {  	_ =	shalt  }
0x5c: {  	_ =	shalt  }
0x5d: {  	_ =	shalt  }
0x5e: {  	_ =	shalt  }
0x5f: {  	_ =	shalt  }
0x60: {  	_ =	shalt  }
0x61: {  	_ =	shalt  }
0x62: {  	_ =	shalt  }
0x63: {  	_ =	shalt  }
0x64: {  	_ =	shalt  }
0x65: {  	_ =	shalt  }
0x66: {  	_ =	shalt  }
0x67: {  	_ =	shalt  }
0x68: {  	_ =	shalt  }
0x69: {  	_ =	shalt  }
0x6a: {  	_ =	shalt  }
0x6b: {  	_ =	shalt  }
0x6c: {  	_ =	shalt  }
0x6d: {  	_ =	shalt  }
0x6e: {  	_ =	shalt  }
0x6f: {  	_ =	shalt  }
0x70: {  	_ =	shalt  }
0x71: {  	_ =	shalt  }
0x72: {  	_ =	shalt  }
0x73: {  	_ =	shalt  }
0x74: {  	_ =	shalt  }
0x75: {  	_ =	shalt  }
0x76: {  	_ =	shalt  }
0x77: {  	_ =	shalt  }
0x78: {  	_ =	shalt  }
0x79: {  	_ =	shalt  }
0x7a: {  	_ =	shalt  }
0x7b: {  	_ =	shalt  }
0x7c: {  	_ =	shalt  }
0x7d: {  	_ =	shalt  }
0x7e: {  	_ =	shalt  }
0x7f: {  	_ =	shalt  }
0x80: {  	_ =	shalt  }
0x81: {  	_ =	shalt  }
0x82: {  	_ =	shalt  }
0x83: {  	_ =	shalt  }
0x84: {  	_ =	shalt  }
0x85: {  	_ =	shalt  }
0x86: {  	_ =	shalt  }
0x87: {  	_ =	shalt  }
.Lfunc_end0:
.L_simem_size_0:
called_computation.2_lowered:
.L_overlay_start_0:
0x88: {  	s2 =	sld [smem:$0x3FD9]  }
0x89: {  	s3 =	sld [smem:$0x3FFE];
	_ =	sdelay $0x1  }
0x8a: {  	s1 =	srdreg.scid  }
0x8b: {  	s0 =	sand.u32 $0x1, s1  }
0x8c: {  	s17 =	sshll.u32 s0, $0xA;
	s2 =	sadd.s32 s3, s2  }
0x8d: {  	s2 =	sadd.s32 s2, s17  }
0x8e: {  	[smem:$0x3FAD] =	sst s2  }
0x8f: {  	_ = 	snop  }
0x90: {  	s2 =	sld [smem:$0x3FD0];
	(tm) =	ssettm $0x1  }
0x91: {  	s18 =	sld [smem:$0x3FFB];
	_ =	sdelay $0x3  }
0x92: {  	_ =	strace s18  }
0x93: {  	s3 =	sld [smem:$0x3FFC];
	_ =	sdelay $0x3  }
0x94: {  	_ =	strace s3  }
0x95: {  	s3 =	sld [smem:$0x3FFD];
	_ =	sdelay $0x3  }
0x96: {  	_ =	strace s3  }
0x97: {  	_ =	strace $0x8FFFFFFF  }
0x98: {  	s19 =	sld [smem:$0x3FDB];
	_ =	sdelay $0x1  }
0x99: {  	s4 =	simm.s32 $_scs_section_size  }
0x9a: {  	s5 =	simm.s32 $_size__tile_overlayer_lowered;
	s6 =	simm.s32 $_tile_overlayer_lowered  }
0x9b: {  	s22 =	simm.s32 $0x1BFF;
	s21 =	sshll.u32 s6, $0x1;
	s3 =	sadd.s32 s4, s19  }
0x9c: {  	s7 =	simm.s32 $0x0;
	s20 =	sshll.u32 s5, $0x1;
	s5 =	sadd.s32 s21, s3  }
0x9d: {  	[timem:s7], [sflag:s22] =	dma.local [hbm:s5], s20  }
0x9e: {  	_ =	swait.ge [sflag:s22], s20  }
0x9f: {  	s4 =	ssub.s32 $0x0, s20;
	[sflag:s22] =	ssyncset.done $0x0  }
0xa0: {  	[sflag:s22] =	ssyncadd.s32 s4;
	_ =	sdelay $0x1  }
0xa1: {  	s23 =	simm.s32 $0x1B8B  }
0xa2: {  	_ =	swait.ge [sflag:s23], $0x1  }
0xa3: {  	[sflag:s23] =	ssyncset.done $0x0  }
0xa4: {  	s25 =	simm.s32 $0x1B8E;
	s24 =	sld [smem:$0x3FFE];
	[sflag:s23] =	ssyncadd.s32 $0xFFFFFFFF  }
0xa5: {  	s26 =	simm.s32 $execute0_lowered;
	[smem:$0x3FD2] =	sst s25  }
0xa6: {  	s5 =	sshll.u32 s26, $0x1;
	_ =	strace $0x8000004C;
	[dreg:$0x1] =	wrdreg $0xFFFFFFFF  }
0xa7: {  	s28 =	simm.s32 $_size_execute0_lowered;
	s3 =	sadd.s32 s3, s5;
	[dreg:$0x0] =	wrdreg $0x0  }
0xa8: {  	s5 =	sshll.u32 s28, $0x1;
	[dreg:$0x2] =	wrdreg s3  }
0xa9: {  	[dreg:$0x3] =	wrdreg s5  }
0xaa: {  	[dreg:$0x4] =	wrdreg $0xC0  }
0xab: {  	_ =	task [dreg:s7], $0x5FFFF  }
0xac: {  	[dreg:$0x1] =	wrdreg $0xFFFFFFFF  }
0xad: {  	[dreg:$0x0] =	wrdreg $0x60  }
0xae: {  	[dreg:$0x2] =	wrdreg s2  }
0xaf: {  	[dreg:$0x3] =	wrdreg s24  }
0xb0: {  	[dreg:$0x4] =	wrdreg $0x9  }
0xb1: {  	_ =	task.clear_ibuf [dreg:s7], $0x5FFFF;
	_ =	strace $0x9000004C  }
0xb2: {  	s29 =	simm.s32 $0x9;
	_ =	strace $0x8000004E  }
0xb3: {  	_ =	swait.ge [sflag:s29], $0x1  }
0xb4: {  	[sflag:s29] =	ssyncadd.s32 $0xFFFFFFFF  }
0xb5: {  	_ =	strace $0x9000004E  }
0xb6: {  	_ =	sfence  }
0xb7: {  	s30 =	sld [smem:$0x0];
	_ =	sdelay $0x2  }
0xb8: {  	s31 =	sshll.u32 s1, $0xD;
	s1 =	sshrl.u32 s1, $0x2  }
0xb9: {  	s3 =	sand.u32 $0x4000, s31;
	s1 =	sadd.s32 s1, s30  }
0xba: {  	s0 =	sor.u32 s3, s0;
	s1 =	sshll.u32 s1, $0x11  }
0xbb: {  	s0 =	sor.u32 s1, s0  }
0xbc: {  	s0 =	sadd.s32 $0x8F2B, s0  }
0xbd: {  	[sflag:s0] =	ssyncadd.remote.s32 $0x1  }
0xbe: {  	_ =	sfence.sel $0xFFFF  }
0xbf: {  	[dreg:$0x0] =	wrdreg $0xFFFFFFFF;
	(pc) =	sbr.abs _section_cstart, $3  }
0xc0: {  	[dreg:$0x1] =	wrdreg $0xFFFFFFFF  }
0xc1: {  	_ =	task.clear_ibuf [dreg:s7], $0x2FFFF;
	_ =	strace $0x9FFFFFFF  }
0xc2: {  	(tm) =	ssettm $0x7FFFFFFF  }
0xc3: {  	_ =	shalt  }
tec
execute0_lowered:
.L_overlay_start_1:
0x0: {  	(tag) =	ssettag $0x1  }
0x1: {  	s0 =	rddreg [dreg:$0x0];
	s1 =	srdreg.scid  }
0x2: {  	s3 =	stileid.u32;
	s4 =	rddreg [dreg:$0x1];
	s2 =	simm.s32 $0x0  }
0x3: {  	s29 =	simm.s32 $0xD400;
	s30 =	simm.s32 $0x2;
	s28 =	simm.s32 $0x6  }
0x4: {  	s31 =	simm.s32 $0x4;
	s1 =	sand.u32 $0x1, s1;
	s5 =	sshll.u32 s3, $0x1  }
0x5: {  	[smem:$0x7FF] =	sst s2;
	s9 =	smul.u32 $0x4E, s3;
	s5 =	sor.u32 s1, s5  }
0x6: {  	p0 =	sne.s32 s3, $0x0;
	s8 =	ssub.s32 $0x2, s1;
	s6 =	smul.u32 $0x280, s5  }
0x7: {  	_ =	strace $0x8000004D;
	s7 =	smul.u32 $0x27, s5;
	s10 =	sshrl.u32 s8, $0x1  }
0x8: {  	s5 =	smin.u32 s5, $0x2;
	s8 =	ssub.s32 s8, s10;
	s6 =	sadd.s32 s6, s4  }
0x9: {  	s4 =	sadd.s32 $0x8800, s4;
	s7 =	sadd.s32 s5, s7;
	s25 =	smax.u32 s8, $0x1  }
0xa: {  	s7 =	sshll.u32 s7, $0xB;
	s6 =	sadd.s32 $0x3800, s6;
	[dreg:$0xe] =	wrdreg s25  }
0xb: {  	s1 =	smul.u32 $0x27, s1;
	[dreg:$0x3] =	wrdreg s6;
	s16 =	sadd.s32 s4, s7  }
0xc: {  	s3 =	simm.s32 $0x7;
	s7 =	sadd.s32 $0x800, s16;
	[dreg:$0x4] =	wrdreg s16  }
0xd: {  	s1 =	sadd.s32 s1, s9;
	s17 =	sadd.s32 $0x10000, s16;
	[dreg:$0x5] =	wrdreg s7  }
0xe: {  	s9 =	simm.s32 $0x0;
	s18 =	sadd.s32 $0x10800, s16;
	[dreg:$0x6] =	wrdreg s17  }
0xf: {  	s1 =	sadd.s32 s5, s1;
	s19 =	sadd.s32 $0x11000, s16;
	[dreg:$0x7] =	wrdreg s18  }
0x10: {  	s5 =	simm.s32 $0x5;
	s20 =	sadd.s32 $0x11800, s16;
	[dreg:$0x8] =	wrdreg s19  }
0x11: {  	s8 =	simm.s32 $0xA;
	s21 =	sadd.s32 $0x12000, s16;
	[dreg:$0x9] =	wrdreg s20  }
0x12: {  	s1 =	sshll.u32 s1, $0xB;
	s22 =	sadd.s32 $0x12800, s16;
	[dreg:$0xa] =	wrdreg s21  }
0x13: {  	s25 =	simm.s32 $0x9400;
	s23 =	sadd.s32 $0x13000, s16;
	[dreg:$0xb] =	wrdreg s22  }
0x14: {  	s1 =	sadd.s32 s1, s4;
	s24 =	sadd.s32 $0x13800, s16;
	[dreg:$0xc] =	wrdreg s23  }
0x15: {  	s6 =	simm.s32 $0x8;
	s26 =	sadd.s32 $0x2000, s1;
	[dreg:$0xd] =	wrdreg s24  }
0x16: {  	s16 =	sadd.s32 $0x1800, s1;
	[dreg:$0xf] =	wrdreg s26;
	s17 =	sadd.s32 $0x1000, s1  }
0x17: {  	s18 =	sadd.s32 $0x3000, s1;
	s19 =	sadd.s32 $0x2800, s1;
	s21 =	simm.s32 $0x80  }
0x18: {  	s22 =	simm.s32 $0x1400;
	s23 =	simm.s32 $0x5400;
	s26 =	simm.s32 $0x1  }
0x19: {  	s1 =	simm.s32 $0x11400;
	s24 =	simm.s32 $0x3;
	s7 =	simm.s32 $0x9  }
.LBB2_1:
0x1a: {  	s4 =	rddreg [dreg:$0x3];
	s13 =	simm.s32 $0xB  }
0x1b: {  	[tilespmem:s2], [sflag:$0xB] =	stream.linear.gather [hbm4b:s4+s2], $0x1400, $0x38;
	[tilespmem:$0x15400] =	vst v63  }
0x1c: {  	_ =	swait.ge [sflag:s13], $0x1400  }
0x1d: {  	[sflag:s13] =	ssyncset.done $0x0  }
0x1e: {  	[sflag:s13] =	ssyncadd.s32 $0xFFFFEC00  }
0x1f: {  	[tilespmem:s22], [sflag:$0x1] =	stream.indirect.gather [hbm4b:s0+s21], $0x80, s2, s21, $0xb8;
	[tilespmem:$0x15400] =	vst v63  }
0x20: {  	_ = 	snop  }
0x21: {  	[tilespmem:s23], [sflag:$0x2] =	stream.indirect.gather [hbm4b:s0+s21], $0x80, s21, s21, $0xb8;
	[tilespmem:$0x15400] =	vst v63  }
0x22: {  	s14 =	simm.s32 $0x100  }
0x23: {  	[tilespmem:s25], [sflag:$0x3] =	stream.indirect.gather [hbm4b:s0+s21], $0x80, s14, s21, $0xb8;
	[tilespmem:$0x15400] =	vst v63  }
0x24: {  	_ =	swait.ge [sflag:s26], $0x4000  }
0x25: {  	[sflag:s26] =	ssyncset.done $0x0  }
0x26: {  	s15 =	rddreg [dreg:$0x4];
	[sflag:s26] =	ssyncadd.s32 $0xFFFFC000  }
0x27: {  	[hbm4b:s15+s2] =	stream.linear.scatter [tilespmem:s22], [sflag:$0x6], $0x4000, $0x38;
	[tilespmem:$0x15400] =	vst v63  }
0x28: {  	s20 =	simm.s32 $0x180  }
0x29: {  	[tilespmem:s29], [sflag:$0x4] =	stream.indirect.gather [hbm4b:s0+s21], $0x80, s20, s21, $0xb8;
	[tilespmem:$0x15400] =	vst v63  }
0x2a: {  	_ =	swait.ge [sflag:s30], $0x4000  }
0x2b: {  	[sflag:s30] =	ssyncset.done $0x0  }
0x2c: {  	s10 =	rddreg [dreg:$0x5];
	[sflag:s30] =	ssyncadd.s32 $0xFFFFC000  }
0x2d: {  	[hbm4b:s10+s2] =	stream.linear.scatter [tilespmem:s23], [sflag:$0x7], $0x4000, $0x38;
	[tilespmem:$0x15400] =	vst v63  }
0x2e: {  	s11 =	simm.s32 $0x200  }
0x2f: {  	[tilespmem:s1], [sflag:$0x5] =	stream.indirect.gather [hbm4b:s0+s21], $0x80, s11, s21, $0xb8;
	[tilespmem:$0x15400] =	vst v63  }
0x30: {  	_ =	swait.ge [sflag:s24], $0x4000  }
0x31: {  	[sflag:s24] =	ssyncset.done $0x0  }
0x32: {  	[sflag:s24] =	ssyncadd.s32 $0xFFFFC000  }
0x33: {  	[hbm4b:s17+s2] =	stream.linear.scatter [tilespmem:s25], [sflag:$0x8], $0x4000, $0x38;
	[tilespmem:$0x15400] =	vst v63  }
0x34: {  	_ =	swait.ge [sflag:s28], $0x4000  }
0x35: {  	[sflag:s28] =	ssyncset.done $0x0  }
0x36: {  	s12 =	simm.s32 $0x280;
	[sflag:s28] =	ssyncadd.s32 $0xFFFFC000  }
0x37: {  	[tilespmem:s22], [sflag:$0x1] =	stream.indirect.gather [hbm4b:s0+s21], $0x80, s12, s21, $0xb8;
	[tilespmem:$0x15400] =	vst v63  }
0x38: {  	_ =	swait.ge [sflag:s31], $0x4000  }
0x39: {  	[sflag:s31] =	ssyncset.done $0x0  }
0x3a: {  	[sflag:s31] =	ssyncadd.s32 $0xFFFFC000  }
0x3b: {  	[hbm4b:s16+s2] =	stream.linear.scatter [tilespmem:s29], [sflag:$0x9], $0x4000, $0x38;
	[tilespmem:$0x15400] =	vst v63  }
0x3c: {  	_ =	swait.ge [sflag:s3], $0x4000  }
0x3d: {  	[sflag:s3] =	ssyncset.done $0x0  }
0x3e: {  	s13 =	simm.s32 $0x300;
	[sflag:s3] =	ssyncadd.s32 $0xFFFFC000  }
0x3f: {  	[tilespmem:s23], [sflag:$0x2] =	stream.indirect.gather [hbm4b:s0+s21], $0x80, s13, s21, $0xb8;
	[tilespmem:$0x15400] =	vst v63  }
0x40: {  	_ =	swait.ge [sflag:s5], $0x4000  }
0x41: {  	[sflag:s5] =	ssyncset.done $0x0  }
0x42: {  	s15 =	rddreg [dreg:$0xf];
	[sflag:s5] =	ssyncadd.s32 $0xFFFFC000  }
0x43: {  	[hbm4b:s15+s2] =	stream.linear.scatter [tilespmem:s1], [sflag:$0xA], $0x4000, $0x38;
	[tilespmem:$0x15400] =	vst v63  }
0x44: {  	_ =	swait.ge [sflag:s6], $0x4000  }
0x45: {  	[sflag:s6] =	ssyncset.done $0x0  }
0x46: {  	s14 =	simm.s32 $0x380;
	[sflag:s6] =	ssyncadd.s32 $0xFFFFC000  }
0x47: {  	[tilespmem:s25], [sflag:$0x3] =	stream.indirect.gather [hbm4b:s0+s21], $0x80, s14, s21, $0xb8;
	[tilespmem:$0x15400] =	vst v63  }
0x48: {  	_ =	swait.ge [sflag:s26], $0x4000  }
0x49: {  	[sflag:s26] =	ssyncset.done $0x0  }
0x4a: {  	[sflag:s26] =	ssyncadd.s32 $0xFFFFC000  }
0x4b: {  	[hbm4b:s19+s2] =	stream.linear.scatter [tilespmem:s22], [sflag:$0x6], $0x4000, $0x38;
	[tilespmem:$0x15400] =	vst v63  }
0x4c: {  	_ =	swait.ge [sflag:s7], $0x4000  }
0x4d: {  	[sflag:s7] =	ssyncset.done $0x0  }
0x4e: {  	s20 =	simm.s32 $0x400;
	[sflag:s7] =	ssyncadd.s32 $0xFFFFC000  }
0x4f: {  	[tilespmem:s29], [sflag:$0x4] =	stream.indirect.gather [hbm4b:s0+s21], $0x80, s20, s21, $0xb8;
	[tilespmem:$0x15400] =	vst v63  }
0x50: {  	_ =	swait.ge [sflag:s30], $0x4000  }
0x51: {  	[sflag:s30] =	ssyncset.done $0x0  }
0x52: {  	s10 =	simm.s32 $0xA00;
	[sflag:s30] =	ssyncadd.s32 $0xFFFFC000  }
0x53: {  	[hbm4b:s18+s2] =	stream.linear.scatter [tilespmem:s23], [sflag:$0x7], $0x4000, $0x38;
	[tilespmem:$0x15400] =	vst v63  }
0x54: {  	s11 =	sadd.s32 $0x2800, s18;
	s12 =	sadd.s32 $0x2800, s19;
	_ =	swait.ge [sflag:s8], $0x4000  }
0x55: {  	s13 =	sadd.s32 $0x2800, s16;
	s4 =	sadd.s32 $0x2800, s15;
	[sflag:s8] =	ssyncset.done $0x0  }
0x56: {  	s14 =	sadd.s32 $0x2800, s17;
	s20 =	simm.s32 $0x480;
	[sflag:s8] =	ssyncadd.s32 $0xFFFFC000  }
.LBB2_2:
0x57: {  	[tilespmem:s1], [sflag:$0x5] =	stream.indirect.gather [hbm4b:s0+s21], $0x80, s20, s21, $0xb8;
	[tilespmem:$0x15400] =	vst v63  }
0x58: {  	s20 =	smov.u32 s10  }
0x59: {  	p1 =	sne.s32 s10, $0x3200;
	s10 =	sadd.s32 $0xA00, s10;
	_ =	swait.ge [sflag:s24], $0x4000  }
0x5a: {  	[sflag:s24] =	ssyncset.done $0x0  }
0x5b: {  	[sflag:s24] =	ssyncadd.s32 $0xFFFFC000  }
0x5c: {  	[hbm4b:s14+s2] =	stream.linear.scatter [tilespmem:s25], [sflag:$0x8], $0x4000, $0x38;
	[tilespmem:$0x15400] =	vst v63  }
0x5d: {  	_ =	swait.ge [sflag:s28], $0x4000  }
0x5e: {  	s20 =	sshra.s32 s20, $0x2;
	[sflag:s28] =	ssyncset.done $0x0  }
0x5f: {  	s15 =	sadd.s32 $0x280, s20;
	[sflag:s28] =	ssyncadd.s32 $0xFFFFC000  }
0x60: {  	[tilespmem:s22], [sflag:$0x1] =	stream.indirect.gather [hbm4b:s0+s21], $0x80, s15, s21, $0xb8;
	[tilespmem:$0x15400] =	vst v63  }
0x61: {  	_ =	swait.ge [sflag:s31], $0x4000  }
0x62: {  	[sflag:s31] =	ssyncset.done $0x0  }
0x63: {  	[sflag:s31] =	ssyncadd.s32 $0xFFFFC000  }
0x64: {  	[hbm4b:s13+s2] =	stream.linear.scatter [tilespmem:s29], [sflag:$0x9], $0x4000, $0x38;
	[tilespmem:$0x15400] =	vst v63  }
0x65: {  	_ =	swait.ge [sflag:s3], $0x4000  }
0x66: {  	[sflag:s3] =	ssyncset.done $0x0  }
0x67: {  	s15 =	sadd.s32 $0x300, s20;
	[sflag:s3] =	ssyncadd.s32 $0xFFFFC000  }
0x68: {  	[tilespmem:s23], [sflag:$0x2] =	stream.indirect.gather [hbm4b:s0+s21], $0x80, s15, s21, $0xb8;
	[tilespmem:$0x15400] =	vst v63  }
0x69: {  	_ =	swait.ge [sflag:s5], $0x4000  }
0x6a: {  	[sflag:s5] =	ssyncset.done $0x0  }
0x6b: {  	[sflag:s5] =	ssyncadd.s32 $0xFFFFC000  }
0x6c: {  	[hbm4b:s4+s2] =	stream.linear.scatter [tilespmem:s1], [sflag:$0xA], $0x4000, $0x38;
	[tilespmem:$0x15400] =	vst v63  }
0x6d: {  	_ =	swait.ge [sflag:s6], $0x4000  }
0x6e: {  	[sflag:s6] =	ssyncset.done $0x0  }
0x6f: {  	s15 =	sadd.s32 $0x380, s20;
	[sflag:s6] =	ssyncadd.s32 $0xFFFFC000  }
0x70: {  	[tilespmem:s25], [sflag:$0x3] =	stream.indirect.gather [hbm4b:s0+s21], $0x80, s15, s21, $0xb8;
	[tilespmem:$0x15400] =	vst v63  }
0x71: {  	_ =	swait.ge [sflag:s26], $0x4000  }
0x72: {  	[sflag:s26] =	ssyncset.done $0x0  }
0x73: {  	[sflag:s26] =	ssyncadd.s32 $0xFFFFC000  }
0x74: {  	[hbm4b:s12+s2] =	stream.linear.scatter [tilespmem:s22], [sflag:$0x6], $0x4000, $0x38;
	[tilespmem:$0x15400] =	vst v63  }
0x75: {  	_ =	swait.ge [sflag:s7], $0x4000  }
0x76: {  	[sflag:s7] =	ssyncset.done $0x0  }
0x77: {  	s15 =	sadd.s32 $0x400, s20;
	[sflag:s7] =	ssyncadd.s32 $0xFFFFC000  }
0x78: {  	[tilespmem:s29], [sflag:$0x4] =	stream.indirect.gather [hbm4b:s0+s21], $0x80, s15, s21, $0xb8;
	[tilespmem:$0x15400] =	vst v63  }
0x79: {  	_ =	swait.ge [sflag:s30], $0x4000  }
0x7a: {  	[sflag:s30] =	ssyncset.done $0x0  }
.Ltmp0:
0x7b: {  	[sflag:s30] =	ssyncadd.s32 $0xFFFFC000;
	(pc) =	sbr.rel @p1 .LBB2_2-.Ltmp0, $4  }
0x7c: {  	[hbm4b:s11+s2] =	stream.linear.scatter [tilespmem:s23], [sflag:$0x7], $0x4000, $0x38;
	[tilespmem:$0x15400] =	vst v63  }
0x7d: {  	s12 =	sadd.s32 $0x2800, s12;
	s11 =	sadd.s32 $0x2800, s11;
	_ =	swait.ge [sflag:s8], $0x4000  }
0x7e: {  	s14 =	sadd.s32 $0x2800, s14;
	s13 =	sadd.s32 $0x2800, s13;
	[sflag:s8] =	ssyncset.done $0x0  }
0x7f: {  	s4 =	sadd.s32 $0x2800, s4;
	s20 =	sadd.s32 $0x480, s20;
	[sflag:s8] =	ssyncadd.s32 $0xFFFFC000  }
0x80: {  	[tilespmem:s1], [sflag:$0x5] =	stream.indirect.gather [hbm4b:s0+s21], $0x80, s20, s21, $0xb8;
	[tilespmem:$0x15400] =	vst v63  }
0x81: {  	_ =	swait.ge [sflag:s24], $0x4000  }
0x82: {  	[sflag:s24] =	ssyncset.done $0x0  }
0x83: {  	s4 =	rddreg [dreg:$0x6];
	[sflag:s24] =	ssyncadd.s32 $0xFFFFC000  }
0x84: {  	[hbm4b:s4+s2] =	stream.linear.scatter [tilespmem:s25], [sflag:$0x8], $0x4000, $0x38;
	[tilespmem:$0x15400] =	vst v63  }
0x85: {  	_ =	swait.ge [sflag:s28], $0x4000  }
0x86: {  	[sflag:s28] =	ssyncset.done $0x0  }
0x87: {  	s13 =	simm.s32 $0x1180;
	[sflag:s28] =	ssyncadd.s32 $0xFFFFC000  }
0x88: {  	[tilespmem:s22], [sflag:$0x1] =	stream.indirect.gather [hbm4b:s0+s21], $0x80, s13, s21, $0xb8;
	[tilespmem:$0x15400] =	vst v63  }
0x89: {  	_ =	swait.ge [sflag:s31], $0x4000  }
0x8a: {  	[sflag:s31] =	ssyncset.done $0x0  }
0x8b: {  	s14 =	rddreg [dreg:$0x7];
	[sflag:s31] =	ssyncadd.s32 $0xFFFFC000  }
0x8c: {  	[hbm4b:s14+s2] =	stream.linear.scatter [tilespmem:s29], [sflag:$0x9], $0x4000, $0x38;
	[tilespmem:$0x15400] =	vst v63  }
0x8d: {  	_ =	swait.ge [sflag:s3], $0x4000  }
0x8e: {  	[sflag:s3] =	ssyncset.done $0x0  }
0x8f: {  	s15 =	simm.s32 $0x1200;
	[sflag:s3] =	ssyncadd.s32 $0xFFFFC000  }
0x90: {  	[tilespmem:s23], [sflag:$0x2] =	stream.indirect.gather [hbm4b:s0+s21], $0x80, s15, s21, $0xb8;
	[tilespmem:$0x15400] =	vst v63  }
0x91: {  	_ =	swait.ge [sflag:s5], $0x4000  }
0x92: {  	[sflag:s5] =	ssyncset.done $0x0  }
0x93: {  	s20 =	rddreg [dreg:$0x8];
	[sflag:s5] =	ssyncadd.s32 $0xFFFFC000  }
0x94: {  	[hbm4b:s20+s2] =	stream.linear.scatter [tilespmem:s1], [sflag:$0xA], $0x4000, $0x38;
	[tilespmem:$0x15400] =	vst v63  }
0x95: {  	_ =	swait.ge [sflag:s6], $0x4000  }
0x96: {  	[sflag:s6] =	ssyncset.done $0x0  }
0x97: {  	s10 =	simm.s32 $0x1280;
	[sflag:s6] =	ssyncadd.s32 $0xFFFFC000  }
0x98: {  	[tilespmem:s25], [sflag:$0x3] =	stream.indirect.gather [hbm4b:s0+s21], $0x80, s10, s21, $0xb8;
	[tilespmem:$0x15400] =	vst v63  }
0x99: {  	_ =	swait.ge [sflag:s26], $0x4000  }
0x9a: {  	[sflag:s26] =	ssyncset.done $0x0  }
0x9b: {  	s11 =	rddreg [dreg:$0x9];
	[sflag:s26] =	ssyncadd.s32 $0xFFFFC000  }
0x9c: {  	[hbm4b:s11+s2] =	stream.linear.scatter [tilespmem:s22], [sflag:$0x6], $0x4000, $0x38;
	[tilespmem:$0x15400] =	vst v63  }
0x9d: {  	_ =	swait.ge [sflag:s7], $0x4000  }
0x9e: {  	[sflag:s7] =	ssyncset.done $0x0  }
0x9f: {  	s12 =	simm.s32 $0x1300;
	[sflag:s7] =	ssyncadd.s32 $0xFFFFC000  }
0xa0: {  	[tilespmem:s29], [sflag:$0x4] =	stream.indirect.gather [hbm4b:s0+s21], $0x80, s12, s21, $0xb8;
	[tilespmem:$0x15400] =	vst v63  }
0xa1: {  	_ =	swait.ge [sflag:s30], $0x4000  }
0xa2: {  	[sflag:s30] =	ssyncset.done $0x0  }
0xa3: {  	s13 =	rddreg [dreg:$0xa];
	[sflag:s30] =	ssyncadd.s32 $0xFFFFC000  }
0xa4: {  	[hbm4b:s13+s2] =	stream.linear.scatter [tilespmem:s23], [sflag:$0x7], $0x4000, $0x38;
	[tilespmem:$0x15400] =	vst v63  }
0xa5: {  	_ =	swait.ge [sflag:s8], $0x4000  }
0xa6: {  	[sflag:s8] =	ssyncset.done $0x0  }
0xa7: {  	[sflag:s8] =	ssyncadd.s32 $0xFFFFC000  }
0xa8: {  	_ =	swait.ge [sflag:s24], $0x4000  }
0xa9: {  	[sflag:s24] =	ssyncset.done $0x0  }
0xaa: {  	s14 =	rddreg [dreg:$0xb];
	[sflag:s24] =	ssyncadd.s32 $0xFFFFC000  }
0xab: {  	[hbm4b:s14+s2] =	stream.linear.scatter [tilespmem:s25], [sflag:$0x8], $0x4000, $0x38;
	[tilespmem:$0x15400] =	vst v63  }
0xac: {  	_ =	swait.ge [sflag:s28], $0x4000  }
0xad: {  	[sflag:s28] =	ssyncset.done $0x0  }
0xae: {  	[sflag:s28] =	ssyncadd.s32 $0xFFFFC000  }
0xaf: {  	_ =	swait.ge [sflag:s31], $0x4000  }
0xb0: {  	[sflag:s31] =	ssyncset.done $0x0  }
0xb1: {  	s15 =	rddreg [dreg:$0xc];
	[sflag:s31] =	ssyncadd.s32 $0xFFFFC000  }
0xb2: {  	[hbm4b:s15+s2] =	stream.linear.scatter [tilespmem:s29], [sflag:$0x9], $0x4000, $0x38;
	[tilespmem:$0x15400] =	vst v63  }
0xb3: {  	_ =	swait.ge [sflag:s3], $0x4000  }
0xb4: {  	[sflag:s3] =	ssyncset.done $0x0  }
0xb5: {  	[sflag:s3] =	ssyncadd.s32 $0xFFFFC000  }
0xb6: {  	_ =	swait.ge [sflag:s6], $0x4000  }
0xb7: {  	[sflag:s6] =	ssyncset.done $0x0  }
0xb8: {  	[sflag:s6] =	ssyncadd.s32 $0xFFFFC000  }
0xb9: {  	_ =	swait.ge [sflag:s7], $0x4000  }
0xba: {  	s4 =	simm.s32 @!p0 $0x80;
	[sflag:s7] =	ssyncset.done $0x0  }
0xbb: {  	s10 =	simm.s32 @!p0 $0x1380;
	s11 =	simm.s32 @!p0 $0x11400;
	[sflag:s7] =	ssyncadd.s32 $0xFFFFC000  }
0xbc: {  	[tilespmem:s11], [sflag:$0x5] =	stream.indirect.gather @!p0 [hbm4b:s0+s4], $0x80, s10, s4, $0xb8;
	[tilespmem:$0x15400] =	vst v63  }
0xbd: {  	s4 =	simm.s32 @!p0 $0x5  }
0xbe: {  	_ =	swait.ge @!p0 [sflag:s4], $0x4000  }
0xbf: {  	[sflag:s4] =	ssyncset.done @!p0 $0x0  }
0xc0: {  	s10 =	rddreg [dreg:$0xd];
	[sflag:s4] =	ssyncadd.s32 @!p0 $0xFFFFC000;
	s4 =	simm.s32 @!p0 $0x0  }
0xc1: {  	[hbm4b:s10+s4] =	stream.linear.scatter @!p0 [tilespmem:s11], [sflag:$0xA], $0x4000, $0x38;
	[tilespmem:$0x15400] =	vst v63  }
0xc2: {  	s4 =	simm.s32 @!p0 $0xA  }
0xc3: {  	_ =	swait.ge @!p0 [sflag:s4], $0x4000  }
0xc4: {  	s9 =	sadd.s32 $0x1, s9;
	s20 =	rddreg [dreg:$0xe]  }
0xc5: {  	p1 =	sne.s32 s9, s20  }
.Ltmp1:
0xc6: {  	_ = 	snop;
	(pc) =	sbr.rel @p1 .LBB2_1-.Ltmp1, $3  }
0xc7: {  	_ =	sdelay $0x1  }
0xc8: {  	[sflag:s4] =	ssyncset.done @!p0 $0x0  }
0xc9: {  	[sflag:s4] =	ssyncadd.s32 @!p0 $0xFFFFC000  }
0xca: {  	_ =	sfence.sel $0x180000  }
0xcb: {  	[bflag:$0x0] =	sbarrier.arrive $0xFFFF  }
0xcc: {  	_ =	strace $0x9000004D  }
0xcd: {  	[bflag:$0x2] =	sbarrier.arrive $0xFFFF  }
0xce: {  	s0 =	rddreg [dreg:$0x2]  }
0xcf: {  	s0 =	sadd.s32 @!p0 $0x100000, s0  }
0xd0: {  	[sflag:s0] =	ssyncadd.tile.s32 @!p0 $0x1;
	_ =	shalt  }
.Lfunc_end2:
_tile_overlayer_lowered:
.L_overlay_start_2:
0xd1: {  	(tag) =	ssettag $0x2  }
0xd2: {  	s0 =	rddreg [dreg:$0x0];
	s2 =	stileid.u32  }
0xd3: {  	s1 =	rddreg [dreg:$0x1];
	p0 =	sne.s32 s2, $0x0  }
0xd4: {  	s3 =	rddreg [dreg:$0x2];
	[bflag:$0x3] =	sbarrier.arrive $0xFFFF;
	s2 =	simm.s32 @!p0 $0x1C0B  }
0xd5: {  	[timem:s3], [sflag:s2] =	dma.local @!p0 [hbm:s0], s1  }
0xd6: {  	s0 =	simm.s32 @!p0 $0xB  }
0xd7: {  	_ =	swait.ge @!p0 [sflag:s0], s1  }
0xd8: {  	s1 =	ssub.s32 @!p0 $0x0, s1;
	[sflag:s0] =	ssyncset.done @!p0 $0x0  }
0xd9: {  	[sflag:s0] =	ssyncadd.s32 @!p0 s1  }
0xda: {  	[bflag:$0x3] =	sbarrier.arrive $0xFFFF  }
0xdb: {  	_ =	shalt  }

// kernel: kernel.8.cloned.1.call-start
scs
__scs_entry_jumppad:
0x0: {  	(pc) =	sbr.rel $0x88, $3  }
0x1: {  	(tag) =	ssettag $0x0;
	lr =	simm.s32 $0x1  }
0x2: {  	[smem:$0x3F86] =	sst lr;
	_ =	strace $0xD0000000  }
0x3: {  	_ = 	snop  }
0x4: {  	_ = 	snop  }
0x5: {  	_ = 	snop  }
0x6: {  	_ = 	snop  }
0x7: {  	_ = 	snop  }
__scs_overlays_trampoline_lowered:
0x8: {  	[smem:$0x3F95] =	sst s0  }
0x9: {  	[smem:$0x3F96] =	sst s1  }
0xa: {  	[smem:$0x3F97] =	sst s2  }
0xb: {  	[smem:$0x3F98] =	sst s3  }
0xc: {  	[smem:$0x3F99] =	sst s4  }
0xd: {  	[smem:$0x3F9A] =	sst s5  }
0xe: {  	[smem:$0x3F9B] =	sst s6  }
0xf: {  	[smem:$0x3F9C] =	sst s7  }
0x10: {  	[smem:$0x3F9D] =	sst s8  }
0x11: {  	[smem:$0x3F9E] =	sst s9;
	s0 =	simm.s32 @!p0 $0x0  }
0x12: {  	s1 =	sld [smem:$0x3F84];
	s0 =	simm.s32 @p0 $0x1  }
0x13: {  	[smem:$0x3F9F] =	sst s0;
	s0 =	simm.s32 @!p1 $0x0  }
0x14: {  	s2 =	sld [smem:$0x3F83];
	s0 =	simm.s32 @p1 $0x1  }
0x15: {  	[smem:$0x3FA0] =	sst s0;
	s0 =	simm.s32 @!p2 $0x0  }
0x16: {  	s3 =	sld [smem:$0x3FDB];
	s0 =	simm.s32 @p2 $0x1  }
0x17: {  	s4 =	simm.s32 $0x1BF5;
	[smem:$0x3FA2] =	sst s0  }
0x18: {  	s0 =	sld [smem:$0x3F85];
	_ =	swait.ge [sflag:s4], $0x0  }
0x19: {  	s7 =	sld [smem:$0x3F86]  }
0x1a: {  	s8 =	sadd.s32 $0xFFFFE003, lr  }
0x1b: {  	s9 =	sadd.s32 $0xFFFFFEF7, lr;
	s5 =	simm.s32 $0xFFFFFFFF;
	p2 =	slt.u32 s8, $0xFFFFF086  }
0x1c: {  	p1 =	slt.u32 s9, $0xF7A;
	s5 =	simm.s32 @!p2 $0x0  }
0x1d: {  	s5 =	simm.s32 @p1 $0x1;
	p0 =	seq.s32 s7, s2  }
0x1e: {  	s7 =	smul.u32 @!p0 $0xF7A, s2;
	p2 =	seq.s32 @!p0 s5, $0x0  }
0x1f: {  	s9 =	smul.u32 $0xF7A, s1;
	s8 =	simm.s32 @!p0 $0x1BF5;
	p2 =	por !p2, p0  }
0x20: {  	[sflag:s8] =	ssyncset.s32 @!p0 $0xFFFFF086;
	s6 =	sadd.s32 @!p0 s3, s7;
	s7 =	simm.s32 @!p0 $0x108  }
0x21: {  	s3 =	sadd.s32 s3, s9;
	s6 =	sadd.s32 @!p0 $0x88, s6;
	s7 =	simm.s32 @p2 $0x1082  }
0x22: {  	[simem:s7], [sflag:s8] =	dma.local @!p0 [hbm:s6], $0xF7A  }
0x23: {  	s9 =	sor.u32 $0xD0000000, s2;
	s6 =	simm.s32 $0x108;
	_ =	swait.ge @!p0 [sflag:s8], $0x0  }
0x24: {  	s3 =	sadd.s32 $0x88, s3;
	s6 =	simm.s32 @!p1 $0x1082;
	[sflag:s4] =	ssyncset.s32 $0xFFFFF086  }
0x25: {  	[simem:s6], [sflag:s4] =	dma.local [hbm:s3], $0xF7A  }
0x26: {  	[smem:$0x3F86] =	sst s1;
	(tag) =	ssettag s2;
	_ =	strace s9  }
0x27: {  	s1 =	sld [smem:$0x3F96]  }
0x28: {  	s2 =	sld [smem:$0x3F97]  }
0x29: {  	s4 =	sld [smem:$0x3F99]  }
0x2a: {  	p0 =	seq.s32 s5, $0x0;
	s5 =	sld [smem:$0x3F9A]  }
0x2b: {  	s6 =	sld [smem:$0x3F9B]  }
0x2c: {  	s7 =	sld [smem:$0x3F9C]  }
0x2d: {  	s3 =	simm.s32 $0x108;
	s8 =	sld [smem:$0x3F9D]  }
0x2e: {  	s3 =	simm.s32 @!p0 $0x1082;
	s9 =	sld [smem:$0x3F9E]  }
0x2f: {  	lr =	sadd.s32 s0, s3;
	s0 =	sld [smem:$0x3F95]  }
0x30: {  	s3 =	sld [smem:$0x3F98]  }
0x31: {  	[smem:$0x3FA1] =	sst s10  }
0x32: {  	s10 =	sld [smem:$0x3F9F];
	_ =	sdelay $0x3  }
0x33: {  	p0 =	seq.s32 s10, $0x1;
	s10 =	sld [smem:$0x3FA1];
	_ =	sdelay $0x3  }
0x34: {  	[smem:$0x3FA1] =	sst s10  }
0x35: {  	s10 =	sld [smem:$0x3FA0];
	_ =	sdelay $0x3  }
0x36: {  	p1 =	seq.s32 s10, $0x1;
	s10 =	sld [smem:$0x3FA1];
	_ =	sdelay $0x3  }
0x37: {  	[smem:$0x3FA1] =	sst s10  }
0x38: {  	s10 =	sld [smem:$0x3FA2]  }
0x39: {  	_ = 	snop;
	(pc) =	sbr.ind lr, $3  }
0x3a: {  	_ = 	snop  }
0x3b: {  	_ = 	snop  }
0x3c: {  	p2 =	seq.s32 s10, $0x1;
	s10 =	sld [smem:$0x3FA1]  }
0x3d: {  	_ =	shalt  }
0x3e: {  	_ =	shalt  }
0x3f: {  	_ =	shalt  }
0x40: {  	_ =	shalt  }
0x41: {  	_ =	shalt  }
0x42: {  	_ =	shalt  }
0x43: {  	_ =	shalt  }
0x44: {  	_ =	shalt  }
0x45: {  	_ =	shalt  }
0x46: {  	_ =	shalt  }
0x47: {  	_ =	shalt  }
0x48: {  	_ =	shalt  }
0x49: {  	_ =	shalt  }
0x4a: {  	_ =	shalt  }
0x4b: {  	_ =	shalt  }
0x4c: {  	_ =	shalt  }
0x4d: {  	_ =	shalt  }
0x4e: {  	_ =	shalt  }
0x4f: {  	_ =	shalt  }
0x50: {  	_ =	shalt  }
0x51: {  	_ =	shalt  }
0x52: {  	_ =	shalt  }
0x53: {  	_ =	shalt  }
0x54: {  	_ =	shalt  }
0x55: {  	_ =	shalt  }
0x56: {  	_ =	shalt  }
0x57: {  	_ =	shalt  }
0x58: {  	_ =	shalt  }
0x59: {  	_ =	shalt  }
0x5a: {  	_ =	shalt  }
0x5b: {  	_ =	shalt  }
0x5c: {  	_ =	shalt  }
0x5d: {  	_ =	shalt  }
0x5e: {  	_ =	shalt  }
0x5f: {  	_ =	shalt  }
0x60: {  	_ =	shalt  }
0x61: {  	_ =	shalt  }
0x62: {  	_ =	shalt  }
0x63: {  	_ =	shalt  }
0x64: {  	_ =	shalt  }
0x65: {  	_ =	shalt  }
0x66: {  	_ =	shalt  }
0x67: {  	_ =	shalt  }
0x68: {  	_ =	shalt  }
0x69: {  	_ =	shalt  }
0x6a: {  	_ =	shalt  }
0x6b: {  	_ =	shalt  }
0x6c: {  	_ =	shalt  }
0x6d: {  	_ =	shalt  }
0x6e: {  	_ =	shalt  }
0x6f: {  	_ =	shalt  }
0x70: {  	_ =	shalt  }
0x71: {  	_ =	shalt  }
0x72: {  	_ =	shalt  }
0x73: {  	_ =	shalt  }
0x74: {  	_ =	shalt  }
0x75: {  	_ =	shalt  }
0x76: {  	_ =	shalt  }
0x77: {  	_ =	shalt  }
0x78: {  	_ =	shalt  }
0x79: {  	_ =	shalt  }
0x7a: {  	_ =	shalt  }
0x7b: {  	_ =	shalt  }
0x7c: {  	_ =	shalt  }
0x7d: {  	_ =	shalt  }
0x7e: {  	_ =	shalt  }
0x7f: {  	_ =	shalt  }
0x80: {  	_ =	shalt  }
0x81: {  	_ =	shalt  }
0x82: {  	_ =	shalt  }
0x83: {  	_ =	shalt  }
0x84: {  	_ =	shalt  }
0x85: {  	_ =	shalt  }
0x86: {  	_ =	shalt  }
0x87: {  	_ =	shalt  }
.Lfunc_end0:
.L_simem_size_0:
called_computation.1_lowered:
.L_overlay_start_0:
0x88: {  	s2 =	sld [smem:$0x3FD9]  }
0x89: {  	s3 =	sld [smem:$0x3FFE];
	_ =	sdelay $0x1  }
0x8a: {  	s1 =	srdreg.scid  }
0x8b: {  	s0 =	sand.u32 $0x1, s1  }
0x8c: {  	s17 =	sshll.u32 s0, $0xA;
	s2 =	sadd.s32 s3, s2  }
0x8d: {  	s2 =	sadd.s32 s2, s17  }
0x8e: {  	[smem:$0x3FAD] =	sst s2  }
0x8f: {  	_ = 	snop  }
0x90: {  	s2 =	sld [smem:$0x3FC9];
	(tm) =	ssettm $0x1  }
0x91: {  	s18 =	sld [smem:$0x3FFB];
	_ =	sdelay $0x3  }
0x92: {  	_ =	strace s18  }
0x93: {  	s3 =	sld [smem:$0x3FFC];
	_ =	sdelay $0x3  }
0x94: {  	_ =	strace s3  }
0x95: {  	s3 =	sld [smem:$0x3FFD];
	_ =	sdelay $0x3  }
0x96: {  	_ =	strace s3  }
0x97: {  	_ =	strace $0x8FFFFFFF  }
0x98: {  	s19 =	sld [smem:$0x3FDB];
	_ =	sdelay $0x1  }
0x99: {  	s4 =	simm.s32 $_scs_section_size  }
0x9a: {  	s5 =	simm.s32 $_size__tile_overlayer_lowered;
	s6 =	simm.s32 $_tile_overlayer_lowered  }
0x9b: {  	s22 =	simm.s32 $0x1BFF;
	s21 =	sshll.u32 s6, $0x1;
	s3 =	sadd.s32 s4, s19  }
0x9c: {  	s7 =	simm.s32 $0x0;
	s20 =	sshll.u32 s5, $0x1;
	s5 =	sadd.s32 s21, s3  }
0x9d: {  	[timem:s7], [sflag:s22] =	dma.local [hbm:s5], s20  }
0x9e: {  	_ =	swait.ge [sflag:s22], s20  }
0x9f: {  	s4 =	ssub.s32 $0x0, s20;
	[sflag:s22] =	ssyncset.done $0x0  }
0xa0: {  	[sflag:s22] =	ssyncadd.s32 s4;
	_ =	sdelay $0x1  }
0xa1: {  	s23 =	simm.s32 $0x1B8B  }
0xa2: {  	_ =	swait.ge [sflag:s23], $0x1  }
0xa3: {  	[sflag:s23] =	ssyncset.done $0x0  }
0xa4: {  	s25 =	simm.s32 $0x1B8E;
	s24 =	sld [smem:$0x3FFE];
	[sflag:s23] =	ssyncadd.s32 $0xFFFFFFFF  }
0xa5: {  	s26 =	simm.s32 $execute0_lowered;
	[smem:$0x3FD2] =	sst s25  }
0xa6: {  	s5 =	sshll.u32 s26, $0x1;
	_ =	strace $0x80000049;
	[dreg:$0x1] =	wrdreg $0xFFFFFFFF  }
0xa7: {  	s28 =	simm.s32 $_size_execute0_lowered;
	s3 =	sadd.s32 s3, s5;
	[dreg:$0x0] =	wrdreg $0x0  }
0xa8: {  	s5 =	sshll.u32 s28, $0x1;
	[dreg:$0x2] =	wrdreg s3  }
0xa9: {  	[dreg:$0x3] =	wrdreg s5  }
0xaa: {  	[dreg:$0x4] =	wrdreg $0xC0  }
0xab: {  	_ =	task [dreg:s7], $0x5FFFF  }
0xac: {  	[dreg:$0x1] =	wrdreg $0xFFFFFFFF  }
0xad: {  	[dreg:$0x0] =	wrdreg $0x60  }
0xae: {  	[dreg:$0x2] =	wrdreg s2  }
0xaf: {  	[dreg:$0x3] =	wrdreg s24  }
0xb0: {  	[dreg:$0x4] =	wrdreg $0x9  }
0xb1: {  	_ =	task.clear_ibuf [dreg:s7], $0x5FFFF;
	_ =	strace $0x90000049  }
0xb2: {  	s29 =	simm.s32 $0x9;
	_ =	strace $0x8000004B  }
0xb3: {  	_ =	swait.ge [sflag:s29], $0x1  }
0xb4: {  	[sflag:s29] =	ssyncadd.s32 $0xFFFFFFFF  }
0xb5: {  	_ =	strace $0x9000004B  }
0xb6: {  	_ =	sfence  }
0xb7: {  	s30 =	sld [smem:$0x0];
	_ =	sdelay $0x2  }
0xb8: {  	s31 =	sshll.u32 s1, $0xD;
	s1 =	sshrl.u32 s1, $0x2  }
0xb9: {  	s3 =	sand.u32 $0x4000, s31;
	s1 =	sadd.s32 s1, s30  }
0xba: {  	s0 =	sor.u32 s3, s0;
	s1 =	sshll.u32 s1, $0x11  }
0xbb: {  	s0 =	sor.u32 s1, s0  }
0xbc: {  	s0 =	sadd.s32 $0x8F2B, s0  }
0xbd: {  	[sflag:s0] =	ssyncadd.remote.s32 $0x1  }
0xbe: {  	_ =	sfence.sel $0xFFFF  }
0xbf: {  	[dreg:$0x0] =	wrdreg $0xFFFFFFFF;
	(pc) =	sbr.abs _section_cstart, $3  }
0xc0: {  	[dreg:$0x1] =	wrdreg $0xFFFFFFFF  }
0xc1: {  	_ =	task.clear_ibuf [dreg:s7], $0x2FFFF;
	_ =	strace $0x9FFFFFFF  }
0xc2: {  	(tm) =	ssettm $0x7FFFFFFF  }
0xc3: {  	_ =	shalt  }
tec
execute0_lowered:
.L_overlay_start_1:
0x0: {  	(tag) =	ssettag $0x1  }
0x1: {  	s0 =	rddreg [dreg:$0x0];
	s1 =	srdreg.scid  }
0x2: {  	s3 =	stileid.u32;
	s4 =	rddreg [dreg:$0x1];
	s2 =	simm.s32 $0x0  }
0x3: {  	s29 =	simm.s32 $0xD400;
	s30 =	simm.s32 $0x2;
	s28 =	simm.s32 $0x6  }
0x4: {  	s31 =	simm.s32 $0x4;
	s1 =	sand.u32 $0x1, s1;
	s5 =	sshll.u32 s3, $0x1  }
0x5: {  	[smem:$0x7FF] =	sst s2;
	s9 =	smul.u32 $0x4E, s3;
	s5 =	sor.u32 s1, s5  }
0x6: {  	p0 =	sne.s32 s3, $0x0;
	s8 =	ssub.s32 $0x2, s1;
	s6 =	smul.u32 $0x280, s5  }
0x7: {  	_ =	strace $0x8000004A;
	s7 =	smul.u32 $0x27, s5;
	s10 =	sshrl.u32 s8, $0x1  }
0x8: {  	s5 =	smin.u32 s5, $0x2;
	s8 =	ssub.s32 s8, s10;
	s6 =	sadd.s32 s6, s4  }
0x9: {  	s4 =	sadd.s32 $0x8800, s4;
	s7 =	sadd.s32 s5, s7;
	s25 =	smax.u32 s8, $0x1  }
0xa: {  	s7 =	sshll.u32 s7, $0xB;
	s6 =	sadd.s32 $0x3800, s6;
	[dreg:$0xe] =	wrdreg s25  }
0xb: {  	s1 =	smul.u32 $0x27, s1;
	[dreg:$0x3] =	wrdreg s6;
	s16 =	sadd.s32 s4, s7  }
0xc: {  	s3 =	simm.s32 $0x7;
	s7 =	sadd.s32 $0x800, s16;
	[dreg:$0x4] =	wrdreg s16  }
0xd: {  	s1 =	sadd.s32 s1, s9;
	s17 =	sadd.s32 $0x10000, s16;
	[dreg:$0x5] =	wrdreg s7  }
0xe: {  	s9 =	simm.s32 $0x0;
	s18 =	sadd.s32 $0x10800, s16;
	[dreg:$0x6] =	wrdreg s17  }
0xf: {  	s1 =	sadd.s32 s5, s1;
	s19 =	sadd.s32 $0x11000, s16;
	[dreg:$0x7] =	wrdreg s18  }
0x10: {  	s5 =	simm.s32 $0x5;
	s20 =	sadd.s32 $0x11800, s16;
	[dreg:$0x8] =	wrdreg s19  }
0x11: {  	s8 =	simm.s32 $0xA;
	s21 =	sadd.s32 $0x12000, s16;
	[dreg:$0x9] =	wrdreg s20  }
0x12: {  	s1 =	sshll.u32 s1, $0xB;
	s22 =	sadd.s32 $0x12800, s16;
	[dreg:$0xa] =	wrdreg s21  }
0x13: {  	s25 =	simm.s32 $0x9400;
	s23 =	sadd.s32 $0x13000, s16;
	[dreg:$0xb] =	wrdreg s22  }
0x14: {  	s1 =	sadd.s32 s1, s4;
	s24 =	sadd.s32 $0x13800, s16;
	[dreg:$0xc] =	wrdreg s23  }
0x15: {  	s6 =	simm.s32 $0x8;
	s26 =	sadd.s32 $0x2000, s1;
	[dreg:$0xd] =	wrdreg s24  }
0x16: {  	s16 =	sadd.s32 $0x1800, s1;
	[dreg:$0xf] =	wrdreg s26;
	s17 =	sadd.s32 $0x1000, s1  }
0x17: {  	s18 =	sadd.s32 $0x3000, s1;
	s19 =	sadd.s32 $0x2800, s1;
	s21 =	simm.s32 $0x80  }
0x18: {  	s22 =	simm.s32 $0x1400;
	s23 =	simm.s32 $0x5400;
	s26 =	simm.s32 $0x1  }
0x19: {  	s1 =	simm.s32 $0x11400;
	s24 =	simm.s32 $0x3;
	s7 =	simm.s32 $0x9  }
.LBB2_1:
0x1a: {  	s4 =	rddreg [dreg:$0x3];
	s13 =	simm.s32 $0xB  }
0x1b: {  	[tilespmem:s2], [sflag:$0xB] =	stream.linear.gather [hbm4b:s4+s2], $0x1400, $0x38;
	[tilespmem:$0x15400] =	vst v63  }
0x1c: {  	_ =	swait.ge [sflag:s13], $0x1400  }
0x1d: {  	[sflag:s13] =	ssyncset.done $0x0  }
0x1e: {  	[sflag:s13] =	ssyncadd.s32 $0xFFFFEC00  }
0x1f: {  	[tilespmem:s22], [sflag:$0x1] =	stream.indirect.gather [hbm4b:s0+s21], $0x80, s2, s21, $0xb8;
	[tilespmem:$0x15400] =	vst v63  }
0x20: {  	_ = 	snop  }
0x21: {  	[tilespmem:s23], [sflag:$0x2] =	stream.indirect.gather [hbm4b:s0+s21], $0x80, s21, s21, $0xb8;
	[tilespmem:$0x15400] =	vst v63  }
0x22: {  	s14 =	simm.s32 $0x100  }
0x23: {  	[tilespmem:s25], [sflag:$0x3] =	stream.indirect.gather [hbm4b:s0+s21], $0x80, s14, s21, $0xb8;
	[tilespmem:$0x15400] =	vst v63  }
0x24: {  	_ =	swait.ge [sflag:s26], $0x4000  }
0x25: {  	[sflag:s26] =	ssyncset.done $0x0  }
0x26: {  	s15 =	rddreg [dreg:$0x4];
	[sflag:s26] =	ssyncadd.s32 $0xFFFFC000  }
0x27: {  	[hbm4b:s15+s2] =	stream.linear.scatter [tilespmem:s22], [sflag:$0x6], $0x4000, $0x38;
	[tilespmem:$0x15400] =	vst v63  }
0x28: {  	s20 =	simm.s32 $0x180  }
0x29: {  	[tilespmem:s29], [sflag:$0x4] =	stream.indirect.gather [hbm4b:s0+s21], $0x80, s20, s21, $0xb8;
	[tilespmem:$0x15400] =	vst v63  }
0x2a: {  	_ =	swait.ge [sflag:s30], $0x4000  }
0x2b: {  	[sflag:s30] =	ssyncset.done $0x0  }
0x2c: {  	s10 =	rddreg [dreg:$0x5];
	[sflag:s30] =	ssyncadd.s32 $0xFFFFC000  }
0x2d: {  	[hbm4b:s10+s2] =	stream.linear.scatter [tilespmem:s23], [sflag:$0x7], $0x4000, $0x38;
	[tilespmem:$0x15400] =	vst v63  }
0x2e: {  	s11 =	simm.s32 $0x200  }
0x2f: {  	[tilespmem:s1], [sflag:$0x5] =	stream.indirect.gather [hbm4b:s0+s21], $0x80, s11, s21, $0xb8;
	[tilespmem:$0x15400] =	vst v63  }
0x30: {  	_ =	swait.ge [sflag:s24], $0x4000  }
0x31: {  	[sflag:s24] =	ssyncset.done $0x0  }
0x32: {  	[sflag:s24] =	ssyncadd.s32 $0xFFFFC000  }
0x33: {  	[hbm4b:s17+s2] =	stream.linear.scatter [tilespmem:s25], [sflag:$0x8], $0x4000, $0x38;
	[tilespmem:$0x15400] =	vst v63  }
0x34: {  	_ =	swait.ge [sflag:s28], $0x4000  }
0x35: {  	[sflag:s28] =	ssyncset.done $0x0  }
0x36: {  	s12 =	simm.s32 $0x280;
	[sflag:s28] =	ssyncadd.s32 $0xFFFFC000  }
0x37: {  	[tilespmem:s22], [sflag:$0x1] =	stream.indirect.gather [hbm4b:s0+s21], $0x80, s12, s21, $0xb8;
	[tilespmem:$0x15400] =	vst v63  }
0x38: {  	_ =	swait.ge [sflag:s31], $0x4000  }
0x39: {  	[sflag:s31] =	ssyncset.done $0x0  }
0x3a: {  	[sflag:s31] =	ssyncadd.s32 $0xFFFFC000  }
0x3b: {  	[hbm4b:s16+s2] =	stream.linear.scatter [tilespmem:s29], [sflag:$0x9], $0x4000, $0x38;
	[tilespmem:$0x15400] =	vst v63  }
0x3c: {  	_ =	swait.ge [sflag:s3], $0x4000  }
0x3d: {  	[sflag:s3] =	ssyncset.done $0x0  }
0x3e: {  	s13 =	simm.s32 $0x300;
	[sflag:s3] =	ssyncadd.s32 $0xFFFFC000  }
0x3f: {  	[tilespmem:s23], [sflag:$0x2] =	stream.indirect.gather [hbm4b:s0+s21], $0x80, s13, s21, $0xb8;
	[tilespmem:$0x15400] =	vst v63  }
0x40: {  	_ =	swait.ge [sflag:s5], $0x4000  }
0x41: {  	[sflag:s5] =	ssyncset.done $0x0  }
0x42: {  	s15 =	rddreg [dreg:$0xf];
	[sflag:s5] =	ssyncadd.s32 $0xFFFFC000  }
0x43: {  	[hbm4b:s15+s2] =	stream.linear.scatter [tilespmem:s1], [sflag:$0xA], $0x4000, $0x38;
	[tilespmem:$0x15400] =	vst v63  }
0x44: {  	_ =	swait.ge [sflag:s6], $0x4000  }
0x45: {  	[sflag:s6] =	ssyncset.done $0x0  }
0x46: {  	s14 =	simm.s32 $0x380;
	[sflag:s6] =	ssyncadd.s32 $0xFFFFC000  }
0x47: {  	[tilespmem:s25], [sflag:$0x3] =	stream.indirect.gather [hbm4b:s0+s21], $0x80, s14, s21, $0xb8;
	[tilespmem:$0x15400] =	vst v63  }
0x48: {  	_ =	swait.ge [sflag:s26], $0x4000  }
0x49: {  	[sflag:s26] =	ssyncset.done $0x0  }
0x4a: {  	[sflag:s26] =	ssyncadd.s32 $0xFFFFC000  }
0x4b: {  	[hbm4b:s19+s2] =	stream.linear.scatter [tilespmem:s22], [sflag:$0x6], $0x4000, $0x38;
	[tilespmem:$0x15400] =	vst v63  }
0x4c: {  	_ =	swait.ge [sflag:s7], $0x4000  }
0x4d: {  	[sflag:s7] =	ssyncset.done $0x0  }
0x4e: {  	s20 =	simm.s32 $0x400;
	[sflag:s7] =	ssyncadd.s32 $0xFFFFC000  }
0x4f: {  	[tilespmem:s29], [sflag:$0x4] =	stream.indirect.gather [hbm4b:s0+s21], $0x80, s20, s21, $0xb8;
	[tilespmem:$0x15400] =	vst v63  }
0x50: {  	_ =	swait.ge [sflag:s30], $0x4000  }
0x51: {  	[sflag:s30] =	ssyncset.done $0x0  }
0x52: {  	s10 =	simm.s32 $0xA00;
	[sflag:s30] =	ssyncadd.s32 $0xFFFFC000  }
0x53: {  	[hbm4b:s18+s2] =	stream.linear.scatter [tilespmem:s23], [sflag:$0x7], $0x4000, $0x38;
	[tilespmem:$0x15400] =	vst v63  }
0x54: {  	s11 =	sadd.s32 $0x2800, s18;
	s12 =	sadd.s32 $0x2800, s19;
	_ =	swait.ge [sflag:s8], $0x4000  }
0x55: {  	s13 =	sadd.s32 $0x2800, s16;
	s4 =	sadd.s32 $0x2800, s15;
	[sflag:s8] =	ssyncset.done $0x0  }
0x56: {  	s14 =	sadd.s32 $0x2800, s17;
	s20 =	simm.s32 $0x480;
	[sflag:s8] =	ssyncadd.s32 $0xFFFFC000  }
.LBB2_2:
0x57: {  	[tilespmem:s1], [sflag:$0x5] =	stream.indirect.gather [hbm4b:s0+s21], $0x80, s20, s21, $0xb8;
	[tilespmem:$0x15400] =	vst v63  }
0x58: {  	s20 =	smov.u32 s10  }
0x59: {  	p1 =	sne.s32 s10, $0x3200;
	s10 =	sadd.s32 $0xA00, s10;
	_ =	swait.ge [sflag:s24], $0x4000  }
0x5a: {  	[sflag:s24] =	ssyncset.done $0x0  }
0x5b: {  	[sflag:s24] =	ssyncadd.s32 $0xFFFFC000  }
0x5c: {  	[hbm4b:s14+s2] =	stream.linear.scatter [tilespmem:s25], [sflag:$0x8], $0x4000, $0x38;
	[tilespmem:$0x15400] =	vst v63  }
0x5d: {  	_ =	swait.ge [sflag:s28], $0x4000  }
0x5e: {  	s20 =	sshra.s32 s20, $0x2;
	[sflag:s28] =	ssyncset.done $0x0  }
0x5f: {  	s15 =	sadd.s32 $0x280, s20;
	[sflag:s28] =	ssyncadd.s32 $0xFFFFC000  }
0x60: {  	[tilespmem:s22], [sflag:$0x1] =	stream.indirect.gather [hbm4b:s0+s21], $0x80, s15, s21, $0xb8;
	[tilespmem:$0x15400] =	vst v63  }
0x61: {  	_ =	swait.ge [sflag:s31], $0x4000  }
0x62: {  	[sflag:s31] =	ssyncset.done $0x0  }
0x63: {  	[sflag:s31] =	ssyncadd.s32 $0xFFFFC000  }
0x64: {  	[hbm4b:s13+s2] =	stream.linear.scatter [tilespmem:s29], [sflag:$0x9], $0x4000, $0x38;
	[tilespmem:$0x15400] =	vst v63  }
0x65: {  	_ =	swait.ge [sflag:s3], $0x4000  }
0x66: {  	[sflag:s3] =	ssyncset.done $0x0  }
0x67: {  	s15 =	sadd.s32 $0x300, s20;
	[sflag:s3] =	ssyncadd.s32 $0xFFFFC000  }
0x68: {  	[tilespmem:s23], [sflag:$0x2] =	stream.indirect.gather [hbm4b:s0+s21], $0x80, s15, s21, $0xb8;
	[tilespmem:$0x15400] =	vst v63  }
0x69: {  	_ =	swait.ge [sflag:s5], $0x4000  }
0x6a: {  	[sflag:s5] =	ssyncset.done $0x0  }
0x6b: {  	[sflag:s5] =	ssyncadd.s32 $0xFFFFC000  }
0x6c: {  	[hbm4b:s4+s2] =	stream.linear.scatter [tilespmem:s1], [sflag:$0xA], $0x4000, $0x38;
	[tilespmem:$0x15400] =	vst v63  }
0x6d: {  	_ =	swait.ge [sflag:s6], $0x4000  }
0x6e: {  	[sflag:s6] =	ssyncset.done $0x0  }
0x6f: {  	s15 =	sadd.s32 $0x380, s20;
	[sflag:s6] =	ssyncadd.s32 $0xFFFFC000  }
0x70: {  	[tilespmem:s25], [sflag:$0x3] =	stream.indirect.gather [hbm4b:s0+s21], $0x80, s15, s21, $0xb8;
	[tilespmem:$0x15400] =	vst v63  }
0x71: {  	_ =	swait.ge [sflag:s26], $0x4000  }
0x72: {  	[sflag:s26] =	ssyncset.done $0x0  }
0x73: {  	[sflag:s26] =	ssyncadd.s32 $0xFFFFC000  }
0x74: {  	[hbm4b:s12+s2] =	stream.linear.scatter [tilespmem:s22], [sflag:$0x6], $0x4000, $0x38;
	[tilespmem:$0x15400] =	vst v63  }
0x75: {  	_ =	swait.ge [sflag:s7], $0x4000  }
0x76: {  	[sflag:s7] =	ssyncset.done $0x0  }
0x77: {  	s15 =	sadd.s32 $0x400, s20;
	[sflag:s7] =	ssyncadd.s32 $0xFFFFC000  }
0x78: {  	[tilespmem:s29], [sflag:$0x4] =	stream.indirect.gather [hbm4b:s0+s21], $0x80, s15, s21, $0xb8;
	[tilespmem:$0x15400] =	vst v63  }
0x79: {  	_ =	swait.ge [sflag:s30], $0x4000  }
0x7a: {  	[sflag:s30] =	ssyncset.done $0x0  }
.Ltmp0:
0x7b: {  	[sflag:s30] =	ssyncadd.s32 $0xFFFFC000;
	(pc) =	sbr.rel @p1 .LBB2_2-.Ltmp0, $4  }
0x7c: {  	[hbm4b:s11+s2] =	stream.linear.scatter [tilespmem:s23], [sflag:$0x7], $0x4000, $0x38;
	[tilespmem:$0x15400] =	vst v63  }
0x7d: {  	s12 =	sadd.s32 $0x2800, s12;
	s11 =	sadd.s32 $0x2800, s11;
	_ =	swait.ge [sflag:s8], $0x4000  }
0x7e: {  	s14 =	sadd.s32 $0x2800, s14;
	s13 =	sadd.s32 $0x2800, s13;
	[sflag:s8] =	ssyncset.done $0x0  }
0x7f: {  	s4 =	sadd.s32 $0x2800, s4;
	s20 =	sadd.s32 $0x480, s20;
	[sflag:s8] =	ssyncadd.s32 $0xFFFFC000  }
0x80: {  	[tilespmem:s1], [sflag:$0x5] =	stream.indirect.gather [hbm4b:s0+s21], $0x80, s20, s21, $0xb8;
	[tilespmem:$0x15400] =	vst v63  }
0x81: {  	_ =	swait.ge [sflag:s24], $0x4000  }
0x82: {  	[sflag:s24] =	ssyncset.done $0x0  }
0x83: {  	s4 =	rddreg [dreg:$0x6];
	[sflag:s24] =	ssyncadd.s32 $0xFFFFC000  }
0x84: {  	[hbm4b:s4+s2] =	stream.linear.scatter [tilespmem:s25], [sflag:$0x8], $0x4000, $0x38;
	[tilespmem:$0x15400] =	vst v63  }
0x85: {  	_ =	swait.ge [sflag:s28], $0x4000  }
0x86: {  	[sflag:s28] =	ssyncset.done $0x0  }
0x87: {  	s13 =	simm.s32 $0x1180;
	[sflag:s28] =	ssyncadd.s32 $0xFFFFC000  }
0x88: {  	[tilespmem:s22], [sflag:$0x1] =	stream.indirect.gather [hbm4b:s0+s21], $0x80, s13, s21, $0xb8;
	[tilespmem:$0x15400] =	vst v63  }
0x89: {  	_ =	swait.ge [sflag:s31], $0x4000  }
0x8a: {  	[sflag:s31] =	ssyncset.done $0x0  }
0x8b: {  	s14 =	rddreg [dreg:$0x7];
	[sflag:s31] =	ssyncadd.s32 $0xFFFFC000  }
0x8c: {  	[hbm4b:s14+s2] =	stream.linear.scatter [tilespmem:s29], [sflag:$0x9], $0x4000, $0x38;
	[tilespmem:$0x15400] =	vst v63  }
0x8d: {  	_ =	swait.ge [sflag:s3], $0x4000  }
0x8e: {  	[sflag:s3] =	ssyncset.done $0x0  }
0x8f: {  	s15 =	simm.s32 $0x1200;
	[sflag:s3] =	ssyncadd.s32 $0xFFFFC000  }
0x90: {  	[tilespmem:s23], [sflag:$0x2] =	stream.indirect.gather [hbm4b:s0+s21], $0x80, s15, s21, $0xb8;
	[tilespmem:$0x15400] =	vst v63  }
0x91: {  	_ =	swait.ge [sflag:s5], $0x4000  }
0x92: {  	[sflag:s5] =	ssyncset.done $0x0  }
0x93: {  	s20 =	rddreg [dreg:$0x8];
	[sflag:s5] =	ssyncadd.s32 $0xFFFFC000  }
0x94: {  	[hbm4b:s20+s2] =	stream.linear.scatter [tilespmem:s1], [sflag:$0xA], $0x4000, $0x38;
	[tilespmem:$0x15400] =	vst v63  }
0x95: {  	_ =	swait.ge [sflag:s6], $0x4000  }
0x96: {  	[sflag:s6] =	ssyncset.done $0x0  }
0x97: {  	s10 =	simm.s32 $0x1280;
	[sflag:s6] =	ssyncadd.s32 $0xFFFFC000  }
0x98: {  	[tilespmem:s25], [sflag:$0x3] =	stream.indirect.gather [hbm4b:s0+s21], $0x80, s10, s21, $0xb8;
	[tilespmem:$0x15400] =	vst v63  }
0x99: {  	_ =	swait.ge [sflag:s26], $0x4000  }
0x9a: {  	[sflag:s26] =	ssyncset.done $0x0  }
0x9b: {  	s11 =	rddreg [dreg:$0x9];
	[sflag:s26] =	ssyncadd.s32 $0xFFFFC000  }
0x9c: {  	[hbm4b:s11+s2] =	stream.linear.scatter [tilespmem:s22], [sflag:$0x6], $0x4000, $0x38;
	[tilespmem:$0x15400] =	vst v63  }
0x9d: {  	_ =	swait.ge [sflag:s7], $0x4000  }
0x9e: {  	[sflag:s7] =	ssyncset.done $0x0  }
0x9f: {  	s12 =	simm.s32 $0x1300;
	[sflag:s7] =	ssyncadd.s32 $0xFFFFC000  }
0xa0: {  	[tilespmem:s29], [sflag:$0x4] =	stream.indirect.gather [hbm4b:s0+s21], $0x80, s12, s21, $0xb8;
	[tilespmem:$0x15400] =	vst v63  }
0xa1: {  	_ =	swait.ge [sflag:s30], $0x4000  }
0xa2: {  	[sflag:s30] =	ssyncset.done $0x0  }
0xa3: {  	s13 =	rddreg [dreg:$0xa];
	[sflag:s30] =	ssyncadd.s32 $0xFFFFC000  }
0xa4: {  	[hbm4b:s13+s2] =	stream.linear.scatter [tilespmem:s23], [sflag:$0x7], $0x4000, $0x38;
	[tilespmem:$0x15400] =	vst v63  }
0xa5: {  	_ =	swait.ge [sflag:s8], $0x4000  }
0xa6: {  	[sflag:s8] =	ssyncset.done $0x0  }
0xa7: {  	[sflag:s8] =	ssyncadd.s32 $0xFFFFC000  }
0xa8: {  	_ =	swait.ge [sflag:s24], $0x4000  }
0xa9: {  	[sflag:s24] =	ssyncset.done $0x0  }
0xaa: {  	s14 =	rddreg [dreg:$0xb];
	[sflag:s24] =	ssyncadd.s32 $0xFFFFC000  }
0xab: {  	[hbm4b:s14+s2] =	stream.linear.scatter [tilespmem:s25], [sflag:$0x8], $0x4000, $0x38;
	[tilespmem:$0x15400] =	vst v63  }
0xac: {  	_ =	swait.ge [sflag:s28], $0x4000  }
0xad: {  	[sflag:s28] =	ssyncset.done $0x0  }
0xae: {  	[sflag:s28] =	ssyncadd.s32 $0xFFFFC000  }
0xaf: {  	_ =	swait.ge [sflag:s31], $0x4000  }
0xb0: {  	[sflag:s31] =	ssyncset.done $0x0  }
0xb1: {  	s15 =	rddreg [dreg:$0xc];
	[sflag:s31] =	ssyncadd.s32 $0xFFFFC000  }
0xb2: {  	[hbm4b:s15+s2] =	stream.linear.scatter [tilespmem:s29], [sflag:$0x9], $0x4000, $0x38;
	[tilespmem:$0x15400] =	vst v63  }
0xb3: {  	_ =	swait.ge [sflag:s3], $0x4000  }
0xb4: {  	[sflag:s3] =	ssyncset.done $0x0  }
0xb5: {  	[sflag:s3] =	ssyncadd.s32 $0xFFFFC000  }
0xb6: {  	_ =	swait.ge [sflag:s6], $0x4000  }
0xb7: {  	[sflag:s6] =	ssyncset.done $0x0  }
0xb8: {  	[sflag:s6] =	ssyncadd.s32 $0xFFFFC000  }
0xb9: {  	_ =	swait.ge [sflag:s7], $0x4000  }
0xba: {  	s4 =	simm.s32 @!p0 $0x80;
	[sflag:s7] =	ssyncset.done $0x0  }
0xbb: {  	s10 =	simm.s32 @!p0 $0x1380;
	s11 =	simm.s32 @!p0 $0x11400;
	[sflag:s7] =	ssyncadd.s32 $0xFFFFC000  }
0xbc: {  	[tilespmem:s11], [sflag:$0x5] =	stream.indirect.gather @!p0 [hbm4b:s0+s4], $0x80, s10, s4, $0xb8;
	[tilespmem:$0x15400] =	vst v63  }
0xbd: {  	s4 =	simm.s32 @!p0 $0x5  }
0xbe: {  	_ =	swait.ge @!p0 [sflag:s4], $0x4000  }
0xbf: {  	[sflag:s4] =	ssyncset.done @!p0 $0x0  }
0xc0: {  	s10 =	rddreg [dreg:$0xd];
	[sflag:s4] =	ssyncadd.s32 @!p0 $0xFFFFC000;
	s4 =	simm.s32 @!p0 $0x0  }
0xc1: {  	[hbm4b:s10+s4] =	stream.linear.scatter @!p0 [tilespmem:s11], [sflag:$0xA], $0x4000, $0x38;
	[tilespmem:$0x15400] =	vst v63  }
0xc2: {  	s4 =	simm.s32 @!p0 $0xA  }
0xc3: {  	_ =	swait.ge @!p0 [sflag:s4], $0x4000  }
0xc4: {  	s9 =	sadd.s32 $0x1, s9;
	s20 =	rddreg [dreg:$0xe]  }
0xc5: {  	p1 =	sne.s32 s9, s20  }
.Ltmp1:
0xc6: {  	_ = 	snop;
	(pc) =	sbr.rel @p1 .LBB2_1-.Ltmp1, $3  }
0xc7: {  	_ =	sdelay $0x1  }
0xc8: {  	[sflag:s4] =	ssyncset.done @!p0 $0x0  }
0xc9: {  	[sflag:s4] =	ssyncadd.s32 @!p0 $0xFFFFC000  }
0xca: {  	_ =	sfence.sel $0x180000  }
0xcb: {  	[bflag:$0x0] =	sbarrier.arrive $0xFFFF  }
0xcc: {  	_ =	strace $0x9000004A  }
0xcd: {  	[bflag:$0x2] =	sbarrier.arrive $0xFFFF  }
0xce: {  	s0 =	rddreg [dreg:$0x2]  }
0xcf: {  	s0 =	sadd.s32 @!p0 $0x100000, s0  }
0xd0: {  	[sflag:s0] =	ssyncadd.tile.s32 @!p0 $0x1;
	_ =	shalt  }
.Lfunc_end2:
_tile_overlayer_lowered:
.L_overlay_start_2:
0xd1: {  	(tag) =	ssettag $0x2  }
0xd2: {  	s0 =	rddreg [dreg:$0x0];
	s2 =	stileid.u32  }
0xd3: {  	s1 =	rddreg [dreg:$0x1];
	p0 =	sne.s32 s2, $0x0  }
0xd4: {  	s3 =	rddreg [dreg:$0x2];
	[bflag:$0x3] =	sbarrier.arrive $0xFFFF;
	s2 =	simm.s32 @!p0 $0x1C0B  }
0xd5: {  	[timem:s3], [sflag:s2] =	dma.local @!p0 [hbm:s0], s1  }
0xd6: {  	s0 =	simm.s32 @!p0 $0xB  }
0xd7: {  	_ =	swait.ge @!p0 [sflag:s0], s1  }
0xd8: {  	s1 =	ssub.s32 @!p0 $0x0, s1;
	[sflag:s0] =	ssyncset.done @!p0 $0x0  }
0xd9: {  	[sflag:s0] =	ssyncadd.s32 @!p0 s1  }
0xda: {  	[bflag:$0x3] =	sbarrier.arrive $0xFFFF  }
0xdb: {  	_ =	shalt  }

</sc_bundles>
